<compile_context>
chip_gen: v7x
topology: tpu7x:2x2x1
jax: 0.10.2.dev20260603
libtpu: 0.0.44.dev20260713+nightly
codegen_flags: <defaults>
</compile_context>

<pallas_src>
import functools

import jax
import jax.numpy as jnp
from jax import lax
from jax.experimental import pallas as pl
from jax.experimental.pallas import tpu as pltpu
from jax.experimental.pallas import tpu_sc as plsc

_CHECK_NUM = 6000
_RATIO = 0.2

_N = 262144
_NB = 4
_NSUB = 16
_SH = _N // _NSUB
_BINS = 16384
_BLK = 2048
_RP = 6144
_PW = _RP // _NSUB
_CAPS = 262144
_TRASH = _CAPS
_CARR = _CAPS + 4096
_PADKEY = 0x7FFFFFFF
_PADIX = 0x3FFFFFFF
_I16 = None


def _ds(off, size):
  if isinstance(off, int):
    return pl.ds(off, size)
  return pl.ds(pl.multiple_of(off, 8), size)


def _gather16(x, idx):
  dn = lax.GatherDimensionNumbers(
      offset_dims=(), collapsed_slice_dims=(0,), start_index_map=(0,))
  return lax.gather(x, idx[:, None], dn, (1,),
                    mode=lax.GatherScatterMode.PROMISE_IN_BOUNDS)


def _prefix_incl(x):
  i16 = lax.iota(jnp.int32, 16)
  acc = x
  for d in (1, 2, 4, 8):
    s = _gather16(acc, jnp.maximum(i16 - d, 0))
    acc = acc + jnp.where(i16 >= d, s, 0)
  return acc


def _hmin16(x):
  i16 = lax.iota(jnp.int32, 16)
  acc = x
  for d in (1, 2, 4, 8):
    s = _gather16(acc, jnp.minimum(i16 + d, 15))
    acc = jnp.minimum(acc, jnp.where(i16 < 16 - d, s, acc))
  return acc


def _dynlane(vec, s):
  i16 = lax.iota(jnp.int32, 16)
  return _gather16(vec, (i16 + s) & 15)[0]


def _bsel(cond_scalar, a, b):
  return jnp.where(jnp.broadcast_to(cond_scalar, (16,)), a, b)


def _lex_gt(ak, ai, bk, bi):
  return (ak > bk) | ((ak == bk) & (ai > bi))


def _sc_topk_sample(mask_flat, match_flat, rand, cfg):
  mesh = plsc.VectorSubcoreMesh(core_axis_name="c", subcore_axis_name="s")

  @functools.partial(
      pl.kernel,
      out_type=(jax.ShapeDtypeStruct((_NB * 4 * _RP,), jnp.float32),
                jax.ShapeDtypeStruct((2 * 65536 + 32 * _PW,), jnp.int32)),
      mesh=mesh,
      scratch_types=[
          pltpu.VMEM((_BLK,), jnp.float32),
          pltpu.VMEM((_BLK,), jnp.int32),
          pltpu.VMEM((_BLK,), jnp.int32),
          pltpu.VMEM((_BLK,), jnp.int32),
          pltpu.VMEM((_CAPS // _NSUB,), jnp.int32),
          pltpu.VMEM((_CAPS // _NSUB,), jnp.int32),
          pltpu.VMEM((_BLK,), jnp.int32),
          pltpu.VMEM((_BLK,), jnp.int32),
          pltpu.VMEM((_BINS,), jnp.int32),
          pltpu.VMEM((128,), jnp.int32),
          pltpu.VMEM((128,), jnp.int32),
          pltpu.VMEM((128,), jnp.int32),
          pltpu.VMEM((128,), jnp.int32),
          pltpu.VMEM((128,), jnp.int32),
          pltpu.VMEM((_PW,), jnp.int32),
          pltpu.VMEM((_PW,), jnp.int32),
          pltpu.VMEM((_PW,), jnp.int32),
          pltpu.VMEM((_PW,), jnp.float32),
          pltpu.VMEM_SHARED((_CARR,), jnp.int32),
          pltpu.VMEM_SHARED((_CARR,), jnp.int32),
          pltpu.VMEM_SHARED((_BINS,), jnp.int32),
          pltpu.VMEM_SHARED((256,), jnp.int32),
          pltpu.SemaphoreType.DMA,
      ],
  )
  def k(mask_hbm, match_hbm, rand_hbm, cfg_hbm, out_hbm, ixh_hbm,
        fbuf, kv, iv, pv, ku_t, ix_t, pk, pi, hb, mbv, sidx, sval,
        gi, gv, rv, jv, av, fv, ku_c, ix_c, hist, meta, sem):
    cid = lax.axis_index("c")
    sid = lax.axis_index("s")
    i16 = lax.iota(jnp.int32, 16)
    zeros = jnp.zeros((16,), jnp.int32)

    pltpu.sync_copy(cfg_hbm, mbv)
    r_max = mbv[0:16][0]

    def batch_body(bi, carry0):
      batch = cid * 2 + bi
      moff = batch * _N
      shoff = sid * _SH

      def z(l, c):
        kv[_ds(l * 16, 16)] = zeros
        return c
      lax.fori_loop(0, _BLK // 16, z, jnp.int32(0))
      pltpu.sync_copy(kv.at[_ds(0, 1024)],
                      hist.at[_ds(sid * 1024, 1024)])

      @pl.when(sid == 0)
      def _():
        pltpu.sync_copy(kv.at[_ds(0, 256)], meta)
      plsc.subcore_barrier()

      def o(l, c):
        iv[_ds(l * 16, 16)] = jnp.full((16,), 1, jnp.int32)
        return c
      lax.fori_loop(0, _BLK // 16, o, jnp.int32(0))

      def blk1(t, c):
        pltpu.sync_copy(mask_hbm.at[_ds(moff + shoff + t * _BLK, _BLK)],
                        fbuf)
        def inner(l, c2):
          v = fbuf[_ds(l * 16, 16)]
          basc = jnp.minimum(jnp.maximum(v * 16384.0, 0.0), 16383.0)
          binv = 16383 - basc.astype(jnp.int32)
          pv[_ds(l * 16, 16)] = binv
          return c2
        lax.fori_loop(0, _BLK // 16, inner, jnp.int32(0))
        pltpu.sync_copy(iv, hist.at[pv], add=True)
        return c
      lax.fori_loop(0, _SH // _BLK, blk1, jnp.int32(0))
      plsc.subcore_barrier()

      @pl.when(sid == 0)
      def _():
        pltpu.sync_copy(hist, hb)
        def scan(j, carry):
          cum, bmax = carry
          h = hb[_ds(j * 16, 16)]
          inc = _prefix_incl(h) + jnp.broadcast_to(cum, (16,))
          newcum = inc[15]
          exceed = inc > jnp.broadcast_to(r_max, (16,))
          lane = _hmin16(jnp.where(exceed, i16, 16))[0]
          cand = j * 16 + lane
          found_now = jnp.logical_and(cum <= r_max, newcum > r_max)
          bmax = lax.select(found_now, cand, bmax)
          return (newcum, bmax)
        _, bmax = lax.fori_loop(0, _BINS // 16, scan,
                                (jnp.int32(0), jnp.int32(_BINS - 1)))
        def wsm(l, c):
          jj = l * 16 + i16
          sidx[_ds(l * 16, 16)] = jnp.where(jj == 0, 0, 128 + jj)
          sval[_ds(l * 16, 16)] = jnp.broadcast_to(bmax, (16,))
          return c
        lax.fori_loop(0, 8, wsm, jnp.int32(0))
        pltpu.sync_copy(sval, meta.at[sidx])
      plsc.subcore_barrier()

      pltpu.sync_copy(meta.at[_ds(0, 128)], mbv)
      b_max = mbv[0:16][0]

      def blk3(t, cvec):
        pltpu.sync_copy(mask_hbm.at[_ds(moff + shoff + t * _BLK, _BLK)],
                        fbuf)
        def inner(l, cv):
          v = fbuf[_ds(l * 16, 16)]
          basc = jnp.minimum(jnp.maximum(v * 16384.0, 0.0), 16383.0)
          binv = 16383 - basc.astype(jnp.int32)
          return cv + jnp.where(binv <= b_max, 1, 0)
        return lax.fori_loop(0, _BLK // 16, inner, cvec)
      cvec = lax.fori_loop(0, _SH // _BLK, blk3, zeros)
      cnt = _prefix_incl(cvec)[15]
      def wcm(l, c):
        jj = l * 16 + i16
        sidx[_ds(l * 16, 16)] = jnp.where(jj == 0, 16 + sid,
                                          128 + ((sid * 8 + jj) & 127))
        sval[_ds(l * 16, 16)] = jnp.broadcast_to(cnt, (16,))
        return c
      lax.fori_loop(0, 8, wcm, jnp.int32(0))
      pltpu.sync_copy(sval, meta.at[sidx])
      plsc.subcore_barrier()

      pltpu.sync_copy(meta.at[_ds(0, 128)], mbv)
      call = mbv[16:32]
      c128 = (call + 127) & (-128)
      pfx = _prefix_incl(c128)
      m128 = pfx[15]
      base_w = _dynlane(pfx - c128, sid)
      cnt_w = _dynlane(call, sid)
      c128_w = _dynlane(c128, sid)

      extra = (jnp.where(m128 > 65536, 1, 0)
               + jnp.where(m128 > 131072, 1, 0))
      pmax = 16 + extra
      n_dyn = lax.shift_left(jnp.int32(65536), extra)
      cs = n_dyn // _NSUB
      logl = pmax - 4
      trips = cs // _BLK

      def blk4(t, run):
        pltpu.sync_copy(mask_hbm.at[_ds(moff + shoff + t * _BLK, _BLK)],
                        fbuf)
        def inner(l, r):
          v = fbuf[_ds(l * 16, 16)]
          u = lax.bitcast_convert_type(v, jnp.int32)
          kms = jnp.where(u >= 0, u, u ^ 0x7FFFFFFF)
          kmd = ~kms
          basc = jnp.minimum(jnp.maximum(v * 16384.0, 0.0), 16383.0)
          binv = 16383 - basc.astype(jnp.int32)
          m = binv <= b_max
          mi = jnp.where(m, 1, 0)
          pfxi = _prefix_incl(mi)
          excl = pfxi - mi
          loc = t * _BLK + l * 16 + i16
          gidx = shoff + loc
          pos = jnp.where(m, base_w + r + excl,
                          _TRASH + (loc & (_BLK - 1)))
          kv[_ds(l * 16, 16)] = kmd
          iv[_ds(l * 16, 16)] = gidx
          pv[_ds(l * 16, 16)] = pos
          return r + pfxi[15]
        run = lax.fori_loop(0, _BLK // 16, inner, run)
        pltpu.sync_copy(kv, ku_c.at[pv])
        pltpu.sync_copy(iv, ix_c.at[pv])
        return run
      lax.fori_loop(0, _SH // _BLK, blk4, jnp.int32(0))

      gap = c128_w - cnt_w
      def gfill(l, c):
        j = l * 16 + i16
        gi[_ds(l * 16, 16)] = jnp.where(j < gap, base_w + cnt_w + j,
                                          _TRASH + j)
        gv[_ds(l * 16, 16)] = jnp.full((16,), _PADKEY, jnp.int32)
        return c
      lax.fori_loop(0, 8, gfill, jnp.int32(0))
      pltpu.sync_copy(gv, ku_c.at[gi])
      def gfill2(l, c):
        gv[_ds(l * 16, 16)] = jnp.full((16,), _PADIX, jnp.int32)
        return c
      lax.fori_loop(0, 8, gfill2, jnp.int32(0))
      pltpu.sync_copy(gv, ix_c.at[gi])

      def pfill(l, c):
        kv[_ds(l * 16, 16)] = jnp.full((16,), _PADKEY, jnp.int32)
        iv[_ds(l * 16, 16)] = jnp.full((16,), _PADIX, jnp.int32)
        return c
      lax.fori_loop(0, 8, pfill, jnp.int32(0))
      nfill = (n_dyn - m128) // 128
      mytrips = (nfill - sid + _NSUB - 1) // _NSUB
      def tfill(t, c):
        start = m128 + (sid + t * _NSUB) * 128
        pltpu.sync_copy(kv.at[_ds(0, 128)], ku_c.at[_ds(start, 128)])
        pltpu.sync_copy(iv.at[_ds(0, 128)], ix_c.at[_ds(start, 128)])
        return c
      lax.fori_loop(0, jnp.maximum(mytrips, 0), tfill, jnp.int32(0))
      plsc.subcore_barrier()

      def ld(t, c):
        pltpu.sync_copy(ku_c.at[_ds(sid * cs + t * _BLK, _BLK)],
                        ku_t.at[_ds(t * _BLK, _BLK)])
        pltpu.sync_copy(ix_c.at[_ds(sid * cs + t * _BLK, _BLK)],
                        ix_t.at[_ds(t * _BLK, _BLK)])
        return c
      lax.fori_loop(0, trips, ld, jnp.int32(0))

      def publish(t, c):
        pltpu.sync_copy(ku_t.at[_ds(t * _BLK, _BLK)],
                        ku_c.at[_ds(sid * cs + t * _BLK, _BLK)])
        pltpu.sync_copy(ix_t.at[_ds(t * _BLK, _BLK)],
                        ix_c.at[_ds(sid * cs + t * _BLK, _BLK)])
        return c

      def cross_stage(p, dlog):
        lax.fori_loop(0, trips, publish, jnp.int32(0))
        plsc.subcore_barrier()
        dchunks = lax.shift_left(jnp.int32(1), dlog - logl)
        partner = lax.bitwise_xor(sid, dchunks)
        kh_i = jnp.where((sid & dchunks) > 0, 1, 0)
        asc_i = 1 - (lax.shift_right_logical(sid * cs, p) & 1)
        tm_i = jnp.where(kh_i == asc_i, 1, 0)
        def cblk(t, c):
          pltpu.sync_copy(ku_c.at[_ds(partner * cs + t * _BLK, _BLK)], pk)
          pltpu.sync_copy(ix_c.at[_ds(partner * cs + t * _BLK, _BLK)], pi)
          @plsc.parallel_loop(0, _BLK // 16, 1, unroll=4)
          def ce(l):
            off = t * _BLK + l * 16
            a = ku_t[_ds(off, 16)]
            ai = ix_t[_ds(off, 16)]
            b = pk[_ds(l * 16, 16)]
            bi_ = pi[_ds(l * 16, 16)]
            m_i = jnp.where(_lex_gt(a, ai, b, bi_), 1, 0)
            tb = (m_i ^ jnp.broadcast_to(tm_i, (16,))) != 0
            ku_t[_ds(off, 16)] = jnp.where(tb, b, a)
            ix_t[_ds(off, 16)] = jnp.where(tb, bi_, ai)
          return c
        lax.fori_loop(0, trips, cblk, jnp.int32(0))
        plsc.subcore_barrier()

      def local_big_stage(p, dlog):
        d = lax.shift_left(jnp.int32(1), dlog)
        @plsc.parallel_loop(0, lax.shift_right_logical(cs, 5), 1, unroll=4)
        def bb(r):
          bidx = lax.shift_right_logical(r, dlog - 4)
          q = r & (lax.shift_right_logical(d, 4) - 1)
          boff = lax.shift_left(bidx, dlog + 1)
          off = boff + q * 16
          g0 = sid * cs + boff
          desc_i = lax.shift_right_logical(g0, p) & 1
          a = ku_t[_ds(off, 16)]
          ai = ix_t[_ds(off, 16)]
          b = ku_t[_ds(off + d, 16)]
          bi_ = ix_t[_ds(off + d, 16)]
          m_i = jnp.where(_lex_gt(a, ai, b, bi_), 1, 0)
          sw = (m_i ^ jnp.broadcast_to(desc_i, (16,))) != 0
          ku_t[_ds(off, 16)] = jnp.where(sw, b, a)
          ix_t[_ds(off, 16)] = jnp.where(sw, bi_, ai)
          ku_t[_ds(off + d, 16)] = jnp.where(sw, a, b)
          ix_t[_ds(off + d, 16)] = jnp.where(sw, ai, bi_)

      def invreg_stage(p, d):
        @plsc.parallel_loop(0, lax.shift_right_logical(cs, 4), 1, unroll=4)
        def qq(q):
          i16b = lax.iota(jnp.int32, 16)
          xor_idx = lax.bitwise_xor(i16b, d)
          il_i = jnp.where((i16b & d) == 0, 1, 0)
          off = q * 16
          g = sid * cs + off + i16b
          x = ku_t[_ds(off, 16)]
          xi = ix_t[_ds(off, 16)]
          px = _gather16(x, xor_idx)
          pxi = _gather16(xi, xor_idx)
          asc_i = 1 - (lax.shift_right_logical(
              g, jnp.broadcast_to(p, (16,))) & 1)
          m_i = jnp.where(_lex_gt(x, xi, px, pxi), 1, 0)
          ks_i = jnp.where(il_i == asc_i, 1, 0)
          tp = (m_i ^ ks_i ^ 1) != 0
          ku_t[_ds(off, 16)] = jnp.where(tp, px, x)
          ix_t[_ds(off, 16)] = jnp.where(tp, pxi, xi)

      def phase_body(p, c):
        def stage_body(t, c2):
          dlog = p - 1 - t
          @pl.when(dlog >= logl)
          def _():
            cross_stage(p, dlog)
          @pl.when(dlog < logl)
          def _():
            local_big_stage(p, dlog)
          return c2
        lax.fori_loop(0, jnp.maximum(p - 4, 0), stage_body, jnp.int32(0))
        for dlog in (3, 2, 1, 0):
          @pl.when(p > dlog)
          def _():
            invreg_stage(p, 1 << dlog)
        return c
      lax.fori_loop(1, pmax + 1, phase_body, jnp.int32(0))

      def fpub(t, c):
        pos = sid * cs + t * _BLK
        @pl.when(pos < 65536)
        def _():
          pltpu.sync_copy(ix_t.at[_ds(t * _BLK, _BLK)],
                          ixh_hbm.at[_ds(cid * 65536 + pos, _BLK)])
        return c
      lax.fori_loop(0, trips, fpub, jnp.int32(0))
      plsc.subcore_barrier()

      pltpu.sync_copy(rand_hbm.at[_ds(sid * _PW, _PW)], rv)
      ixview = ixh_hbm.at[_ds(cid * 65536, 65536)]
      for jj in range(_PW // 128):
        pltpu.sync_copy(ixview.at[rv.at[_ds(jj * 128, 128)]],
                        jv.at[_ds(jj * 128, 128)])
      jslot = 2 * 65536 + (cid * _NSUB + sid) * _PW
      pltpu.sync_copy(jv, ixh_hbm.at[_ds(jslot, _PW)])
      pltpu.sync_copy(ixh_hbm.at[_ds(jslot, _PW)], av)
      for ch in range(4):
        chview = match_hbm.at[_ds((batch * 4 + ch) * _N, _N)]
        for jj in range(_PW // 128):
          pltpu.sync_copy(chview.at[av.at[_ds(jj * 128, 128)]],
                          fv.at[_ds(jj * 128, 128)])
        pltpu.sync_copy(
            fv, out_hbm.at[_ds((batch * 4 + ch) * _RP + sid * _PW, _PW)])
      plsc.subcore_barrier()
      return carry0

    lax.fori_loop(0, 2, batch_body, jnp.int32(0))

  return k(mask_flat, match_flat, rand, cfg)


def kernel(match, mask):
  b = match.shape[0]
  n = match.shape[2] * match.shape[3]
  k = int(_RATIO * n)
  m_flat = match.reshape(-1)
  mask_flat = mask.reshape(-1)

  rand_int = jax.random.randint(jax.random.key(1), (_CHECK_NUM,), 0, k)
  rand_pad = jnp.concatenate(
      [rand_int.astype(jnp.int32),
       jnp.zeros((_RP - _CHECK_NUM,), jnp.int32)])
  r_max = jnp.max(rand_int).astype(jnp.int32)
  cfg = jnp.concatenate([r_max[None], jnp.zeros((127,), jnp.int32)])

  outf, _ = _sc_topk_sample(mask_flat, m_flat, rand_pad, cfg)
  return outf.reshape(b, 4, _RP)[:, :, :_CHECK_NUM]

# --- scband reference (transcript-rebuilt; emitter-appended) ---
"""Pipeline reference for scband-reduced-ransac-1726576857617 (READ-ONLY COPY).

The authoritative reference and input builder live on the scoring server;
editing this copy changes nothing except your own understanding.
"""

import jax, jax.numpy as jnp
import numpy as np

CHECK_NUM = 6000
RATIO = 0.2


def setup_inputs(seed: int = 0) -> dict:
    key = jax.random.key(seed)
    k1, k2 = jax.random.split(key)
    match = jax.random.normal(k1, (4, 4, 512, 512), dtype=jnp.float32)
    mask = jax.random.uniform(k2, (4, 1, 512, 512), dtype=jnp.float32)
    return {"match": match, "mask": mask}


def _top_ratio_sample(match, mask, ratio):
    # match: [b, 4, N], mask: [b, 1, N]
    b, c, total = match.shape
    k = int(ratio * total)
    scores, indices = jax.lax.top_k(mask, k)  # topk over last dim, sorted descending (matches torch.topk)
    idx = indices[:, 0, :]  # [b, k]  (indices.squeeze(1))
    # torch.gather(match.transpose(1,2), dim=1, index=idx[...,None].repeat(1,1,4)).transpose(1,2)
    sel = jnp.take_along_axis(match, jnp.broadcast_to(idx[:, None, :], (b, c, k)), axis=2)
    return sel, scores


def _robust_rand_sample(match, scores, num):
    # scores come from topk over a strictly-positive uniform mask, so every entry > 0
    # -> nonzeros_num == n branch of the original: uniform random column sample.
    n = match.shape[2]
    rand_int = jax.random.randint(jax.random.key(1), (num,), 0, n)
    return match[:, :, rand_int], num


def reference(match, mask):
    b = match.shape[0]
    m = match.reshape(b, 4, -1)
    msk = mask.reshape(b, 1, -1)
    top_match, top_scores = _top_ratio_sample(m, msk, RATIO)
    check_match, _ = _robust_rand_sample(top_match, top_scores, CHECK_NUM)
    return check_match

if __name__ == "__main__":
    import jax
    _d = setup_inputs()
    print(jax.jit(kernel)(*tuple(_d.values())))

</pallas_src>

<mosaic_0001>
#map = affine_map<(d0, d1) -> (0)>
module attributes {stable_mosaic.version = 14 : i64} {
  func.func @k(%arg0: i32, %arg1: i32, %arg2: memref<1048576xf32, #tpu.memory_space<hbm>>, %arg3: memref<4194304xf32, #tpu.memory_space<hbm>>, %arg4: memref<6144xi32, #tpu.memory_space<hbm>>, %arg5: memref<128xi32, #tpu.memory_space<hbm>>, %arg6: memref<98304xf32, #tpu.memory_space<hbm>>, %arg7: memref<143360xi32, #tpu.memory_space<hbm>>, %arg8: memref<2048xf32, #tpu.memory_space<vmem>>, %arg9: memref<2048xi32, #tpu.memory_space<vmem>>, %arg10: memref<2048xi32, #tpu.memory_space<vmem>>, %arg11: memref<2048xi32, #tpu.memory_space<vmem>>, %arg12: memref<16384xi32, #tpu.memory_space<vmem>>, %arg13: memref<16384xi32, #tpu.memory_space<vmem>>, %arg14: memref<2048xi32, #tpu.memory_space<vmem>>, %arg15: memref<2048xi32, #tpu.memory_space<vmem>>, %arg16: memref<16384xi32, #tpu.memory_space<vmem>>, %arg17: memref<128xi32, #tpu.memory_space<vmem>>, %arg18: memref<128xi32, #tpu.memory_space<vmem>>, %arg19: memref<128xi32, #tpu.memory_space<vmem>>, %arg20: memref<128xi32, #tpu.memory_space<vmem>>, %arg21: memref<128xi32, #tpu.memory_space<vmem>>, %arg22: memref<384xi32, #tpu.memory_space<vmem>>, %arg23: memref<384xi32, #tpu.memory_space<vmem>>, %arg24: memref<384xi32, #tpu.memory_space<vmem>>, %arg25: memref<384xf32, #tpu.memory_space<vmem>>, %arg26: memref<266240xi32, #tpu.memory_space<vmem_shared>>, %arg27: memref<266240xi32, #tpu.memory_space<vmem_shared>>, %arg28: memref<16384xi32, #tpu.memory_space<vmem_shared>>, %arg29: memref<256xi32, #tpu.memory_space<vmem_shared>>, %arg30: memref<!tpu.dma_semaphore, #tpu.memory_space<semaphore_mem>>) attributes {dimension_semantics = [#tpu.dimension_semantics<core_parallel>, #tpu.dimension_semantics<subcore_parallel>], iteration_bounds = array<i64: 2, 16>, scalar_prefetch = 0 : i64, scratch_operands = 23 : i64, tpu.core_type = #tpu.core_type<sc_vector_subcore>, window_params = [{transform_indices = #map}, {transform_indices = #map}, {transform_indices = #map}, {transform_indices = #map}, {transform_indices = #map}, {transform_indices = #map}]} {
    %iota3A = tpu.iota {dimensions = array<i32: 0>} : vector<16xi32>
    %broadcast_in_dim3A = arith.constant 0 : i32
    %broadcast_in_dim3A_0 = vector.broadcast %broadcast_in_dim3A : i32 to vector<16xi32>
    "tpu.region"() ({
      %run_scoped3A = tpu.sem_alloc : memref<!tpu.dma_semaphore, #tpu.memory_space<semaphore_mem>>
      tpu.enqueue_dma source(%arg5 : memref<128xi32, #tpu.memory_space<hbm>>) target(%arg17 : memref<128xi32, #tpu.memory_space<vmem>>) target_semaphore(%run_scoped3A : memref<!tpu.dma_semaphore, #tpu.memory_space<semaphore_mem>>)
      tpu.wait_dma2 semaphore(%run_scoped3A : memref<!tpu.dma_semaphore, #tpu.memory_space<semaphore_mem>>) src(%arg5 : memref<128xi32, #tpu.memory_space<hbm>>) dst(%arg17 : memref<128xi32, #tpu.memory_space<vmem>>)
      tpu.yield
    }) : () -> ()
    %get3A = arith.constant 0 : index
    %get3A_1 = tpu.vector_load %arg17[%get3A] {strides = array<i32>} : memref<128xi32, #tpu.memory_space<vmem>>, vector<16xi32>,
    %get3A_2 = vector.shape_cast %get3A_1 : vector<16xi32> to vector<16xi32>
    %slice3A = vector.extract_strided_slice %get3A_2 {offsets = [0], sizes = [1], strides = [1]} : vector<16xi32> to vector<1xi32>
    %squeeze3A = vector.extract %slice3A[0] : i32 from vector<1xi32>
    %scan3A = arith.constant 0 : i32
    %scan3A_3 = arith.constant 0 : i32
    %scan3A_4 = arith.constant 2 : i32
    %scan3A_5 = arith.addi %scan3A_3, %scan3A_4 : i32
    %scan3A_6 = arith.constant 1 : i32
    scf.for %scan3A_8 = %scan3A_3 to %scan3A_5 step %scan3A_6  : i32 {
      %mul3A = arith.constant 2 : i32
      %mul3A_9 = arith.muli %arg0, %mul3A : i32
      %add3A = arith.addi %mul3A_9, %scan3A_8 : i32
      %mul3A_10 = arith.constant 262144 : i32
      %mul3A_11 = arith.muli %add3A, %mul3A_10 : i32
      %mul3A_12 = arith.constant 16384 : i32
      %mul3A_13 = arith.muli %arg1, %mul3A_12 : i32
      %scan3A_14 = arith.constant 0 : i32
      %scan3A_15 = arith.constant 0 : i32
      %scan3A_16 = arith.constant 128 : i32
      %scan3A_17 = arith.addi %scan3A_15, %scan3A_16 : i32
      %scan3A_18 = arith.constant 1 : i32
      scf.for %scan3A_499 = %scan3A_15 to %scan3A_17 step %scan3A_18  : i32 {
        %mul3A_500 = arith.constant 16 : i32
        %mul3A_501 = arith.muli %scan3A_499, %mul3A_500 : i32
        %multiple_of3A_502 = tpu.assume_multiple %mul3A_501, 8 : i32
        %swap3A = arith.index_cast %multiple_of3A_502 : i32 to index
        %swap3A_503 = tpu.vector_load %arg9[%swap3A] {strides = array<i32>} : memref<2048xi32, #tpu.memory_space<vmem>>, vector<16xi32>,
        %swap3A_504 = vector.shape_cast %swap3A_503 : vector<16xi32> to vector<16xi32>
        %swap3A_505 = vector.shape_cast %broadcast_in_dim3A_0 : vector<16xi32> to vector<16xi32>
        tpu.vector_store %arg9[%swap3A], %swap3A_505 {strides = array<i32>} : memref<2048xi32, #tpu.memory_space<vmem>>, vector<16xi32>,
      }
      %scan3A_19 = arith.constant 128 : i32
      %mul3A_20 = arith.constant 1024 : i32
      %mul3A_21 = arith.muli %arg1, %mul3A_20 : i32
      %multiple_of3A = tpu.assume_multiple %mul3A_21, 8 : i32
      "tpu.region"() ({
        %run_scoped3A = tpu.sem_alloc : memref<!tpu.dma_semaphore, #tpu.memory_space<semaphore_mem>>
        %dma_start3A = arith.constant 0 : i32
        %dma_start3A_499 = tpu.memref_slice %arg9[%dma_start3A] : memref<2048xi32, #tpu.memory_space<vmem>> -> memref<1024xi32, #tpu.memory_space<vmem>>
        %dma_start3A_500 = tpu.memref_slice %arg28[%multiple_of3A] : memref<16384xi32, #tpu.memory_space<vmem_shared>> -> memref<1024xi32, #tpu.memory_space<vmem_shared>>
        %dma_start3A_501 = tpu.memref_slice %arg28[%multiple_of3A] : memref<16384xi32, #tpu.memory_space<vmem_shared>> -> memref<1024xi32, #tpu.memory_space<vmem_shared>>
        %dma_start3A_502 = arith.constant 0 : i32
        %dma_start3A_503 = tpu.memref_slice %arg9[%dma_start3A_502] : memref<2048xi32, #tpu.memory_space<vmem>> -> memref<1024xi32, #tpu.memory_space<vmem>>
        tpu.enqueue_dma source(%dma_start3A_503 : memref<1024xi32, #tpu.memory_space<vmem>>) target(%dma_start3A_501 : memref<1024xi32, #tpu.memory_space<vmem_shared>>) target_semaphore(%run_scoped3A : memref<!tpu.dma_semaphore, #tpu.memory_space<semaphore_mem>>)
        %dma_wait3A = arith.constant 0 : i32
        %dma_wait3A_504 = tpu.memref_slice %arg9[%dma_wait3A] : memref<2048xi32, #tpu.memory_space<vmem>> -> memref<1024xi32, #tpu.memory_space<vmem>>
        %dma_wait3A_505 = tpu.memref_slice %arg28[%multiple_of3A] : memref<16384xi32, #tpu.memory_space<vmem_shared>> -> memref<1024xi32, #tpu.memory_space<vmem_shared>>
        %dma_wait3A_506 = tpu.memref_slice %arg28[%multiple_of3A] : memref<16384xi32, #tpu.memory_space<vmem_shared>> -> memref<1024xi32, #tpu.memory_space<vmem_shared>>
        %dma_wait3A_507 = arith.constant 0 : i32
        %dma_wait3A_508 = tpu.memref_slice %arg9[%dma_wait3A_507] : memref<2048xi32, #tpu.memory_space<vmem>> -> memref<1024xi32, #tpu.memory_space<vmem>>
        tpu.wait_dma2 semaphore(%run_scoped3A : memref<!tpu.dma_semaphore, #tpu.memory_space<semaphore_mem>>) src(%dma_wait3A_508 : memref<1024xi32, #tpu.memory_space<vmem>>) dst(%dma_wait3A_506 : memref<1024xi32, #tpu.memory_space<vmem_shared>>)
        tpu.yield
      }) : () -> ()
      %eq3A = arith.constant 0 : i32
      %eq3A_22 = arith.cmpi eq, %arg1, %eq3A : i32
      %convert_element_type3A = arith.extui %eq3A_22 : i1 to i32
      %cond3A = arith.constant 0 : i32
      %cond3A_23 = arith.cmpi ne, %convert_element_type3A, %cond3A : i32
      scf.if %cond3A_23 {
        "tpu.region"() ({
          %run_scoped3A = tpu.sem_alloc : memref<!tpu.dma_semaphore, #tpu.memory_space<semaphore_mem>>
          %dma_start3A = arith.constant 0 : i32
          %dma_start3A_499 = tpu.memref_slice %arg9[%dma_start3A] : memref<2048xi32, #tpu.memory_space<vmem>> -> memref<256xi32, #tpu.memory_space<vmem>>
          %dma_start3A_500 = arith.constant 0 : i32
          %dma_start3A_501 = tpu.memref_slice %arg9[%dma_start3A_500] : memref<2048xi32, #tpu.memory_space<vmem>> -> memref<256xi32, #tpu.memory_space<vmem>>
          tpu.enqueue_dma source(%dma_start3A_501 : memref<256xi32, #tpu.memory_space<vmem>>) target(%arg29 : memref<256xi32, #tpu.memory_space<vmem_shared>>) target_semaphore(%run_scoped3A : memref<!tpu.dma_semaphore, #tpu.memory_space<semaphore_mem>>)
          %dma_wait3A = arith.constant 0 : i32
          %dma_wait3A_502 = tpu.memref_slice %arg9[%dma_wait3A] : memref<2048xi32, #tpu.memory_space<vmem>> -> memref<256xi32, #tpu.memory_space<vmem>>
          %dma_wait3A_503 = arith.constant 0 : i32
          %dma_wait3A_504 = tpu.memref_slice %arg9[%dma_wait3A_503] : memref<2048xi32, #tpu.memory_space<vmem>> -> memref<256xi32, #tpu.memory_space<vmem>>
          tpu.wait_dma2 semaphore(%run_scoped3A : memref<!tpu.dma_semaphore, #tpu.memory_space<semaphore_mem>>) src(%dma_wait3A_504 : memref<256xi32, #tpu.memory_space<vmem>>) dst(%arg29 : memref<256xi32, #tpu.memory_space<vmem_shared>>)
          tpu.yield
        }) : () -> ()
      } else {
      }
      %barrier3A = arith.constant 0 : index
      tpu.barrier barrier_id(%barrier3A)
      %scan3A_24 = arith.constant 0 : i32
      %scan3A_25 = arith.constant 0 : i32
      %scan3A_26 = arith.constant 128 : i32
      %scan3A_27 = arith.addi %scan3A_25, %scan3A_26 : i32
      %scan3A_28 = arith.constant 1 : i32
      scf.for %scan3A_499 = %scan3A_25 to %scan3A_27 step %scan3A_28  : i32 {
        %broadcast_in_dim3A_500 = arith.constant 1 : i32
        %broadcast_in_dim3A_501 = vector.broadcast %broadcast_in_dim3A_500 : i32 to vector<16xi32>
        %mul3A_502 = arith.constant 16 : i32
        %mul3A_503 = arith.muli %scan3A_499, %mul3A_502 : i32
        %multiple_of3A_504 = tpu.assume_multiple %mul3A_503, 8 : i32
        %swap3A = arith.index_cast %multiple_of3A_504 : i32 to index
        %swap3A_505 = tpu.vector_load %arg10[%swap3A] {strides = array<i32>} : memref<2048xi32, #tpu.memory_space<vmem>>, vector<16xi32>,
        %swap3A_506 = vector.shape_cast %swap3A_505 : vector<16xi32> to vector<16xi32>
        %swap3A_507 = vector.shape_cast %broadcast_in_dim3A_501 : vector<16xi32> to vector<16xi32>
        tpu.vector_store %arg10[%swap3A], %swap3A_507 {strides = array<i32>} : memref<2048xi32, #tpu.memory_space<vmem>>, vector<16xi32>,
      }
      %scan3A_29 = arith.constant 128 : i32
      %scan3A_30 = arith.constant 0 : i32
      %scan3A_31 = arith.constant 0 : i32
      %scan3A_32 = arith.constant 8 : i32
      %scan3A_33 = arith.addi %scan3A_31, %scan3A_32 : i32
      %scan3A_34 = arith.constant 1 : i32
      scf.for %scan3A_499 = %scan3A_31 to %scan3A_33 step %scan3A_34  : i32 {
        %add3A_500 = arith.addi %mul3A_11, %mul3A_13 : i32
        %mul3A_501 = arith.constant 2048 : i32
        %mul3A_502 = arith.muli %scan3A_499, %mul3A_501 : i32
        %add3A_503 = arith.addi %add3A_500, %mul3A_502 : i32
        %multiple_of3A_504 = tpu.assume_multiple %add3A_503, 8 : i32
        "tpu.region"() ({
          %run_scoped3A = tpu.sem_alloc : memref<!tpu.dma_semaphore, #tpu.memory_space<semaphore_mem>>
          %dma_start3A = tpu.memref_slice %arg2[%multiple_of3A_504] : memref<1048576xf32, #tpu.memory_space<hbm>> -> memref<2048xf32, #tpu.memory_space<hbm>>
          %dma_start3A_511 = tpu.memref_slice %arg2[%multiple_of3A_504] : memref<1048576xf32, #tpu.memory_space<hbm>> -> memref<2048xf32, #tpu.memory_space<hbm>>
          tpu.enqueue_dma source(%dma_start3A_511 : memref<2048xf32, #tpu.memory_space<hbm>>) target(%arg8 : memref<2048xf32, #tpu.memory_space<vmem>>) target_semaphore(%run_scoped3A : memref<!tpu.dma_semaphore, #tpu.memory_space<semaphore_mem>>)
          %dma_wait3A = tpu.memref_slice %arg2[%multiple_of3A_504] : memref<1048576xf32, #tpu.memory_space<hbm>> -> memref<2048xf32, #tpu.memory_space<hbm>>
          %dma_wait3A_512 = tpu.memref_slice %arg2[%multiple_of3A_504] : memref<1048576xf32, #tpu.memory_space<hbm>> -> memref<2048xf32, #tpu.memory_space<hbm>>
          tpu.wait_dma2 semaphore(%run_scoped3A : memref<!tpu.dma_semaphore, #tpu.memory_space<semaphore_mem>>) src(%dma_wait3A_512 : memref<2048xf32, #tpu.memory_space<hbm>>) dst(%arg8 : memref<2048xf32, #tpu.memory_space<vmem>>)
          tpu.yield
        }) : () -> ()
        %scan3A_505 = arith.constant 0 : i32
        %scan3A_506 = arith.constant 0 : i32
        %scan3A_507 = arith.constant 128 : i32
        %scan3A_508 = arith.addi %scan3A_506, %scan3A_507 : i32
        %scan3A_509 = arith.constant 1 : i32
        scf.for %scan3A_511 = %scan3A_506 to %scan3A_508 step %scan3A_509  : i32 {
          %mul3A_512 = arith.constant 16 : i32
          %mul3A_513 = arith.muli %scan3A_511, %mul3A_512 : i32
          %multiple_of3A_514 = tpu.assume_multiple %mul3A_513, 8 : i32
          %get3A_515 = arith.index_cast %multiple_of3A_514 : i32 to index
          %get3A_516 = tpu.vector_load %arg8[%get3A_515] {strides = array<i32>} : memref<2048xf32, #tpu.memory_space<vmem>>, vector<16xf32>,
          %get3A_517 = vector.shape_cast %get3A_516 : vector<16xf32> to vector<16xf32>
          %mul3A_518 = arith.constant 1.638400e+04 : f32
          %mul3A_519 = vector.broadcast %mul3A_518 : f32 to vector<16xf32>
          %mul3A_520 = arith.mulf %get3A_517, %mul3A_519 : vector<16xf32>
          %max3A_521 = arith.constant 0.000000e+00 : f32
          %max3A_522 = vector.broadcast %max3A_521 : f32 to vector<16xf32>
          %max3A_523 = arith.maximumf %mul3A_520, %max3A_522 : vector<16xf32>
          %min3A = arith.constant 1.638300e+04 : f32
          %min3A_524 = vector.broadcast %min3A : f32 to vector<16xf32>
          %min3A_525 = arith.minimumf %max3A_523, %min3A_524 : vector<16xf32>
          %convert_element_type3A_526 = arith.fptosi %min3A_525 : vector<16xf32> to vector<16xi32>
          %sub3A_527 = arith.constant 16383 : i32
          %sub3A_528 = vector.broadcast %sub3A_527 : i32 to vector<16xi32>
          %sub3A_529 = arith.subi %sub3A_528, %convert_element_type3A_526 : vector<16xi32>
          %mul3A_530 = arith.constant 16 : i32
          %mul3A_531 = arith.muli %scan3A_511, %mul3A_530 : i32
          %multiple_of3A_532 = tpu.assume_multiple %mul3A_531, 8 : i32
          %swap3A = arith.index_cast %multiple_of3A_532 : i32 to index
          %swap3A_533 = tpu.vector_load %arg11[%swap3A] {strides = array<i32>} : memref<2048xi32, #tpu.memory_space<vmem>>, vector<16xi32>,
          %swap3A_534 = vector.shape_cast %swap3A_533 : vector<16xi32> to vector<16xi32>
          %swap3A_535 = vector.shape_cast %sub3A_529 : vector<16xi32> to vector<16xi32>
          tpu.vector_store %arg11[%swap3A], %swap3A_535 {strides = array<i32>} : memref<2048xi32, #tpu.memory_space<vmem>>, vector<16xi32>,
        }
        %scan3A_510 = arith.constant 128 : i32
        "tpu.region"() ({
          %run_scoped3A = tpu.sem_alloc : memref<!tpu.dma_semaphore, #tpu.memory_space<semaphore_mem>>
          %dma_start3A = arith.constant 0 : i32
          %dma_start3A_511 = tpu.memref_slice %arg28[%dma_start3A] : memref<16384xi32, #tpu.memory_space<vmem_shared>> -> memref<16384xi32, #tpu.memory_space<vmem_shared>>
          tpu.enqueue_indirect_dma source(%arg10 : memref<2048xi32, #tpu.memory_space<vmem>>) target(%dma_start3A_511 : memref<16384xi32, #tpu.memory_space<vmem_shared>>) offsets(%arg11 : memref<2048xi32, #tpu.memory_space<vmem>>) semaphore(%run_scoped3A : memref<!tpu.dma_semaphore, #tpu.memory_space<semaphore_mem>>) {add = true}
          %dma_wait3A = arith.constant 0 : i32
          %dma_wait3A_512 = tpu.memref_slice %arg28[%dma_wait3A] : memref<16384xi32, #tpu.memory_space<vmem_shared>> -> memref<16384xi32, #tpu.memory_space<vmem_shared>>
          tpu.wait_indirect_dma semaphore(%run_scoped3A : memref<!tpu.dma_semaphore, #tpu.memory_space<semaphore_mem>>) src(%arg10 : memref<2048xi32, #tpu.memory_space<vmem>>) dst(%dma_wait3A_512 : memref<16384xi32, #tpu.memory_space<vmem_shared>>)
          tpu.yield
        }) : () -> ()
      }
      %scan3A_35 = arith.constant 8 : i32
      %barrier3A_36 = arith.constant 0 : index
      tpu.barrier barrier_id(%barrier3A_36)
      %eq3A_37 = arith.constant 0 : i32
      %eq3A_38 = arith.cmpi eq, %arg1, %eq3A_37 : i32
      %convert_element_type3A_39 = arith.extui %eq3A_38 : i1 to i32
      %cond3A_40 = arith.constant 0 : i32
      %cond3A_41 = arith.cmpi ne, %convert_element_type3A_39, %cond3A_40 : i32
      scf.if %cond3A_41 {
        "tpu.region"() ({
          %run_scoped3A = tpu.sem_alloc : memref<!tpu.dma_semaphore, #tpu.memory_space<semaphore_mem>>
          tpu.enqueue_dma source(%arg28 : memref<16384xi32, #tpu.memory_space<vmem_shared>>) target(%arg16 : memref<16384xi32, #tpu.memory_space<vmem>>) target_semaphore(%run_scoped3A : memref<!tpu.dma_semaphore, #tpu.memory_space<semaphore_mem>>)
          tpu.wait_dma2 semaphore(%run_scoped3A : memref<!tpu.dma_semaphore, #tpu.memory_space<semaphore_mem>>) src(%arg28 : memref<16384xi32, #tpu.memory_space<vmem_shared>>) dst(%arg16 : memref<16384xi32, #tpu.memory_space<vmem>>)
          tpu.yield
        }) : () -> ()
        %scan3A_499 = arith.constant 0 : i32
        %scan3A_500 = arith.constant 16383 : i32
        %scan3A_501 = arith.constant 0 : i32
        %scan3A_502 = arith.constant 1024 : i32
        %scan3A_503 = arith.addi %scan3A_501, %scan3A_502 : i32
        %scan3A_504 = arith.constant 1 : i32
        %scan3A_505:2 = scf.for %scan3A_513 = %scan3A_501 to %scan3A_503 step %scan3A_504 iter_args(%scan3A_514 = %scan3A_499, %scan3A_515 = %scan3A_500) -> (i32, i32)  : i32 {
          %mul3A_516 = arith.constant 16 : i32
          %mul3A_517 = arith.muli %scan3A_513, %mul3A_516 : i32
          %multiple_of3A_518 = tpu.assume_multiple %mul3A_517, 8 : i32
          %get3A_519 = arith.index_cast %multiple_of3A_518 : i32 to index
          %get3A_520 = tpu.vector_load %arg16[%get3A_519] {strides = array<i32>} : memref<16384xi32, #tpu.memory_space<vmem>>, vector<16xi32>,
          %get3A_521 = vector.shape_cast %get3A_520 : vector<16xi32> to vector<16xi32>
          %iota3A_522 = tpu.iota {dimensions = array<i32: 0>} : vector<16xi32>
          %sub3A_523 = arith.constant 1 : i32
          %sub3A_524 = vector.broadcast %sub3A_523 : i32 to vector<16xi32>
          %sub3A_525 = arith.subi %iota3A_522, %sub3A_524 : vector<16xi32>
          %max3A_526 = arith.constant 0 : i32
          %max3A_527 = vector.broadcast %max3A_526 : i32 to vector<16xi32>
          %max3A_528 = arith.maxsi %sub3A_525, %max3A_527 : vector<16xi32>
          %broadcast_in_dim3A_529 = vector.shape_cast %max3A_528 : vector<16xi32> to vector<16x1xi32>
          %gather3A_530 = vector.shape_cast %broadcast_in_dim3A_529 : vector<16x1xi32> to vector<16xi32>
          %gather3A_531 = tpu.dynamic_gather %get3A_521[%gather3A_530] in [0] : vector<16xi32>, vector<16xi32> -> vector<16xi32>
          %ge3A_532 = arith.constant 1 : i32
          %ge3A_533 = vector.broadcast %ge3A_532 : i32 to vector<16xi32>
          %ge3A_534 = arith.cmpi sge, %iota3A_522, %ge3A_533 : vector<16xi32>
          %jit3A_535 = arith.constant 0 : i32
          %broadcast_in_dim3A_536 = vector.broadcast %jit3A_535 : i32 to vector<16xi32>
          %select_n3A_537 = arith.select %ge3A_534, %gather3A_531, %broadcast_in_dim3A_536 : vector<16xi1>, vector<16xi32>
          %add3A_538 = arith.addi %get3A_521, %select_n3A_537 : vector<16xi32>
          %sub3A_539 = arith.constant 2 : i32
          %sub3A_540 = vector.broadcast %sub3A_539 : i32 to vector<16xi32>
          %sub3A_541 = arith.subi %iota3A_522, %sub3A_540 : vector<16xi32>
          %max3A_542 = arith.constant 0 : i32
          %max3A_543 = vector.broadcast %max3A_542 : i32 to vector<16xi32>
          %max3A_544 = arith.maxsi %sub3A_541, %max3A_543 : vector<16xi32>
          %broadcast_in_dim3A_545 = vector.shape_cast %max3A_544 : vector<16xi32> to vector<16x1xi32>
          %gather3A_546 = vector.shape_cast %broadcast_in_dim3A_545 : vector<16x1xi32> to vector<16xi32>
          %gather3A_547 = tpu.dynamic_gather %add3A_538[%gather3A_546] in [0] : vector<16xi32>, vector<16xi32> -> vector<16xi32>
          %ge3A_548 = arith.constant 2 : i32
          %ge3A_549 = vector.broadcast %ge3A_548 : i32 to vector<16xi32>
          %ge3A_550 = arith.cmpi sge, %iota3A_522, %ge3A_549 : vector<16xi32>
          %jit3A_551 = arith.constant 0 : i32
          %broadcast_in_dim3A_552 = vector.broadcast %jit3A_551 : i32 to vector<16xi32>
          %select_n3A_553 = arith.select %ge3A_550, %gather3A_547, %broadcast_in_dim3A_552 : vector<16xi1>, vector<16xi32>
          %add3A_554 = arith.addi %add3A_538, %select_n3A_553 : vector<16xi32>
          %sub3A_555 = arith.constant 4 : i32
          %sub3A_556 = vector.broadcast %sub3A_555 : i32 to vector<16xi32>
          %sub3A_557 = arith.subi %iota3A_522, %sub3A_556 : vector<16xi32>
          %max3A_558 = arith.constant 0 : i32
          %max3A_559 = vector.broadcast %max3A_558 : i32 to vector<16xi32>
          %max3A_560 = arith.maxsi %sub3A_557, %max3A_559 : vector<16xi32>
          %broadcast_in_dim3A_561 = vector.shape_cast %max3A_560 : vector<16xi32> to vector<16x1xi32>
          %gather3A_562 = vector.shape_cast %broadcast_in_dim3A_561 : vector<16x1xi32> to vector<16xi32>
          %gather3A_563 = tpu.dynamic_gather %add3A_554[%gather3A_562] in [0] : vector<16xi32>, vector<16xi32> -> vector<16xi32>
          %ge3A_564 = arith.constant 4 : i32
          %ge3A_565 = vector.broadcast %ge3A_564 : i32 to vector<16xi32>
          %ge3A_566 = arith.cmpi sge, %iota3A_522, %ge3A_565 : vector<16xi32>
          %jit3A_567 = arith.constant 0 : i32
          %broadcast_in_dim3A_568 = vector.broadcast %jit3A_567 : i32 to vector<16xi32>
          %select_n3A_569 = arith.select %ge3A_566, %gather3A_563, %broadcast_in_dim3A_568 : vector<16xi1>, vector<16xi32>
          %add3A_570 = arith.addi %add3A_554, %select_n3A_569 : vector<16xi32>
          %sub3A_571 = arith.constant 8 : i32
          %sub3A_572 = vector.broadcast %sub3A_571 : i32 to vector<16xi32>
          %sub3A_573 = arith.subi %iota3A_522, %sub3A_572 : vector<16xi32>
          %max3A_574 = arith.constant 0 : i32
          %max3A_575 = vector.broadcast %max3A_574 : i32 to vector<16xi32>
          %max3A_576 = arith.maxsi %sub3A_573, %max3A_575 : vector<16xi32>
          %broadcast_in_dim3A_577 = vector.shape_cast %max3A_576 : vector<16xi32> to vector<16x1xi32>
          %gather3A_578 = vector.shape_cast %broadcast_in_dim3A_577 : vector<16x1xi32> to vector<16xi32>
          %gather3A_579 = tpu.dynamic_gather %add3A_570[%gather3A_578] in [0] : vector<16xi32>, vector<16xi32> -> vector<16xi32>
          %ge3A_580 = arith.constant 8 : i32
          %ge3A_581 = vector.broadcast %ge3A_580 : i32 to vector<16xi32>
          %ge3A_582 = arith.cmpi sge, %iota3A_522, %ge3A_581 : vector<16xi32>
          %jit3A_583 = arith.constant 0 : i32
          %broadcast_in_dim3A_584 = vector.broadcast %jit3A_583 : i32 to vector<16xi32>
          %select_n3A_585 = arith.select %ge3A_582, %gather3A_579, %broadcast_in_dim3A_584 : vector<16xi1>, vector<16xi32>
          %add3A_586 = arith.addi %add3A_570, %select_n3A_585 : vector<16xi32>
          %broadcast_in_dim3A_587 = vector.broadcast %scan3A_514 : i32 to vector<16xi32>
          %add3A_588 = arith.addi %add3A_586, %broadcast_in_dim3A_587 : vector<16xi32>
          %slice3A_589 = vector.extract_strided_slice %add3A_588 {offsets = [15], sizes = [1], strides = [1]} : vector<16xi32> to vector<1xi32>
          %squeeze3A_590 = vector.extract %slice3A_589[0] : i32 from vector<1xi32>
          %broadcast_in_dim3A_591 = vector.broadcast %squeeze3A : i32 to vector<16xi32>
          %gt3A_592 = arith.cmpi sgt, %add3A_588, %broadcast_in_dim3A_591 : vector<16xi32>
          %jit3A_593 = arith.constant 16 : i32
          %broadcast_in_dim3A_594 = vector.broadcast %jit3A_593 : i32 to vector<16xi32>
          %select_n3A_595 = arith.select %gt3A_592, %iota3A, %broadcast_in_dim3A_594 : vector<16xi1>, vector<16xi32>
          %iota3A_596 = tpu.iota {dimensions = array<i32: 0>} : vector<16xi32>
          %add3A_597 = arith.constant 1 : i32
          %add3A_598 = vector.broadcast %add3A_597 : i32 to vector<16xi32>
          %add3A_599 = arith.addi %iota3A_596, %add3A_598 : vector<16xi32>
          %min3A = arith.constant 15 : i32
          %min3A_600 = vector.broadcast %min3A : i32 to vector<16xi32>
          %min3A_601 = arith.minsi %add3A_599, %min3A_600 : vector<16xi32>
          %broadcast_in_dim3A_602 = vector.shape_cast %min3A_601 : vector<16xi32> to vector<16x1xi32>
          %gather3A_603 = vector.shape_cast %broadcast_in_dim3A_602 : vector<16x1xi32> to vector<16xi32>
          %gather3A_604 = tpu.dynamic_gather %select_n3A_595[%gather3A_603] in [0] : vector<16xi32>, vector<16xi32> -> vector<16xi32>
          %lt3A = arith.constant 15 : i32
          %lt3A_605 = vector.broadcast %lt3A : i32 to vector<16xi32>
          %lt3A_606 = arith.cmpi slt, %iota3A_596, %lt3A_605 : vector<16xi32>
          %select_n3A_607 = arith.select %lt3A_606, %gather3A_604, %select_n3A_595 : vector<16xi1>, vector<16xi32>
          %min3A_608 = arith.minsi %select_n3A_595, %select_n3A_607 : vector<16xi32>
          %add3A_609 = arith.constant 2 : i32
          %add3A_610 = vector.broadcast %add3A_609 : i32 to vector<16xi32>
          %add3A_611 = arith.addi %iota3A_596, %add3A_610 : vector<16xi32>
          %min3A_612 = arith.constant 15 : i32
          %min3A_613 = vector.broadcast %min3A_612 : i32 to vector<16xi32>
          %min3A_614 = arith.minsi %add3A_611, %min3A_613 : vector<16xi32>
          %broadcast_in_dim3A_615 = vector.shape_cast %min3A_614 : vector<16xi32> to vector<16x1xi32>
          %gather3A_616 = vector.shape_cast %broadcast_in_dim3A_615 : vector<16x1xi32> to vector<16xi32>
          %gather3A_617 = tpu.dynamic_gather %min3A_608[%gather3A_616] in [0] : vector<16xi32>, vector<16xi32> -> vector<16xi32>
          %lt3A_618 = arith.constant 14 : i32
          %lt3A_619 = vector.broadcast %lt3A_618 : i32 to vector<16xi32>
          %lt3A_620 = arith.cmpi slt, %iota3A_596, %lt3A_619 : vector<16xi32>
          %select_n3A_621 = arith.select %lt3A_620, %gather3A_617, %min3A_608 : vector<16xi1>, vector<16xi32>
          %min3A_622 = arith.minsi %min3A_608, %select_n3A_621 : vector<16xi32>
          %add3A_623 = arith.constant 4 : i32
          %add3A_624 = vector.broadcast %add3A_623 : i32 to vector<16xi32>
          %add3A_625 = arith.addi %iota3A_596, %add3A_624 : vector<16xi32>
          %min3A_626 = arith.constant 15 : i32
          %min3A_627 = vector.broadcast %min3A_626 : i32 to vector<16xi32>
          %min3A_628 = arith.minsi %add3A_625, %min3A_627 : vector<16xi32>
          %broadcast_in_dim3A_629 = vector.shape_cast %min3A_628 : vector<16xi32> to vector<16x1xi32>
          %gather3A_630 = vector.shape_cast %broadcast_in_dim3A_629 : vector<16x1xi32> to vector<16xi32>
          %gather3A_631 = tpu.dynamic_gather %min3A_622[%gather3A_630] in [0] : vector<16xi32>, vector<16xi32> -> vector<16xi32>
          %lt3A_632 = arith.constant 12 : i32
          %lt3A_633 = vector.broadcast %lt3A_632 : i32 to vector<16xi32>
          %lt3A_634 = arith.cmpi slt, %iota3A_596, %lt3A_633 : vector<16xi32>
          %select_n3A_635 = arith.select %lt3A_634, %gather3A_631, %min3A_622 : vector<16xi1>, vector<16xi32>
          %min3A_636 = arith.minsi %min3A_622, %select_n3A_635 : vector<16xi32>
          %add3A_637 = arith.constant 8 : i32
          %add3A_638 = vector.broadcast %add3A_637 : i32 to vector<16xi32>
          %add3A_639 = arith.addi %iota3A_596, %add3A_638 : vector<16xi32>
          %min3A_640 = arith.constant 15 : i32
          %min3A_641 = vector.broadcast %min3A_640 : i32 to vector<16xi32>
          %min3A_642 = arith.minsi %add3A_639, %min3A_641 : vector<16xi32>
          %broadcast_in_dim3A_643 = vector.shape_cast %min3A_642 : vector<16xi32> to vector<16x1xi32>
          %gather3A_644 = vector.shape_cast %broadcast_in_dim3A_643 : vector<16x1xi32> to vector<16xi32>
          %gather3A_645 = tpu.dynamic_gather %min3A_636[%gather3A_644] in [0] : vector<16xi32>, vector<16xi32> -> vector<16xi32>
          %lt3A_646 = arith.constant 8 : i32
          %lt3A_647 = vector.broadcast %lt3A_646 : i32 to vector<16xi32>
          %lt3A_648 = arith.cmpi slt, %iota3A_596, %lt3A_647 : vector<16xi32>
          %select_n3A_649 = arith.select %lt3A_648, %gather3A_645, %min3A_636 : vector<16xi1>, vector<16xi32>
          %min3A_650 = arith.minsi %min3A_636, %select_n3A_649 : vector<16xi32>
          %slice3A_651 = vector.extract_strided_slice %min3A_650 {offsets = [0], sizes = [1], strides = [1]} : vector<16xi32> to vector<1xi32>
          %squeeze3A_652 = vector.extract %slice3A_651[0] : i32 from vector<1xi32>
          %mul3A_653 = arith.constant 16 : i32
          %mul3A_654 = arith.muli %scan3A_513, %mul3A_653 : i32
          %add3A_655 = arith.addi %mul3A_654, %squeeze3A_652 : i32
          %le3A = arith.cmpi sle, %scan3A_514, %squeeze3A : i32
          %gt3A_656 = arith.cmpi sgt, %squeeze3A_590, %squeeze3A : i32
          %and3A_657 = arith.andi %le3A, %gt3A_656 : i1
          %select_n3A_658 = arith.select %and3A_657, %add3A_655, %scan3A_515 : i32
          scf.yield %squeeze3A_590, %select_n3A_658 : i32, i32
        }
        %scan3A_506 = arith.constant 1024 : i32
        %scan3A_507 = arith.constant 0 : i32
        %scan3A_508 = arith.constant 0 : i32
        %scan3A_509 = arith.constant 8 : i32
        %scan3A_510 = arith.addi %scan3A_508, %scan3A_509 : i32
        %scan3A_511 = arith.constant 1 : i32
        scf.for %scan3A_513 = %scan3A_508 to %scan3A_510 step %scan3A_511  : i32 {
          %mul3A_514 = arith.constant 16 : i32
          %mul3A_515 = arith.muli %scan3A_513, %mul3A_514 : i32
          %add3A_516 = vector.broadcast %mul3A_515 : i32 to vector<16xi32>
          %add3A_517 = arith.addi %add3A_516, %iota3A : vector<16xi32>
          %eq3A_518 = arith.constant 0 : i32
          %eq3A_519 = vector.broadcast %eq3A_518 : i32 to vector<16xi32>
          %eq3A_520 = arith.cmpi eq, %add3A_517, %eq3A_519 : vector<16xi32>
          %add3A_521 = arith.constant 128 : i32
          %add3A_522 = vector.broadcast %add3A_521 : i32 to vector<16xi32>
          %add3A_523 = arith.addi %add3A_522, %add3A_517 : vector<16xi32>
          %jit3A_524 = arith.constant 0 : i32
          %broadcast_in_dim3A_525 = vector.broadcast %jit3A_524 : i32 to vector<16xi32>
          %select_n3A_526 = arith.select %eq3A_520, %broadcast_in_dim3A_525, %add3A_523 : vector<16xi1>, vector<16xi32>
          %mul3A_527 = arith.constant 16 : i32
          %mul3A_528 = arith.muli %scan3A_513, %mul3A_527 : i32
          %multiple_of3A_529 = tpu.assume_multiple %mul3A_528, 8 : i32
          %swap3A = arith.index_cast %multiple_of3A_529 : i32 to index
          %swap3A_530 = tpu.vector_load %arg18[%swap3A] {strides = array<i32>} : memref<128xi32, #tpu.memory_space<vmem>>, vector<16xi32>,
          %swap3A_531 = vector.shape_cast %swap3A_530 : vector<16xi32> to vector<16xi32>
          %swap3A_532 = vector.shape_cast %select_n3A_526 : vector<16xi32> to vector<16xi32>
          tpu.vector_store %arg18[%swap3A], %swap3A_532 {strides = array<i32>} : memref<128xi32, #tpu.memory_space<vmem>>, vector<16xi32>,
          %broadcast_in_dim3A_533 = vector.broadcast %scan3A_505#1 : i32 to vector<16xi32>
          %mul3A_534 = arith.constant 16 : i32
          %mul3A_535 = arith.muli %scan3A_513, %mul3A_534 : i32
          %multiple_of3A_536 = tpu.assume_multiple %mul3A_535, 8 : i32
          %swap3A_537 = arith.index_cast %multiple_of3A_536 : i32 to index
          %swap3A_538 = tpu.vector_load %arg19[%swap3A_537] {strides = array<i32>} : memref<128xi32, #tpu.memory_space<vmem>>, vector<16xi32>,
          %swap3A_539 = vector.shape_cast %swap3A_538 : vector<16xi32> to vector<16xi32>
          %swap3A_540 = vector.shape_cast %broadcast_in_dim3A_533 : vector<16xi32> to vector<16xi32>
          tpu.vector_store %arg19[%swap3A_537], %swap3A_540 {strides = array<i32>} : memref<128xi32, #tpu.memory_space<vmem>>, vector<16xi32>,
        }
        %scan3A_512 = arith.constant 8 : i32
        "tpu.region"() ({
          %run_scoped3A = tpu.sem_alloc : memref<!tpu.dma_semaphore, #tpu.memory_space<semaphore_mem>>
          %dma_start3A = arith.constant 0 : i32
          %dma_start3A_513 = tpu.memref_slice %arg29[%dma_start3A] : memref<256xi32, #tpu.memory_space<vmem_shared>> -> memref<256xi32, #tpu.memory_space<vmem_shared>>
          tpu.enqueue_indirect_dma source(%arg19 : memref<128xi32, #tpu.memory_space<vmem>>) target(%dma_start3A_513 : memref<256xi32, #tpu.memory_space<vmem_shared>>) offsets(%arg18 : memref<128xi32, #tpu.memory_space<vmem>>) semaphore(%run_scoped3A : memref<!tpu.dma_semaphore, #tpu.memory_space<semaphore_mem>>)
          %dma_wait3A = arith.constant 0 : i32
          %dma_wait3A_514 = tpu.memref_slice %arg29[%dma_wait3A] : memref<256xi32, #tpu.memory_space<vmem_shared>> -> memref<256xi32, #tpu.memory_space<vmem_shared>>
          tpu.wait_indirect_dma semaphore(%run_scoped3A : memref<!tpu.dma_semaphore, #tpu.memory_space<semaphore_mem>>) src(%arg19 : memref<128xi32, #tpu.memory_space<vmem>>) dst(%dma_wait3A_514 : memref<256xi32, #tpu.memory_space<vmem_shared>>)
          tpu.yield
        }) : () -> ()
      } else {
      }
      %barrier3A_42 = arith.constant 0 : index
      tpu.barrier barrier_id(%barrier3A_42)
      "tpu.region"() ({
        %run_scoped3A = tpu.sem_alloc : memref<!tpu.dma_semaphore, #tpu.memory_space<semaphore_mem>>
        %dma_start3A = arith.constant 0 : i32
        %dma_start3A_499 = tpu.memref_slice %arg29[%dma_start3A] : memref<256xi32, #tpu.memory_space<vmem_shared>> -> memref<128xi32, #tpu.memory_space<vmem_shared>>
        %dma_start3A_500 = arith.constant 0 : i32
        %dma_start3A_501 = tpu.memref_slice %arg29[%dma_start3A_500] : memref<256xi32, #tpu.memory_space<vmem_shared>> -> memref<128xi32, #tpu.memory_space<vmem_shared>>
        tpu.enqueue_dma source(%dma_start3A_501 : memref<128xi32, #tpu.memory_space<vmem_shared>>) target(%arg17 : memref<128xi32, #tpu.memory_space<vmem>>) target_semaphore(%run_scoped3A : memref<!tpu.dma_semaphore, #tpu.memory_space<semaphore_mem>>)
        %dma_wait3A = arith.constant 0 : i32
        %dma_wait3A_502 = tpu.memref_slice %arg29[%dma_wait3A] : memref<256xi32, #tpu.memory_space<vmem_shared>> -> memref<128xi32, #tpu.memory_space<vmem_shared>>
        %dma_wait3A_503 = arith.constant 0 : i32
        %dma_wait3A_504 = tpu.memref_slice %arg29[%dma_wait3A_503] : memref<256xi32, #tpu.memory_space<vmem_shared>> -> memref<128xi32, #tpu.memory_space<vmem_shared>>
        tpu.wait_dma2 semaphore(%run_scoped3A : memref<!tpu.dma_semaphore, #tpu.memory_space<semaphore_mem>>) src(%dma_wait3A_504 : memref<128xi32, #tpu.memory_space<vmem_shared>>) dst(%arg17 : memref<128xi32, #tpu.memory_space<vmem>>)
        tpu.yield
      }) : () -> ()
      %get3A_43 = arith.constant 0 : index
      %get3A_44 = tpu.vector_load %arg17[%get3A_43] {strides = array<i32>} : memref<128xi32, #tpu.memory_space<vmem>>, vector<16xi32>,
      %get3A_45 = vector.shape_cast %get3A_44 : vector<16xi32> to vector<16xi32>
      %slice3A_46 = vector.extract_strided_slice %get3A_45 {offsets = [0], sizes = [1], strides = [1]} : vector<16xi32> to vector<1xi32>
      %squeeze3A_47 = vector.extract %slice3A_46[0] : i32 from vector<1xi32>
      %scan3A_48 = arith.constant 0 : i32
      %scan3A_49 = arith.constant 8 : i32
      %scan3A_50 = arith.addi %scan3A_48, %scan3A_49 : i32
      %scan3A_51 = arith.constant 1 : i32
      %scan3A_52 = scf.for %scan3A_499 = %scan3A_48 to %scan3A_50 step %scan3A_51 iter_args(%scan3A_500 = %broadcast_in_dim3A_0) -> (vector<16xi32>)  : i32 {
        %add3A_501 = arith.addi %mul3A_11, %mul3A_13 : i32
        %mul3A_502 = arith.constant 2048 : i32
        %mul3A_503 = arith.muli %scan3A_499, %mul3A_502 : i32
        %add3A_504 = arith.addi %add3A_501, %mul3A_503 : i32
        %multiple_of3A_505 = tpu.assume_multiple %add3A_504, 8 : i32
        "tpu.region"() ({
          %run_scoped3A = tpu.sem_alloc : memref<!tpu.dma_semaphore, #tpu.memory_space<semaphore_mem>>
          %dma_start3A = tpu.memref_slice %arg2[%multiple_of3A_505] : memref<1048576xf32, #tpu.memory_space<hbm>> -> memref<2048xf32, #tpu.memory_space<hbm>>
          %dma_start3A_512 = tpu.memref_slice %arg2[%multiple_of3A_505] : memref<1048576xf32, #tpu.memory_space<hbm>> -> memref<2048xf32, #tpu.memory_space<hbm>>
          tpu.enqueue_dma source(%dma_start3A_512 : memref<2048xf32, #tpu.memory_space<hbm>>) target(%arg8 : memref<2048xf32, #tpu.memory_space<vmem>>) target_semaphore(%run_scoped3A : memref<!tpu.dma_semaphore, #tpu.memory_space<semaphore_mem>>)
          %dma_wait3A = tpu.memref_slice %arg2[%multiple_of3A_505] : memref<1048576xf32, #tpu.memory_space<hbm>> -> memref<2048xf32, #tpu.memory_space<hbm>>
          %dma_wait3A_513 = tpu.memref_slice %arg2[%multiple_of3A_505] : memref<1048576xf32, #tpu.memory_space<hbm>> -> memref<2048xf32, #tpu.memory_space<hbm>>
          tpu.wait_dma2 semaphore(%run_scoped3A : memref<!tpu.dma_semaphore, #tpu.memory_space<semaphore_mem>>) src(%dma_wait3A_513 : memref<2048xf32, #tpu.memory_space<hbm>>) dst(%arg8 : memref<2048xf32, #tpu.memory_space<vmem>>)
          tpu.yield
        }) : () -> ()
        %scan3A_506 = arith.constant 0 : i32
        %scan3A_507 = arith.constant 128 : i32
        %scan3A_508 = arith.addi %scan3A_506, %scan3A_507 : i32
        %scan3A_509 = arith.constant 1 : i32
        %scan3A_510 = scf.for %scan3A_512 = %scan3A_506 to %scan3A_508 step %scan3A_509 iter_args(%scan3A_513 = %scan3A_500) -> (vector<16xi32>)  : i32 {
          %mul3A_514 = arith.constant 16 : i32
          %mul3A_515 = arith.muli %scan3A_512, %mul3A_514 : i32
          %multiple_of3A_516 = tpu.assume_multiple %mul3A_515, 8 : i32
          %get3A_517 = arith.index_cast %multiple_of3A_516 : i32 to index
          %get3A_518 = tpu.vector_load %arg8[%get3A_517] {strides = array<i32>} : memref<2048xf32, #tpu.memory_space<vmem>>, vector<16xf32>,
          %get3A_519 = vector.shape_cast %get3A_518 : vector<16xf32> to vector<16xf32>
          %mul3A_520 = arith.constant 1.638400e+04 : f32
          %mul3A_521 = vector.broadcast %mul3A_520 : f32 to vector<16xf32>
          %mul3A_522 = arith.mulf %get3A_519, %mul3A_521 : vector<16xf32>
          %max3A_523 = arith.constant 0.000000e+00 : f32
          %max3A_524 = vector.broadcast %max3A_523 : f32 to vector<16xf32>
          %max3A_525 = arith.maximumf %mul3A_522, %max3A_524 : vector<16xf32>
          %min3A = arith.constant 1.638300e+04 : f32
          %min3A_526 = vector.broadcast %min3A : f32 to vector<16xf32>
          %min3A_527 = arith.minimumf %max3A_525, %min3A_526 : vector<16xf32>
          %convert_element_type3A_528 = arith.fptosi %min3A_527 : vector<16xf32> to vector<16xi32>
          %sub3A_529 = arith.constant 16383 : i32
          %sub3A_530 = vector.broadcast %sub3A_529 : i32 to vector<16xi32>
          %sub3A_531 = arith.subi %sub3A_530, %convert_element_type3A_528 : vector<16xi32>
          %le3A = vector.broadcast %squeeze3A_47 : i32 to vector<16xi32>
          %le3A_532 = arith.cmpi sle, %sub3A_531, %le3A : vector<16xi32>
          %jit3A_533 = arith.constant 1 : i32
          %jit3A_534 = arith.constant 0 : i32
          %broadcast_in_dim3A_535 = vector.broadcast %jit3A_533 : i32 to vector<16xi32>
          %broadcast_in_dim3A_536 = vector.broadcast %jit3A_534 : i32 to vector<16xi32>
          %select_n3A_537 = arith.select %le3A_532, %broadcast_in_dim3A_535, %broadcast_in_dim3A_536 : vector<16xi1>, vector<16xi32>
          %add3A_538 = arith.addi %scan3A_513, %select_n3A_537 : vector<16xi32>
          scf.yield %add3A_538 : vector<16xi32>
        }
        %scan3A_511 = arith.constant 128 : i32
        scf.yield %scan3A_510 : vector<16xi32>
      }
      %scan3A_53 = arith.constant 8 : i32
      %iota3A_54 = tpu.iota {dimensions = array<i32: 0>} : vector<16xi32>
      %sub3A = arith.constant 1 : i32
      %sub3A_55 = vector.broadcast %sub3A : i32 to vector<16xi32>
      %sub3A_56 = arith.subi %iota3A_54, %sub3A_55 : vector<16xi32>
      %max3A = arith.constant 0 : i32
      %max3A_57 = vector.broadcast %max3A : i32 to vector<16xi32>
      %max3A_58 = arith.maxsi %sub3A_56, %max3A_57 : vector<16xi32>
      %broadcast_in_dim3A_59 = vector.shape_cast %max3A_58 : vector<16xi32> to vector<16x1xi32>
      %gather3A = vector.shape_cast %broadcast_in_dim3A_59 : vector<16x1xi32> to vector<16xi32>
      %gather3A_60 = tpu.dynamic_gather %scan3A_52[%gather3A] in [0] : vector<16xi32>, vector<16xi32> -> vector<16xi32>
      %ge3A = arith.constant 1 : i32
      %ge3A_61 = vector.broadcast %ge3A : i32 to vector<16xi32>
      %ge3A_62 = arith.cmpi sge, %iota3A_54, %ge3A_61 : vector<16xi32>
      %jit3A = arith.constant 0 : i32
      %broadcast_in_dim3A_63 = vector.broadcast %jit3A : i32 to vector<16xi32>
      %select_n3A = arith.select %ge3A_62, %gather3A_60, %broadcast_in_dim3A_63 : vector<16xi1>, vector<16xi32>
      %add3A_64 = arith.addi %scan3A_52, %select_n3A : vector<16xi32>
      %sub3A_65 = arith.constant 2 : i32
      %sub3A_66 = vector.broadcast %sub3A_65 : i32 to vector<16xi32>
      %sub3A_67 = arith.subi %iota3A_54, %sub3A_66 : vector<16xi32>
      %max3A_68 = arith.constant 0 : i32
      %max3A_69 = vector.broadcast %max3A_68 : i32 to vector<16xi32>
      %max3A_70 = arith.maxsi %sub3A_67, %max3A_69 : vector<16xi32>
      %broadcast_in_dim3A_71 = vector.shape_cast %max3A_70 : vector<16xi32> to vector<16x1xi32>
      %gather3A_72 = vector.shape_cast %broadcast_in_dim3A_71 : vector<16x1xi32> to vector<16xi32>
      %gather3A_73 = tpu.dynamic_gather %add3A_64[%gather3A_72] in [0] : vector<16xi32>, vector<16xi32> -> vector<16xi32>
      %ge3A_74 = arith.constant 2 : i32
      %ge3A_75 = vector.broadcast %ge3A_74 : i32 to vector<16xi32>
      %ge3A_76 = arith.cmpi sge, %iota3A_54, %ge3A_75 : vector<16xi32>
      %jit3A_77 = arith.constant 0 : i32
      %broadcast_in_dim3A_78 = vector.broadcast %jit3A_77 : i32 to vector<16xi32>
      %select_n3A_79 = arith.select %ge3A_76, %gather3A_73, %broadcast_in_dim3A_78 : vector<16xi1>, vector<16xi32>
      %add3A_80 = arith.addi %add3A_64, %select_n3A_79 : vector<16xi32>
      %sub3A_81 = arith.constant 4 : i32
      %sub3A_82 = vector.broadcast %sub3A_81 : i32 to vector<16xi32>
      %sub3A_83 = arith.subi %iota3A_54, %sub3A_82 : vector<16xi32>
      %max3A_84 = arith.constant 0 : i32
      %max3A_85 = vector.broadcast %max3A_84 : i32 to vector<16xi32>
      %max3A_86 = arith.maxsi %sub3A_83, %max3A_85 : vector<16xi32>
      %broadcast_in_dim3A_87 = vector.shape_cast %max3A_86 : vector<16xi32> to vector<16x1xi32>
      %gather3A_88 = vector.shape_cast %broadcast_in_dim3A_87 : vector<16x1xi32> to vector<16xi32>
      %gather3A_89 = tpu.dynamic_gather %add3A_80[%gather3A_88] in [0] : vector<16xi32>, vector<16xi32> -> vector<16xi32>
      %ge3A_90 = arith.constant 4 : i32
      %ge3A_91 = vector.broadcast %ge3A_90 : i32 to vector<16xi32>
      %ge3A_92 = arith.cmpi sge, %iota3A_54, %ge3A_91 : vector<16xi32>
      %jit3A_93 = arith.constant 0 : i32
      %broadcast_in_dim3A_94 = vector.broadcast %jit3A_93 : i32 to vector<16xi32>
      %select_n3A_95 = arith.select %ge3A_92, %gather3A_89, %broadcast_in_dim3A_94 : vector<16xi1>, vector<16xi32>
      %add3A_96 = arith.addi %add3A_80, %select_n3A_95 : vector<16xi32>
      %sub3A_97 = arith.constant 8 : i32
      %sub3A_98 = vector.broadcast %sub3A_97 : i32 to vector<16xi32>
      %sub3A_99 = arith.subi %iota3A_54, %sub3A_98 : vector<16xi32>
      %max3A_100 = arith.constant 0 : i32
      %max3A_101 = vector.broadcast %max3A_100 : i32 to vector<16xi32>
      %max3A_102 = arith.maxsi %sub3A_99, %max3A_101 : vector<16xi32>
      %broadcast_in_dim3A_103 = vector.shape_cast %max3A_102 : vector<16xi32> to vector<16x1xi32>
      %gather3A_104 = vector.shape_cast %broadcast_in_dim3A_103 : vector<16x1xi32> to vector<16xi32>
      %gather3A_105 = tpu.dynamic_gather %add3A_96[%gather3A_104] in [0] : vector<16xi32>, vector<16xi32> -> vector<16xi32>
      %ge3A_106 = arith.constant 8 : i32
      %ge3A_107 = vector.broadcast %ge3A_106 : i32 to vector<16xi32>
      %ge3A_108 = arith.cmpi sge, %iota3A_54, %ge3A_107 : vector<16xi32>
      %jit3A_109 = arith.constant 0 : i32
      %broadcast_in_dim3A_110 = vector.broadcast %jit3A_109 : i32 to vector<16xi32>
      %select_n3A_111 = arith.select %ge3A_108, %gather3A_105, %broadcast_in_dim3A_110 : vector<16xi1>, vector<16xi32>
      %add3A_112 = arith.addi %add3A_96, %select_n3A_111 : vector<16xi32>
      %slice3A_113 = vector.extract_strided_slice %add3A_112 {offsets = [15], sizes = [1], strides = [1]} : vector<16xi32> to vector<1xi32>
      %squeeze3A_114 = vector.extract %slice3A_113[0] : i32 from vector<1xi32>
      %scan3A_115 = arith.constant 0 : i32
      %scan3A_116 = arith.constant 0 : i32
      %scan3A_117 = arith.constant 8 : i32
      %scan3A_118 = arith.addi %scan3A_116, %scan3A_117 : i32
      %scan3A_119 = arith.constant 1 : i32
      scf.for %scan3A_499 = %scan3A_116 to %scan3A_118 step %scan3A_119  : i32 {
        %mul3A_500 = arith.constant 16 : i32
        %mul3A_501 = arith.muli %scan3A_499, %mul3A_500 : i32
        %add3A_502 = vector.broadcast %mul3A_501 : i32 to vector<16xi32>
        %add3A_503 = arith.addi %add3A_502, %iota3A : vector<16xi32>
        %eq3A_504 = arith.constant 0 : i32
        %eq3A_505 = vector.broadcast %eq3A_504 : i32 to vector<16xi32>
        %eq3A_506 = arith.cmpi eq, %add3A_503, %eq3A_505 : vector<16xi32>
        %add3A_507 = arith.constant 16 : i32
        %add3A_508 = arith.addi %add3A_507, %arg1 : i32
        %mul3A_509 = arith.constant 8 : i32
        %mul3A_510 = arith.muli %arg1, %mul3A_509 : i32
        %add3A_511 = vector.broadcast %mul3A_510 : i32 to vector<16xi32>
        %add3A_512 = arith.addi %add3A_511, %add3A_503 : vector<16xi32>
        %and3A_513 = arith.constant 127 : i32
        %and3A_514 = vector.broadcast %and3A_513 : i32 to vector<16xi32>
        %and3A_515 = arith.andi %add3A_512, %and3A_514 : vector<16xi32>
        %add3A_516 = arith.constant 128 : i32
        %add3A_517 = vector.broadcast %add3A_516 : i32 to vector<16xi32>
        %add3A_518 = arith.addi %add3A_517, %and3A_515 : vector<16xi32>
        %broadcast_in_dim3A_519 = vector.broadcast %add3A_508 : i32 to vector<16xi32>
        %select_n3A_520 = arith.select %eq3A_506, %broadcast_in_dim3A_519, %add3A_518 : vector<16xi1>, vector<16xi32>
        %mul3A_521 = arith.constant 16 : i32
        %mul3A_522 = arith.muli %scan3A_499, %mul3A_521 : i32
        %multiple_of3A_523 = tpu.assume_multiple %mul3A_522, 8 : i32
        %swap3A = arith.index_cast %multiple_of3A_523 : i32 to index
        %swap3A_524 = tpu.vector_load %arg18[%swap3A] {strides = array<i32>} : memref<128xi32, #tpu.memory_space<vmem>>, vector<16xi32>,
        %swap3A_525 = vector.shape_cast %swap3A_524 : vector<16xi32> to vector<16xi32>
        %swap3A_526 = vector.shape_cast %select_n3A_520 : vector<16xi32> to vector<16xi32>
        tpu.vector_store %arg18[%swap3A], %swap3A_526 {strides = array<i32>} : memref<128xi32, #tpu.memory_space<vmem>>, vector<16xi32>,
        %broadcast_in_dim3A_527 = vector.broadcast %squeeze3A_114 : i32 to vector<16xi32>
        %mul3A_528 = arith.constant 16 : i32
        %mul3A_529 = arith.muli %scan3A_499, %mul3A_528 : i32
        %multiple_of3A_530 = tpu.assume_multiple %mul3A_529, 8 : i32
        %swap3A_531 = arith.index_cast %multiple_of3A_530 : i32 to index
        %swap3A_532 = tpu.vector_load %arg19[%swap3A_531] {strides = array<i32>} : memref<128xi32, #tpu.memory_space<vmem>>, vector<16xi32>,
        %swap3A_533 = vector.shape_cast %swap3A_532 : vector<16xi32> to vector<16xi32>
        %swap3A_534 = vector.shape_cast %broadcast_in_dim3A_527 : vector<16xi32> to vector<16xi32>
        tpu.vector_store %arg19[%swap3A_531], %swap3A_534 {strides = array<i32>} : memref<128xi32, #tpu.memory_space<vmem>>, vector<16xi32>,
      }
      %scan3A_120 = arith.constant 8 : i32
      "tpu.region"() ({
        %run_scoped3A = tpu.sem_alloc : memref<!tpu.dma_semaphore, #tpu.memory_space<semaphore_mem>>
        %dma_start3A = arith.constant 0 : i32
        %dma_start3A_499 = tpu.memref_slice %arg29[%dma_start3A] : memref<256xi32, #tpu.memory_space<vmem_shared>> -> memref<256xi32, #tpu.memory_space<vmem_shared>>
        tpu.enqueue_indirect_dma source(%arg19 : memref<128xi32, #tpu.memory_space<vmem>>) target(%dma_start3A_499 : memref<256xi32, #tpu.memory_space<vmem_shared>>) offsets(%arg18 : memref<128xi32, #tpu.memory_space<vmem>>) semaphore(%run_scoped3A : memref<!tpu.dma_semaphore, #tpu.memory_space<semaphore_mem>>)
        %dma_wait3A = arith.constant 0 : i32
        %dma_wait3A_500 = tpu.memref_slice %arg29[%dma_wait3A] : memref<256xi32, #tpu.memory_space<vmem_shared>> -> memref<256xi32, #tpu.memory_space<vmem_shared>>
        tpu.wait_indirect_dma semaphore(%run_scoped3A : memref<!tpu.dma_semaphore, #tpu.memory_space<semaphore_mem>>) src(%arg19 : memref<128xi32, #tpu.memory_space<vmem>>) dst(%dma_wait3A_500 : memref<256xi32, #tpu.memory_space<vmem_shared>>)
        tpu.yield
      }) : () -> ()
      %barrier3A_121 = arith.constant 0 : index
      tpu.barrier barrier_id(%barrier3A_121)
      "tpu.region"() ({
        %run_scoped3A = tpu.sem_alloc : memref<!tpu.dma_semaphore, #tpu.memory_space<semaphore_mem>>
        %dma_start3A = arith.constant 0 : i32
        %dma_start3A_499 = tpu.memref_slice %arg29[%dma_start3A] : memref<256xi32, #tpu.memory_space<vmem_shared>> -> memref<128xi32, #tpu.memory_space<vmem_shared>>
        %dma_start3A_500 = arith.constant 0 : i32
        %dma_start3A_501 = tpu.memref_slice %arg29[%dma_start3A_500] : memref<256xi32, #tpu.memory_space<vmem_shared>> -> memref<128xi32, #tpu.memory_space<vmem_shared>>
        tpu.enqueue_dma source(%dma_start3A_501 : memref<128xi32, #tpu.memory_space<vmem_shared>>) target(%arg17 : memref<128xi32, #tpu.memory_space<vmem>>) target_semaphore(%run_scoped3A : memref<!tpu.dma_semaphore, #tpu.memory_space<semaphore_mem>>)
        %dma_wait3A = arith.constant 0 : i32
        %dma_wait3A_502 = tpu.memref_slice %arg29[%dma_wait3A] : memref<256xi32, #tpu.memory_space<vmem_shared>> -> memref<128xi32, #tpu.memory_space<vmem_shared>>
        %dma_wait3A_503 = arith.constant 0 : i32
        %dma_wait3A_504 = tpu.memref_slice %arg29[%dma_wait3A_503] : memref<256xi32, #tpu.memory_space<vmem_shared>> -> memref<128xi32, #tpu.memory_space<vmem_shared>>
        tpu.wait_dma2 semaphore(%run_scoped3A : memref<!tpu.dma_semaphore, #tpu.memory_space<semaphore_mem>>) src(%dma_wait3A_504 : memref<128xi32, #tpu.memory_space<vmem_shared>>) dst(%arg17 : memref<128xi32, #tpu.memory_space<vmem>>)
        tpu.yield
      }) : () -> ()
      %get3A_122 = arith.constant 16 : index
      %get3A_123 = tpu.vector_load %arg17[%get3A_122] {strides = array<i32>} : memref<128xi32, #tpu.memory_space<vmem>>, vector<16xi32>,
      %get3A_124 = vector.shape_cast %get3A_123 : vector<16xi32> to vector<16xi32>
      %add3A_125 = arith.constant 127 : i32
      %add3A_126 = vector.broadcast %add3A_125 : i32 to vector<16xi32>
      %add3A_127 = arith.addi %get3A_124, %add3A_126 : vector<16xi32>
      %and3A = arith.constant -128 : i32
      %and3A_128 = vector.broadcast %and3A : i32 to vector<16xi32>
      %and3A_129 = arith.andi %add3A_127, %and3A_128 : vector<16xi32>
      %iota3A_130 = tpu.iota {dimensions = array<i32: 0>} : vector<16xi32>
      %sub3A_131 = arith.constant 1 : i32
      %sub3A_132 = vector.broadcast %sub3A_131 : i32 to vector<16xi32>
      %sub3A_133 = arith.subi %iota3A_130, %sub3A_132 : vector<16xi32>
      %max3A_134 = arith.constant 0 : i32
      %max3A_135 = vector.broadcast %max3A_134 : i32 to vector<16xi32>
      %max3A_136 = arith.maxsi %sub3A_133, %max3A_135 : vector<16xi32>
      %broadcast_in_dim3A_137 = vector.shape_cast %max3A_136 : vector<16xi32> to vector<16x1xi32>
      %gather3A_138 = vector.shape_cast %broadcast_in_dim3A_137 : vector<16x1xi32> to vector<16xi32>
      %gather3A_139 = tpu.dynamic_gather %and3A_129[%gather3A_138] in [0] : vector<16xi32>, vector<16xi32> -> vector<16xi32>
      %ge3A_140 = arith.constant 1 : i32
      %ge3A_141 = vector.broadcast %ge3A_140 : i32 to vector<16xi32>
      %ge3A_142 = arith.cmpi sge, %iota3A_130, %ge3A_141 : vector<16xi32>
      %jit3A_143 = arith.constant 0 : i32
      %broadcast_in_dim3A_144 = vector.broadcast %jit3A_143 : i32 to vector<16xi32>
      %select_n3A_145 = arith.select %ge3A_142, %gather3A_139, %broadcast_in_dim3A_144 : vector<16xi1>, vector<16xi32>
      %add3A_146 = arith.addi %and3A_129, %select_n3A_145 : vector<16xi32>
      %sub3A_147 = arith.constant 2 : i32
      %sub3A_148 = vector.broadcast %sub3A_147 : i32 to vector<16xi32>
      %sub3A_149 = arith.subi %iota3A_130, %sub3A_148 : vector<16xi32>
      %max3A_150 = arith.constant 0 : i32
      %max3A_151 = vector.broadcast %max3A_150 : i32 to vector<16xi32>
      %max3A_152 = arith.maxsi %sub3A_149, %max3A_151 : vector<16xi32>
      %broadcast_in_dim3A_153 = vector.shape_cast %max3A_152 : vector<16xi32> to vector<16x1xi32>
      %gather3A_154 = vector.shape_cast %broadcast_in_dim3A_153 : vector<16x1xi32> to vector<16xi32>
      %gather3A_155 = tpu.dynamic_gather %add3A_146[%gather3A_154] in [0] : vector<16xi32>, vector<16xi32> -> vector<16xi32>
      %ge3A_156 = arith.constant 2 : i32
      %ge3A_157 = vector.broadcast %ge3A_156 : i32 to vector<16xi32>
      %ge3A_158 = arith.cmpi sge, %iota3A_130, %ge3A_157 : vector<16xi32>
      %jit3A_159 = arith.constant 0 : i32
      %broadcast_in_dim3A_160 = vector.broadcast %jit3A_159 : i32 to vector<16xi32>
      %select_n3A_161 = arith.select %ge3A_158, %gather3A_155, %broadcast_in_dim3A_160 : vector<16xi1>, vector<16xi32>
      %add3A_162 = arith.addi %add3A_146, %select_n3A_161 : vector<16xi32>
      %sub3A_163 = arith.constant 4 : i32
      %sub3A_164 = vector.broadcast %sub3A_163 : i32 to vector<16xi32>
      %sub3A_165 = arith.subi %iota3A_130, %sub3A_164 : vector<16xi32>
      %max3A_166 = arith.constant 0 : i32
      %max3A_167 = vector.broadcast %max3A_166 : i32 to vector<16xi32>
      %max3A_168 = arith.maxsi %sub3A_165, %max3A_167 : vector<16xi32>
      %broadcast_in_dim3A_169 = vector.shape_cast %max3A_168 : vector<16xi32> to vector<16x1xi32>
      %gather3A_170 = vector.shape_cast %broadcast_in_dim3A_169 : vector<16x1xi32> to vector<16xi32>
      %gather3A_171 = tpu.dynamic_gather %add3A_162[%gather3A_170] in [0] : vector<16xi32>, vector<16xi32> -> vector<16xi32>
      %ge3A_172 = arith.constant 4 : i32
      %ge3A_173 = vector.broadcast %ge3A_172 : i32 to vector<16xi32>
      %ge3A_174 = arith.cmpi sge, %iota3A_130, %ge3A_173 : vector<16xi32>
      %jit3A_175 = arith.constant 0 : i32
      %broadcast_in_dim3A_176 = vector.broadcast %jit3A_175 : i32 to vector<16xi32>
      %select_n3A_177 = arith.select %ge3A_174, %gather3A_171, %broadcast_in_dim3A_176 : vector<16xi1>, vector<16xi32>
      %add3A_178 = arith.addi %add3A_162, %select_n3A_177 : vector<16xi32>
      %sub3A_179 = arith.constant 8 : i32
      %sub3A_180 = vector.broadcast %sub3A_179 : i32 to vector<16xi32>
      %sub3A_181 = arith.subi %iota3A_130, %sub3A_180 : vector<16xi32>
      %max3A_182 = arith.constant 0 : i32
      %max3A_183 = vector.broadcast %max3A_182 : i32 to vector<16xi32>
      %max3A_184 = arith.maxsi %sub3A_181, %max3A_183 : vector<16xi32>
      %broadcast_in_dim3A_185 = vector.shape_cast %max3A_184 : vector<16xi32> to vector<16x1xi32>
      %gather3A_186 = vector.shape_cast %broadcast_in_dim3A_185 : vector<16x1xi32> to vector<16xi32>
      %gather3A_187 = tpu.dynamic_gather %add3A_178[%gather3A_186] in [0] : vector<16xi32>, vector<16xi32> -> vector<16xi32>
      %ge3A_188 = arith.constant 8 : i32
      %ge3A_189 = vector.broadcast %ge3A_188 : i32 to vector<16xi32>
      %ge3A_190 = arith.cmpi sge, %iota3A_130, %ge3A_189 : vector<16xi32>
      %jit3A_191 = arith.constant 0 : i32
      %broadcast_in_dim3A_192 = vector.broadcast %jit3A_191 : i32 to vector<16xi32>
      %select_n3A_193 = arith.select %ge3A_190, %gather3A_187, %broadcast_in_dim3A_192 : vector<16xi1>, vector<16xi32>
      %add3A_194 = arith.addi %add3A_178, %select_n3A_193 : vector<16xi32>
      %slice3A_195 = vector.extract_strided_slice %add3A_194 {offsets = [15], sizes = [1], strides = [1]} : vector<16xi32> to vector<1xi32>
      %squeeze3A_196 = vector.extract %slice3A_195[0] : i32 from vector<1xi32>
      %sub3A_197 = arith.subi %add3A_194, %and3A_129 : vector<16xi32>
      %iota3A_198 = tpu.iota {dimensions = array<i32: 0>} : vector<16xi32>
      %add3A_199 = vector.broadcast %arg1 : i32 to vector<16xi32>
      %add3A_200 = arith.addi %iota3A_198, %add3A_199 : vector<16xi32>
      %and3A_201 = arith.constant 15 : i32
      %and3A_202 = vector.broadcast %and3A_201 : i32 to vector<16xi32>
      %and3A_203 = arith.andi %add3A_200, %and3A_202 : vector<16xi32>
      %broadcast_in_dim3A_204 = vector.shape_cast %and3A_203 : vector<16xi32> to vector<16x1xi32>
      %gather3A_205 = vector.shape_cast %broadcast_in_dim3A_204 : vector<16x1xi32> to vector<16xi32>
      %gather3A_206 = tpu.dynamic_gather %sub3A_197[%gather3A_205] in [0] : vector<16xi32>, vector<16xi32> -> vector<16xi32>
      %slice3A_207 = vector.extract_strided_slice %gather3A_206 {offsets = [0], sizes = [1], strides = [1]} : vector<16xi32> to vector<1xi32>
      %squeeze3A_208 = vector.extract %slice3A_207[0] : i32 from vector<1xi32>
      %iota3A_209 = tpu.iota {dimensions = array<i32: 0>} : vector<16xi32>
      %add3A_210 = vector.broadcast %arg1 : i32 to vector<16xi32>
      %add3A_211 = arith.addi %iota3A_209, %add3A_210 : vector<16xi32>
      %and3A_212 = arith.constant 15 : i32
      %and3A_213 = vector.broadcast %and3A_212 : i32 to vector<16xi32>
      %and3A_214 = arith.andi %add3A_211, %and3A_213 : vector<16xi32>
      %broadcast_in_dim3A_215 = vector.shape_cast %and3A_214 : vector<16xi32> to vector<16x1xi32>
      %gather3A_216 = vector.shape_cast %broadcast_in_dim3A_215 : vector<16x1xi32> to vector<16xi32>
      %gather3A_217 = tpu.dynamic_gather %get3A_124[%gather3A_216] in [0] : vector<16xi32>, vector<16xi32> -> vector<16xi32>
      %slice3A_218 = vector.extract_strided_slice %gather3A_217 {offsets = [0], sizes = [1], strides = [1]} : vector<16xi32> to vector<1xi32>
      %squeeze3A_219 = vector.extract %slice3A_218[0] : i32 from vector<1xi32>
      %iota3A_220 = tpu.iota {dimensions = array<i32: 0>} : vector<16xi32>
      %add3A_221 = vector.broadcast %arg1 : i32 to vector<16xi32>
      %add3A_222 = arith.addi %iota3A_220, %add3A_221 : vector<16xi32>
      %and3A_223 = arith.constant 15 : i32
      %and3A_224 = vector.broadcast %and3A_223 : i32 to vector<16xi32>
      %and3A_225 = arith.andi %add3A_222, %and3A_224 : vector<16xi32>
      %broadcast_in_dim3A_226 = vector.shape_cast %and3A_225 : vector<16xi32> to vector<16x1xi32>
      %gather3A_227 = vector.shape_cast %broadcast_in_dim3A_226 : vector<16x1xi32> to vector<16xi32>
      %gather3A_228 = tpu.dynamic_gather %and3A_129[%gather3A_227] in [0] : vector<16xi32>, vector<16xi32> -> vector<16xi32>
      %slice3A_229 = vector.extract_strided_slice %gather3A_228 {offsets = [0], sizes = [1], strides = [1]} : vector<16xi32> to vector<1xi32>
      %squeeze3A_230 = vector.extract %slice3A_229[0] : i32 from vector<1xi32>
      %gt3A = arith.constant 65536 : i32
      %gt3A_231 = arith.cmpi sgt, %squeeze3A_196, %gt3A : i32
      %jit3A_232 = arith.constant 1 : i32
      %jit3A_233 = arith.constant 0 : i32
      %select_n3A_234 = arith.select %gt3A_231, %jit3A_232, %jit3A_233 : i32
      %gt3A_235 = arith.constant 131072 : i32
      %gt3A_236 = arith.cmpi sgt, %squeeze3A_196, %gt3A_235 : i32
      %jit3A_237 = arith.constant 1 : i32
      %jit3A_238 = arith.constant 0 : i32
      %select_n3A_239 = arith.select %gt3A_236, %jit3A_237, %jit3A_238 : i32
      %add3A_240 = arith.addi %select_n3A_234, %select_n3A_239 : i32
      %add3A_241 = arith.constant 16 : i32
      %add3A_242 = arith.addi %add3A_241, %add3A_240 : i32
      %shift_left3A = arith.constant 65536 : i32
      %shift_left3A_243 = arith.shli %shift_left3A, %add3A_240 : i32
      %jit3A_244 = arith.constant 16 : i32
      %div3A = arith.divsi %shift_left3A_243, %jit3A_244 : i32
      %sign3A = arith.constant 0 : i32
      %sign3A_245 = arith.cmpi sgt, %shift_left3A_243, %sign3A : i32
      %sign3A_246 = arith.extui %sign3A_245 : i1 to i32
      %sign3A_247 = arith.constant 0 : i32
      %sign3A_248 = arith.cmpi slt, %shift_left3A_243, %sign3A_247 : i32
      %sign3A_249 = arith.extui %sign3A_248 : i1 to i32
      %sign3A_250 = arith.subi %sign3A_246, %sign3A_249 : i32
      %sign3A_251 = arith.constant 0 : i32
      %sign3A_252 = arith.cmpi sgt, %jit3A_244, %sign3A_251 : i32
      %sign3A_253 = arith.extui %sign3A_252 : i1 to i32
      %sign3A_254 = arith.constant 0 : i32
      %sign3A_255 = arith.cmpi slt, %jit3A_244, %sign3A_254 : i32
      %sign3A_256 = arith.extui %sign3A_255 : i1 to i32
      %sign3A_257 = arith.subi %sign3A_253, %sign3A_256 : i32
      %ne3A = arith.cmpi ne, %sign3A_250, %sign3A_257 : i32
      %rem3A = arith.remsi %shift_left3A_243, %jit3A_244 : i32
      %ne3A_258 = arith.constant 0 : i32
      %ne3A_259 = arith.cmpi ne, %rem3A, %ne3A_258 : i32
      %and3A_260 = arith.andi %ne3A, %ne3A_259 : i1
      %sub3A_261 = arith.constant 1 : i32
      %sub3A_262 = arith.subi %div3A, %sub3A_261 : i32
      %select_n3A_263 = arith.select %and3A_260, %sub3A_262, %div3A : i32
      %sub3A_264 = arith.constant 4 : i32
      %sub3A_265 = arith.subi %add3A_242, %sub3A_264 : i32
      %jit3A_266 = arith.constant 2048 : i32
      %div3A_267 = arith.divsi %select_n3A_263, %jit3A_266 : i32
      %sign3A_268 = arith.constant 0 : i32
      %sign3A_269 = arith.cmpi sgt, %select_n3A_263, %sign3A_268 : i32
      %sign3A_270 = arith.extui %sign3A_269 : i1 to i32
      %sign3A_271 = arith.constant 0 : i32
      %sign3A_272 = arith.cmpi slt, %select_n3A_263, %sign3A_271 : i32
      %sign3A_273 = arith.extui %sign3A_272 : i1 to i32
      %sign3A_274 = arith.subi %sign3A_270, %sign3A_273 : i32
      %sign3A_275 = arith.constant 0 : i32
      %sign3A_276 = arith.cmpi sgt, %jit3A_266, %sign3A_275 : i32
      %sign3A_277 = arith.extui %sign3A_276 : i1 to i32
      %sign3A_278 = arith.constant 0 : i32
      %sign3A_279 = arith.cmpi slt, %jit3A_266, %sign3A_278 : i32
      %sign3A_280 = arith.extui %sign3A_279 : i1 to i32
      %sign3A_281 = arith.subi %sign3A_277, %sign3A_280 : i32
      %ne3A_282 = arith.cmpi ne, %sign3A_274, %sign3A_281 : i32
      %rem3A_283 = arith.remsi %select_n3A_263, %jit3A_266 : i32
      %ne3A_284 = arith.constant 0 : i32
      %ne3A_285 = arith.cmpi ne, %rem3A_283, %ne3A_284 : i32
      %and3A_286 = arith.andi %ne3A_282, %ne3A_285 : i1
      %sub3A_287 = arith.constant 1 : i32
      %sub3A_288 = arith.subi %div3A_267, %sub3A_287 : i32
      %select_n3A_289 = arith.select %and3A_286, %sub3A_288, %div3A_267 : i32
      %scan3A_290 = arith.constant 0 : i32
      %scan3A_291 = arith.constant 0 : i32
      %scan3A_292 = arith.constant 8 : i32
      %scan3A_293 = arith.addi %scan3A_291, %scan3A_292 : i32
      %scan3A_294 = arith.constant 1 : i32
      %scan3A_295 = scf.for %scan3A_499 = %scan3A_291 to %scan3A_293 step %scan3A_294 iter_args(%scan3A_500 = %scan3A_290) -> (i32)  : i32 {
        %add3A_501 = arith.addi %mul3A_11, %mul3A_13 : i32
        %mul3A_502 = arith.constant 2048 : i32
        %mul3A_503 = arith.muli %scan3A_499, %mul3A_502 : i32
        %add3A_504 = arith.addi %add3A_501, %mul3A_503 : i32
        %multiple_of3A_505 = tpu.assume_multiple %add3A_504, 8 : i32
        "tpu.region"() ({
          %run_scoped3A = tpu.sem_alloc : memref<!tpu.dma_semaphore, #tpu.memory_space<semaphore_mem>>
          %dma_start3A = tpu.memref_slice %arg2[%multiple_of3A_505] : memref<1048576xf32, #tpu.memory_space<hbm>> -> memref<2048xf32, #tpu.memory_space<hbm>>
          %dma_start3A_512 = tpu.memref_slice %arg2[%multiple_of3A_505] : memref<1048576xf32, #tpu.memory_space<hbm>> -> memref<2048xf32, #tpu.memory_space<hbm>>
          tpu.enqueue_dma source(%dma_start3A_512 : memref<2048xf32, #tpu.memory_space<hbm>>) target(%arg8 : memref<2048xf32, #tpu.memory_space<vmem>>) target_semaphore(%run_scoped3A : memref<!tpu.dma_semaphore, #tpu.memory_space<semaphore_mem>>)
          %dma_wait3A = tpu.memref_slice %arg2[%multiple_of3A_505] : memref<1048576xf32, #tpu.memory_space<hbm>> -> memref<2048xf32, #tpu.memory_space<hbm>>
          %dma_wait3A_513 = tpu.memref_slice %arg2[%multiple_of3A_505] : memref<1048576xf32, #tpu.memory_space<hbm>> -> memref<2048xf32, #tpu.memory_space<hbm>>
          tpu.wait_dma2 semaphore(%run_scoped3A : memref<!tpu.dma_semaphore, #tpu.memory_space<semaphore_mem>>) src(%dma_wait3A_513 : memref<2048xf32, #tpu.memory_space<hbm>>) dst(%arg8 : memref<2048xf32, #tpu.memory_space<vmem>>)
          tpu.yield
        }) : () -> ()
        %scan3A_506 = arith.constant 0 : i32
        %scan3A_507 = arith.constant 128 : i32
        %scan3A_508 = arith.addi %scan3A_506, %scan3A_507 : i32
        %scan3A_509 = arith.constant 1 : i32
        %scan3A_510 = scf.for %scan3A_512 = %scan3A_506 to %scan3A_508 step %scan3A_509 iter_args(%scan3A_513 = %scan3A_500) -> (i32)  : i32 {
          %mul3A_514 = arith.constant 16 : i32
          %mul3A_515 = arith.muli %scan3A_512, %mul3A_514 : i32
          %multiple_of3A_516 = tpu.assume_multiple %mul3A_515, 8 : i32
          %get3A_517 = arith.index_cast %multiple_of3A_516 : i32 to index
          %get3A_518 = tpu.vector_load %arg8[%get3A_517] {strides = array<i32>} : memref<2048xf32, #tpu.memory_space<vmem>>, vector<16xf32>,
          %get3A_519 = vector.shape_cast %get3A_518 : vector<16xf32> to vector<16xf32>
          %bitcast_convert_type3A = tpu.bitcast %get3A_519 : vector<16xf32> -> vector<16xi32>
          %ge3A_520 = arith.constant 0 : i32
          %ge3A_521 = vector.broadcast %ge3A_520 : i32 to vector<16xi32>
          %ge3A_522 = arith.cmpi sge, %bitcast_convert_type3A, %ge3A_521 : vector<16xi32>
          %xor3A = arith.constant 2147483647 : i32
          %xor3A_523 = vector.broadcast %xor3A : i32 to vector<16xi32>
          %xor3A_524 = arith.xori %bitcast_convert_type3A, %xor3A_523 : vector<16xi32>
          %select_n3A_525 = arith.select %ge3A_522, %bitcast_convert_type3A, %xor3A_524 : vector<16xi1>, vector<16xi32>
          %not3A = arith.constant dense<-1> : vector<16xi32>
          %not3A_526 = arith.xori %select_n3A_525, %not3A : vector<16xi32>
          %mul3A_527 = arith.constant 1.638400e+04 : f32
          %mul3A_528 = vector.broadcast %mul3A_527 : f32 to vector<16xf32>
          %mul3A_529 = arith.mulf %get3A_519, %mul3A_528 : vector<16xf32>
          %max3A_530 = arith.constant 0.000000e+00 : f32
          %max3A_531 = vector.broadcast %max3A_530 : f32 to vector<16xf32>
          %max3A_532 = arith.maximumf %mul3A_529, %max3A_531 : vector<16xf32>
          %min3A = arith.constant 1.638300e+04 : f32
          %min3A_533 = vector.broadcast %min3A : f32 to vector<16xf32>
          %min3A_534 = arith.minimumf %max3A_532, %min3A_533 : vector<16xf32>
          %convert_element_type3A_535 = arith.fptosi %min3A_534 : vector<16xf32> to vector<16xi32>
          %sub3A_536 = arith.constant 16383 : i32
          %sub3A_537 = vector.broadcast %sub3A_536 : i32 to vector<16xi32>
          %sub3A_538 = arith.subi %sub3A_537, %convert_element_type3A_535 : vector<16xi32>
          %le3A = vector.broadcast %squeeze3A_47 : i32 to vector<16xi32>
          %le3A_539 = arith.cmpi sle, %sub3A_538, %le3A : vector<16xi32>
          %jit3A_540 = arith.constant 1 : i32
          %jit3A_541 = arith.constant 0 : i32
          %broadcast_in_dim3A_542 = vector.broadcast %jit3A_540 : i32 to vector<16xi32>
          %broadcast_in_dim3A_543 = vector.broadcast %jit3A_541 : i32 to vector<16xi32>
          %select_n3A_544 = arith.select %le3A_539, %broadcast_in_dim3A_542, %broadcast_in_dim3A_543 : vector<16xi1>, vector<16xi32>
          %iota3A_545 = tpu.iota {dimensions = array<i32: 0>} : vector<16xi32>
          %sub3A_546 = arith.constant 1 : i32
          %sub3A_547 = vector.broadcast %sub3A_546 : i32 to vector<16xi32>
          %sub3A_548 = arith.subi %iota3A_545, %sub3A_547 : vector<16xi32>
          %max3A_549 = arith.constant 0 : i32
          %max3A_550 = vector.broadcast %max3A_549 : i32 to vector<16xi32>
          %max3A_551 = arith.maxsi %sub3A_548, %max3A_550 : vector<16xi32>
          %broadcast_in_dim3A_552 = vector.shape_cast %max3A_551 : vector<16xi32> to vector<16x1xi32>
          %gather3A_553 = vector.shape_cast %broadcast_in_dim3A_552 : vector<16x1xi32> to vector<16xi32>
          %gather3A_554 = tpu.dynamic_gather %select_n3A_544[%gather3A_553] in [0] : vector<16xi32>, vector<16xi32> -> vector<16xi32>
          %ge3A_555 = arith.constant 1 : i32
          %ge3A_556 = vector.broadcast %ge3A_555 : i32 to vector<16xi32>
          %ge3A_557 = arith.cmpi sge, %iota3A_545, %ge3A_556 : vector<16xi32>
          %jit3A_558 = arith.constant 0 : i32
          %broadcast_in_dim3A_559 = vector.broadcast %jit3A_558 : i32 to vector<16xi32>
          %select_n3A_560 = arith.select %ge3A_557, %gather3A_554, %broadcast_in_dim3A_559 : vector<16xi1>, vector<16xi32>
          %add3A_561 = arith.addi %select_n3A_544, %select_n3A_560 : vector<16xi32>
          %sub3A_562 = arith.constant 2 : i32
          %sub3A_563 = vector.broadcast %sub3A_562 : i32 to vector<16xi32>
          %sub3A_564 = arith.subi %iota3A_545, %sub3A_563 : vector<16xi32>
          %max3A_565 = arith.constant 0 : i32
          %max3A_566 = vector.broadcast %max3A_565 : i32 to vector<16xi32>
          %max3A_567 = arith.maxsi %sub3A_564, %max3A_566 : vector<16xi32>
          %broadcast_in_dim3A_568 = vector.shape_cast %max3A_567 : vector<16xi32> to vector<16x1xi32>
          %gather3A_569 = vector.shape_cast %broadcast_in_dim3A_568 : vector<16x1xi32> to vector<16xi32>
          %gather3A_570 = tpu.dynamic_gather %add3A_561[%gather3A_569] in [0] : vector<16xi32>, vector<16xi32> -> vector<16xi32>
          %ge3A_571 = arith.constant 2 : i32
          %ge3A_572 = vector.broadcast %ge3A_571 : i32 to vector<16xi32>
          %ge3A_573 = arith.cmpi sge, %iota3A_545, %ge3A_572 : vector<16xi32>
          %jit3A_574 = arith.constant 0 : i32
          %broadcast_in_dim3A_575 = vector.broadcast %jit3A_574 : i32 to vector<16xi32>
          %select_n3A_576 = arith.select %ge3A_573, %gather3A_570, %broadcast_in_dim3A_575 : vector<16xi1>, vector<16xi32>
          %add3A_577 = arith.addi %add3A_561, %select_n3A_576 : vector<16xi32>
          %sub3A_578 = arith.constant 4 : i32
          %sub3A_579 = vector.broadcast %sub3A_578 : i32 to vector<16xi32>
          %sub3A_580 = arith.subi %iota3A_545, %sub3A_579 : vector<16xi32>
          %max3A_581 = arith.constant 0 : i32
          %max3A_582 = vector.broadcast %max3A_581 : i32 to vector<16xi32>
          %max3A_583 = arith.maxsi %sub3A_580, %max3A_582 : vector<16xi32>
          %broadcast_in_dim3A_584 = vector.shape_cast %max3A_583 : vector<16xi32> to vector<16x1xi32>
          %gather3A_585 = vector.shape_cast %broadcast_in_dim3A_584 : vector<16x1xi32> to vector<16xi32>
          %gather3A_586 = tpu.dynamic_gather %add3A_577[%gather3A_585] in [0] : vector<16xi32>, vector<16xi32> -> vector<16xi32>
          %ge3A_587 = arith.constant 4 : i32
          %ge3A_588 = vector.broadcast %ge3A_587 : i32 to vector<16xi32>
          %ge3A_589 = arith.cmpi sge, %iota3A_545, %ge3A_588 : vector<16xi32>
          %jit3A_590 = arith.constant 0 : i32
          %broadcast_in_dim3A_591 = vector.broadcast %jit3A_590 : i32 to vector<16xi32>
          %select_n3A_592 = arith.select %ge3A_589, %gather3A_586, %broadcast_in_dim3A_591 : vector<16xi1>, vector<16xi32>
          %add3A_593 = arith.addi %add3A_577, %select_n3A_592 : vector<16xi32>
          %sub3A_594 = arith.constant 8 : i32
          %sub3A_595 = vector.broadcast %sub3A_594 : i32 to vector<16xi32>
          %sub3A_596 = arith.subi %iota3A_545, %sub3A_595 : vector<16xi32>
          %max3A_597 = arith.constant 0 : i32
          %max3A_598 = vector.broadcast %max3A_597 : i32 to vector<16xi32>
          %max3A_599 = arith.maxsi %sub3A_596, %max3A_598 : vector<16xi32>
          %broadcast_in_dim3A_600 = vector.shape_cast %max3A_599 : vector<16xi32> to vector<16x1xi32>
          %gather3A_601 = vector.shape_cast %broadcast_in_dim3A_600 : vector<16x1xi32> to vector<16xi32>
          %gather3A_602 = tpu.dynamic_gather %add3A_593[%gather3A_601] in [0] : vector<16xi32>, vector<16xi32> -> vector<16xi32>
          %ge3A_603 = arith.constant 8 : i32
          %ge3A_604 = vector.broadcast %ge3A_603 : i32 to vector<16xi32>
          %ge3A_605 = arith.cmpi sge, %iota3A_545, %ge3A_604 : vector<16xi32>
          %jit3A_606 = arith.constant 0 : i32
          %broadcast_in_dim3A_607 = vector.broadcast %jit3A_606 : i32 to vector<16xi32>
          %select_n3A_608 = arith.select %ge3A_605, %gather3A_602, %broadcast_in_dim3A_607 : vector<16xi1>, vector<16xi32>
          %add3A_609 = arith.addi %add3A_593, %select_n3A_608 : vector<16xi32>
          %sub3A_610 = arith.subi %add3A_609, %select_n3A_544 : vector<16xi32>
          %mul3A_611 = arith.constant 2048 : i32
          %mul3A_612 = arith.muli %scan3A_499, %mul3A_611 : i32
          %mul3A_613 = arith.constant 16 : i32
          %mul3A_614 = arith.muli %scan3A_512, %mul3A_613 : i32
          %add3A_615 = arith.addi %mul3A_612, %mul3A_614 : i32
          %add3A_616 = vector.broadcast %add3A_615 : i32 to vector<16xi32>
          %add3A_617 = arith.addi %add3A_616, %iota3A : vector<16xi32>
          %add3A_618 = vector.broadcast %mul3A_13 : i32 to vector<16xi32>
          %add3A_619 = arith.addi %add3A_618, %add3A_617 : vector<16xi32>
          %add3A_620 = arith.addi %squeeze3A_208, %scan3A_513 : i32
          %add3A_621 = vector.broadcast %add3A_620 : i32 to vector<16xi32>
          %add3A_622 = arith.addi %add3A_621, %sub3A_610 : vector<16xi32>
          %and3A_623 = arith.constant 2047 : i32
          %and3A_624 = vector.broadcast %and3A_623 : i32 to vector<16xi32>
          %and3A_625 = arith.andi %add3A_617, %and3A_624 : vector<16xi32>
          %add3A_626 = arith.constant 262144 : i32
          %add3A_627 = vector.broadcast %add3A_626 : i32 to vector<16xi32>
          %add3A_628 = arith.addi %add3A_627, %and3A_625 : vector<16xi32>
          %select_n3A_629 = arith.select %le3A_539, %add3A_622, %add3A_628 : vector<16xi1>, vector<16xi32>
          %mul3A_630 = arith.constant 16 : i32
          %mul3A_631 = arith.muli %scan3A_512, %mul3A_630 : i32
          %multiple_of3A_632 = tpu.assume_multiple %mul3A_631, 8 : i32
          %swap3A = arith.index_cast %multiple_of3A_632 : i32 to index
          %swap3A_633 = tpu.vector_load %arg9[%swap3A] {strides = array<i32>} : memref<2048xi32, #tpu.memory_space<vmem>>, vector<16xi32>,
          %swap3A_634 = vector.shape_cast %swap3A_633 : vector<16xi32> to vector<16xi32>
          %swap3A_635 = vector.shape_cast %not3A_526 : vector<16xi32> to vector<16xi32>
          tpu.vector_store %arg9[%swap3A], %swap3A_635 {strides = array<i32>} : memref<2048xi32, #tpu.memory_space<vmem>>, vector<16xi32>,
          %mul3A_636 = arith.constant 16 : i32
          %mul3A_637 = arith.muli %scan3A_512, %mul3A_636 : i32
          %multiple_of3A_638 = tpu.assume_multiple %mul3A_637, 8 : i32
          %swap3A_639 = arith.index_cast %multiple_of3A_638 : i32 to index
          %swap3A_640 = tpu.vector_load %arg10[%swap3A_639] {strides = array<i32>} : memref<2048xi32, #tpu.memory_space<vmem>>, vector<16xi32>,
          %swap3A_641 = vector.shape_cast %swap3A_640 : vector<16xi32> to vector<16xi32>
          %swap3A_642 = vector.shape_cast %add3A_619 : vector<16xi32> to vector<16xi32>
          tpu.vector_store %arg10[%swap3A_639], %swap3A_642 {strides = array<i32>} : memref<2048xi32, #tpu.memory_space<vmem>>, vector<16xi32>,
          %mul3A_643 = arith.constant 16 : i32
          %mul3A_644 = arith.muli %scan3A_512, %mul3A_643 : i32
          %multiple_of3A_645 = tpu.assume_multiple %mul3A_644, 8 : i32
          %swap3A_646 = arith.index_cast %multiple_of3A_645 : i32 to index
          %swap3A_647 = tpu.vector_load %arg11[%swap3A_646] {strides = array<i32>} : memref<2048xi32, #tpu.memory_space<vmem>>, vector<16xi32>,
          %swap3A_648 = vector.shape_cast %swap3A_647 : vector<16xi32> to vector<16xi32>
          %swap3A_649 = vector.shape_cast %select_n3A_629 : vector<16xi32> to vector<16xi32>
          tpu.vector_store %arg11[%swap3A_646], %swap3A_649 {strides = array<i32>} : memref<2048xi32, #tpu.memory_space<vmem>>, vector<16xi32>,
          %slice3A_650 = vector.extract_strided_slice %add3A_609 {offsets = [15], sizes = [1], strides = [1]} : vector<16xi32> to vector<1xi32>
          %squeeze3A_651 = vector.extract %slice3A_650[0] : i32 from vector<1xi32>
          %add3A_652 = arith.addi %scan3A_513, %squeeze3A_651 : i32
          scf.yield %add3A_652 : i32
        }
        %scan3A_511 = arith.constant 128 : i32
        "tpu.region"() ({
          %run_scoped3A = tpu.sem_alloc : memref<!tpu.dma_semaphore, #tpu.memory_space<semaphore_mem>>
          %dma_start3A = arith.constant 0 : i32
          %dma_start3A_512 = tpu.memref_slice %arg26[%dma_start3A] : memref<266240xi32, #tpu.memory_space<vmem_shared>> -> memref<266240xi32, #tpu.memory_space<vmem_shared>>
          tpu.enqueue_indirect_dma source(%arg9 : memref<2048xi32, #tpu.memory_space<vmem>>) target(%dma_start3A_512 : memref<266240xi32, #tpu.memory_space<vmem_shared>>) offsets(%arg11 : memref<2048xi32, #tpu.memory_space<vmem>>) semaphore(%run_scoped3A : memref<!tpu.dma_semaphore, #tpu.memory_space<semaphore_mem>>)
          %dma_wait3A = arith.constant 0 : i32
          %dma_wait3A_513 = tpu.memref_slice %arg26[%dma_wait3A] : memref<266240xi32, #tpu.memory_space<vmem_shared>> -> memref<266240xi32, #tpu.memory_space<vmem_shared>>
          tpu.wait_indirect_dma semaphore(%run_scoped3A : memref<!tpu.dma_semaphore, #tpu.memory_space<semaphore_mem>>) src(%arg9 : memref<2048xi32, #tpu.memory_space<vmem>>) dst(%dma_wait3A_513 : memref<266240xi32, #tpu.memory_space<vmem_shared>>)
          tpu.yield
        }) : () -> ()
        "tpu.region"() ({
          %run_scoped3A = tpu.sem_alloc : memref<!tpu.dma_semaphore, #tpu.memory_space<semaphore_mem>>
          %dma_start3A = arith.constant 0 : i32
          %dma_start3A_512 = tpu.memref_slice %arg27[%dma_start3A] : memref<266240xi32, #tpu.memory_space<vmem_shared>> -> memref<266240xi32, #tpu.memory_space<vmem_shared>>
          tpu.enqueue_indirect_dma source(%arg10 : memref<2048xi32, #tpu.memory_space<vmem>>) target(%dma_start3A_512 : memref<266240xi32, #tpu.memory_space<vmem_shared>>) offsets(%arg11 : memref<2048xi32, #tpu.memory_space<vmem>>) semaphore(%run_scoped3A : memref<!tpu.dma_semaphore, #tpu.memory_space<semaphore_mem>>)
          %dma_wait3A = arith.constant 0 : i32
          %dma_wait3A_513 = tpu.memref_slice %arg27[%dma_wait3A] : memref<266240xi32, #tpu.memory_space<vmem_shared>> -> memref<266240xi32, #tpu.memory_space<vmem_shared>>
          tpu.wait_indirect_dma semaphore(%run_scoped3A : memref<!tpu.dma_semaphore, #tpu.memory_space<semaphore_mem>>) src(%arg10 : memref<2048xi32, #tpu.memory_space<vmem>>) dst(%dma_wait3A_513 : memref<266240xi32, #tpu.memory_space<vmem_shared>>)
          tpu.yield
        }) : () -> ()
        scf.yield %scan3A_510 : i32
      }
      %scan3A_296 = arith.constant 8 : i32
      %sub3A_297 = arith.subi %squeeze3A_230, %squeeze3A_219 : i32
      %scan3A_298 = arith.constant 0 : i32
      %scan3A_299 = arith.constant 0 : i32
      %scan3A_300 = arith.constant 8 : i32
      %scan3A_301 = arith.addi %scan3A_299, %scan3A_300 : i32
      %scan3A_302 = arith.constant 1 : i32
      scf.for %scan3A_499 = %scan3A_299 to %scan3A_301 step %scan3A_302  : i32 {
        %mul3A_500 = arith.constant 16 : i32
        %mul3A_501 = arith.muli %scan3A_499, %mul3A_500 : i32
        %add3A_502 = vector.broadcast %mul3A_501 : i32 to vector<16xi32>
        %add3A_503 = arith.addi %add3A_502, %iota3A : vector<16xi32>
        %lt3A = vector.broadcast %sub3A_297 : i32 to vector<16xi32>
        %lt3A_504 = arith.cmpi slt, %add3A_503, %lt3A : vector<16xi32>
        %add3A_505 = arith.addi %squeeze3A_208, %squeeze3A_219 : i32
        %add3A_506 = vector.broadcast %add3A_505 : i32 to vector<16xi32>
        %add3A_507 = arith.addi %add3A_506, %add3A_503 : vector<16xi32>
        %add3A_508 = arith.constant 262144 : i32
        %add3A_509 = vector.broadcast %add3A_508 : i32 to vector<16xi32>
        %add3A_510 = arith.addi %add3A_509, %add3A_503 : vector<16xi32>
        %select_n3A_511 = arith.select %lt3A_504, %add3A_507, %add3A_510 : vector<16xi1>, vector<16xi32>
        %mul3A_512 = arith.constant 16 : i32
        %mul3A_513 = arith.muli %scan3A_499, %mul3A_512 : i32
        %multiple_of3A_514 = tpu.assume_multiple %mul3A_513, 8 : i32
        %swap3A = arith.index_cast %multiple_of3A_514 : i32 to index
        %swap3A_515 = tpu.vector_load %arg20[%swap3A] {strides = array<i32>} : memref<128xi32, #tpu.memory_space<vmem>>, vector<16xi32>,
        %swap3A_516 = vector.shape_cast %swap3A_515 : vector<16xi32> to vector<16xi32>
        %swap3A_517 = vector.shape_cast %select_n3A_511 : vector<16xi32> to vector<16xi32>
        tpu.vector_store %arg20[%swap3A], %swap3A_517 {strides = array<i32>} : memref<128xi32, #tpu.memory_space<vmem>>, vector<16xi32>,
        %broadcast_in_dim3A_518 = arith.constant 2147483647 : i32
        %broadcast_in_dim3A_519 = vector.broadcast %broadcast_in_dim3A_518 : i32 to vector<16xi32>
        %mul3A_520 = arith.constant 16 : i32
        %mul3A_521 = arith.muli %scan3A_499, %mul3A_520 : i32
        %multiple_of3A_522 = tpu.assume_multiple %mul3A_521, 8 : i32
        %swap3A_523 = arith.index_cast %multiple_of3A_522 : i32 to index
        %swap3A_524 = tpu.vector_load %arg21[%swap3A_523] {strides = array<i32>} : memref<128xi32, #tpu.memory_space<vmem>>, vector<16xi32>,
        %swap3A_525 = vector.shape_cast %swap3A_524 : vector<16xi32> to vector<16xi32>
        %swap3A_526 = vector.shape_cast %broadcast_in_dim3A_519 : vector<16xi32> to vector<16xi32>
        tpu.vector_store %arg21[%swap3A_523], %swap3A_526 {strides = array<i32>} : memref<128xi32, #tpu.memory_space<vmem>>, vector<16xi32>,
      }
      %scan3A_303 = arith.constant 8 : i32
      "tpu.region"() ({
        %run_scoped3A = tpu.sem_alloc : memref<!tpu.dma_semaphore, #tpu.memory_space<semaphore_mem>>
        %dma_start3A = arith.constant 0 : i32
        %dma_start3A_499 = tpu.memref_slice %arg26[%dma_start3A] : memref<266240xi32, #tpu.memory_space<vmem_shared>> -> memref<266240xi32, #tpu.memory_space<vmem_shared>>
        tpu.enqueue_indirect_dma source(%arg21 : memref<128xi32, #tpu.memory_space<vmem>>) target(%dma_start3A_499 : memref<266240xi32, #tpu.memory_space<vmem_shared>>) offsets(%arg20 : memref<128xi32, #tpu.memory_space<vmem>>) semaphore(%run_scoped3A : memref<!tpu.dma_semaphore, #tpu.memory_space<semaphore_mem>>)
        %dma_wait3A = arith.constant 0 : i32
        %dma_wait3A_500 = tpu.memref_slice %arg26[%dma_wait3A] : memref<266240xi32, #tpu.memory_space<vmem_shared>> -> memref<266240xi32, #tpu.memory_space<vmem_shared>>
        tpu.wait_indirect_dma semaphore(%run_scoped3A : memref<!tpu.dma_semaphore, #tpu.memory_space<semaphore_mem>>) src(%arg21 : memref<128xi32, #tpu.memory_space<vmem>>) dst(%dma_wait3A_500 : memref<266240xi32, #tpu.memory_space<vmem_shared>>)
        tpu.yield
      }) : () -> ()
      %scan3A_304 = arith.constant 0 : i32
      %scan3A_305 = arith.constant 0 : i32
      %scan3A_306 = arith.constant 8 : i32
      %scan3A_307 = arith.addi %scan3A_305, %scan3A_306 : i32
      %scan3A_308 = arith.constant 1 : i32
      scf.for %scan3A_499 = %scan3A_305 to %scan3A_307 step %scan3A_308  : i32 {
        %broadcast_in_dim3A_500 = arith.constant 1073741823 : i32
        %broadcast_in_dim3A_501 = vector.broadcast %broadcast_in_dim3A_500 : i32 to vector<16xi32>
        %mul3A_502 = arith.constant 16 : i32
        %mul3A_503 = arith.muli %scan3A_499, %mul3A_502 : i32
        %multiple_of3A_504 = tpu.assume_multiple %mul3A_503, 8 : i32
        %swap3A = arith.index_cast %multiple_of3A_504 : i32 to index
        %swap3A_505 = tpu.vector_load %arg21[%swap3A] {strides = array<i32>} : memref<128xi32, #tpu.memory_space<vmem>>, vector<16xi32>,
        %swap3A_506 = vector.shape_cast %swap3A_505 : vector<16xi32> to vector<16xi32>
        %swap3A_507 = vector.shape_cast %broadcast_in_dim3A_501 : vector<16xi32> to vector<16xi32>
        tpu.vector_store %arg21[%swap3A], %swap3A_507 {strides = array<i32>} : memref<128xi32, #tpu.memory_space<vmem>>, vector<16xi32>,
      }
      %scan3A_309 = arith.constant 8 : i32
      "tpu.region"() ({
        %run_scoped3A = tpu.sem_alloc : memref<!tpu.dma_semaphore, #tpu.memory_space<semaphore_mem>>
        %dma_start3A = arith.constant 0 : i32
        %dma_start3A_499 = tpu.memref_slice %arg27[%dma_start3A] : memref<266240xi32, #tpu.memory_space<vmem_shared>> -> memref<266240xi32, #tpu.memory_space<vmem_shared>>
        tpu.enqueue_indirect_dma source(%arg21 : memref<128xi32, #tpu.memory_space<vmem>>) target(%dma_start3A_499 : memref<266240xi32, #tpu.memory_space<vmem_shared>>) offsets(%arg20 : memref<128xi32, #tpu.memory_space<vmem>>) semaphore(%run_scoped3A : memref<!tpu.dma_semaphore, #tpu.memory_space<semaphore_mem>>)
        %dma_wait3A = arith.constant 0 : i32
        %dma_wait3A_500 = tpu.memref_slice %arg27[%dma_wait3A] : memref<266240xi32, #tpu.memory_space<vmem_shared>> -> memref<266240xi32, #tpu.memory_space<vmem_shared>>
        tpu.wait_indirect_dma semaphore(%run_scoped3A : memref<!tpu.dma_semaphore, #tpu.memory_space<semaphore_mem>>) src(%arg21 : memref<128xi32, #tpu.memory_space<vmem>>) dst(%dma_wait3A_500 : memref<266240xi32, #tpu.memory_space<vmem_shared>>)
        tpu.yield
      }) : () -> ()
      %scan3A_310 = arith.constant 0 : i32
      %scan3A_311 = arith.constant 0 : i32
      %scan3A_312 = arith.constant 8 : i32
      %scan3A_313 = arith.addi %scan3A_311, %scan3A_312 : i32
      %scan3A_314 = arith.constant 1 : i32
      scf.for %scan3A_499 = %scan3A_311 to %scan3A_313 step %scan3A_314  : i32 {
        %broadcast_in_dim3A_500 = arith.constant 2147483647 : i32
        %broadcast_in_dim3A_501 = vector.broadcast %broadcast_in_dim3A_500 : i32 to vector<16xi32>
        %mul3A_502 = arith.constant 16 : i32
        %mul3A_503 = arith.muli %scan3A_499, %mul3A_502 : i32
        %multiple_of3A_504 = tpu.assume_multiple %mul3A_503, 8 : i32
        %swap3A = arith.index_cast %multiple_of3A_504 : i32 to index
        %swap3A_505 = tpu.vector_load %arg9[%swap3A] {strides = array<i32>} : memref<2048xi32, #tpu.memory_space<vmem>>, vector<16xi32>,
        %swap3A_506 = vector.shape_cast %swap3A_505 : vector<16xi32> to vector<16xi32>
        %swap3A_507 = vector.shape_cast %broadcast_in_dim3A_501 : vector<16xi32> to vector<16xi32>
        tpu.vector_store %arg9[%swap3A], %swap3A_507 {strides = array<i32>} : memref<2048xi32, #tpu.memory_space<vmem>>, vector<16xi32>,
        %broadcast_in_dim3A_508 = arith.constant 1073741823 : i32
        %broadcast_in_dim3A_509 = vector.broadcast %broadcast_in_dim3A_508 : i32 to vector<16xi32>
        %mul3A_510 = arith.constant 16 : i32
        %mul3A_511 = arith.muli %scan3A_499, %mul3A_510 : i32
        %multiple_of3A_512 = tpu.assume_multiple %mul3A_511, 8 : i32
        %swap3A_513 = arith.index_cast %multiple_of3A_512 : i32 to index
        %swap3A_514 = tpu.vector_load %arg10[%swap3A_513] {strides = array<i32>} : memref<2048xi32, #tpu.memory_space<vmem>>, vector<16xi32>,
        %swap3A_515 = vector.shape_cast %swap3A_514 : vector<16xi32> to vector<16xi32>
        %swap3A_516 = vector.shape_cast %broadcast_in_dim3A_509 : vector<16xi32> to vector<16xi32>
        tpu.vector_store %arg10[%swap3A_513], %swap3A_516 {strides = array<i32>} : memref<2048xi32, #tpu.memory_space<vmem>>, vector<16xi32>,
      }
      %scan3A_315 = arith.constant 8 : i32
      %sub3A_316 = arith.subi %shift_left3A_243, %squeeze3A_196 : i32
      %jit3A_317 = arith.constant 128 : i32
      %div3A_318 = arith.divsi %sub3A_316, %jit3A_317 : i32
      %sign3A_319 = arith.constant 0 : i32
      %sign3A_320 = arith.cmpi sgt, %sub3A_316, %sign3A_319 : i32
      %sign3A_321 = arith.extui %sign3A_320 : i1 to i32
      %sign3A_322 = arith.constant 0 : i32
      %sign3A_323 = arith.cmpi slt, %sub3A_316, %sign3A_322 : i32
      %sign3A_324 = arith.extui %sign3A_323 : i1 to i32
      %sign3A_325 = arith.subi %sign3A_321, %sign3A_324 : i32
      %sign3A_326 = arith.constant 0 : i32
      %sign3A_327 = arith.cmpi sgt, %jit3A_317, %sign3A_326 : i32
      %sign3A_328 = arith.extui %sign3A_327 : i1 to i32
      %sign3A_329 = arith.constant 0 : i32
      %sign3A_330 = arith.cmpi slt, %jit3A_317, %sign3A_329 : i32
      %sign3A_331 = arith.extui %sign3A_330 : i1 to i32
      %sign3A_332 = arith.subi %sign3A_328, %sign3A_331 : i32
      %ne3A_333 = arith.cmpi ne, %sign3A_325, %sign3A_332 : i32
      %rem3A_334 = arith.remsi %sub3A_316, %jit3A_317 : i32
      %ne3A_335 = arith.constant 0 : i32
      %ne3A_336 = arith.cmpi ne, %rem3A_334, %ne3A_335 : i32
      %and3A_337 = arith.andi %ne3A_333, %ne3A_336 : i1
      %sub3A_338 = arith.constant 1 : i32
      %sub3A_339 = arith.subi %div3A_318, %sub3A_338 : i32
      %select_n3A_340 = arith.select %and3A_337, %sub3A_339, %div3A_318 : i32
      %sub3A_341 = arith.subi %select_n3A_340, %arg1 : i32
      %add3A_342 = arith.constant 16 : i32
      %add3A_343 = arith.addi %sub3A_341, %add3A_342 : i32
      %sub3A_344 = arith.constant 1 : i32
      %sub3A_345 = arith.subi %add3A_343, %sub3A_344 : i32
      %jit3A_346 = arith.constant 16 : i32
      %div3A_347 = arith.divsi %sub3A_345, %jit3A_346 : i32
      %sign3A_348 = arith.constant 0 : i32
      %sign3A_349 = arith.cmpi sgt, %sub3A_345, %sign3A_348 : i32
      %sign3A_350 = arith.extui %sign3A_349 : i1 to i32
      %sign3A_351 = arith.constant 0 : i32
      %sign3A_352 = arith.cmpi slt, %sub3A_345, %sign3A_351 : i32
      %sign3A_353 = arith.extui %sign3A_352 : i1 to i32
      %sign3A_354 = arith.subi %sign3A_350, %sign3A_353 : i32
      %sign3A_355 = arith.constant 0 : i32
      %sign3A_356 = arith.cmpi sgt, %jit3A_346, %sign3A_355 : i32
      %sign3A_357 = arith.extui %sign3A_356 : i1 to i32
      %sign3A_358 = arith.constant 0 : i32
      %sign3A_359 = arith.cmpi slt, %jit3A_346, %sign3A_358 : i32
      %sign3A_360 = arith.extui %sign3A_359 : i1 to i32
      %sign3A_361 = arith.subi %sign3A_357, %sign3A_360 : i32
      %ne3A_362 = arith.cmpi ne, %sign3A_354, %sign3A_361 : i32
      %rem3A_363 = arith.remsi %sub3A_345, %jit3A_346 : i32
      %ne3A_364 = arith.constant 0 : i32
      %ne3A_365 = arith.cmpi ne, %rem3A_363, %ne3A_364 : i32
      %and3A_366 = arith.andi %ne3A_362, %ne3A_365 : i1
      %sub3A_367 = arith.constant 1 : i32
      %sub3A_368 = arith.subi %div3A_347, %sub3A_367 : i32
      %select_n3A_369 = arith.select %and3A_366, %sub3A_368, %div3A_347 : i32
      %max3A_370 = arith.constant 0 : i32
      %max3A_371 = arith.maxsi %select_n3A_369, %max3A_370 : i32
      %while3A = arith.constant 0 : i32
      %while3A_372 = arith.constant 0 : i32
      %while3A_373 = arith.subi %max3A_371, %while3A_372 : i32
      %while3A_374 = arith.addi %while3A_372, %while3A_373 : i32
      %while3A_375 = arith.constant 1 : i32
      %while3A_376 = arith.divsi %while3A_373, %while3A_375 : i32
      %while3A_377 = arith.muli %while3A_376, %while3A_375 : i32
      %while3A_378 = arith.addi %while3A_372, %while3A_377 : i32
      %while3A_379 = arith.constant 1 : i32
      scf.for %while3A_499 = %while3A_372 to %while3A_378 step %while3A_379  : i32 {
        %mul3A_500 = arith.constant 16 : i32
        %mul3A_501 = arith.muli %while3A_499, %mul3A_500 : i32
        %add3A_502 = arith.addi %arg1, %mul3A_501 : i32
        %mul3A_503 = arith.constant 128 : i32
        %mul3A_504 = arith.muli %add3A_502, %mul3A_503 : i32
        %add3A_505 = arith.addi %squeeze3A_196, %mul3A_504 : i32
        %multiple_of3A_506 = tpu.assume_multiple %add3A_505, 8 : i32
        "tpu.region"() ({
          %run_scoped3A = tpu.sem_alloc : memref<!tpu.dma_semaphore, #tpu.memory_space<semaphore_mem>>
          %dma_start3A = arith.constant 0 : i32
          %dma_start3A_508 = tpu.memref_slice %arg9[%dma_start3A] : memref<2048xi32, #tpu.memory_space<vmem>> -> memref<128xi32, #tpu.memory_space<vmem>>
          %dma_start3A_509 = tpu.memref_slice %arg26[%multiple_of3A_506] : memref<266240xi32, #tpu.memory_space<vmem_shared>> -> memref<128xi32, #tpu.memory_space<vmem_shared>>
          %dma_start3A_510 = tpu.memref_slice %arg26[%multiple_of3A_506] : memref<266240xi32, #tpu.memory_space<vmem_shared>> -> memref<128xi32, #tpu.memory_space<vmem_shared>>
          %dma_start3A_511 = arith.constant 0 : i32
          %dma_start3A_512 = tpu.memref_slice %arg9[%dma_start3A_511] : memref<2048xi32, #tpu.memory_space<vmem>> -> memref<128xi32, #tpu.memory_space<vmem>>
          tpu.enqueue_dma source(%dma_start3A_512 : memref<128xi32, #tpu.memory_space<vmem>>) target(%dma_start3A_510 : memref<128xi32, #tpu.memory_space<vmem_shared>>) target_semaphore(%run_scoped3A : memref<!tpu.dma_semaphore, #tpu.memory_space<semaphore_mem>>)
          %dma_wait3A = arith.constant 0 : i32
          %dma_wait3A_513 = tpu.memref_slice %arg9[%dma_wait3A] : memref<2048xi32, #tpu.memory_space<vmem>> -> memref<128xi32, #tpu.memory_space<vmem>>
          %dma_wait3A_514 = tpu.memref_slice %arg26[%multiple_of3A_506] : memref<266240xi32, #tpu.memory_space<vmem_shared>> -> memref<128xi32, #tpu.memory_space<vmem_shared>>
          %dma_wait3A_515 = tpu.memref_slice %arg26[%multiple_of3A_506] : memref<266240xi32, #tpu.memory_space<vmem_shared>> -> memref<128xi32, #tpu.memory_space<vmem_shared>>
          %dma_wait3A_516 = arith.constant 0 : i32
          %dma_wait3A_517 = tpu.memref_slice %arg9[%dma_wait3A_516] : memref<2048xi32, #tpu.memory_space<vmem>> -> memref<128xi32, #tpu.memory_space<vmem>>
          tpu.wait_dma2 semaphore(%run_scoped3A : memref<!tpu.dma_semaphore, #tpu.memory_space<semaphore_mem>>) src(%dma_wait3A_517 : memref<128xi32, #tpu.memory_space<vmem>>) dst(%dma_wait3A_515 : memref<128xi32, #tpu.memory_space<vmem_shared>>)
          tpu.yield
        }) : () -> ()
        %multiple_of3A_507 = tpu.assume_multiple %add3A_505, 8 : i32
        "tpu.region"() ({
          %run_scoped3A = tpu.sem_alloc : memref<!tpu.dma_semaphore, #tpu.memory_space<semaphore_mem>>
          %dma_start3A = arith.constant 0 : i32
          %dma_start3A_508 = tpu.memref_slice %arg10[%dma_start3A] : memref<2048xi32, #tpu.memory_space<vmem>> -> memref<128xi32, #tpu.memory_space<vmem>>
          %dma_start3A_509 = tpu.memref_slice %arg27[%multiple_of3A_507] : memref<266240xi32, #tpu.memory_space<vmem_shared>> -> memref<128xi32, #tpu.memory_space<vmem_shared>>
          %dma_start3A_510 = tpu.memref_slice %arg27[%multiple_of3A_507] : memref<266240xi32, #tpu.memory_space<vmem_shared>> -> memref<128xi32, #tpu.memory_space<vmem_shared>>
          %dma_start3A_511 = arith.constant 0 : i32
          %dma_start3A_512 = tpu.memref_slice %arg10[%dma_start3A_511] : memref<2048xi32, #tpu.memory_space<vmem>> -> memref<128xi32, #tpu.memory_space<vmem>>
          tpu.enqueue_dma source(%dma_start3A_512 : memref<128xi32, #tpu.memory_space<vmem>>) target(%dma_start3A_510 : memref<128xi32, #tpu.memory_space<vmem_shared>>) target_semaphore(%run_scoped3A : memref<!tpu.dma_semaphore, #tpu.memory_space<semaphore_mem>>)
          %dma_wait3A = arith.constant 0 : i32
          %dma_wait3A_513 = tpu.memref_slice %arg10[%dma_wait3A] : memref<2048xi32, #tpu.memory_space<vmem>> -> memref<128xi32, #tpu.memory_space<vmem>>
          %dma_wait3A_514 = tpu.memref_slice %arg27[%multiple_of3A_507] : memref<266240xi32, #tpu.memory_space<vmem_shared>> -> memref<128xi32, #tpu.memory_space<vmem_shared>>
          %dma_wait3A_515 = tpu.memref_slice %arg27[%multiple_of3A_507] : memref<266240xi32, #tpu.memory_space<vmem_shared>> -> memref<128xi32, #tpu.memory_space<vmem_shared>>
          %dma_wait3A_516 = arith.constant 0 : i32
          %dma_wait3A_517 = tpu.memref_slice %arg10[%dma_wait3A_516] : memref<2048xi32, #tpu.memory_space<vmem>> -> memref<128xi32, #tpu.memory_space<vmem>>
          tpu.wait_dma2 semaphore(%run_scoped3A : memref<!tpu.dma_semaphore, #tpu.memory_space<semaphore_mem>>) src(%dma_wait3A_517 : memref<128xi32, #tpu.memory_space<vmem>>) dst(%dma_wait3A_515 : memref<128xi32, #tpu.memory_space<vmem_shared>>)
          tpu.yield
        }) : () -> ()
      }
      %while3A_380 = arith.constant 1 : i32
      scf.for %while3A_499 = %while3A_378 to %while3A_374 step %while3A_380  : i32 {
        %mul3A_500 = arith.constant 16 : i32
        %mul3A_501 = arith.muli %while3A_499, %mul3A_500 : i32
        %add3A_502 = arith.addi %arg1, %mul3A_501 : i32
        %mul3A_503 = arith.constant 128 : i32
        %mul3A_504 = arith.muli %add3A_502, %mul3A_503 : i32
        %add3A_505 = arith.addi %squeeze3A_196, %mul3A_504 : i32
        %multiple_of3A_506 = tpu.assume_multiple %add3A_505, 8 : i32
        "tpu.region"() ({
          %run_scoped3A = tpu.sem_alloc : memref<!tpu.dma_semaphore, #tpu.memory_space<semaphore_mem>>
          %dma_start3A = arith.constant 0 : i32
          %dma_start3A_508 = tpu.memref_slice %arg9[%dma_start3A] : memref<2048xi32, #tpu.memory_space<vmem>> -> memref<128xi32, #tpu.memory_space<vmem>>
          %dma_start3A_509 = tpu.memref_slice %arg26[%multiple_of3A_506] : memref<266240xi32, #tpu.memory_space<vmem_shared>> -> memref<128xi32, #tpu.memory_space<vmem_shared>>
          %dma_start3A_510 = tpu.memref_slice %arg26[%multiple_of3A_506] : memref<266240xi32, #tpu.memory_space<vmem_shared>> -> memref<128xi32, #tpu.memory_space<vmem_shared>>
          %dma_start3A_511 = arith.constant 0 : i32
          %dma_start3A_512 = tpu.memref_slice %arg9[%dma_start3A_511] : memref<2048xi32, #tpu.memory_space<vmem>> -> memref<128xi32, #tpu.memory_space<vmem>>
          tpu.enqueue_dma source(%dma_start3A_512 : memref<128xi32, #tpu.memory_space<vmem>>) target(%dma_start3A_510 : memref<128xi32, #tpu.memory_space<vmem_shared>>) target_semaphore(%run_scoped3A : memref<!tpu.dma_semaphore, #tpu.memory_space<semaphore_mem>>)
          %dma_wait3A = arith.constant 0 : i32
          %dma_wait3A_513 = tpu.memref_slice %arg9[%dma_wait3A] : memref<2048xi32, #tpu.memory_space<vmem>> -> memref<128xi32, #tpu.memory_space<vmem>>
          %dma_wait3A_514 = tpu.memref_slice %arg26[%multiple_of3A_506] : memref<266240xi32, #tpu.memory_space<vmem_shared>> -> memref<128xi32, #tpu.memory_space<vmem_shared>>
          %dma_wait3A_515 = tpu.memref_slice %arg26[%multiple_of3A_506] : memref<266240xi32, #tpu.memory_space<vmem_shared>> -> memref<128xi32, #tpu.memory_space<vmem_shared>>
          %dma_wait3A_516 = arith.constant 0 : i32
          %dma_wait3A_517 = tpu.memref_slice %arg9[%dma_wait3A_516] : memref<2048xi32, #tpu.memory_space<vmem>> -> memref<128xi32, #tpu.memory_space<vmem>>
          tpu.wait_dma2 semaphore(%run_scoped3A : memref<!tpu.dma_semaphore, #tpu.memory_space<semaphore_mem>>) src(%dma_wait3A_517 : memref<128xi32, #tpu.memory_space<vmem>>) dst(%dma_wait3A_515 : memref<128xi32, #tpu.memory_space<vmem_shared>>)
          tpu.yield
        }) : () -> ()
        %multiple_of3A_507 = tpu.assume_multiple %add3A_505, 8 : i32
        "tpu.region"() ({
          %run_scoped3A = tpu.sem_alloc : memref<!tpu.dma_semaphore, #tpu.memory_space<semaphore_mem>>
          %dma_start3A = arith.constant 0 : i32
          %dma_start3A_508 = tpu.memref_slice %arg10[%dma_start3A] : memref<2048xi32, #tpu.memory_space<vmem>> -> memref<128xi32, #tpu.memory_space<vmem>>
          %dma_start3A_509 = tpu.memref_slice %arg27[%multiple_of3A_507] : memref<266240xi32, #tpu.memory_space<vmem_shared>> -> memref<128xi32, #tpu.memory_space<vmem_shared>>
          %dma_start3A_510 = tpu.memref_slice %arg27[%multiple_of3A_507] : memref<266240xi32, #tpu.memory_space<vmem_shared>> -> memref<128xi32, #tpu.memory_space<vmem_shared>>
          %dma_start3A_511 = arith.constant 0 : i32
          %dma_start3A_512 = tpu.memref_slice %arg10[%dma_start3A_511] : memref<2048xi32, #tpu.memory_space<vmem>> -> memref<128xi32, #tpu.memory_space<vmem>>
          tpu.enqueue_dma source(%dma_start3A_512 : memref<128xi32, #tpu.memory_space<vmem>>) target(%dma_start3A_510 : memref<128xi32, #tpu.memory_space<vmem_shared>>) target_semaphore(%run_scoped3A : memref<!tpu.dma_semaphore, #tpu.memory_space<semaphore_mem>>)
          %dma_wait3A = arith.constant 0 : i32
          %dma_wait3A_513 = tpu.memref_slice %arg10[%dma_wait3A] : memref<2048xi32, #tpu.memory_space<vmem>> -> memref<128xi32, #tpu.memory_space<vmem>>
          %dma_wait3A_514 = tpu.memref_slice %arg27[%multiple_of3A_507] : memref<266240xi32, #tpu.memory_space<vmem_shared>> -> memref<128xi32, #tpu.memory_space<vmem_shared>>
          %dma_wait3A_515 = tpu.memref_slice %arg27[%multiple_of3A_507] : memref<266240xi32, #tpu.memory_space<vmem_shared>> -> memref<128xi32, #tpu.memory_space<vmem_shared>>
          %dma_wait3A_516 = arith.constant 0 : i32
          %dma_wait3A_517 = tpu.memref_slice %arg10[%dma_wait3A_516] : memref<2048xi32, #tpu.memory_space<vmem>> -> memref<128xi32, #tpu.memory_space<vmem>>
          tpu.wait_dma2 semaphore(%run_scoped3A : memref<!tpu.dma_semaphore, #tpu.memory_space<semaphore_mem>>) src(%dma_wait3A_517 : memref<128xi32, #tpu.memory_space<vmem>>) dst(%dma_wait3A_515 : memref<128xi32, #tpu.memory_space<vmem_shared>>)
          tpu.yield
        }) : () -> ()
      }
      %barrier3A_381 = arith.constant 0 : index
      tpu.barrier barrier_id(%barrier3A_381)
      %while3A_382 = arith.constant 0 : i32
      %while3A_383 = arith.constant 0 : i32
      %while3A_384 = arith.subi %select_n3A_289, %while3A_383 : i32
      %while3A_385 = arith.addi %while3A_383, %while3A_384 : i32
      %while3A_386 = arith.constant 1 : i32
      %while3A_387 = arith.divsi %while3A_384, %while3A_386 : i32
      %while3A_388 = arith.muli %while3A_387, %while3A_386 : i32
      %while3A_389 = arith.addi %while3A_383, %while3A_388 : i32
      %while3A_390 = arith.constant 1 : i32
      scf.for %while3A_499 = %while3A_383 to %while3A_389 step %while3A_390  : i32 {
        %mul3A_500 = arith.muli %arg1, %select_n3A_263 : i32
        %mul3A_501 = arith.constant 2048 : i32
        %mul3A_502 = arith.muli %while3A_499, %mul3A_501 : i32
        %add3A_503 = arith.addi %mul3A_500, %mul3A_502 : i32
        %multiple_of3A_504 = tpu.assume_multiple %add3A_503, 8 : i32
        %mul3A_505 = arith.constant 2048 : i32
        %mul3A_506 = arith.muli %while3A_499, %mul3A_505 : i32
        %multiple_of3A_507 = tpu.assume_multiple %mul3A_506, 8 : i32
        "tpu.region"() ({
          %run_scoped3A = tpu.sem_alloc : memref<!tpu.dma_semaphore, #tpu.memory_space<semaphore_mem>>
          %dma_start3A = tpu.memref_slice %arg12[%multiple_of3A_507] : memref<16384xi32, #tpu.memory_space<vmem>> -> memref<2048xi32, #tpu.memory_space<vmem>>
          %dma_start3A_516 = tpu.memref_slice %arg26[%multiple_of3A_504] : memref<266240xi32, #tpu.memory_space<vmem_shared>> -> memref<2048xi32, #tpu.memory_space<vmem_shared>>
          %dma_start3A_517 = tpu.memref_slice %arg12[%multiple_of3A_507] : memref<16384xi32, #tpu.memory_space<vmem>> -> memref<2048xi32, #tpu.memory_space<vmem>>
          %dma_start3A_518 = tpu.memref_slice %arg26[%multiple_of3A_504] : memref<266240xi32, #tpu.memory_space<vmem_shared>> -> memref<2048xi32, #tpu.memory_space<vmem_shared>>
          tpu.enqueue_dma source(%dma_start3A_518 : memref<2048xi32, #tpu.memory_space<vmem_shared>>) target(%dma_start3A_517 : memref<2048xi32, #tpu.memory_space<vmem>>) target_semaphore(%run_scoped3A : memref<!tpu.dma_semaphore, #tpu.memory_space<semaphore_mem>>)
          %dma_wait3A = tpu.memref_slice %arg12[%multiple_of3A_507] : memref<16384xi32, #tpu.memory_space<vmem>> -> memref<2048xi32, #tpu.memory_space<vmem>>
          %dma_wait3A_519 = tpu.memref_slice %arg26[%multiple_of3A_504] : memref<266240xi32, #tpu.memory_space<vmem_shared>> -> memref<2048xi32, #tpu.memory_space<vmem_shared>>
          %dma_wait3A_520 = tpu.memref_slice %arg12[%multiple_of3A_507] : memref<16384xi32, #tpu.memory_space<vmem>> -> memref<2048xi32, #tpu.memory_space<vmem>>
          %dma_wait3A_521 = tpu.memref_slice %arg26[%multiple_of3A_504] : memref<266240xi32, #tpu.memory_space<vmem_shared>> -> memref<2048xi32, #tpu.memory_space<vmem_shared>>
          tpu.wait_dma2 semaphore(%run_scoped3A : memref<!tpu.dma_semaphore, #tpu.memory_space<semaphore_mem>>) src(%dma_wait3A_521 : memref<2048xi32, #tpu.memory_space<vmem_shared>>) dst(%dma_wait3A_520 : memref<2048xi32, #tpu.memory_space<vmem>>)
          tpu.yield
        }) : () -> ()
        %mul3A_508 = arith.muli %arg1, %select_n3A_263 : i32
        %mul3A_509 = arith.constant 2048 : i32
        %mul3A_510 = arith.muli %while3A_499, %mul3A_509 : i32
        %add3A_511 = arith.addi %mul3A_508, %mul3A_510 : i32
        %multiple_of3A_512 = tpu.assume_multiple %add3A_511, 8 : i32
        %mul3A_513 = arith.constant 2048 : i32
        %mul3A_514 = arith.muli %while3A_499, %mul3A_513 : i32
        %multiple_of3A_515 = tpu.assume_multiple %mul3A_514, 8 : i32
        "tpu.region"() ({
          %run_scoped3A = tpu.sem_alloc : memref<!tpu.dma_semaphore, #tpu.memory_space<semaphore_mem>>
          %dma_start3A = tpu.memref_slice %arg13[%multiple_of3A_515] : memref<16384xi32, #tpu.memory_space<vmem>> -> memref<2048xi32, #tpu.memory_space<vmem>>
          %dma_start3A_516 = tpu.memref_slice %arg27[%multiple_of3A_512] : memref<266240xi32, #tpu.memory_space<vmem_shared>> -> memref<2048xi32, #tpu.memory_space<vmem_shared>>
          %dma_start3A_517 = tpu.memref_slice %arg13[%multiple_of3A_515] : memref<16384xi32, #tpu.memory_space<vmem>> -> memref<2048xi32, #tpu.memory_space<vmem>>
          %dma_start3A_518 = tpu.memref_slice %arg27[%multiple_of3A_512] : memref<266240xi32, #tpu.memory_space<vmem_shared>> -> memref<2048xi32, #tpu.memory_space<vmem_shared>>
          tpu.enqueue_dma source(%dma_start3A_518 : memref<2048xi32, #tpu.memory_space<vmem_shared>>) target(%dma_start3A_517 : memref<2048xi32, #tpu.memory_space<vmem>>) target_semaphore(%run_scoped3A : memref<!tpu.dma_semaphore, #tpu.memory_space<semaphore_mem>>)
          %dma_wait3A = tpu.memref_slice %arg13[%multiple_of3A_515] : memref<16384xi32, #tpu.memory_space<vmem>> -> memref<2048xi32, #tpu.memory_space<vmem>>
          %dma_wait3A_519 = tpu.memref_slice %arg27[%multiple_of3A_512] : memref<266240xi32, #tpu.memory_space<vmem_shared>> -> memref<2048xi32, #tpu.memory_space<vmem_shared>>
          %dma_wait3A_520 = tpu.memref_slice %arg13[%multiple_of3A_515] : memref<16384xi32, #tpu.memory_space<vmem>> -> memref<2048xi32, #tpu.memory_space<vmem>>
          %dma_wait3A_521 = tpu.memref_slice %arg27[%multiple_of3A_512] : memref<266240xi32, #tpu.memory_space<vmem_shared>> -> memref<2048xi32, #tpu.memory_space<vmem_shared>>
          tpu.wait_dma2 semaphore(%run_scoped3A : memref<!tpu.dma_semaphore, #tpu.memory_space<semaphore_mem>>) src(%dma_wait3A_521 : memref<2048xi32, #tpu.memory_space<vmem_shared>>) dst(%dma_wait3A_520 : memref<2048xi32, #tpu.memory_space<vmem>>)
          tpu.yield
        }) : () -> ()
      }
      %while3A_391 = arith.constant 1 : i32
      scf.for %while3A_499 = %while3A_389 to %while3A_385 step %while3A_391  : i32 {
        %mul3A_500 = arith.muli %arg1, %select_n3A_263 : i32
        %mul3A_501 = arith.constant 2048 : i32
        %mul3A_502 = arith.muli %while3A_499, %mul3A_501 : i32
        %add3A_503 = arith.addi %mul3A_500, %mul3A_502 : i32
        %multiple_of3A_504 = tpu.assume_multiple %add3A_503, 8 : i32
        %mul3A_505 = arith.constant 2048 : i32
        %mul3A_506 = arith.muli %while3A_499, %mul3A_505 : i32
        %multiple_of3A_507 = tpu.assume_multiple %mul3A_506, 8 : i32
        "tpu.region"() ({
          %run_scoped3A = tpu.sem_alloc : memref<!tpu.dma_semaphore, #tpu.memory_space<semaphore_mem>>
          %dma_start3A = tpu.memref_slice %arg12[%multiple_of3A_507] : memref<16384xi32, #tpu.memory_space<vmem>> -> memref<2048xi32, #tpu.memory_space<vmem>>
          %dma_start3A_516 = tpu.memref_slice %arg26[%multiple_of3A_504] : memref<266240xi32, #tpu.memory_space<vmem_shared>> -> memref<2048xi32, #tpu.memory_space<vmem_shared>>
          %dma_start3A_517 = tpu.memref_slice %arg12[%multiple_of3A_507] : memref<16384xi32, #tpu.memory_space<vmem>> -> memref<2048xi32, #tpu.memory_space<vmem>>
          %dma_start3A_518 = tpu.memref_slice %arg26[%multiple_of3A_504] : memref<266240xi32, #tpu.memory_space<vmem_shared>> -> memref<2048xi32, #tpu.memory_space<vmem_shared>>
          tpu.enqueue_dma source(%dma_start3A_518 : memref<2048xi32, #tpu.memory_space<vmem_shared>>) target(%dma_start3A_517 : memref<2048xi32, #tpu.memory_space<vmem>>) target_semaphore(%run_scoped3A : memref<!tpu.dma_semaphore, #tpu.memory_space<semaphore_mem>>)
          %dma_wait3A = tpu.memref_slice %arg12[%multiple_of3A_507] : memref<16384xi32, #tpu.memory_space<vmem>> -> memref<2048xi32, #tpu.memory_space<vmem>>
          %dma_wait3A_519 = tpu.memref_slice %arg26[%multiple_of3A_504] : memref<266240xi32, #tpu.memory_space<vmem_shared>> -> memref<2048xi32, #tpu.memory_space<vmem_shared>>
          %dma_wait3A_520 = tpu.memref_slice %arg12[%multiple_of3A_507] : memref<16384xi32, #tpu.memory_space<vmem>> -> memref<2048xi32, #tpu.memory_space<vmem>>
          %dma_wait3A_521 = tpu.memref_slice %arg26[%multiple_of3A_504] : memref<266240xi32, #tpu.memory_space<vmem_shared>> -> memref<2048xi32, #tpu.memory_space<vmem_shared>>
          tpu.wait_dma2 semaphore(%run_scoped3A : memref<!tpu.dma_semaphore, #tpu.memory_space<semaphore_mem>>) src(%dma_wait3A_521 : memref<2048xi32, #tpu.memory_space<vmem_shared>>) dst(%dma_wait3A_520 : memref<2048xi32, #tpu.memory_space<vmem>>)
          tpu.yield
        }) : () -> ()
        %mul3A_508 = arith.muli %arg1, %select_n3A_263 : i32
        %mul3A_509 = arith.constant 2048 : i32
        %mul3A_510 = arith.muli %while3A_499, %mul3A_509 : i32
        %add3A_511 = arith.addi %mul3A_508, %mul3A_510 : i32
        %multiple_of3A_512 = tpu.assume_multiple %add3A_511, 8 : i32
        %mul3A_513 = arith.constant 2048 : i32
        %mul3A_514 = arith.muli %while3A_499, %mul3A_513 : i32
        %multiple_of3A_515 = tpu.assume_multiple %mul3A_514, 8 : i32
        "tpu.region"() ({
          %run_scoped3A = tpu.sem_alloc : memref<!tpu.dma_semaphore, #tpu.memory_space<semaphore_mem>>
          %dma_start3A = tpu.memref_slice %arg13[%multiple_of3A_515] : memref<16384xi32, #tpu.memory_space<vmem>> -> memref<2048xi32, #tpu.memory_space<vmem>>
          %dma_start3A_516 = tpu.memref_slice %arg27[%multiple_of3A_512] : memref<266240xi32, #tpu.memory_space<vmem_shared>> -> memref<2048xi32, #tpu.memory_space<vmem_shared>>
          %dma_start3A_517 = tpu.memref_slice %arg13[%multiple_of3A_515] : memref<16384xi32, #tpu.memory_space<vmem>> -> memref<2048xi32, #tpu.memory_space<vmem>>
          %dma_start3A_518 = tpu.memref_slice %arg27[%multiple_of3A_512] : memref<266240xi32, #tpu.memory_space<vmem_shared>> -> memref<2048xi32, #tpu.memory_space<vmem_shared>>
          tpu.enqueue_dma source(%dma_start3A_518 : memref<2048xi32, #tpu.memory_space<vmem_shared>>) target(%dma_start3A_517 : memref<2048xi32, #tpu.memory_space<vmem>>) target_semaphore(%run_scoped3A : memref<!tpu.dma_semaphore, #tpu.memory_space<semaphore_mem>>)
          %dma_wait3A = tpu.memref_slice %arg13[%multiple_of3A_515] : memref<16384xi32, #tpu.memory_space<vmem>> -> memref<2048xi32, #tpu.memory_space<vmem>>
          %dma_wait3A_519 = tpu.memref_slice %arg27[%multiple_of3A_512] : memref<266240xi32, #tpu.memory_space<vmem_shared>> -> memref<2048xi32, #tpu.memory_space<vmem_shared>>
          %dma_wait3A_520 = tpu.memref_slice %arg13[%multiple_of3A_515] : memref<16384xi32, #tpu.memory_space<vmem>> -> memref<2048xi32, #tpu.memory_space<vmem>>
          %dma_wait3A_521 = tpu.memref_slice %arg27[%multiple_of3A_512] : memref<266240xi32, #tpu.memory_space<vmem_shared>> -> memref<2048xi32, #tpu.memory_space<vmem_shared>>
          tpu.wait_dma2 semaphore(%run_scoped3A : memref<!tpu.dma_semaphore, #tpu.memory_space<semaphore_mem>>) src(%dma_wait3A_521 : memref<2048xi32, #tpu.memory_space<vmem_shared>>) dst(%dma_wait3A_520 : memref<2048xi32, #tpu.memory_space<vmem>>)
          tpu.yield
        }) : () -> ()
      }
      %add3A_392 = arith.constant 1 : i32
      %add3A_393 = arith.addi %add3A_242, %add3A_392 : i32
      %while3A_394 = arith.constant 0 : i32
      %while3A_395 = arith.constant 1 : i32
      %while3A_396 = arith.subi %add3A_393, %while3A_395 : i32
      %while3A_397 = arith.addi %while3A_395, %while3A_396 : i32
      %while3A_398 = arith.constant 1 : i32
      %while3A_399 = arith.divsi %while3A_396, %while3A_398 : i32
      %while3A_400 = arith.muli %while3A_399, %while3A_398 : i32
      %while3A_401 = arith.addi %while3A_395, %while3A_400 : i32
      %while3A_402 = arith.constant 1 : i32
      scf.for %while3A_499 = %while3A_395 to %while3A_401 step %while3A_402  : i32 {
        %sub3A_500 = arith.constant 4 : i32
        %sub3A_501 = arith.subi %while3A_499, %sub3A_500 : i32
        %max3A_502 = arith.constant 0 : i32
        %max3A_503 = arith.maxsi %sub3A_501, %max3A_502 : i32
        %while3A_504 = arith.constant 0 : i32
        %while3A_505 = arith.constant 0 : i32
        %while3A_506 = arith.subi %max3A_503, %while3A_505 : i32
        %while3A_507 = arith.addi %while3A_505, %while3A_506 : i32
        %while3A_508 = arith.constant 1 : i32
        %while3A_509 = arith.divsi %while3A_506, %while3A_508 : i32
        %while3A_510 = arith.muli %while3A_509, %while3A_508 : i32
        %while3A_511 = arith.addi %while3A_505, %while3A_510 : i32
        %while3A_512 = arith.constant 1 : i32
        scf.for %while3A_534 = %while3A_505 to %while3A_511 step %while3A_512  : i32 {
          %sub3A_535 = arith.constant 1 : i32
          %sub3A_536 = arith.subi %while3A_499, %sub3A_535 : i32
          %sub3A_537 = arith.subi %sub3A_536, %while3A_534 : i32
          %ge3A_538 = arith.cmpi sge, %sub3A_537, %sub3A_265 : i32
          %convert_element_type3A_539 = arith.extui %ge3A_538 : i1 to i32
          %cond3A_540 = arith.constant 0 : i32
          %cond3A_541 = arith.cmpi ne, %convert_element_type3A_539, %cond3A_540 : i32
          scf.if %cond3A_541 {
            %while3A_545 = arith.constant 0 : i32
            %while3A_546 = arith.constant 0 : i32
            %while3A_547 = arith.subi %select_n3A_289, %while3A_546 : i32
            %while3A_548 = arith.addi %while3A_546, %while3A_547 : i32
            %while3A_549 = arith.constant 1 : i32
            %while3A_550 = arith.divsi %while3A_547, %while3A_549 : i32
            %while3A_551 = arith.muli %while3A_550, %while3A_549 : i32
            %while3A_552 = arith.addi %while3A_546, %while3A_551 : i32
            %while3A_553 = arith.constant 1 : i32
            scf.for %while3A_585 = %while3A_546 to %while3A_552 step %while3A_553  : i32 {
              %mul3A_586 = arith.constant 2048 : i32
              %mul3A_587 = arith.muli %while3A_585, %mul3A_586 : i32
              %multiple_of3A_588 = tpu.assume_multiple %mul3A_587, 8 : i32
              %mul3A_589 = arith.muli %arg1, %select_n3A_263 : i32
              %mul3A_590 = arith.constant 2048 : i32
              %mul3A_591 = arith.muli %while3A_585, %mul3A_590 : i32
              %add3A_592 = arith.addi %mul3A_589, %mul3A_591 : i32
              %multiple_of3A_593 = tpu.assume_multiple %add3A_592, 8 : i32
              "tpu.region"() ({
                %run_scoped3A = tpu.sem_alloc : memref<!tpu.dma_semaphore, #tpu.memory_space<semaphore_mem>>
                %dma_start3A = tpu.memref_slice %arg12[%multiple_of3A_588] : memref<16384xi32, #tpu.memory_space<vmem>> -> memref<2048xi32, #tpu.memory_space<vmem>>
                %dma_start3A_602 = tpu.memref_slice %arg26[%multiple_of3A_593] : memref<266240xi32, #tpu.memory_space<vmem_shared>> -> memref<2048xi32, #tpu.memory_space<vmem_shared>>
                %dma_start3A_603 = tpu.memref_slice %arg26[%multiple_of3A_593] : memref<266240xi32, #tpu.memory_space<vmem_shared>> -> memref<2048xi32, #tpu.memory_space<vmem_shared>>
                %dma_start3A_604 = tpu.memref_slice %arg12[%multiple_of3A_588] : memref<16384xi32, #tpu.memory_space<vmem>> -> memref<2048xi32, #tpu.memory_space<vmem>>
                tpu.enqueue_dma source(%dma_start3A_604 : memref<2048xi32, #tpu.memory_space<vmem>>) target(%dma_start3A_603 : memref<2048xi32, #tpu.memory_space<vmem_shared>>) target_semaphore(%run_scoped3A : memref<!tpu.dma_semaphore, #tpu.memory_space<semaphore_mem>>)
                %dma_wait3A = tpu.memref_slice %arg12[%multiple_of3A_588] : memref<16384xi32, #tpu.memory_space<vmem>> -> memref<2048xi32, #tpu.memory_space<vmem>>
                %dma_wait3A_605 = tpu.memref_slice %arg26[%multiple_of3A_593] : memref<266240xi32, #tpu.memory_space<vmem_shared>> -> memref<2048xi32, #tpu.memory_space<vmem_shared>>
                %dma_wait3A_606 = tpu.memref_slice %arg26[%multiple_of3A_593] : memref<266240xi32, #tpu.memory_space<vmem_shared>> -> memref<2048xi32, #tpu.memory_space<vmem_shared>>
                %dma_wait3A_607 = tpu.memref_slice %arg12[%multiple_of3A_588] : memref<16384xi32, #tpu.memory_space<vmem>> -> memref<2048xi32, #tpu.memory_space<vmem>>
                tpu.wait_dma2 semaphore(%run_scoped3A : memref<!tpu.dma_semaphore, #tpu.memory_space<semaphore_mem>>) src(%dma_wait3A_607 : memref<2048xi32, #tpu.memory_space<vmem>>) dst(%dma_wait3A_606 : memref<2048xi32, #tpu.memory_space<vmem_shared>>)
                tpu.yield
              }) : () -> ()
              %mul3A_594 = arith.constant 2048 : i32
              %mul3A_595 = arith.muli %while3A_585, %mul3A_594 : i32
              %multiple_of3A_596 = tpu.assume_multiple %mul3A_595, 8 : i32
              %mul3A_597 = arith.muli %arg1, %select_n3A_263 : i32
              %mul3A_598 = arith.constant 2048 : i32
              %mul3A_599 = arith.muli %while3A_585, %mul3A_598 : i32
              %add3A_600 = arith.addi %mul3A_597, %mul3A_599 : i32
              %multiple_of3A_601 = tpu.assume_multiple %add3A_600, 8 : i32
              "tpu.region"() ({
                %run_scoped3A = tpu.sem_alloc : memref<!tpu.dma_semaphore, #tpu.memory_space<semaphore_mem>>
                %dma_start3A = tpu.memref_slice %arg13[%multiple_of3A_596] : memref<16384xi32, #tpu.memory_space<vmem>> -> memref<2048xi32, #tpu.memory_space<vmem>>
                %dma_start3A_602 = tpu.memref_slice %arg27[%multiple_of3A_601] : memref<266240xi32, #tpu.memory_space<vmem_shared>> -> memref<2048xi32, #tpu.memory_space<vmem_shared>>
                %dma_start3A_603 = tpu.memref_slice %arg27[%multiple_of3A_601] : memref<266240xi32, #tpu.memory_space<vmem_shared>> -> memref<2048xi32, #tpu.memory_space<vmem_shared>>
                %dma_start3A_604 = tpu.memref_slice %arg13[%multiple_of3A_596] : memref<16384xi32, #tpu.memory_space<vmem>> -> memref<2048xi32, #tpu.memory_space<vmem>>
                tpu.enqueue_dma source(%dma_start3A_604 : memref<2048xi32, #tpu.memory_space<vmem>>) target(%dma_start3A_603 : memref<2048xi32, #tpu.memory_space<vmem_shared>>) target_semaphore(%run_scoped3A : memref<!tpu.dma_semaphore, #tpu.memory_space<semaphore_mem>>)
                %dma_wait3A = tpu.memref_slice %arg13[%multiple_of3A_596] : memref<16384xi32, #tpu.memory_space<vmem>> -> memref<2048xi32, #tpu.memory_space<vmem>>
                %dma_wait3A_605 = tpu.memref_slice %arg27[%multiple_of3A_601] : memref<266240xi32, #tpu.memory_space<vmem_shared>> -> memref<2048xi32, #tpu.memory_space<vmem_shared>>
                %dma_wait3A_606 = tpu.memref_slice %arg27[%multiple_of3A_601] : memref<266240xi32, #tpu.memory_space<vmem_shared>> -> memref<2048xi32, #tpu.memory_space<vmem_shared>>
                %dma_wait3A_607 = tpu.memref_slice %arg13[%multiple_of3A_596] : memref<16384xi32, #tpu.memory_space<vmem>> -> memref<2048xi32, #tpu.memory_space<vmem>>
                tpu.wait_dma2 semaphore(%run_scoped3A : memref<!tpu.dma_semaphore, #tpu.memory_space<semaphore_mem>>) src(%dma_wait3A_607 : memref<2048xi32, #tpu.memory_space<vmem>>) dst(%dma_wait3A_606 : memref<2048xi32, #tpu.memory_space<vmem_shared>>)
                tpu.yield
              }) : () -> ()
            }
            %while3A_554 = arith.constant 1 : i32
            scf.for %while3A_585 = %while3A_552 to %while3A_548 step %while3A_554  : i32 {
              %mul3A_586 = arith.constant 2048 : i32
              %mul3A_587 = arith.muli %while3A_585, %mul3A_586 : i32
              %multiple_of3A_588 = tpu.assume_multiple %mul3A_587, 8 : i32
              %mul3A_589 = arith.muli %arg1, %select_n3A_263 : i32
              %mul3A_590 = arith.constant 2048 : i32
              %mul3A_591 = arith.muli %while3A_585, %mul3A_590 : i32
              %add3A_592 = arith.addi %mul3A_589, %mul3A_591 : i32
              %multiple_of3A_593 = tpu.assume_multiple %add3A_592, 8 : i32
              "tpu.region"() ({
                %run_scoped3A = tpu.sem_alloc : memref<!tpu.dma_semaphore, #tpu.memory_space<semaphore_mem>>
                %dma_start3A = tpu.memref_slice %arg12[%multiple_of3A_588] : memref<16384xi32, #tpu.memory_space<vmem>> -> memref<2048xi32, #tpu.memory_space<vmem>>
                %dma_start3A_602 = tpu.memref_slice %arg26[%multiple_of3A_593] : memref<266240xi32, #tpu.memory_space<vmem_shared>> -> memref<2048xi32, #tpu.memory_space<vmem_shared>>
                %dma_start3A_603 = tpu.memref_slice %arg26[%multiple_of3A_593] : memref<266240xi32, #tpu.memory_space<vmem_shared>> -> memref<2048xi32, #tpu.memory_space<vmem_shared>>
                %dma_start3A_604 = tpu.memref_slice %arg12[%multiple_of3A_588] : memref<16384xi32, #tpu.memory_space<vmem>> -> memref<2048xi32, #tpu.memory_space<vmem>>
                tpu.enqueue_dma source(%dma_start3A_604 : memref<2048xi32, #tpu.memory_space<vmem>>) target(%dma_start3A_603 : memref<2048xi32, #tpu.memory_space<vmem_shared>>) target_semaphore(%run_scoped3A : memref<!tpu.dma_semaphore, #tpu.memory_space<semaphore_mem>>)
                %dma_wait3A = tpu.memref_slice %arg12[%multiple_of3A_588] : memref<16384xi32, #tpu.memory_space<vmem>> -> memref<2048xi32, #tpu.memory_space<vmem>>
                %dma_wait3A_605 = tpu.memref_slice %arg26[%multiple_of3A_593] : memref<266240xi32, #tpu.memory_space<vmem_shared>> -> memref<2048xi32, #tpu.memory_space<vmem_shared>>
                %dma_wait3A_606 = tpu.memref_slice %arg26[%multiple_of3A_593] : memref<266240xi32, #tpu.memory_space<vmem_shared>> -> memref<2048xi32, #tpu.memory_space<vmem_shared>>
                %dma_wait3A_607 = tpu.memref_slice %arg12[%multiple_of3A_588] : memref<16384xi32, #tpu.memory_space<vmem>> -> memref<2048xi32, #tpu.memory_space<vmem>>
                tpu.wait_dma2 semaphore(%run_scoped3A : memref<!tpu.dma_semaphore, #tpu.memory_space<semaphore_mem>>) src(%dma_wait3A_607 : memref<2048xi32, #tpu.memory_space<vmem>>) dst(%dma_wait3A_606 : memref<2048xi32, #tpu.memory_space<vmem_shared>>)
                tpu.yield
              }) : () -> ()
              %mul3A_594 = arith.constant 2048 : i32
              %mul3A_595 = arith.muli %while3A_585, %mul3A_594 : i32
              %multiple_of3A_596 = tpu.assume_multiple %mul3A_595, 8 : i32
              %mul3A_597 = arith.muli %arg1, %select_n3A_263 : i32
              %mul3A_598 = arith.constant 2048 : i32
              %mul3A_599 = arith.muli %while3A_585, %mul3A_598 : i32
              %add3A_600 = arith.addi %mul3A_597, %mul3A_599 : i32
              %multiple_of3A_601 = tpu.assume_multiple %add3A_600, 8 : i32
              "tpu.region"() ({
                %run_scoped3A = tpu.sem_alloc : memref<!tpu.dma_semaphore, #tpu.memory_space<semaphore_mem>>
                %dma_start3A = tpu.memref_slice %arg13[%multiple_of3A_596] : memref<16384xi32, #tpu.memory_space<vmem>> -> memref<2048xi32, #tpu.memory_space<vmem>>
                %dma_start3A_602 = tpu.memref_slice %arg27[%multiple_of3A_601] : memref<266240xi32, #tpu.memory_space<vmem_shared>> -> memref<2048xi32, #tpu.memory_space<vmem_shared>>
                %dma_start3A_603 = tpu.memref_slice %arg27[%multiple_of3A_601] : memref<266240xi32, #tpu.memory_space<vmem_shared>> -> memref<2048xi32, #tpu.memory_space<vmem_shared>>
                %dma_start3A_604 = tpu.memref_slice %arg13[%multiple_of3A_596] : memref<16384xi32, #tpu.memory_space<vmem>> -> memref<2048xi32, #tpu.memory_space<vmem>>
                tpu.enqueue_dma source(%dma_start3A_604 : memref<2048xi32, #tpu.memory_space<vmem>>) target(%dma_start3A_603 : memref<2048xi32, #tpu.memory_space<vmem_shared>>) target_semaphore(%run_scoped3A : memref<!tpu.dma_semaphore, #tpu.memory_space<semaphore_mem>>)
                %dma_wait3A = tpu.memref_slice %arg13[%multiple_of3A_596] : memref<16384xi32, #tpu.memory_space<vmem>> -> memref<2048xi32, #tpu.memory_space<vmem>>
                %dma_wait3A_605 = tpu.memref_slice %arg27[%multiple_of3A_601] : memref<266240xi32, #tpu.memory_space<vmem_shared>> -> memref<2048xi32, #tpu.memory_space<vmem_shared>>
                %dma_wait3A_606 = tpu.memref_slice %arg27[%multiple_of3A_601] : memref<266240xi32, #tpu.memory_space<vmem_shared>> -> memref<2048xi32, #tpu.memory_space<vmem_shared>>
                %dma_wait3A_607 = tpu.memref_slice %arg13[%multiple_of3A_596] : memref<16384xi32, #tpu.memory_space<vmem>> -> memref<2048xi32, #tpu.memory_space<vmem>>
                tpu.wait_dma2 semaphore(%run_scoped3A : memref<!tpu.dma_semaphore, #tpu.memory_space<semaphore_mem>>) src(%dma_wait3A_607 : memref<2048xi32, #tpu.memory_space<vmem>>) dst(%dma_wait3A_606 : memref<2048xi32, #tpu.memory_space<vmem_shared>>)
                tpu.yield
              }) : () -> ()
            }
            %barrier3A_555 = arith.constant 0 : index
            tpu.barrier barrier_id(%barrier3A_555)
            %sub3A_556 = arith.subi %sub3A_537, %sub3A_265 : i32
            %shift_left3A_557 = arith.constant 1 : i32
            %shift_left3A_558 = arith.shli %shift_left3A_557, %sub3A_556 : i32
            %xor3A = arith.xori %arg1, %shift_left3A_558 : i32
            %and3A_559 = arith.andi %arg1, %shift_left3A_558 : i32
            %gt3A_560 = arith.constant 0 : i32
            %gt3A_561 = arith.cmpi sgt, %and3A_559, %gt3A_560 : i32
            %jit3A_562 = arith.constant 1 : i32
            %jit3A_563 = arith.constant 0 : i32
            %select_n3A_564 = arith.select %gt3A_561, %jit3A_562, %jit3A_563 : i32
            %mul3A_565 = arith.muli %arg1, %select_n3A_263 : i32
            %shift_right_logical3A = arith.shrui %mul3A_565, %while3A_499 : i32
            %and3A_566 = arith.constant 1 : i32
            %and3A_567 = arith.andi %shift_right_logical3A, %and3A_566 : i32
            %sub3A_568 = arith.constant 1 : i32
            %sub3A_569 = arith.subi %sub3A_568, %and3A_567 : i32
            %eq3A_570 = arith.cmpi eq, %select_n3A_564, %sub3A_569 : i32
            %jit3A_571 = arith.constant 1 : i32
            %jit3A_572 = arith.constant 0 : i32
            %select_n3A_573 = arith.select %eq3A_570, %jit3A_571, %jit3A_572 : i32
            %while3A_574 = arith.constant 0 : i32
            %while3A_575 = arith.constant 0 : i32
            %while3A_576 = arith.subi %select_n3A_289, %while3A_575 : i32
            %while3A_577 = arith.addi %while3A_575, %while3A_576 : i32
            %while3A_578 = arith.constant 1 : i32
            %while3A_579 = arith.divsi %while3A_576, %while3A_578 : i32
            %while3A_580 = arith.muli %while3A_579, %while3A_578 : i32
            %while3A_581 = arith.addi %while3A_575, %while3A_580 : i32
            %while3A_582 = arith.constant 1 : i32
            scf.for %while3A_585 = %while3A_575 to %while3A_581 step %while3A_582  : i32 {
              %mul3A_586 = arith.muli %xor3A, %select_n3A_263 : i32
              %mul3A_587 = arith.constant 2048 : i32
              %mul3A_588 = arith.muli %while3A_585, %mul3A_587 : i32
              %add3A_589 = arith.addi %mul3A_586, %mul3A_588 : i32
              %multiple_of3A_590 = tpu.assume_multiple %add3A_589, 8 : i32
              "tpu.region"() ({
                %run_scoped3A = tpu.sem_alloc : memref<!tpu.dma_semaphore, #tpu.memory_space<semaphore_mem>>
                %dma_start3A = tpu.memref_slice %arg26[%multiple_of3A_590] : memref<266240xi32, #tpu.memory_space<vmem_shared>> -> memref<2048xi32, #tpu.memory_space<vmem_shared>>
                %dma_start3A_598 = tpu.memref_slice %arg26[%multiple_of3A_590] : memref<266240xi32, #tpu.memory_space<vmem_shared>> -> memref<2048xi32, #tpu.memory_space<vmem_shared>>
                tpu.enqueue_dma source(%dma_start3A_598 : memref<2048xi32, #tpu.memory_space<vmem_shared>>) target(%arg14 : memref<2048xi32, #tpu.memory_space<vmem>>) target_semaphore(%run_scoped3A : memref<!tpu.dma_semaphore, #tpu.memory_space<semaphore_mem>>)
                %dma_wait3A = tpu.memref_slice %arg26[%multiple_of3A_590] : memref<266240xi32, #tpu.memory_space<vmem_shared>> -> memref<2048xi32, #tpu.memory_space<vmem_shared>>
                %dma_wait3A_599 = tpu.memref_slice %arg26[%multiple_of3A_590] : memref<266240xi32, #tpu.memory_space<vmem_shared>> -> memref<2048xi32, #tpu.memory_space<vmem_shared>>
                tpu.wait_dma2 semaphore(%run_scoped3A : memref<!tpu.dma_semaphore, #tpu.memory_space<semaphore_mem>>) src(%dma_wait3A_599 : memref<2048xi32, #tpu.memory_space<vmem_shared>>) dst(%arg14 : memref<2048xi32, #tpu.memory_space<vmem>>)
                tpu.yield
              }) : () -> ()
              %mul3A_591 = arith.muli %xor3A, %select_n3A_263 : i32
              %mul3A_592 = arith.constant 2048 : i32
              %mul3A_593 = arith.muli %while3A_585, %mul3A_592 : i32
              %add3A_594 = arith.addi %mul3A_591, %mul3A_593 : i32
              %multiple_of3A_595 = tpu.assume_multiple %add3A_594, 8 : i32
              "tpu.region"() ({
                %run_scoped3A = tpu.sem_alloc : memref<!tpu.dma_semaphore, #tpu.memory_space<semaphore_mem>>
                %dma_start3A = tpu.memref_slice %arg27[%multiple_of3A_595] : memref<266240xi32, #tpu.memory_space<vmem_shared>> -> memref<2048xi32, #tpu.memory_space<vmem_shared>>
                %dma_start3A_598 = tpu.memref_slice %arg27[%multiple_of3A_595] : memref<266240xi32, #tpu.memory_space<vmem_shared>> -> memref<2048xi32, #tpu.memory_space<vmem_shared>>
                tpu.enqueue_dma source(%dma_start3A_598 : memref<2048xi32, #tpu.memory_space<vmem_shared>>) target(%arg15 : memref<2048xi32, #tpu.memory_space<vmem>>) target_semaphore(%run_scoped3A : memref<!tpu.dma_semaphore, #tpu.memory_space<semaphore_mem>>)
                %dma_wait3A = tpu.memref_slice %arg27[%multiple_of3A_595] : memref<266240xi32, #tpu.memory_space<vmem_shared>> -> memref<2048xi32, #tpu.memory_space<vmem_shared>>
                %dma_wait3A_599 = tpu.memref_slice %arg27[%multiple_of3A_595] : memref<266240xi32, #tpu.memory_space<vmem_shared>> -> memref<2048xi32, #tpu.memory_space<vmem_shared>>
                tpu.wait_dma2 semaphore(%run_scoped3A : memref<!tpu.dma_semaphore, #tpu.memory_space<semaphore_mem>>) src(%dma_wait3A_599 : memref<2048xi32, #tpu.memory_space<vmem_shared>>) dst(%arg15 : memref<2048xi32, #tpu.memory_space<vmem>>)
                tpu.yield
              }) : () -> ()
              %parallel_loop3A = arith.constant 0 : i32
              %parallel_loop3A_596 = arith.constant 128 : i32
              %parallel_loop3A_597 = arith.constant 1 : i32
              scf.for %parallel_loop3A_598 = %parallel_loop3A to %parallel_loop3A_596 step %parallel_loop3A_597  : i32 {
                %parallel_loop3A_599 = arith.constant 2048 : i32
                %parallel_loop3A_600 = arith.muli %while3A_585, %parallel_loop3A_599 : i32
                %parallel_loop3A_601 = arith.constant 16 : i32
                %parallel_loop3A_602 = arith.muli %parallel_loop3A_598, %parallel_loop3A_601 : i32
                %parallel_loop3A_603 = arith.addi %parallel_loop3A_600, %parallel_loop3A_602 : i32
                %parallel_loop3A_604 = tpu.assume_multiple %parallel_loop3A_603, 8 : i32
                %parallel_loop3A_605 = arith.index_cast %parallel_loop3A_604 : i32 to index
                %parallel_loop3A_606 = tpu.vector_load %arg12[%parallel_loop3A_605] {strides = array<i32>} : memref<16384xi32, #tpu.memory_space<vmem>>, vector<16xi32>,
                %parallel_loop3A_607 = vector.shape_cast %parallel_loop3A_606 : vector<16xi32> to vector<16xi32>
                %parallel_loop3A_608 = tpu.assume_multiple %parallel_loop3A_603, 8 : i32
                %parallel_loop3A_609 = arith.index_cast %parallel_loop3A_608 : i32 to index
                %parallel_loop3A_610 = tpu.vector_load %arg13[%parallel_loop3A_609] {strides = array<i32>} : memref<16384xi32, #tpu.memory_space<vmem>>, vector<16xi32>,
                %parallel_loop3A_611 = vector.shape_cast %parallel_loop3A_610 : vector<16xi32> to vector<16xi32>
                %parallel_loop3A_612 = arith.constant 16 : i32
                %parallel_loop3A_613 = arith.muli %parallel_loop3A_598, %parallel_loop3A_612 : i32
                %parallel_loop3A_614 = tpu.assume_multiple %parallel_loop3A_613, 8 : i32
                %parallel_loop3A_615 = arith.index_cast %parallel_loop3A_614 : i32 to index
                %parallel_loop3A_616 = tpu.vector_load %arg14[%parallel_loop3A_615] {strides = array<i32>} : memref<2048xi32, #tpu.memory_space<vmem>>, vector<16xi32>,
                %parallel_loop3A_617 = vector.shape_cast %parallel_loop3A_616 : vector<16xi32> to vector<16xi32>
                %parallel_loop3A_618 = arith.constant 16 : i32
                %parallel_loop3A_619 = arith.muli %parallel_loop3A_598, %parallel_loop3A_618 : i32
                %parallel_loop3A_620 = tpu.assume_multiple %parallel_loop3A_619, 8 : i32
                %parallel_loop3A_621 = arith.index_cast %parallel_loop3A_620 : i32 to index
                %parallel_loop3A_622 = tpu.vector_load %arg15[%parallel_loop3A_621] {strides = array<i32>} : memref<2048xi32, #tpu.memory_space<vmem>>, vector<16xi32>,
                %parallel_loop3A_623 = vector.shape_cast %parallel_loop3A_622 : vector<16xi32> to vector<16xi32>
                %parallel_loop3A_624 = arith.cmpi sgt, %parallel_loop3A_607, %parallel_loop3A_617 : vector<16xi32>
                %parallel_loop3A_625 = arith.cmpi eq, %parallel_loop3A_607, %parallel_loop3A_617 : vector<16xi32>
                %parallel_loop3A_626 = arith.cmpi sgt, %parallel_loop3A_611, %parallel_loop3A_623 : vector<16xi32>
                %parallel_loop3A_627 = arith.andi %parallel_loop3A_625, %parallel_loop3A_626 : vector<16xi1>
                %parallel_loop3A_628 = arith.ori %parallel_loop3A_624, %parallel_loop3A_627 : vector<16xi1>
                %parallel_loop3A_629 = arith.constant 1 : i32
                %parallel_loop3A_630 = arith.constant 0 : i32
                %parallel_loop3A_631 = vector.broadcast %parallel_loop3A_629 : i32 to vector<16xi32>
                %parallel_loop3A_632 = vector.broadcast %parallel_loop3A_630 : i32 to vector<16xi32>
                %parallel_loop3A_633 = arith.select %parallel_loop3A_628, %parallel_loop3A_631, %parallel_loop3A_632 : vector<16xi1>, vector<16xi32>
                %parallel_loop3A_634 = vector.broadcast %select_n3A_573 : i32 to vector<16xi32>
                %parallel_loop3A_635 = arith.xori %parallel_loop3A_633, %parallel_loop3A_634 : vector<16xi32>
                %parallel_loop3A_636 = arith.constant 0 : i32
                %parallel_loop3A_637 = vector.broadcast %parallel_loop3A_636 : i32 to vector<16xi32>
                %parallel_loop3A_638 = arith.cmpi ne, %parallel_loop3A_635, %parallel_loop3A_637 : vector<16xi32>
                %parallel_loop3A_639 = arith.select %parallel_loop3A_638, %parallel_loop3A_617, %parallel_loop3A_607 : vector<16xi1>, vector<16xi32>
                %parallel_loop3A_640 = tpu.assume_multiple %parallel_loop3A_603, 8 : i32
                %parallel_loop3A_641 = arith.index_cast %parallel_loop3A_640 : i32 to index
                %parallel_loop3A_642 = tpu.vector_load %arg12[%parallel_loop3A_641] {strides = array<i32>} : memref<16384xi32, #tpu.memory_space<vmem>>, vector<16xi32>,
                %parallel_loop3A_643 = vector.shape_cast %parallel_loop3A_642 : vector<16xi32> to vector<16xi32>
                %parallel_loop3A_644 = vector.shape_cast %parallel_loop3A_639 : vector<16xi32> to vector<16xi32>
                tpu.vector_store %arg12[%parallel_loop3A_641], %parallel_loop3A_644 {strides = array<i32>} : memref<16384xi32, #tpu.memory_space<vmem>>, vector<16xi32>,
                %parallel_loop3A_645 = arith.select %parallel_loop3A_638, %parallel_loop3A_623, %parallel_loop3A_611 : vector<16xi1>, vector<16xi32>
                %parallel_loop3A_646 = tpu.assume_multiple %parallel_loop3A_603, 8 : i32
                %parallel_loop3A_647 = arith.index_cast %parallel_loop3A_646 : i32 to index
                %parallel_loop3A_648 = tpu.vector_load %arg13[%parallel_loop3A_647] {strides = array<i32>} : memref<16384xi32, #tpu.memory_space<vmem>>, vector<16xi32>,
                %parallel_loop3A_649 = vector.shape_cast %parallel_loop3A_648 : vector<16xi32> to vector<16xi32>
                %parallel_loop3A_650 = vector.shape_cast %parallel_loop3A_645 : vector<16xi32> to vector<16xi32>
                tpu.vector_store %arg13[%parallel_loop3A_647], %parallel_loop3A_650 {strides = array<i32>} : memref<16384xi32, #tpu.memory_space<vmem>>, vector<16xi32>,
              } {sc.loop_unroll_factor = 4 : i64, sc.parallel_access}
            }
            %while3A_583 = arith.constant 1 : i32
            scf.for %while3A_585 = %while3A_581 to %while3A_577 step %while3A_583  : i32 {
              %mul3A_586 = arith.muli %xor3A, %select_n3A_263 : i32
              %mul3A_587 = arith.constant 2048 : i32
              %mul3A_588 = arith.muli %while3A_585, %mul3A_587 : i32
              %add3A_589 = arith.addi %mul3A_586, %mul3A_588 : i32
              %multiple_of3A_590 = tpu.assume_multiple %add3A_589, 8 : i32
              "tpu.region"() ({
                %run_scoped3A = tpu.sem_alloc : memref<!tpu.dma_semaphore, #tpu.memory_space<semaphore_mem>>
                %dma_start3A = tpu.memref_slice %arg26[%multiple_of3A_590] : memref<266240xi32, #tpu.memory_space<vmem_shared>> -> memref<2048xi32, #tpu.memory_space<vmem_shared>>
                %dma_start3A_598 = tpu.memref_slice %arg26[%multiple_of3A_590] : memref<266240xi32, #tpu.memory_space<vmem_shared>> -> memref<2048xi32, #tpu.memory_space<vmem_shared>>
                tpu.enqueue_dma source(%dma_start3A_598 : memref<2048xi32, #tpu.memory_space<vmem_shared>>) target(%arg14 : memref<2048xi32, #tpu.memory_space<vmem>>) target_semaphore(%run_scoped3A : memref<!tpu.dma_semaphore, #tpu.memory_space<semaphore_mem>>)
                %dma_wait3A = tpu.memref_slice %arg26[%multiple_of3A_590] : memref<266240xi32, #tpu.memory_space<vmem_shared>> -> memref<2048xi32, #tpu.memory_space<vmem_shared>>
                %dma_wait3A_599 = tpu.memref_slice %arg26[%multiple_of3A_590] : memref<266240xi32, #tpu.memory_space<vmem_shared>> -> memref<2048xi32, #tpu.memory_space<vmem_shared>>
                tpu.wait_dma2 semaphore(%run_scoped3A : memref<!tpu.dma_semaphore, #tpu.memory_space<semaphore_mem>>) src(%dma_wait3A_599 : memref<2048xi32, #tpu.memory_space<vmem_shared>>) dst(%arg14 : memref<2048xi32, #tpu.memory_space<vmem>>)
                tpu.yield
              }) : () -> ()
              %mul3A_591 = arith.muli %xor3A, %select_n3A_263 : i32
              %mul3A_592 = arith.constant 2048 : i32
              %mul3A_593 = arith.muli %while3A_585, %mul3A_592 : i32
              %add3A_594 = arith.addi %mul3A_591, %mul3A_593 : i32
              %multiple_of3A_595 = tpu.assume_multiple %add3A_594, 8 : i32
              "tpu.region"() ({
                %run_scoped3A = tpu.sem_alloc : memref<!tpu.dma_semaphore, #tpu.memory_space<semaphore_mem>>
                %dma_start3A = tpu.memref_slice %arg27[%multiple_of3A_595] : memref<266240xi32, #tpu.memory_space<vmem_shared>> -> memref<2048xi32, #tpu.memory_space<vmem_shared>>
                %dma_start3A_598 = tpu.memref_slice %arg27[%multiple_of3A_595] : memref<266240xi32, #tpu.memory_space<vmem_shared>> -> memref<2048xi32, #tpu.memory_space<vmem_shared>>
                tpu.enqueue_dma source(%dma_start3A_598 : memref<2048xi32, #tpu.memory_space<vmem_shared>>) target(%arg15 : memref<2048xi32, #tpu.memory_space<vmem>>) target_semaphore(%run_scoped3A : memref<!tpu.dma_semaphore, #tpu.memory_space<semaphore_mem>>)
                %dma_wait3A = tpu.memref_slice %arg27[%multiple_of3A_595] : memref<266240xi32, #tpu.memory_space<vmem_shared>> -> memref<2048xi32, #tpu.memory_space<vmem_shared>>
                %dma_wait3A_599 = tpu.memref_slice %arg27[%multiple_of3A_595] : memref<266240xi32, #tpu.memory_space<vmem_shared>> -> memref<2048xi32, #tpu.memory_space<vmem_shared>>
                tpu.wait_dma2 semaphore(%run_scoped3A : memref<!tpu.dma_semaphore, #tpu.memory_space<semaphore_mem>>) src(%dma_wait3A_599 : memref<2048xi32, #tpu.memory_space<vmem_shared>>) dst(%arg15 : memref<2048xi32, #tpu.memory_space<vmem>>)
                tpu.yield
              }) : () -> ()
              %parallel_loop3A = arith.constant 0 : i32
              %parallel_loop3A_596 = arith.constant 128 : i32
              %parallel_loop3A_597 = arith.constant 1 : i32
              scf.for %parallel_loop3A_598 = %parallel_loop3A to %parallel_loop3A_596 step %parallel_loop3A_597  : i32 {
                %parallel_loop3A_599 = arith.constant 2048 : i32
                %parallel_loop3A_600 = arith.muli %while3A_585, %parallel_loop3A_599 : i32
                %parallel_loop3A_601 = arith.constant 16 : i32
                %parallel_loop3A_602 = arith.muli %parallel_loop3A_598, %parallel_loop3A_601 : i32
                %parallel_loop3A_603 = arith.addi %parallel_loop3A_600, %parallel_loop3A_602 : i32
                %parallel_loop3A_604 = tpu.assume_multiple %parallel_loop3A_603, 8 : i32
                %parallel_loop3A_605 = arith.index_cast %parallel_loop3A_604 : i32 to index
                %parallel_loop3A_606 = tpu.vector_load %arg12[%parallel_loop3A_605] {strides = array<i32>} : memref<16384xi32, #tpu.memory_space<vmem>>, vector<16xi32>,
                %parallel_loop3A_607 = vector.shape_cast %parallel_loop3A_606 : vector<16xi32> to vector<16xi32>
                %parallel_loop3A_608 = tpu.assume_multiple %parallel_loop3A_603, 8 : i32
                %parallel_loop3A_609 = arith.index_cast %parallel_loop3A_608 : i32 to index
                %parallel_loop3A_610 = tpu.vector_load %arg13[%parallel_loop3A_609] {strides = array<i32>} : memref<16384xi32, #tpu.memory_space<vmem>>, vector<16xi32>,
                %parallel_loop3A_611 = vector.shape_cast %parallel_loop3A_610 : vector<16xi32> to vector<16xi32>
                %parallel_loop3A_612 = arith.constant 16 : i32
                %parallel_loop3A_613 = arith.muli %parallel_loop3A_598, %parallel_loop3A_612 : i32
                %parallel_loop3A_614 = tpu.assume_multiple %parallel_loop3A_613, 8 : i32
                %parallel_loop3A_615 = arith.index_cast %parallel_loop3A_614 : i32 to index
                %parallel_loop3A_616 = tpu.vector_load %arg14[%parallel_loop3A_615] {strides = array<i32>} : memref<2048xi32, #tpu.memory_space<vmem>>, vector<16xi32>,
                %parallel_loop3A_617 = vector.shape_cast %parallel_loop3A_616 : vector<16xi32> to vector<16xi32>
                %parallel_loop3A_618 = arith.constant 16 : i32
                %parallel_loop3A_619 = arith.muli %parallel_loop3A_598, %parallel_loop3A_618 : i32
                %parallel_loop3A_620 = tpu.assume_multiple %parallel_loop3A_619, 8 : i32
                %parallel_loop3A_621 = arith.index_cast %parallel_loop3A_620 : i32 to index
                %parallel_loop3A_622 = tpu.vector_load %arg15[%parallel_loop3A_621] {strides = array<i32>} : memref<2048xi32, #tpu.memory_space<vmem>>, vector<16xi32>,
                %parallel_loop3A_623 = vector.shape_cast %parallel_loop3A_622 : vector<16xi32> to vector<16xi32>
                %parallel_loop3A_624 = arith.cmpi sgt, %parallel_loop3A_607, %parallel_loop3A_617 : vector<16xi32>
                %parallel_loop3A_625 = arith.cmpi eq, %parallel_loop3A_607, %parallel_loop3A_617 : vector<16xi32>
                %parallel_loop3A_626 = arith.cmpi sgt, %parallel_loop3A_611, %parallel_loop3A_623 : vector<16xi32>
                %parallel_loop3A_627 = arith.andi %parallel_loop3A_625, %parallel_loop3A_626 : vector<16xi1>
                %parallel_loop3A_628 = arith.ori %parallel_loop3A_624, %parallel_loop3A_627 : vector<16xi1>
                %parallel_loop3A_629 = arith.constant 1 : i32
                %parallel_loop3A_630 = arith.constant 0 : i32
                %parallel_loop3A_631 = vector.broadcast %parallel_loop3A_629 : i32 to vector<16xi32>
                %parallel_loop3A_632 = vector.broadcast %parallel_loop3A_630 : i32 to vector<16xi32>
                %parallel_loop3A_633 = arith.select %parallel_loop3A_628, %parallel_loop3A_631, %parallel_loop3A_632 : vector<16xi1>, vector<16xi32>
                %parallel_loop3A_634 = vector.broadcast %select_n3A_573 : i32 to vector<16xi32>
                %parallel_loop3A_635 = arith.xori %parallel_loop3A_633, %parallel_loop3A_634 : vector<16xi32>
                %parallel_loop3A_636 = arith.constant 0 : i32
                %parallel_loop3A_637 = vector.broadcast %parallel_loop3A_636 : i32 to vector<16xi32>
                %parallel_loop3A_638 = arith.cmpi ne, %parallel_loop3A_635, %parallel_loop3A_637 : vector<16xi32>
                %parallel_loop3A_639 = arith.select %parallel_loop3A_638, %parallel_loop3A_617, %parallel_loop3A_607 : vector<16xi1>, vector<16xi32>
                %parallel_loop3A_640 = tpu.assume_multiple %parallel_loop3A_603, 8 : i32
                %parallel_loop3A_641 = arith.index_cast %parallel_loop3A_640 : i32 to index
                %parallel_loop3A_642 = tpu.vector_load %arg12[%parallel_loop3A_641] {strides = array<i32>} : memref<16384xi32, #tpu.memory_space<vmem>>, vector<16xi32>,
                %parallel_loop3A_643 = vector.shape_cast %parallel_loop3A_642 : vector<16xi32> to vector<16xi32>
                %parallel_loop3A_644 = vector.shape_cast %parallel_loop3A_639 : vector<16xi32> to vector<16xi32>
                tpu.vector_store %arg12[%parallel_loop3A_641], %parallel_loop3A_644 {strides = array<i32>} : memref<16384xi32, #tpu.memory_space<vmem>>, vector<16xi32>,
                %parallel_loop3A_645 = arith.select %parallel_loop3A_638, %parallel_loop3A_623, %parallel_loop3A_611 : vector<16xi1>, vector<16xi32>
                %parallel_loop3A_646 = tpu.assume_multiple %parallel_loop3A_603, 8 : i32
                %parallel_loop3A_647 = arith.index_cast %parallel_loop3A_646 : i32 to index
                %parallel_loop3A_648 = tpu.vector_load %arg13[%parallel_loop3A_647] {strides = array<i32>} : memref<16384xi32, #tpu.memory_space<vmem>>, vector<16xi32>,
                %parallel_loop3A_649 = vector.shape_cast %parallel_loop3A_648 : vector<16xi32> to vector<16xi32>
                %parallel_loop3A_650 = vector.shape_cast %parallel_loop3A_645 : vector<16xi32> to vector<16xi32>
                tpu.vector_store %arg13[%parallel_loop3A_647], %parallel_loop3A_650 {strides = array<i32>} : memref<16384xi32, #tpu.memory_space<vmem>>, vector<16xi32>,
              } {sc.loop_unroll_factor = 4 : i64, sc.parallel_access}
            }
            %barrier3A_584 = arith.constant 0 : index
            tpu.barrier barrier_id(%barrier3A_584)
          } else {
          }
          %lt3A = arith.cmpi slt, %sub3A_537, %sub3A_265 : i32
          %convert_element_type3A_542 = arith.extui %lt3A : i1 to i32
          %cond3A_543 = arith.constant 0 : i32
          %cond3A_544 = arith.cmpi ne, %convert_element_type3A_542, %cond3A_543 : i32
          scf.if %cond3A_544 {
            %shift_left3A_545 = arith.constant 1 : i32
            %shift_left3A_546 = arith.shli %shift_left3A_545, %sub3A_537 : i32
            %shift_right_logical3A = arith.constant 5 : i32
            %shift_right_logical3A_547 = arith.shrui %select_n3A_263, %shift_right_logical3A : i32
            %parallel_loop3A = arith.constant 0 : i32
            %parallel_loop3A_548 = arith.constant 1 : i32
            scf.for %parallel_loop3A_549 = %parallel_loop3A to %shift_right_logical3A_547 step %parallel_loop3A_548  : i32 {
              %parallel_loop3A_550 = arith.constant 4 : i32
              %parallel_loop3A_551 = arith.subi %sub3A_537, %parallel_loop3A_550 : i32
              %parallel_loop3A_552 = arith.shrui %parallel_loop3A_549, %parallel_loop3A_551 : i32
              %parallel_loop3A_553 = arith.constant 4 : i32
              %parallel_loop3A_554 = arith.shrui %shift_left3A_546, %parallel_loop3A_553 : i32
              %parallel_loop3A_555 = arith.constant 1 : i32
              %parallel_loop3A_556 = arith.subi %parallel_loop3A_554, %parallel_loop3A_555 : i32
              %parallel_loop3A_557 = arith.andi %parallel_loop3A_549, %parallel_loop3A_556 : i32
              %parallel_loop3A_558 = arith.constant 1 : i32
              %parallel_loop3A_559 = arith.addi %sub3A_537, %parallel_loop3A_558 : i32
              %parallel_loop3A_560 = arith.shli %parallel_loop3A_552, %parallel_loop3A_559 : i32
              %parallel_loop3A_561 = arith.constant 16 : i32
              %parallel_loop3A_562 = arith.muli %parallel_loop3A_557, %parallel_loop3A_561 : i32
              %parallel_loop3A_563 = arith.addi %parallel_loop3A_560, %parallel_loop3A_562 : i32
              %parallel_loop3A_564 = arith.muli %arg1, %select_n3A_263 : i32
              %parallel_loop3A_565 = arith.addi %parallel_loop3A_564, %parallel_loop3A_560 : i32
              %parallel_loop3A_566 = arith.shrui %parallel_loop3A_565, %while3A_499 : i32
              %parallel_loop3A_567 = arith.constant 1 : i32
              %parallel_loop3A_568 = arith.andi %parallel_loop3A_566, %parallel_loop3A_567 : i32
              %parallel_loop3A_569 = tpu.assume_multiple %parallel_loop3A_563, 8 : i32
              %parallel_loop3A_570 = arith.index_cast %parallel_loop3A_569 : i32 to index
              %parallel_loop3A_571 = tpu.vector_load %arg12[%parallel_loop3A_570] {strides = array<i32>} : memref<16384xi32, #tpu.memory_space<vmem>>, vector<16xi32>,
              %parallel_loop3A_572 = vector.shape_cast %parallel_loop3A_571 : vector<16xi32> to vector<16xi32>
              %parallel_loop3A_573 = tpu.assume_multiple %parallel_loop3A_563, 8 : i32
              %parallel_loop3A_574 = arith.index_cast %parallel_loop3A_573 : i32 to index
              %parallel_loop3A_575 = tpu.vector_load %arg13[%parallel_loop3A_574] {strides = array<i32>} : memref<16384xi32, #tpu.memory_space<vmem>>, vector<16xi32>,
              %parallel_loop3A_576 = vector.shape_cast %parallel_loop3A_575 : vector<16xi32> to vector<16xi32>
              %parallel_loop3A_577 = arith.addi %parallel_loop3A_563, %shift_left3A_546 : i32
              %parallel_loop3A_578 = tpu.assume_multiple %parallel_loop3A_577, 8 : i32
              %parallel_loop3A_579 = arith.index_cast %parallel_loop3A_578 : i32 to index
              %parallel_loop3A_580 = tpu.vector_load %arg12[%parallel_loop3A_579] {strides = array<i32>} : memref<16384xi32, #tpu.memory_space<vmem>>, vector<16xi32>,
              %parallel_loop3A_581 = vector.shape_cast %parallel_loop3A_580 : vector<16xi32> to vector<16xi32>
              %parallel_loop3A_582 = arith.addi %parallel_loop3A_563, %shift_left3A_546 : i32
              %parallel_loop3A_583 = tpu.assume_multiple %parallel_loop3A_582, 8 : i32
              %parallel_loop3A_584 = arith.index_cast %parallel_loop3A_583 : i32 to index
              %parallel_loop3A_585 = tpu.vector_load %arg13[%parallel_loop3A_584] {strides = array<i32>} : memref<16384xi32, #tpu.memory_space<vmem>>, vector<16xi32>,
              %parallel_loop3A_586 = vector.shape_cast %parallel_loop3A_585 : vector<16xi32> to vector<16xi32>
              %parallel_loop3A_587 = arith.cmpi sgt, %parallel_loop3A_572, %parallel_loop3A_581 : vector<16xi32>
              %parallel_loop3A_588 = arith.cmpi eq, %parallel_loop3A_572, %parallel_loop3A_581 : vector<16xi32>
              %parallel_loop3A_589 = arith.cmpi sgt, %parallel_loop3A_576, %parallel_loop3A_586 : vector<16xi32>
              %parallel_loop3A_590 = arith.andi %parallel_loop3A_588, %parallel_loop3A_589 : vector<16xi1>
              %parallel_loop3A_591 = arith.ori %parallel_loop3A_587, %parallel_loop3A_590 : vector<16xi1>
              %parallel_loop3A_592 = arith.constant 1 : i32
              %parallel_loop3A_593 = arith.constant 0 : i32
              %parallel_loop3A_594 = vector.broadcast %parallel_loop3A_592 : i32 to vector<16xi32>
              %parallel_loop3A_595 = vector.broadcast %parallel_loop3A_593 : i32 to vector<16xi32>
              %parallel_loop3A_596 = arith.select %parallel_loop3A_591, %parallel_loop3A_594, %parallel_loop3A_595 : vector<16xi1>, vector<16xi32>
              %parallel_loop3A_597 = vector.broadcast %parallel_loop3A_568 : i32 to vector<16xi32>
              %parallel_loop3A_598 = arith.xori %parallel_loop3A_596, %parallel_loop3A_597 : vector<16xi32>
              %parallel_loop3A_599 = arith.constant 0 : i32
              %parallel_loop3A_600 = vector.broadcast %parallel_loop3A_599 : i32 to vector<16xi32>
              %parallel_loop3A_601 = arith.cmpi ne, %parallel_loop3A_598, %parallel_loop3A_600 : vector<16xi32>
              %parallel_loop3A_602 = arith.select %parallel_loop3A_601, %parallel_loop3A_581, %parallel_loop3A_572 : vector<16xi1>, vector<16xi32>
              %parallel_loop3A_603 = tpu.assume_multiple %parallel_loop3A_563, 8 : i32
              %parallel_loop3A_604 = arith.index_cast %parallel_loop3A_603 : i32 to index
              %parallel_loop3A_605 = tpu.vector_load %arg12[%parallel_loop3A_604] {strides = array<i32>} : memref<16384xi32, #tpu.memory_space<vmem>>, vector<16xi32>,
              %parallel_loop3A_606 = vector.shape_cast %parallel_loop3A_605 : vector<16xi32> to vector<16xi32>
              %parallel_loop3A_607 = vector.shape_cast %parallel_loop3A_602 : vector<16xi32> to vector<16xi32>
              tpu.vector_store %arg12[%parallel_loop3A_604], %parallel_loop3A_607 {strides = array<i32>} : memref<16384xi32, #tpu.memory_space<vmem>>, vector<16xi32>,
              %parallel_loop3A_608 = arith.select %parallel_loop3A_601, %parallel_loop3A_586, %parallel_loop3A_576 : vector<16xi1>, vector<16xi32>
              %parallel_loop3A_609 = tpu.assume_multiple %parallel_loop3A_563, 8 : i32
              %parallel_loop3A_610 = arith.index_cast %parallel_loop3A_609 : i32 to index
              %parallel_loop3A_611 = tpu.vector_load %arg13[%parallel_loop3A_610] {strides = array<i32>} : memref<16384xi32, #tpu.memory_space<vmem>>, vector<16xi32>,
              %parallel_loop3A_612 = vector.shape_cast %parallel_loop3A_611 : vector<16xi32> to vector<16xi32>
              %parallel_loop3A_613 = vector.shape_cast %parallel_loop3A_608 : vector<16xi32> to vector<16xi32>
              tpu.vector_store %arg13[%parallel_loop3A_610], %parallel_loop3A_613 {strides = array<i32>} : memref<16384xi32, #tpu.memory_space<vmem>>, vector<16xi32>,
              %parallel_loop3A_614 = arith.select %parallel_loop3A_601, %parallel_loop3A_572, %parallel_loop3A_581 : vector<16xi1>, vector<16xi32>
              %parallel_loop3A_615 = arith.addi %parallel_loop3A_563, %shift_left3A_546 : i32
              %parallel_loop3A_616 = tpu.assume_multiple %parallel_loop3A_615, 8 : i32
              %parallel_loop3A_617 = arith.index_cast %parallel_loop3A_616 : i32 to index
              %parallel_loop3A_618 = tpu.vector_load %arg12[%parallel_loop3A_617] {strides = array<i32>} : memref<16384xi32, #tpu.memory_space<vmem>>, vector<16xi32>,
              %parallel_loop3A_619 = vector.shape_cast %parallel_loop3A_618 : vector<16xi32> to vector<16xi32>
              %parallel_loop3A_620 = vector.shape_cast %parallel_loop3A_614 : vector<16xi32> to vector<16xi32>
              tpu.vector_store %arg12[%parallel_loop3A_617], %parallel_loop3A_620 {strides = array<i32>} : memref<16384xi32, #tpu.memory_space<vmem>>, vector<16xi32>,
              %parallel_loop3A_621 = arith.select %parallel_loop3A_601, %parallel_loop3A_576, %parallel_loop3A_586 : vector<16xi1>, vector<16xi32>
              %parallel_loop3A_622 = arith.addi %parallel_loop3A_563, %shift_left3A_546 : i32
              %parallel_loop3A_623 = tpu.assume_multiple %parallel_loop3A_622, 8 : i32
              %parallel_loop3A_624 = arith.index_cast %parallel_loop3A_623 : i32 to index
              %parallel_loop3A_625 = tpu.vector_load %arg13[%parallel_loop3A_624] {strides = array<i32>} : memref<16384xi32, #tpu.memory_space<vmem>>, vector<16xi32>,
              %parallel_loop3A_626 = vector.shape_cast %parallel_loop3A_625 : vector<16xi32> to vector<16xi32>
              %parallel_loop3A_627 = vector.shape_cast %parallel_loop3A_621 : vector<16xi32> to vector<16xi32>
              tpu.vector_store %arg13[%parallel_loop3A_624], %parallel_loop3A_627 {strides = array<i32>} : memref<16384xi32, #tpu.memory_space<vmem>>, vector<16xi32>,
            } {sc.loop_unroll_factor = 4 : i64, sc.parallel_access}
          } else {
          }
        }
        %while3A_513 = arith.constant 1 : i32
        scf.for %while3A_534 = %while3A_511 to %while3A_507 step %while3A_513  : i32 {
          %sub3A_535 = arith.constant 1 : i32
          %sub3A_536 = arith.subi %while3A_499, %sub3A_535 : i32
          %sub3A_537 = arith.subi %sub3A_536, %while3A_534 : i32
          %ge3A_538 = arith.cmpi sge, %sub3A_537, %sub3A_265 : i32
          %convert_element_type3A_539 = arith.extui %ge3A_538 : i1 to i32
          %cond3A_540 = arith.constant 0 : i32
          %cond3A_541 = arith.cmpi ne, %convert_element_type3A_539, %cond3A_540 : i32
          scf.if %cond3A_541 {
            %while3A_545 = arith.constant 0 : i32
            %while3A_546 = arith.constant 0 : i32
            %while3A_547 = arith.subi %select_n3A_289, %while3A_546 : i32
            %while3A_548 = arith.addi %while3A_546, %while3A_547 : i32
            %while3A_549 = arith.constant 1 : i32
            %while3A_550 = arith.divsi %while3A_547, %while3A_549 : i32
            %while3A_551 = arith.muli %while3A_550, %while3A_549 : i32
            %while3A_552 = arith.addi %while3A_546, %while3A_551 : i32
            %while3A_553 = arith.constant 1 : i32
            scf.for %while3A_585 = %while3A_546 to %while3A_552 step %while3A_553  : i32 {
              %mul3A_586 = arith.constant 2048 : i32
              %mul3A_587 = arith.muli %while3A_585, %mul3A_586 : i32
              %multiple_of3A_588 = tpu.assume_multiple %mul3A_587, 8 : i32
              %mul3A_589 = arith.muli %arg1, %select_n3A_263 : i32
              %mul3A_590 = arith.constant 2048 : i32
              %mul3A_591 = arith.muli %while3A_585, %mul3A_590 : i32
              %add3A_592 = arith.addi %mul3A_589, %mul3A_591 : i32
              %multiple_of3A_593 = tpu.assume_multiple %add3A_592, 8 : i32
              "tpu.region"() ({
                %run_scoped3A = tpu.sem_alloc : memref<!tpu.dma_semaphore, #tpu.memory_space<semaphore_mem>>
                %dma_start3A = tpu.memref_slice %arg12[%multiple_of3A_588] : memref<16384xi32, #tpu.memory_space<vmem>> -> memref<2048xi32, #tpu.memory_space<vmem>>
                %dma_start3A_602 = tpu.memref_slice %arg26[%multiple_of3A_593] : memref<266240xi32, #tpu.memory_space<vmem_shared>> -> memref<2048xi32, #tpu.memory_space<vmem_shared>>
                %dma_start3A_603 = tpu.memref_slice %arg26[%multiple_of3A_593] : memref<266240xi32, #tpu.memory_space<vmem_shared>> -> memref<2048xi32, #tpu.memory_space<vmem_shared>>
                %dma_start3A_604 = tpu.memref_slice %arg12[%multiple_of3A_588] : memref<16384xi32, #tpu.memory_space<vmem>> -> memref<2048xi32, #tpu.memory_space<vmem>>
                tpu.enqueue_dma source(%dma_start3A_604 : memref<2048xi32, #tpu.memory_space<vmem>>) target(%dma_start3A_603 : memref<2048xi32, #tpu.memory_space<vmem_shared>>) target_semaphore(%run_scoped3A : memref<!tpu.dma_semaphore, #tpu.memory_space<semaphore_mem>>)
                %dma_wait3A = tpu.memref_slice %arg12[%multiple_of3A_588] : memref<16384xi32, #tpu.memory_space<vmem>> -> memref<2048xi32, #tpu.memory_space<vmem>>
                %dma_wait3A_605 = tpu.memref_slice %arg26[%multiple_of3A_593] : memref<266240xi32, #tpu.memory_space<vmem_shared>> -> memref<2048xi32, #tpu.memory_space<vmem_shared>>
                %dma_wait3A_606 = tpu.memref_slice %arg26[%multiple_of3A_593] : memref<266240xi32, #tpu.memory_space<vmem_shared>> -> memref<2048xi32, #tpu.memory_space<vmem_shared>>
                %dma_wait3A_607 = tpu.memref_slice %arg12[%multiple_of3A_588] : memref<16384xi32, #tpu.memory_space<vmem>> -> memref<2048xi32, #tpu.memory_space<vmem>>
                tpu.wait_dma2 semaphore(%run_scoped3A : memref<!tpu.dma_semaphore, #tpu.memory_space<semaphore_mem>>) src(%dma_wait3A_607 : memref<2048xi32, #tpu.memory_space<vmem>>) dst(%dma_wait3A_606 : memref<2048xi32, #tpu.memory_space<vmem_shared>>)
                tpu.yield
              }) : () -> ()
              %mul3A_594 = arith.constant 2048 : i32
              %mul3A_595 = arith.muli %while3A_585, %mul3A_594 : i32
              %multiple_of3A_596 = tpu.assume_multiple %mul3A_595, 8 : i32
              %mul3A_597 = arith.muli %arg1, %select_n3A_263 : i32
              %mul3A_598 = arith.constant 2048 : i32
              %mul3A_599 = arith.muli %while3A_585, %mul3A_598 : i32
              %add3A_600 = arith.addi %mul3A_597, %mul3A_599 : i32
              %multiple_of3A_601 = tpu.assume_multiple %add3A_600, 8 : i32
              "tpu.region"() ({
                %run_scoped3A = tpu.sem_alloc : memref<!tpu.dma_semaphore, #tpu.memory_space<semaphore_mem>>
                %dma_start3A = tpu.memref_slice %arg13[%multiple_of3A_596] : memref<16384xi32, #tpu.memory_space<vmem>> -> memref<2048xi32, #tpu.memory_space<vmem>>
                %dma_start3A_602 = tpu.memref_slice %arg27[%multiple_of3A_601] : memref<266240xi32, #tpu.memory_space<vmem_shared>> -> memref<2048xi32, #tpu.memory_space<vmem_shared>>
                %dma_start3A_603 = tpu.memref_slice %arg27[%multiple_of3A_601] : memref<266240xi32, #tpu.memory_space<vmem_shared>> -> memref<2048xi32, #tpu.memory_space<vmem_shared>>
                %dma_start3A_604 = tpu.memref_slice %arg13[%multiple_of3A_596] : memref<16384xi32, #tpu.memory_space<vmem>> -> memref<2048xi32, #tpu.memory_space<vmem>>
                tpu.enqueue_dma source(%dma_start3A_604 : memref<2048xi32, #tpu.memory_space<vmem>>) target(%dma_start3A_603 : memref<2048xi32, #tpu.memory_space<vmem_shared>>) target_semaphore(%run_scoped3A : memref<!tpu.dma_semaphore, #tpu.memory_space<semaphore_mem>>)
                %dma_wait3A = tpu.memref_slice %arg13[%multiple_of3A_596] : memref<16384xi32, #tpu.memory_space<vmem>> -> memref<2048xi32, #tpu.memory_space<vmem>>
                %dma_wait3A_605 = tpu.memref_slice %arg27[%multiple_of3A_601] : memref<266240xi32, #tpu.memory_space<vmem_shared>> -> memref<2048xi32, #tpu.memory_space<vmem_shared>>
                %dma_wait3A_606 = tpu.memref_slice %arg27[%multiple_of3A_601] : memref<266240xi32, #tpu.memory_space<vmem_shared>> -> memref<2048xi32, #tpu.memory_space<vmem_shared>>
                %dma_wait3A_607 = tpu.memref_slice %arg13[%multiple_of3A_596] : memref<16384xi32, #tpu.memory_space<vmem>> -> memref<2048xi32, #tpu.memory_space<vmem>>
                tpu.wait_dma2 semaphore(%run_scoped3A : memref<!tpu.dma_semaphore, #tpu.memory_space<semaphore_mem>>) src(%dma_wait3A_607 : memref<2048xi32, #tpu.memory_space<vmem>>) dst(%dma_wait3A_606 : memref<2048xi32, #tpu.memory_space<vmem_shared>>)
                tpu.yield
              }) : () -> ()
            }
            %while3A_554 = arith.constant 1 : i32
            scf.for %while3A_585 = %while3A_552 to %while3A_548 step %while3A_554  : i32 {
              %mul3A_586 = arith.constant 2048 : i32
              %mul3A_587 = arith.muli %while3A_585, %mul3A_586 : i32
              %multiple_of3A_588 = tpu.assume_multiple %mul3A_587, 8 : i32
              %mul3A_589 = arith.muli %arg1, %select_n3A_263 : i32
              %mul3A_590 = arith.constant 2048 : i32
              %mul3A_591 = arith.muli %while3A_585, %mul3A_590 : i32
              %add3A_592 = arith.addi %mul3A_589, %mul3A_591 : i32
              %multiple_of3A_593 = tpu.assume_multiple %add3A_592, 8 : i32
              "tpu.region"() ({
                %run_scoped3A = tpu.sem_alloc : memref<!tpu.dma_semaphore, #tpu.memory_space<semaphore_mem>>
                %dma_start3A = tpu.memref_slice %arg12[%multiple_of3A_588] : memref<16384xi32, #tpu.memory_space<vmem>> -> memref<2048xi32, #tpu.memory_space<vmem>>
                %dma_start3A_602 = tpu.memref_slice %arg26[%multiple_of3A_593] : memref<266240xi32, #tpu.memory_space<vmem_shared>> -> memref<2048xi32, #tpu.memory_space<vmem_shared>>
                %dma_start3A_603 = tpu.memref_slice %arg26[%multiple_of3A_593] : memref<266240xi32, #tpu.memory_space<vmem_shared>> -> memref<2048xi32, #tpu.memory_space<vmem_shared>>
                %dma_start3A_604 = tpu.memref_slice %arg12[%multiple_of3A_588] : memref<16384xi32, #tpu.memory_space<vmem>> -> memref<2048xi32, #tpu.memory_space<vmem>>
                tpu.enqueue_dma source(%dma_start3A_604 : memref<2048xi32, #tpu.memory_space<vmem>>) target(%dma_start3A_603 : memref<2048xi32, #tpu.memory_space<vmem_shared>>) target_semaphore(%run_scoped3A : memref<!tpu.dma_semaphore, #tpu.memory_space<semaphore_mem>>)
                %dma_wait3A = tpu.memref_slice %arg12[%multiple_of3A_588] : memref<16384xi32, #tpu.memory_space<vmem>> -> memref<2048xi32, #tpu.memory_space<vmem>>
                %dma_wait3A_605 = tpu.memref_slice %arg26[%multiple_of3A_593] : memref<266240xi32, #tpu.memory_space<vmem_shared>> -> memref<2048xi32, #tpu.memory_space<vmem_shared>>
                %dma_wait3A_606 = tpu.memref_slice %arg26[%multiple_of3A_593] : memref<266240xi32, #tpu.memory_space<vmem_shared>> -> memref<2048xi32, #tpu.memory_space<vmem_shared>>
                %dma_wait3A_607 = tpu.memref_slice %arg12[%multiple_of3A_588] : memref<16384xi32, #tpu.memory_space<vmem>> -> memref<2048xi32, #tpu.memory_space<vmem>>
                tpu.wait_dma2 semaphore(%run_scoped3A : memref<!tpu.dma_semaphore, #tpu.memory_space<semaphore_mem>>) src(%dma_wait3A_607 : memref<2048xi32, #tpu.memory_space<vmem>>) dst(%dma_wait3A_606 : memref<2048xi32, #tpu.memory_space<vmem_shared>>)
                tpu.yield
              }) : () -> ()
              %mul3A_594 = arith.constant 2048 : i32
              %mul3A_595 = arith.muli %while3A_585, %mul3A_594 : i32
              %multiple_of3A_596 = tpu.assume_multiple %mul3A_595, 8 : i32
              %mul3A_597 = arith.muli %arg1, %select_n3A_263 : i32
              %mul3A_598 = arith.constant 2048 : i32
              %mul3A_599 = arith.muli %while3A_585, %mul3A_598 : i32
              %add3A_600 = arith.addi %mul3A_597, %mul3A_599 : i32
              %multiple_of3A_601 = tpu.assume_multiple %add3A_600, 8 : i32
              "tpu.region"() ({
                %run_scoped3A = tpu.sem_alloc : memref<!tpu.dma_semaphore, #tpu.memory_space<semaphore_mem>>
                %dma_start3A = tpu.memref_slice %arg13[%multiple_of3A_596] : memref<16384xi32, #tpu.memory_space<vmem>> -> memref<2048xi32, #tpu.memory_space<vmem>>
                %dma_start3A_602 = tpu.memref_slice %arg27[%multiple_of3A_601] : memref<266240xi32, #tpu.memory_space<vmem_shared>> -> memref<2048xi32, #tpu.memory_space<vmem_shared>>
                %dma_start3A_603 = tpu.memref_slice %arg27[%multiple_of3A_601] : memref<266240xi32, #tpu.memory_space<vmem_shared>> -> memref<2048xi32, #tpu.memory_space<vmem_shared>>
                %dma_start3A_604 = tpu.memref_slice %arg13[%multiple_of3A_596] : memref<16384xi32, #tpu.memory_space<vmem>> -> memref<2048xi32, #tpu.memory_space<vmem>>
                tpu.enqueue_dma source(%dma_start3A_604 : memref<2048xi32, #tpu.memory_space<vmem>>) target(%dma_start3A_603 : memref<2048xi32, #tpu.memory_space<vmem_shared>>) target_semaphore(%run_scoped3A : memref<!tpu.dma_semaphore, #tpu.memory_space<semaphore_mem>>)
                %dma_wait3A = tpu.memref_slice %arg13[%multiple_of3A_596] : memref<16384xi32, #tpu.memory_space<vmem>> -> memref<2048xi32, #tpu.memory_space<vmem>>
                %dma_wait3A_605 = tpu.memref_slice %arg27[%multiple_of3A_601] : memref<266240xi32, #tpu.memory_space<vmem_shared>> -> memref<2048xi32, #tpu.memory_space<vmem_shared>>
                %dma_wait3A_606 = tpu.memref_slice %arg27[%multiple_of3A_601] : memref<266240xi32, #tpu.memory_space<vmem_shared>> -> memref<2048xi32, #tpu.memory_space<vmem_shared>>
                %dma_wait3A_607 = tpu.memref_slice %arg13[%multiple_of3A_596] : memref<16384xi32, #tpu.memory_space<vmem>> -> memref<2048xi32, #tpu.memory_space<vmem>>
                tpu.wait_dma2 semaphore(%run_scoped3A : memref<!tpu.dma_semaphore, #tpu.memory_space<semaphore_mem>>) src(%dma_wait3A_607 : memref<2048xi32, #tpu.memory_space<vmem>>) dst(%dma_wait3A_606 : memref<2048xi32, #tpu.memory_space<vmem_shared>>)
                tpu.yield
              }) : () -> ()
            }
            %barrier3A_555 = arith.constant 0 : index
            tpu.barrier barrier_id(%barrier3A_555)
            %sub3A_556 = arith.subi %sub3A_537, %sub3A_265 : i32
            %shift_left3A_557 = arith.constant 1 : i32
            %shift_left3A_558 = arith.shli %shift_left3A_557, %sub3A_556 : i32
            %xor3A = arith.xori %arg1, %shift_left3A_558 : i32
            %and3A_559 = arith.andi %arg1, %shift_left3A_558 : i32
            %gt3A_560 = arith.constant 0 : i32
            %gt3A_561 = arith.cmpi sgt, %and3A_559, %gt3A_560 : i32
            %jit3A_562 = arith.constant 1 : i32
            %jit3A_563 = arith.constant 0 : i32
            %select_n3A_564 = arith.select %gt3A_561, %jit3A_562, %jit3A_563 : i32
            %mul3A_565 = arith.muli %arg1, %select_n3A_263 : i32
            %shift_right_logical3A = arith.shrui %mul3A_565, %while3A_499 : i32
            %and3A_566 = arith.constant 1 : i32
            %and3A_567 = arith.andi %shift_right_logical3A, %and3A_566 : i32
            %sub3A_568 = arith.constant 1 : i32
            %sub3A_569 = arith.subi %sub3A_568, %and3A_567 : i32
            %eq3A_570 = arith.cmpi eq, %select_n3A_564, %sub3A_569 : i32
            %jit3A_571 = arith.constant 1 : i32
            %jit3A_572 = arith.constant 0 : i32
            %select_n3A_573 = arith.select %eq3A_570, %jit3A_571, %jit3A_572 : i32
            %while3A_574 = arith.constant 0 : i32
            %while3A_575 = arith.constant 0 : i32
            %while3A_576 = arith.subi %select_n3A_289, %while3A_575 : i32
            %while3A_577 = arith.addi %while3A_575, %while3A_576 : i32
            %while3A_578 = arith.constant 1 : i32
            %while3A_579 = arith.divsi %while3A_576, %while3A_578 : i32
            %while3A_580 = arith.muli %while3A_579, %while3A_578 : i32
            %while3A_581 = arith.addi %while3A_575, %while3A_580 : i32
            %while3A_582 = arith.constant 1 : i32
            scf.for %while3A_585 = %while3A_575 to %while3A_581 step %while3A_582  : i32 {
              %mul3A_586 = arith.muli %xor3A, %select_n3A_263 : i32
              %mul3A_587 = arith.constant 2048 : i32
              %mul3A_588 = arith.muli %while3A_585, %mul3A_587 : i32
              %add3A_589 = arith.addi %mul3A_586, %mul3A_588 : i32
              %multiple_of3A_590 = tpu.assume_multiple %add3A_589, 8 : i32
              "tpu.region"() ({
                %run_scoped3A = tpu.sem_alloc : memref<!tpu.dma_semaphore, #tpu.memory_space<semaphore_mem>>
                %dma_start3A = tpu.memref_slice %arg26[%multiple_of3A_590] : memref<266240xi32, #tpu.memory_space<vmem_shared>> -> memref<2048xi32, #tpu.memory_space<vmem_shared>>
                %dma_start3A_598 = tpu.memref_slice %arg26[%multiple_of3A_590] : memref<266240xi32, #tpu.memory_space<vmem_shared>> -> memref<2048xi32, #tpu.memory_space<vmem_shared>>
                tpu.enqueue_dma source(%dma_start3A_598 : memref<2048xi32, #tpu.memory_space<vmem_shared>>) target(%arg14 : memref<2048xi32, #tpu.memory_space<vmem>>) target_semaphore(%run_scoped3A : memref<!tpu.dma_semaphore, #tpu.memory_space<semaphore_mem>>)
                %dma_wait3A = tpu.memref_slice %arg26[%multiple_of3A_590] : memref<266240xi32, #tpu.memory_space<vmem_shared>> -> memref<2048xi32, #tpu.memory_space<vmem_shared>>
                %dma_wait3A_599 = tpu.memref_slice %arg26[%multiple_of3A_590] : memref<266240xi32, #tpu.memory_space<vmem_shared>> -> memref<2048xi32, #tpu.memory_space<vmem_shared>>
                tpu.wait_dma2 semaphore(%run_scoped3A : memref<!tpu.dma_semaphore, #tpu.memory_space<semaphore_mem>>) src(%dma_wait3A_599 : memref<2048xi32, #tpu.memory_space<vmem_shared>>) dst(%arg14 : memref<2048xi32, #tpu.memory_space<vmem>>)
                tpu.yield
              }) : () -> ()
              %mul3A_591 = arith.muli %xor3A, %select_n3A_263 : i32
              %mul3A_592 = arith.constant 2048 : i32
              %mul3A_593 = arith.muli %while3A_585, %mul3A_592 : i32
              %add3A_594 = arith.addi %mul3A_591, %mul3A_593 : i32
              %multiple_of3A_595 = tpu.assume_multiple %add3A_594, 8 : i32
              "tpu.region"() ({
                %run_scoped3A = tpu.sem_alloc : memref<!tpu.dma_semaphore, #tpu.memory_space<semaphore_mem>>
                %dma_start3A = tpu.memref_slice %arg27[%multiple_of3A_595] : memref<266240xi32, #tpu.memory_space<vmem_shared>> -> memref<2048xi32, #tpu.memory_space<vmem_shared>>
                %dma_start3A_598 = tpu.memref_slice %arg27[%multiple_of3A_595] : memref<266240xi32, #tpu.memory_space<vmem_shared>> -> memref<2048xi32, #tpu.memory_space<vmem_shared>>
                tpu.enqueue_dma source(%dma_start3A_598 : memref<2048xi32, #tpu.memory_space<vmem_shared>>) target(%arg15 : memref<2048xi32, #tpu.memory_space<vmem>>) target_semaphore(%run_scoped3A : memref<!tpu.dma_semaphore, #tpu.memory_space<semaphore_mem>>)
                %dma_wait3A = tpu.memref_slice %arg27[%multiple_of3A_595] : memref<266240xi32, #tpu.memory_space<vmem_shared>> -> memref<2048xi32, #tpu.memory_space<vmem_shared>>
                %dma_wait3A_599 = tpu.memref_slice %arg27[%multiple_of3A_595] : memref<266240xi32, #tpu.memory_space<vmem_shared>> -> memref<2048xi32, #tpu.memory_space<vmem_shared>>
                tpu.wait_dma2 semaphore(%run_scoped3A : memref<!tpu.dma_semaphore, #tpu.memory_space<semaphore_mem>>) src(%dma_wait3A_599 : memref<2048xi32, #tpu.memory_space<vmem_shared>>) dst(%arg15 : memref<2048xi32, #tpu.memory_space<vmem>>)
                tpu.yield
              }) : () -> ()
              %parallel_loop3A = arith.constant 0 : i32
              %parallel_loop3A_596 = arith.constant 128 : i32
              %parallel_loop3A_597 = arith.constant 1 : i32
              scf.for %parallel_loop3A_598 = %parallel_loop3A to %parallel_loop3A_596 step %parallel_loop3A_597  : i32 {
                %parallel_loop3A_599 = arith.constant 2048 : i32
                %parallel_loop3A_600 = arith.muli %while3A_585, %parallel_loop3A_599 : i32
                %parallel_loop3A_601 = arith.constant 16 : i32
                %parallel_loop3A_602 = arith.muli %parallel_loop3A_598, %parallel_loop3A_601 : i32
                %parallel_loop3A_603 = arith.addi %parallel_loop3A_600, %parallel_loop3A_602 : i32
                %parallel_loop3A_604 = tpu.assume_multiple %parallel_loop3A_603, 8 : i32
                %parallel_loop3A_605 = arith.index_cast %parallel_loop3A_604 : i32 to index
                %parallel_loop3A_606 = tpu.vector_load %arg12[%parallel_loop3A_605] {strides = array<i32>} : memref<16384xi32, #tpu.memory_space<vmem>>, vector<16xi32>,
                %parallel_loop3A_607 = vector.shape_cast %parallel_loop3A_606 : vector<16xi32> to vector<16xi32>
                %parallel_loop3A_608 = tpu.assume_multiple %parallel_loop3A_603, 8 : i32
                %parallel_loop3A_609 = arith.index_cast %parallel_loop3A_608 : i32 to index
                %parallel_loop3A_610 = tpu.vector_load %arg13[%parallel_loop3A_609] {strides = array<i32>} : memref<16384xi32, #tpu.memory_space<vmem>>, vector<16xi32>,
                %parallel_loop3A_611 = vector.shape_cast %parallel_loop3A_610 : vector<16xi32> to vector<16xi32>
                %parallel_loop3A_612 = arith.constant 16 : i32
                %parallel_loop3A_613 = arith.muli %parallel_loop3A_598, %parallel_loop3A_612 : i32
                %parallel_loop3A_614 = tpu.assume_multiple %parallel_loop3A_613, 8 : i32
                %parallel_loop3A_615 = arith.index_cast %parallel_loop3A_614 : i32 to index
                %parallel_loop3A_616 = tpu.vector_load %arg14[%parallel_loop3A_615] {strides = array<i32>} : memref<2048xi32, #tpu.memory_space<vmem>>, vector<16xi32>,
                %parallel_loop3A_617 = vector.shape_cast %parallel_loop3A_616 : vector<16xi32> to vector<16xi32>
                %parallel_loop3A_618 = arith.constant 16 : i32
                %parallel_loop3A_619 = arith.muli %parallel_loop3A_598, %parallel_loop3A_618 : i32
                %parallel_loop3A_620 = tpu.assume_multiple %parallel_loop3A_619, 8 : i32
                %parallel_loop3A_621 = arith.index_cast %parallel_loop3A_620 : i32 to index
                %parallel_loop3A_622 = tpu.vector_load %arg15[%parallel_loop3A_621] {strides = array<i32>} : memref<2048xi32, #tpu.memory_space<vmem>>, vector<16xi32>,
                %parallel_loop3A_623 = vector.shape_cast %parallel_loop3A_622 : vector<16xi32> to vector<16xi32>
                %parallel_loop3A_624 = arith.cmpi sgt, %parallel_loop3A_607, %parallel_loop3A_617 : vector<16xi32>
                %parallel_loop3A_625 = arith.cmpi eq, %parallel_loop3A_607, %parallel_loop3A_617 : vector<16xi32>
                %parallel_loop3A_626 = arith.cmpi sgt, %parallel_loop3A_611, %parallel_loop3A_623 : vector<16xi32>
                %parallel_loop3A_627 = arith.andi %parallel_loop3A_625, %parallel_loop3A_626 : vector<16xi1>
                %parallel_loop3A_628 = arith.ori %parallel_loop3A_624, %parallel_loop3A_627 : vector<16xi1>
                %parallel_loop3A_629 = arith.constant 1 : i32
                %parallel_loop3A_630 = arith.constant 0 : i32
                %parallel_loop3A_631 = vector.broadcast %parallel_loop3A_629 : i32 to vector<16xi32>
                %parallel_loop3A_632 = vector.broadcast %parallel_loop3A_630 : i32 to vector<16xi32>
                %parallel_loop3A_633 = arith.select %parallel_loop3A_628, %parallel_loop3A_631, %parallel_loop3A_632 : vector<16xi1>, vector<16xi32>
                %parallel_loop3A_634 = vector.broadcast %select_n3A_573 : i32 to vector<16xi32>
                %parallel_loop3A_635 = arith.xori %parallel_loop3A_633, %parallel_loop3A_634 : vector<16xi32>
                %parallel_loop3A_636 = arith.constant 0 : i32
                %parallel_loop3A_637 = vector.broadcast %parallel_loop3A_636 : i32 to vector<16xi32>
                %parallel_loop3A_638 = arith.cmpi ne, %parallel_loop3A_635, %parallel_loop3A_637 : vector<16xi32>
                %parallel_loop3A_639 = arith.select %parallel_loop3A_638, %parallel_loop3A_617, %parallel_loop3A_607 : vector<16xi1>, vector<16xi32>
                %parallel_loop3A_640 = tpu.assume_multiple %parallel_loop3A_603, 8 : i32
                %parallel_loop3A_641 = arith.index_cast %parallel_loop3A_640 : i32 to index
                %parallel_loop3A_642 = tpu.vector_load %arg12[%parallel_loop3A_641] {strides = array<i32>} : memref<16384xi32, #tpu.memory_space<vmem>>, vector<16xi32>,
                %parallel_loop3A_643 = vector.shape_cast %parallel_loop3A_642 : vector<16xi32> to vector<16xi32>
                %parallel_loop3A_644 = vector.shape_cast %parallel_loop3A_639 : vector<16xi32> to vector<16xi32>
                tpu.vector_store %arg12[%parallel_loop3A_641], %parallel_loop3A_644 {strides = array<i32>} : memref<16384xi32, #tpu.memory_space<vmem>>, vector<16xi32>,
                %parallel_loop3A_645 = arith.select %parallel_loop3A_638, %parallel_loop3A_623, %parallel_loop3A_611 : vector<16xi1>, vector<16xi32>
                %parallel_loop3A_646 = tpu.assume_multiple %parallel_loop3A_603, 8 : i32
                %parallel_loop3A_647 = arith.index_cast %parallel_loop3A_646 : i32 to index
                %parallel_loop3A_648 = tpu.vector_load %arg13[%parallel_loop3A_647] {strides = array<i32>} : memref<16384xi32, #tpu.memory_space<vmem>>, vector<16xi32>,
                %parallel_loop3A_649 = vector.shape_cast %parallel_loop3A_648 : vector<16xi32> to vector<16xi32>
                %parallel_loop3A_650 = vector.shape_cast %parallel_loop3A_645 : vector<16xi32> to vector<16xi32>
                tpu.vector_store %arg13[%parallel_loop3A_647], %parallel_loop3A_650 {strides = array<i32>} : memref<16384xi32, #tpu.memory_space<vmem>>, vector<16xi32>,
              } {sc.loop_unroll_factor = 4 : i64, sc.parallel_access}
            }
            %while3A_583 = arith.constant 1 : i32
            scf.for %while3A_585 = %while3A_581 to %while3A_577 step %while3A_583  : i32 {
              %mul3A_586 = arith.muli %xor3A, %select_n3A_263 : i32
              %mul3A_587 = arith.constant 2048 : i32
              %mul3A_588 = arith.muli %while3A_585, %mul3A_587 : i32
              %add3A_589 = arith.addi %mul3A_586, %mul3A_588 : i32
              %multiple_of3A_590 = tpu.assume_multiple %add3A_589, 8 : i32
              "tpu.region"() ({
                %run_scoped3A = tpu.sem_alloc : memref<!tpu.dma_semaphore, #tpu.memory_space<semaphore_mem>>
                %dma_start3A = tpu.memref_slice %arg26[%multiple_of3A_590] : memref<266240xi32, #tpu.memory_space<vmem_shared>> -> memref<2048xi32, #tpu.memory_space<vmem_shared>>
                %dma_start3A_598 = tpu.memref_slice %arg26[%multiple_of3A_590] : memref<266240xi32, #tpu.memory_space<vmem_shared>> -> memref<2048xi32, #tpu.memory_space<vmem_shared>>
                tpu.enqueue_dma source(%dma_start3A_598 : memref<2048xi32, #tpu.memory_space<vmem_shared>>) target(%arg14 : memref<2048xi32, #tpu.memory_space<vmem>>) target_semaphore(%run_scoped3A : memref<!tpu.dma_semaphore, #tpu.memory_space<semaphore_mem>>)
                %dma_wait3A = tpu.memref_slice %arg26[%multiple_of3A_590] : memref<266240xi32, #tpu.memory_space<vmem_shared>> -> memref<2048xi32, #tpu.memory_space<vmem_shared>>
                %dma_wait3A_599 = tpu.memref_slice %arg26[%multiple_of3A_590] : memref<266240xi32, #tpu.memory_space<vmem_shared>> -> memref<2048xi32, #tpu.memory_space<vmem_shared>>
                tpu.wait_dma2 semaphore(%run_scoped3A : memref<!tpu.dma_semaphore, #tpu.memory_space<semaphore_mem>>) src(%dma_wait3A_599 : memref<2048xi32, #tpu.memory_space<vmem_shared>>) dst(%arg14 : memref<2048xi32, #tpu.memory_space<vmem>>)
                tpu.yield
              }) : () -> ()
              %mul3A_591 = arith.muli %xor3A, %select_n3A_263 : i32
              %mul3A_592 = arith.constant 2048 : i32
              %mul3A_593 = arith.muli %while3A_585, %mul3A_592 : i32
              %add3A_594 = arith.addi %mul3A_591, %mul3A_593 : i32
              %multiple_of3A_595 = tpu.assume_multiple %add3A_594, 8 : i32
              "tpu.region"() ({
                %run_scoped3A = tpu.sem_alloc : memref<!tpu.dma_semaphore, #tpu.memory_space<semaphore_mem>>
                %dma_start3A = tpu.memref_slice %arg27[%multiple_of3A_595] : memref<266240xi32, #tpu.memory_space<vmem_shared>> -> memref<2048xi32, #tpu.memory_space<vmem_shared>>
                %dma_start3A_598 = tpu.memref_slice %arg27[%multiple_of3A_595] : memref<266240xi32, #tpu.memory_space<vmem_shared>> -> memref<2048xi32, #tpu.memory_space<vmem_shared>>
                tpu.enqueue_dma source(%dma_start3A_598 : memref<2048xi32, #tpu.memory_space<vmem_shared>>) target(%arg15 : memref<2048xi32, #tpu.memory_space<vmem>>) target_semaphore(%run_scoped3A : memref<!tpu.dma_semaphore, #tpu.memory_space<semaphore_mem>>)
                %dma_wait3A = tpu.memref_slice %arg27[%multiple_of3A_595] : memref<266240xi32, #tpu.memory_space<vmem_shared>> -> memref<2048xi32, #tpu.memory_space<vmem_shared>>
                %dma_wait3A_599 = tpu.memref_slice %arg27[%multiple_of3A_595] : memref<266240xi32, #tpu.memory_space<vmem_shared>> -> memref<2048xi32, #tpu.memory_space<vmem_shared>>
                tpu.wait_dma2 semaphore(%run_scoped3A : memref<!tpu.dma_semaphore, #tpu.memory_space<semaphore_mem>>) src(%dma_wait3A_599 : memref<2048xi32, #tpu.memory_space<vmem_shared>>) dst(%arg15 : memref<2048xi32, #tpu.memory_space<vmem>>)
                tpu.yield
              }) : () -> ()
              %parallel_loop3A = arith.constant 0 : i32
              %parallel_loop3A_596 = arith.constant 128 : i32
              %parallel_loop3A_597 = arith.constant 1 : i32
              scf.for %parallel_loop3A_598 = %parallel_loop3A to %parallel_loop3A_596 step %parallel_loop3A_597  : i32 {
                %parallel_loop3A_599 = arith.constant 2048 : i32
                %parallel_loop3A_600 = arith.muli %while3A_585, %parallel_loop3A_599 : i32
                %parallel_loop3A_601 = arith.constant 16 : i32
                %parallel_loop3A_602 = arith.muli %parallel_loop3A_598, %parallel_loop3A_601 : i32
                %parallel_loop3A_603 = arith.addi %parallel_loop3A_600, %parallel_loop3A_602 : i32
                %parallel_loop3A_604 = tpu.assume_multiple %parallel_loop3A_603, 8 : i32
                %parallel_loop3A_605 = arith.index_cast %parallel_loop3A_604 : i32 to index
                %parallel_loop3A_606 = tpu.vector_load %arg12[%parallel_loop3A_605] {strides = array<i32>} : memref<16384xi32, #tpu.memory_space<vmem>>, vector<16xi32>,
                %parallel_loop3A_607 = vector.shape_cast %parallel_loop3A_606 : vector<16xi32> to vector<16xi32>
                %parallel_loop3A_608 = tpu.assume_multiple %parallel_loop3A_603, 8 : i32
                %parallel_loop3A_609 = arith.index_cast %parallel_loop3A_608 : i32 to index
                %parallel_loop3A_610 = tpu.vector_load %arg13[%parallel_loop3A_609] {strides = array<i32>} : memref<16384xi32, #tpu.memory_space<vmem>>, vector<16xi32>,
                %parallel_loop3A_611 = vector.shape_cast %parallel_loop3A_610 : vector<16xi32> to vector<16xi32>
                %parallel_loop3A_612 = arith.constant 16 : i32
                %parallel_loop3A_613 = arith.muli %parallel_loop3A_598, %parallel_loop3A_612 : i32
                %parallel_loop3A_614 = tpu.assume_multiple %parallel_loop3A_613, 8 : i32
                %parallel_loop3A_615 = arith.index_cast %parallel_loop3A_614 : i32 to index
                %parallel_loop3A_616 = tpu.vector_load %arg14[%parallel_loop3A_615] {strides = array<i32>} : memref<2048xi32, #tpu.memory_space<vmem>>, vector<16xi32>,
                %parallel_loop3A_617 = vector.shape_cast %parallel_loop3A_616 : vector<16xi32> to vector<16xi32>
                %parallel_loop3A_618 = arith.constant 16 : i32
                %parallel_loop3A_619 = arith.muli %parallel_loop3A_598, %parallel_loop3A_618 : i32
                %parallel_loop3A_620 = tpu.assume_multiple %parallel_loop3A_619, 8 : i32
                %parallel_loop3A_621 = arith.index_cast %parallel_loop3A_620 : i32 to index
                %parallel_loop3A_622 = tpu.vector_load %arg15[%parallel_loop3A_621] {strides = array<i32>} : memref<2048xi32, #tpu.memory_space<vmem>>, vector<16xi32>,
                %parallel_loop3A_623 = vector.shape_cast %parallel_loop3A_622 : vector<16xi32> to vector<16xi32>
                %parallel_loop3A_624 = arith.cmpi sgt, %parallel_loop3A_607, %parallel_loop3A_617 : vector<16xi32>
                %parallel_loop3A_625 = arith.cmpi eq, %parallel_loop3A_607, %parallel_loop3A_617 : vector<16xi32>
                %parallel_loop3A_626 = arith.cmpi sgt, %parallel_loop3A_611, %parallel_loop3A_623 : vector<16xi32>
                %parallel_loop3A_627 = arith.andi %parallel_loop3A_625, %parallel_loop3A_626 : vector<16xi1>
                %parallel_loop3A_628 = arith.ori %parallel_loop3A_624, %parallel_loop3A_627 : vector<16xi1>
                %parallel_loop3A_629 = arith.constant 1 : i32
                %parallel_loop3A_630 = arith.constant 0 : i32
                %parallel_loop3A_631 = vector.broadcast %parallel_loop3A_629 : i32 to vector<16xi32>
                %parallel_loop3A_632 = vector.broadcast %parallel_loop3A_630 : i32 to vector<16xi32>
                %parallel_loop3A_633 = arith.select %parallel_loop3A_628, %parallel_loop3A_631, %parallel_loop3A_632 : vector<16xi1>, vector<16xi32>
                %parallel_loop3A_634 = vector.broadcast %select_n3A_573 : i32 to vector<16xi32>
                %parallel_loop3A_635 = arith.xori %parallel_loop3A_633, %parallel_loop3A_634 : vector<16xi32>
                %parallel_loop3A_636 = arith.constant 0 : i32
                %parallel_loop3A_637 = vector.broadcast %parallel_loop3A_636 : i32 to vector<16xi32>
                %parallel_loop3A_638 = arith.cmpi ne, %parallel_loop3A_635, %parallel_loop3A_637 : vector<16xi32>
                %parallel_loop3A_639 = arith.select %parallel_loop3A_638, %parallel_loop3A_617, %parallel_loop3A_607 : vector<16xi1>, vector<16xi32>
                %parallel_loop3A_640 = tpu.assume_multiple %parallel_loop3A_603, 8 : i32
                %parallel_loop3A_641 = arith.index_cast %parallel_loop3A_640 : i32 to index
                %parallel_loop3A_642 = tpu.vector_load %arg12[%parallel_loop3A_641] {strides = array<i32>} : memref<16384xi32, #tpu.memory_space<vmem>>, vector<16xi32>,
                %parallel_loop3A_643 = vector.shape_cast %parallel_loop3A_642 : vector<16xi32> to vector<16xi32>
                %parallel_loop3A_644 = vector.shape_cast %parallel_loop3A_639 : vector<16xi32> to vector<16xi32>
                tpu.vector_store %arg12[%parallel_loop3A_641], %parallel_loop3A_644 {strides = array<i32>} : memref<16384xi32, #tpu.memory_space<vmem>>, vector<16xi32>,
                %parallel_loop3A_645 = arith.select %parallel_loop3A_638, %parallel_loop3A_623, %parallel_loop3A_611 : vector<16xi1>, vector<16xi32>
                %parallel_loop3A_646 = tpu.assume_multiple %parallel_loop3A_603, 8 : i32
                %parallel_loop3A_647 = arith.index_cast %parallel_loop3A_646 : i32 to index
                %parallel_loop3A_648 = tpu.vector_load %arg13[%parallel_loop3A_647] {strides = array<i32>} : memref<16384xi32, #tpu.memory_space<vmem>>, vector<16xi32>,
                %parallel_loop3A_649 = vector.shape_cast %parallel_loop3A_648 : vector<16xi32> to vector<16xi32>
                %parallel_loop3A_650 = vector.shape_cast %parallel_loop3A_645 : vector<16xi32> to vector<16xi32>
                tpu.vector_store %arg13[%parallel_loop3A_647], %parallel_loop3A_650 {strides = array<i32>} : memref<16384xi32, #tpu.memory_space<vmem>>, vector<16xi32>,
              } {sc.loop_unroll_factor = 4 : i64, sc.parallel_access}
            }
            %barrier3A_584 = arith.constant 0 : index
            tpu.barrier barrier_id(%barrier3A_584)
          } else {
          }
          %lt3A = arith.cmpi slt, %sub3A_537, %sub3A_265 : i32
          %convert_element_type3A_542 = arith.extui %lt3A : i1 to i32
          %cond3A_543 = arith.constant 0 : i32
          %cond3A_544 = arith.cmpi ne, %convert_element_type3A_542, %cond3A_543 : i32
          scf.if %cond3A_544 {
            %shift_left3A_545 = arith.constant 1 : i32
            %shift_left3A_546 = arith.shli %shift_left3A_545, %sub3A_537 : i32
            %shift_right_logical3A = arith.constant 5 : i32
            %shift_right_logical3A_547 = arith.shrui %select_n3A_263, %shift_right_logical3A : i32
            %parallel_loop3A = arith.constant 0 : i32
            %parallel_loop3A_548 = arith.constant 1 : i32
            scf.for %parallel_loop3A_549 = %parallel_loop3A to %shift_right_logical3A_547 step %parallel_loop3A_548  : i32 {
              %parallel_loop3A_550 = arith.constant 4 : i32
              %parallel_loop3A_551 = arith.subi %sub3A_537, %parallel_loop3A_550 : i32
              %parallel_loop3A_552 = arith.shrui %parallel_loop3A_549, %parallel_loop3A_551 : i32
              %parallel_loop3A_553 = arith.constant 4 : i32
              %parallel_loop3A_554 = arith.shrui %shift_left3A_546, %parallel_loop3A_553 : i32
              %parallel_loop3A_555 = arith.constant 1 : i32
              %parallel_loop3A_556 = arith.subi %parallel_loop3A_554, %parallel_loop3A_555 : i32
              %parallel_loop3A_557 = arith.andi %parallel_loop3A_549, %parallel_loop3A_556 : i32
              %parallel_loop3A_558 = arith.constant 1 : i32
              %parallel_loop3A_559 = arith.addi %sub3A_537, %parallel_loop3A_558 : i32
              %parallel_loop3A_560 = arith.shli %parallel_loop3A_552, %parallel_loop3A_559 : i32
              %parallel_loop3A_561 = arith.constant 16 : i32
              %parallel_loop3A_562 = arith.muli %parallel_loop3A_557, %parallel_loop3A_561 : i32
              %parallel_loop3A_563 = arith.addi %parallel_loop3A_560, %parallel_loop3A_562 : i32
              %parallel_loop3A_564 = arith.muli %arg1, %select_n3A_263 : i32
              %parallel_loop3A_565 = arith.addi %parallel_loop3A_564, %parallel_loop3A_560 : i32
              %parallel_loop3A_566 = arith.shrui %parallel_loop3A_565, %while3A_499 : i32
              %parallel_loop3A_567 = arith.constant 1 : i32
              %parallel_loop3A_568 = arith.andi %parallel_loop3A_566, %parallel_loop3A_567 : i32
              %parallel_loop3A_569 = tpu.assume_multiple %parallel_loop3A_563, 8 : i32
              %parallel_loop3A_570 = arith.index_cast %parallel_loop3A_569 : i32 to index
              %parallel_loop3A_571 = tpu.vector_load %arg12[%parallel_loop3A_570] {strides = array<i32>} : memref<16384xi32, #tpu.memory_space<vmem>>, vector<16xi32>,
              %parallel_loop3A_572 = vector.shape_cast %parallel_loop3A_571 : vector<16xi32> to vector<16xi32>
              %parallel_loop3A_573 = tpu.assume_multiple %parallel_loop3A_563, 8 : i32
              %parallel_loop3A_574 = arith.index_cast %parallel_loop3A_573 : i32 to index
              %parallel_loop3A_575 = tpu.vector_load %arg13[%parallel_loop3A_574] {strides = array<i32>} : memref<16384xi32, #tpu.memory_space<vmem>>, vector<16xi32>,
              %parallel_loop3A_576 = vector.shape_cast %parallel_loop3A_575 : vector<16xi32> to vector<16xi32>
              %parallel_loop3A_577 = arith.addi %parallel_loop3A_563, %shift_left3A_546 : i32
              %parallel_loop3A_578 = tpu.assume_multiple %parallel_loop3A_577, 8 : i32
              %parallel_loop3A_579 = arith.index_cast %parallel_loop3A_578 : i32 to index
              %parallel_loop3A_580 = tpu.vector_load %arg12[%parallel_loop3A_579] {strides = array<i32>} : memref<16384xi32, #tpu.memory_space<vmem>>, vector<16xi32>,
              %parallel_loop3A_581 = vector.shape_cast %parallel_loop3A_580 : vector<16xi32> to vector<16xi32>
              %parallel_loop3A_582 = arith.addi %parallel_loop3A_563, %shift_left3A_546 : i32
              %parallel_loop3A_583 = tpu.assume_multiple %parallel_loop3A_582, 8 : i32
              %parallel_loop3A_584 = arith.index_cast %parallel_loop3A_583 : i32 to index
              %parallel_loop3A_585 = tpu.vector_load %arg13[%parallel_loop3A_584] {strides = array<i32>} : memref<16384xi32, #tpu.memory_space<vmem>>, vector<16xi32>,
              %parallel_loop3A_586 = vector.shape_cast %parallel_loop3A_585 : vector<16xi32> to vector<16xi32>
              %parallel_loop3A_587 = arith.cmpi sgt, %parallel_loop3A_572, %parallel_loop3A_581 : vector<16xi32>
              %parallel_loop3A_588 = arith.cmpi eq, %parallel_loop3A_572, %parallel_loop3A_581 : vector<16xi32>
              %parallel_loop3A_589 = arith.cmpi sgt, %parallel_loop3A_576, %parallel_loop3A_586 : vector<16xi32>
              %parallel_loop3A_590 = arith.andi %parallel_loop3A_588, %parallel_loop3A_589 : vector<16xi1>
              %parallel_loop3A_591 = arith.ori %parallel_loop3A_587, %parallel_loop3A_590 : vector<16xi1>
              %parallel_loop3A_592 = arith.constant 1 : i32
              %parallel_loop3A_593 = arith.constant 0 : i32
              %parallel_loop3A_594 = vector.broadcast %parallel_loop3A_592 : i32 to vector<16xi32>
              %parallel_loop3A_595 = vector.broadcast %parallel_loop3A_593 : i32 to vector<16xi32>
              %parallel_loop3A_596 = arith.select %parallel_loop3A_591, %parallel_loop3A_594, %parallel_loop3A_595 : vector<16xi1>, vector<16xi32>
              %parallel_loop3A_597 = vector.broadcast %parallel_loop3A_568 : i32 to vector<16xi32>
              %parallel_loop3A_598 = arith.xori %parallel_loop3A_596, %parallel_loop3A_597 : vector<16xi32>
              %parallel_loop3A_599 = arith.constant 0 : i32
              %parallel_loop3A_600 = vector.broadcast %parallel_loop3A_599 : i32 to vector<16xi32>
              %parallel_loop3A_601 = arith.cmpi ne, %parallel_loop3A_598, %parallel_loop3A_600 : vector<16xi32>
              %parallel_loop3A_602 = arith.select %parallel_loop3A_601, %parallel_loop3A_581, %parallel_loop3A_572 : vector<16xi1>, vector<16xi32>
              %parallel_loop3A_603 = tpu.assume_multiple %parallel_loop3A_563, 8 : i32
              %parallel_loop3A_604 = arith.index_cast %parallel_loop3A_603 : i32 to index
              %parallel_loop3A_605 = tpu.vector_load %arg12[%parallel_loop3A_604] {strides = array<i32>} : memref<16384xi32, #tpu.memory_space<vmem>>, vector<16xi32>,
              %parallel_loop3A_606 = vector.shape_cast %parallel_loop3A_605 : vector<16xi32> to vector<16xi32>
              %parallel_loop3A_607 = vector.shape_cast %parallel_loop3A_602 : vector<16xi32> to vector<16xi32>
              tpu.vector_store %arg12[%parallel_loop3A_604], %parallel_loop3A_607 {strides = array<i32>} : memref<16384xi32, #tpu.memory_space<vmem>>, vector<16xi32>,
              %parallel_loop3A_608 = arith.select %parallel_loop3A_601, %parallel_loop3A_586, %parallel_loop3A_576 : vector<16xi1>, vector<16xi32>
              %parallel_loop3A_609 = tpu.assume_multiple %parallel_loop3A_563, 8 : i32
              %parallel_loop3A_610 = arith.index_cast %parallel_loop3A_609 : i32 to index
              %parallel_loop3A_611 = tpu.vector_load %arg13[%parallel_loop3A_610] {strides = array<i32>} : memref<16384xi32, #tpu.memory_space<vmem>>, vector<16xi32>,
              %parallel_loop3A_612 = vector.shape_cast %parallel_loop3A_611 : vector<16xi32> to vector<16xi32>
              %parallel_loop3A_613 = vector.shape_cast %parallel_loop3A_608 : vector<16xi32> to vector<16xi32>
              tpu.vector_store %arg13[%parallel_loop3A_610], %parallel_loop3A_613 {strides = array<i32>} : memref<16384xi32, #tpu.memory_space<vmem>>, vector<16xi32>,
              %parallel_loop3A_614 = arith.select %parallel_loop3A_601, %parallel_loop3A_572, %parallel_loop3A_581 : vector<16xi1>, vector<16xi32>
              %parallel_loop3A_615 = arith.addi %parallel_loop3A_563, %shift_left3A_546 : i32
              %parallel_loop3A_616 = tpu.assume_multiple %parallel_loop3A_615, 8 : i32
              %parallel_loop3A_617 = arith.index_cast %parallel_loop3A_616 : i32 to index
              %parallel_loop3A_618 = tpu.vector_load %arg12[%parallel_loop3A_617] {strides = array<i32>} : memref<16384xi32, #tpu.memory_space<vmem>>, vector<16xi32>,
              %parallel_loop3A_619 = vector.shape_cast %parallel_loop3A_618 : vector<16xi32> to vector<16xi32>
              %parallel_loop3A_620 = vector.shape_cast %parallel_loop3A_614 : vector<16xi32> to vector<16xi32>
              tpu.vector_store %arg12[%parallel_loop3A_617], %parallel_loop3A_620 {strides = array<i32>} : memref<16384xi32, #tpu.memory_space<vmem>>, vector<16xi32>,
              %parallel_loop3A_621 = arith.select %parallel_loop3A_601, %parallel_loop3A_576, %parallel_loop3A_586 : vector<16xi1>, vector<16xi32>
              %parallel_loop3A_622 = arith.addi %parallel_loop3A_563, %shift_left3A_546 : i32
              %parallel_loop3A_623 = tpu.assume_multiple %parallel_loop3A_622, 8 : i32
              %parallel_loop3A_624 = arith.index_cast %parallel_loop3A_623 : i32 to index
              %parallel_loop3A_625 = tpu.vector_load %arg13[%parallel_loop3A_624] {strides = array<i32>} : memref<16384xi32, #tpu.memory_space<vmem>>, vector<16xi32>,
              %parallel_loop3A_626 = vector.shape_cast %parallel_loop3A_625 : vector<16xi32> to vector<16xi32>
              %parallel_loop3A_627 = vector.shape_cast %parallel_loop3A_621 : vector<16xi32> to vector<16xi32>
              tpu.vector_store %arg13[%parallel_loop3A_624], %parallel_loop3A_627 {strides = array<i32>} : memref<16384xi32, #tpu.memory_space<vmem>>, vector<16xi32>,
            } {sc.loop_unroll_factor = 4 : i64, sc.parallel_access}
          } else {
          }
        }
        %gt3A_514 = arith.constant 3 : i32
        %gt3A_515 = arith.cmpi sgt, %while3A_499, %gt3A_514 : i32
        %convert_element_type3A_516 = arith.extui %gt3A_515 : i1 to i32
        %cond3A_517 = arith.constant 0 : i32
        %cond3A_518 = arith.cmpi ne, %convert_element_type3A_516, %cond3A_517 : i32
        scf.if %cond3A_518 {
          %shift_right_logical3A = arith.constant 4 : i32
          %shift_right_logical3A_534 = arith.shrui %select_n3A_263, %shift_right_logical3A : i32
          %parallel_loop3A = arith.constant 0 : i32
          %parallel_loop3A_535 = arith.constant 1 : i32
          scf.for %parallel_loop3A_536 = %parallel_loop3A to %shift_right_logical3A_534 step %parallel_loop3A_535  : i32 {
            %parallel_loop3A_537 = tpu.iota {dimensions = array<i32: 0>} : vector<16xi32>
            %parallel_loop3A_538 = arith.constant 8 : i32
            %parallel_loop3A_539 = vector.broadcast %parallel_loop3A_538 : i32 to vector<16xi32>
            %parallel_loop3A_540 = arith.xori %parallel_loop3A_537, %parallel_loop3A_539 : vector<16xi32>
            %parallel_loop3A_541 = arith.constant 8 : i32
            %parallel_loop3A_542 = vector.broadcast %parallel_loop3A_541 : i32 to vector<16xi32>
            %parallel_loop3A_543 = arith.andi %parallel_loop3A_537, %parallel_loop3A_542 : vector<16xi32>
            %parallel_loop3A_544 = arith.constant 0 : i32
            %parallel_loop3A_545 = vector.broadcast %parallel_loop3A_544 : i32 to vector<16xi32>
            %parallel_loop3A_546 = arith.cmpi eq, %parallel_loop3A_543, %parallel_loop3A_545 : vector<16xi32>
            %parallel_loop3A_547 = arith.constant 1 : i32
            %parallel_loop3A_548 = arith.constant 0 : i32
            %parallel_loop3A_549 = vector.broadcast %parallel_loop3A_547 : i32 to vector<16xi32>
            %parallel_loop3A_550 = vector.broadcast %parallel_loop3A_548 : i32 to vector<16xi32>
            %parallel_loop3A_551 = arith.select %parallel_loop3A_546, %parallel_loop3A_549, %parallel_loop3A_550 : vector<16xi1>, vector<16xi32>
            %parallel_loop3A_552 = arith.constant 16 : i32
            %parallel_loop3A_553 = arith.muli %parallel_loop3A_536, %parallel_loop3A_552 : i32
            %parallel_loop3A_554 = arith.muli %arg1, %select_n3A_263 : i32
            %parallel_loop3A_555 = arith.addi %parallel_loop3A_554, %parallel_loop3A_553 : i32
            %parallel_loop3A_556 = vector.broadcast %parallel_loop3A_555 : i32 to vector<16xi32>
            %parallel_loop3A_557 = arith.addi %parallel_loop3A_556, %parallel_loop3A_537 : vector<16xi32>
            %parallel_loop3A_558 = tpu.assume_multiple %parallel_loop3A_553, 8 : i32
            %parallel_loop3A_559 = arith.index_cast %parallel_loop3A_558 : i32 to index
            %parallel_loop3A_560 = tpu.vector_load %arg12[%parallel_loop3A_559] {strides = array<i32>} : memref<16384xi32, #tpu.memory_space<vmem>>, vector<16xi32>,
            %parallel_loop3A_561 = vector.shape_cast %parallel_loop3A_560 : vector<16xi32> to vector<16xi32>
            %parallel_loop3A_562 = tpu.assume_multiple %parallel_loop3A_553, 8 : i32
            %parallel_loop3A_563 = arith.index_cast %parallel_loop3A_562 : i32 to index
            %parallel_loop3A_564 = tpu.vector_load %arg13[%parallel_loop3A_563] {strides = array<i32>} : memref<16384xi32, #tpu.memory_space<vmem>>, vector<16xi32>,
            %parallel_loop3A_565 = vector.shape_cast %parallel_loop3A_564 : vector<16xi32> to vector<16xi32>
            %parallel_loop3A_566 = vector.shape_cast %parallel_loop3A_540 : vector<16xi32> to vector<16x1xi32>
            %parallel_loop3A_567 = vector.shape_cast %parallel_loop3A_566 : vector<16x1xi32> to vector<16xi32>
            %parallel_loop3A_568 = tpu.dynamic_gather %parallel_loop3A_561[%parallel_loop3A_567] in [0] : vector<16xi32>, vector<16xi32> -> vector<16xi32>
            %parallel_loop3A_569 = vector.shape_cast %parallel_loop3A_540 : vector<16xi32> to vector<16x1xi32>
            %parallel_loop3A_570 = vector.shape_cast %parallel_loop3A_569 : vector<16x1xi32> to vector<16xi32>
            %parallel_loop3A_571 = tpu.dynamic_gather %parallel_loop3A_565[%parallel_loop3A_570] in [0] : vector<16xi32>, vector<16xi32> -> vector<16xi32>
            %parallel_loop3A_572 = vector.broadcast %while3A_499 : i32 to vector<16xi32>
            %parallel_loop3A_573 = arith.shrui %parallel_loop3A_557, %parallel_loop3A_572 : vector<16xi32>
            %parallel_loop3A_574 = arith.constant 1 : i32
            %parallel_loop3A_575 = vector.broadcast %parallel_loop3A_574 : i32 to vector<16xi32>
            %parallel_loop3A_576 = arith.andi %parallel_loop3A_573, %parallel_loop3A_575 : vector<16xi32>
            %parallel_loop3A_577 = arith.constant 1 : i32
            %parallel_loop3A_578 = vector.broadcast %parallel_loop3A_577 : i32 to vector<16xi32>
            %parallel_loop3A_579 = arith.subi %parallel_loop3A_578, %parallel_loop3A_576 : vector<16xi32>
            %parallel_loop3A_580 = arith.cmpi sgt, %parallel_loop3A_561, %parallel_loop3A_568 : vector<16xi32>
            %parallel_loop3A_581 = arith.cmpi eq, %parallel_loop3A_561, %parallel_loop3A_568 : vector<16xi32>
            %parallel_loop3A_582 = arith.cmpi sgt, %parallel_loop3A_565, %parallel_loop3A_571 : vector<16xi32>
            %parallel_loop3A_583 = arith.andi %parallel_loop3A_581, %parallel_loop3A_582 : vector<16xi1>
            %parallel_loop3A_584 = arith.ori %parallel_loop3A_580, %parallel_loop3A_583 : vector<16xi1>
            %parallel_loop3A_585 = arith.constant 1 : i32
            %parallel_loop3A_586 = arith.constant 0 : i32
            %parallel_loop3A_587 = vector.broadcast %parallel_loop3A_585 : i32 to vector<16xi32>
            %parallel_loop3A_588 = vector.broadcast %parallel_loop3A_586 : i32 to vector<16xi32>
            %parallel_loop3A_589 = arith.select %parallel_loop3A_584, %parallel_loop3A_587, %parallel_loop3A_588 : vector<16xi1>, vector<16xi32>
            %parallel_loop3A_590 = arith.cmpi eq, %parallel_loop3A_551, %parallel_loop3A_579 : vector<16xi32>
            %parallel_loop3A_591 = arith.constant 1 : i32
            %parallel_loop3A_592 = arith.constant 0 : i32
            %parallel_loop3A_593 = vector.broadcast %parallel_loop3A_591 : i32 to vector<16xi32>
            %parallel_loop3A_594 = vector.broadcast %parallel_loop3A_592 : i32 to vector<16xi32>
            %parallel_loop3A_595 = arith.select %parallel_loop3A_590, %parallel_loop3A_593, %parallel_loop3A_594 : vector<16xi1>, vector<16xi32>
            %parallel_loop3A_596 = arith.xori %parallel_loop3A_589, %parallel_loop3A_595 : vector<16xi32>
            %parallel_loop3A_597 = arith.constant 1 : i32
            %parallel_loop3A_598 = vector.broadcast %parallel_loop3A_597 : i32 to vector<16xi32>
            %parallel_loop3A_599 = arith.xori %parallel_loop3A_596, %parallel_loop3A_598 : vector<16xi32>
            %parallel_loop3A_600 = arith.constant 0 : i32
            %parallel_loop3A_601 = vector.broadcast %parallel_loop3A_600 : i32 to vector<16xi32>
            %parallel_loop3A_602 = arith.cmpi ne, %parallel_loop3A_599, %parallel_loop3A_601 : vector<16xi32>
            %parallel_loop3A_603 = arith.select %parallel_loop3A_602, %parallel_loop3A_568, %parallel_loop3A_561 : vector<16xi1>, vector<16xi32>
            %parallel_loop3A_604 = tpu.assume_multiple %parallel_loop3A_553, 8 : i32
            %parallel_loop3A_605 = arith.index_cast %parallel_loop3A_604 : i32 to index
            %parallel_loop3A_606 = tpu.vector_load %arg12[%parallel_loop3A_605] {strides = array<i32>} : memref<16384xi32, #tpu.memory_space<vmem>>, vector<16xi32>,
            %parallel_loop3A_607 = vector.shape_cast %parallel_loop3A_606 : vector<16xi32> to vector<16xi32>
            %parallel_loop3A_608 = vector.shape_cast %parallel_loop3A_603 : vector<16xi32> to vector<16xi32>
            tpu.vector_store %arg12[%parallel_loop3A_605], %parallel_loop3A_608 {strides = array<i32>} : memref<16384xi32, #tpu.memory_space<vmem>>, vector<16xi32>,
            %parallel_loop3A_609 = arith.select %parallel_loop3A_602, %parallel_loop3A_571, %parallel_loop3A_565 : vector<16xi1>, vector<16xi32>
            %parallel_loop3A_610 = tpu.assume_multiple %parallel_loop3A_553, 8 : i32
            %parallel_loop3A_611 = arith.index_cast %parallel_loop3A_610 : i32 to index
            %parallel_loop3A_612 = tpu.vector_load %arg13[%parallel_loop3A_611] {strides = array<i32>} : memref<16384xi32, #tpu.memory_space<vmem>>, vector<16xi32>,
            %parallel_loop3A_613 = vector.shape_cast %parallel_loop3A_612 : vector<16xi32> to vector<16xi32>
            %parallel_loop3A_614 = vector.shape_cast %parallel_loop3A_609 : vector<16xi32> to vector<16xi32>
            tpu.vector_store %arg13[%parallel_loop3A_611], %parallel_loop3A_614 {strides = array<i32>} : memref<16384xi32, #tpu.memory_space<vmem>>, vector<16xi32>,
          } {sc.loop_unroll_factor = 4 : i64, sc.parallel_access}
        } else {
        }
        %gt3A_519 = arith.constant 2 : i32
        %gt3A_520 = arith.cmpi sgt, %while3A_499, %gt3A_519 : i32
        %convert_element_type3A_521 = arith.extui %gt3A_520 : i1 to i32
        %cond3A_522 = arith.constant 0 : i32
        %cond3A_523 = arith.cmpi ne, %convert_element_type3A_521, %cond3A_522 : i32
        scf.if %cond3A_523 {
          %shift_right_logical3A = arith.constant 4 : i32
          %shift_right_logical3A_534 = arith.shrui %select_n3A_263, %shift_right_logical3A : i32
          %parallel_loop3A = arith.constant 0 : i32
          %parallel_loop3A_535 = arith.constant 1 : i32
          scf.for %parallel_loop3A_536 = %parallel_loop3A to %shift_right_logical3A_534 step %parallel_loop3A_535  : i32 {
            %parallel_loop3A_537 = tpu.iota {dimensions = array<i32: 0>} : vector<16xi32>
            %parallel_loop3A_538 = arith.constant 4 : i32
            %parallel_loop3A_539 = vector.broadcast %parallel_loop3A_538 : i32 to vector<16xi32>
            %parallel_loop3A_540 = arith.xori %parallel_loop3A_537, %parallel_loop3A_539 : vector<16xi32>
            %parallel_loop3A_541 = arith.constant 4 : i32
            %parallel_loop3A_542 = vector.broadcast %parallel_loop3A_541 : i32 to vector<16xi32>
            %parallel_loop3A_543 = arith.andi %parallel_loop3A_537, %parallel_loop3A_542 : vector<16xi32>
            %parallel_loop3A_544 = arith.constant 0 : i32
            %parallel_loop3A_545 = vector.broadcast %parallel_loop3A_544 : i32 to vector<16xi32>
            %parallel_loop3A_546 = arith.cmpi eq, %parallel_loop3A_543, %parallel_loop3A_545 : vector<16xi32>
            %parallel_loop3A_547 = arith.constant 1 : i32
            %parallel_loop3A_548 = arith.constant 0 : i32
            %parallel_loop3A_549 = vector.broadcast %parallel_loop3A_547 : i32 to vector<16xi32>
            %parallel_loop3A_550 = vector.broadcast %parallel_loop3A_548 : i32 to vector<16xi32>
            %parallel_loop3A_551 = arith.select %parallel_loop3A_546, %parallel_loop3A_549, %parallel_loop3A_550 : vector<16xi1>, vector<16xi32>
            %parallel_loop3A_552 = arith.constant 16 : i32
            %parallel_loop3A_553 = arith.muli %parallel_loop3A_536, %parallel_loop3A_552 : i32
            %parallel_loop3A_554 = arith.muli %arg1, %select_n3A_263 : i32
            %parallel_loop3A_555 = arith.addi %parallel_loop3A_554, %parallel_loop3A_553 : i32
            %parallel_loop3A_556 = vector.broadcast %parallel_loop3A_555 : i32 to vector<16xi32>
            %parallel_loop3A_557 = arith.addi %parallel_loop3A_556, %parallel_loop3A_537 : vector<16xi32>
            %parallel_loop3A_558 = tpu.assume_multiple %parallel_loop3A_553, 8 : i32
            %parallel_loop3A_559 = arith.index_cast %parallel_loop3A_558 : i32 to index
            %parallel_loop3A_560 = tpu.vector_load %arg12[%parallel_loop3A_559] {strides = array<i32>} : memref<16384xi32, #tpu.memory_space<vmem>>, vector<16xi32>,
            %parallel_loop3A_561 = vector.shape_cast %parallel_loop3A_560 : vector<16xi32> to vector<16xi32>
            %parallel_loop3A_562 = tpu.assume_multiple %parallel_loop3A_553, 8 : i32
            %parallel_loop3A_563 = arith.index_cast %parallel_loop3A_562 : i32 to index
            %parallel_loop3A_564 = tpu.vector_load %arg13[%parallel_loop3A_563] {strides = array<i32>} : memref<16384xi32, #tpu.memory_space<vmem>>, vector<16xi32>,
            %parallel_loop3A_565 = vector.shape_cast %parallel_loop3A_564 : vector<16xi32> to vector<16xi32>
            %parallel_loop3A_566 = vector.shape_cast %parallel_loop3A_540 : vector<16xi32> to vector<16x1xi32>
            %parallel_loop3A_567 = vector.shape_cast %parallel_loop3A_566 : vector<16x1xi32> to vector<16xi32>
            %parallel_loop3A_568 = tpu.dynamic_gather %parallel_loop3A_561[%parallel_loop3A_567] in [0] : vector<16xi32>, vector<16xi32> -> vector<16xi32>
            %parallel_loop3A_569 = vector.shape_cast %parallel_loop3A_540 : vector<16xi32> to vector<16x1xi32>
            %parallel_loop3A_570 = vector.shape_cast %parallel_loop3A_569 : vector<16x1xi32> to vector<16xi32>
            %parallel_loop3A_571 = tpu.dynamic_gather %parallel_loop3A_565[%parallel_loop3A_570] in [0] : vector<16xi32>, vector<16xi32> -> vector<16xi32>
            %parallel_loop3A_572 = vector.broadcast %while3A_499 : i32 to vector<16xi32>
            %parallel_loop3A_573 = arith.shrui %parallel_loop3A_557, %parallel_loop3A_572 : vector<16xi32>
            %parallel_loop3A_574 = arith.constant 1 : i32
            %parallel_loop3A_575 = vector.broadcast %parallel_loop3A_574 : i32 to vector<16xi32>
            %parallel_loop3A_576 = arith.andi %parallel_loop3A_573, %parallel_loop3A_575 : vector<16xi32>
            %parallel_loop3A_577 = arith.constant 1 : i32
            %parallel_loop3A_578 = vector.broadcast %parallel_loop3A_577 : i32 to vector<16xi32>
            %parallel_loop3A_579 = arith.subi %parallel_loop3A_578, %parallel_loop3A_576 : vector<16xi32>
            %parallel_loop3A_580 = arith.cmpi sgt, %parallel_loop3A_561, %parallel_loop3A_568 : vector<16xi32>
            %parallel_loop3A_581 = arith.cmpi eq, %parallel_loop3A_561, %parallel_loop3A_568 : vector<16xi32>
            %parallel_loop3A_582 = arith.cmpi sgt, %parallel_loop3A_565, %parallel_loop3A_571 : vector<16xi32>
            %parallel_loop3A_583 = arith.andi %parallel_loop3A_581, %parallel_loop3A_582 : vector<16xi1>
            %parallel_loop3A_584 = arith.ori %parallel_loop3A_580, %parallel_loop3A_583 : vector<16xi1>
            %parallel_loop3A_585 = arith.constant 1 : i32
            %parallel_loop3A_586 = arith.constant 0 : i32
            %parallel_loop3A_587 = vector.broadcast %parallel_loop3A_585 : i32 to vector<16xi32>
            %parallel_loop3A_588 = vector.broadcast %parallel_loop3A_586 : i32 to vector<16xi32>
            %parallel_loop3A_589 = arith.select %parallel_loop3A_584, %parallel_loop3A_587, %parallel_loop3A_588 : vector<16xi1>, vector<16xi32>
            %parallel_loop3A_590 = arith.cmpi eq, %parallel_loop3A_551, %parallel_loop3A_579 : vector<16xi32>
            %parallel_loop3A_591 = arith.constant 1 : i32
            %parallel_loop3A_592 = arith.constant 0 : i32
            %parallel_loop3A_593 = vector.broadcast %parallel_loop3A_591 : i32 to vector<16xi32>
            %parallel_loop3A_594 = vector.broadcast %parallel_loop3A_592 : i32 to vector<16xi32>
            %parallel_loop3A_595 = arith.select %parallel_loop3A_590, %parallel_loop3A_593, %parallel_loop3A_594 : vector<16xi1>, vector<16xi32>
            %parallel_loop3A_596 = arith.xori %parallel_loop3A_589, %parallel_loop3A_595 : vector<16xi32>
            %parallel_loop3A_597 = arith.constant 1 : i32
            %parallel_loop3A_598 = vector.broadcast %parallel_loop3A_597 : i32 to vector<16xi32>
            %parallel_loop3A_599 = arith.xori %parallel_loop3A_596, %parallel_loop3A_598 : vector<16xi32>
            %parallel_loop3A_600 = arith.constant 0 : i32
            %parallel_loop3A_601 = vector.broadcast %parallel_loop3A_600 : i32 to vector<16xi32>
            %parallel_loop3A_602 = arith.cmpi ne, %parallel_loop3A_599, %parallel_loop3A_601 : vector<16xi32>
            %parallel_loop3A_603 = arith.select %parallel_loop3A_602, %parallel_loop3A_568, %parallel_loop3A_561 : vector<16xi1>, vector<16xi32>
            %parallel_loop3A_604 = tpu.assume_multiple %parallel_loop3A_553, 8 : i32
            %parallel_loop3A_605 = arith.index_cast %parallel_loop3A_604 : i32 to index
            %parallel_loop3A_606 = tpu.vector_load %arg12[%parallel_loop3A_605] {strides = array<i32>} : memref<16384xi32, #tpu.memory_space<vmem>>, vector<16xi32>,
            %parallel_loop3A_607 = vector.shape_cast %parallel_loop3A_606 : vector<16xi32> to vector<16xi32>
            %parallel_loop3A_608 = vector.shape_cast %parallel_loop3A_603 : vector<16xi32> to vector<16xi32>
            tpu.vector_store %arg12[%parallel_loop3A_605], %parallel_loop3A_608 {strides = array<i32>} : memref<16384xi32, #tpu.memory_space<vmem>>, vector<16xi32>,
            %parallel_loop3A_609 = arith.select %parallel_loop3A_602, %parallel_loop3A_571, %parallel_loop3A_565 : vector<16xi1>, vector<16xi32>
            %parallel_loop3A_610 = tpu.assume_multiple %parallel_loop3A_553, 8 : i32
            %parallel_loop3A_611 = arith.index_cast %parallel_loop3A_610 : i32 to index
            %parallel_loop3A_612 = tpu.vector_load %arg13[%parallel_loop3A_611] {strides = array<i32>} : memref<16384xi32, #tpu.memory_space<vmem>>, vector<16xi32>,
            %parallel_loop3A_613 = vector.shape_cast %parallel_loop3A_612 : vector<16xi32> to vector<16xi32>
            %parallel_loop3A_614 = vector.shape_cast %parallel_loop3A_609 : vector<16xi32> to vector<16xi32>
            tpu.vector_store %arg13[%parallel_loop3A_611], %parallel_loop3A_614 {strides = array<i32>} : memref<16384xi32, #tpu.memory_space<vmem>>, vector<16xi32>,
          } {sc.loop_unroll_factor = 4 : i64, sc.parallel_access}
        } else {
        }
        %gt3A_524 = arith.constant 1 : i32
        %gt3A_525 = arith.cmpi sgt, %while3A_499, %gt3A_524 : i32
        %convert_element_type3A_526 = arith.extui %gt3A_525 : i1 to i32
        %cond3A_527 = arith.constant 0 : i32
        %cond3A_528 = arith.cmpi ne, %convert_element_type3A_526, %cond3A_527 : i32
        scf.if %cond3A_528 {
          %shift_right_logical3A = arith.constant 4 : i32
          %shift_right_logical3A_534 = arith.shrui %select_n3A_263, %shift_right_logical3A : i32
          %parallel_loop3A = arith.constant 0 : i32
          %parallel_loop3A_535 = arith.constant 1 : i32
          scf.for %parallel_loop3A_536 = %parallel_loop3A to %shift_right_logical3A_534 step %parallel_loop3A_535  : i32 {
            %parallel_loop3A_537 = tpu.iota {dimensions = array<i32: 0>} : vector<16xi32>
            %parallel_loop3A_538 = arith.constant 2 : i32
            %parallel_loop3A_539 = vector.broadcast %parallel_loop3A_538 : i32 to vector<16xi32>
            %parallel_loop3A_540 = arith.xori %parallel_loop3A_537, %parallel_loop3A_539 : vector<16xi32>
            %parallel_loop3A_541 = arith.constant 2 : i32
            %parallel_loop3A_542 = vector.broadcast %parallel_loop3A_541 : i32 to vector<16xi32>
            %parallel_loop3A_543 = arith.andi %parallel_loop3A_537, %parallel_loop3A_542 : vector<16xi32>
            %parallel_loop3A_544 = arith.constant 0 : i32
            %parallel_loop3A_545 = vector.broadcast %parallel_loop3A_544 : i32 to vector<16xi32>
            %parallel_loop3A_546 = arith.cmpi eq, %parallel_loop3A_543, %parallel_loop3A_545 : vector<16xi32>
            %parallel_loop3A_547 = arith.constant 1 : i32
            %parallel_loop3A_548 = arith.constant 0 : i32
            %parallel_loop3A_549 = vector.broadcast %parallel_loop3A_547 : i32 to vector<16xi32>
            %parallel_loop3A_550 = vector.broadcast %parallel_loop3A_548 : i32 to vector<16xi32>
            %parallel_loop3A_551 = arith.select %parallel_loop3A_546, %parallel_loop3A_549, %parallel_loop3A_550 : vector<16xi1>, vector<16xi32>
            %parallel_loop3A_552 = arith.constant 16 : i32
            %parallel_loop3A_553 = arith.muli %parallel_loop3A_536, %parallel_loop3A_552 : i32
            %parallel_loop3A_554 = arith.muli %arg1, %select_n3A_263 : i32
            %parallel_loop3A_555 = arith.addi %parallel_loop3A_554, %parallel_loop3A_553 : i32
            %parallel_loop3A_556 = vector.broadcast %parallel_loop3A_555 : i32 to vector<16xi32>
            %parallel_loop3A_557 = arith.addi %parallel_loop3A_556, %parallel_loop3A_537 : vector<16xi32>
            %parallel_loop3A_558 = tpu.assume_multiple %parallel_loop3A_553, 8 : i32
            %parallel_loop3A_559 = arith.index_cast %parallel_loop3A_558 : i32 to index
            %parallel_loop3A_560 = tpu.vector_load %arg12[%parallel_loop3A_559] {strides = array<i32>} : memref<16384xi32, #tpu.memory_space<vmem>>, vector<16xi32>,
            %parallel_loop3A_561 = vector.shape_cast %parallel_loop3A_560 : vector<16xi32> to vector<16xi32>
            %parallel_loop3A_562 = tpu.assume_multiple %parallel_loop3A_553, 8 : i32
            %parallel_loop3A_563 = arith.index_cast %parallel_loop3A_562 : i32 to index
            %parallel_loop3A_564 = tpu.vector_load %arg13[%parallel_loop3A_563] {strides = array<i32>} : memref<16384xi32, #tpu.memory_space<vmem>>, vector<16xi32>,
            %parallel_loop3A_565 = vector.shape_cast %parallel_loop3A_564 : vector<16xi32> to vector<16xi32>
            %parallel_loop3A_566 = vector.shape_cast %parallel_loop3A_540 : vector<16xi32> to vector<16x1xi32>
            %parallel_loop3A_567 = vector.shape_cast %parallel_loop3A_566 : vector<16x1xi32> to vector<16xi32>
            %parallel_loop3A_568 = tpu.dynamic_gather %parallel_loop3A_561[%parallel_loop3A_567] in [0] : vector<16xi32>, vector<16xi32> -> vector<16xi32>
            %parallel_loop3A_569 = vector.shape_cast %parallel_loop3A_540 : vector<16xi32> to vector<16x1xi32>
            %parallel_loop3A_570 = vector.shape_cast %parallel_loop3A_569 : vector<16x1xi32> to vector<16xi32>
            %parallel_loop3A_571 = tpu.dynamic_gather %parallel_loop3A_565[%parallel_loop3A_570] in [0] : vector<16xi32>, vector<16xi32> -> vector<16xi32>
            %parallel_loop3A_572 = vector.broadcast %while3A_499 : i32 to vector<16xi32>
            %parallel_loop3A_573 = arith.shrui %parallel_loop3A_557, %parallel_loop3A_572 : vector<16xi32>
            %parallel_loop3A_574 = arith.constant 1 : i32
            %parallel_loop3A_575 = vector.broadcast %parallel_loop3A_574 : i32 to vector<16xi32>
            %parallel_loop3A_576 = arith.andi %parallel_loop3A_573, %parallel_loop3A_575 : vector<16xi32>
            %parallel_loop3A_577 = arith.constant 1 : i32
            %parallel_loop3A_578 = vector.broadcast %parallel_loop3A_577 : i32 to vector<16xi32>
            %parallel_loop3A_579 = arith.subi %parallel_loop3A_578, %parallel_loop3A_576 : vector<16xi32>
            %parallel_loop3A_580 = arith.cmpi sgt, %parallel_loop3A_561, %parallel_loop3A_568 : vector<16xi32>
            %parallel_loop3A_581 = arith.cmpi eq, %parallel_loop3A_561, %parallel_loop3A_568 : vector<16xi32>
            %parallel_loop3A_582 = arith.cmpi sgt, %parallel_loop3A_565, %parallel_loop3A_571 : vector<16xi32>
            %parallel_loop3A_583 = arith.andi %parallel_loop3A_581, %parallel_loop3A_582 : vector<16xi1>
            %parallel_loop3A_584 = arith.ori %parallel_loop3A_580, %parallel_loop3A_583 : vector<16xi1>
            %parallel_loop3A_585 = arith.constant 1 : i32
            %parallel_loop3A_586 = arith.constant 0 : i32
            %parallel_loop3A_587 = vector.broadcast %parallel_loop3A_585 : i32 to vector<16xi32>
            %parallel_loop3A_588 = vector.broadcast %parallel_loop3A_586 : i32 to vector<16xi32>
            %parallel_loop3A_589 = arith.select %parallel_loop3A_584, %parallel_loop3A_587, %parallel_loop3A_588 : vector<16xi1>, vector<16xi32>
            %parallel_loop3A_590 = arith.cmpi eq, %parallel_loop3A_551, %parallel_loop3A_579 : vector<16xi32>
            %parallel_loop3A_591 = arith.constant 1 : i32
            %parallel_loop3A_592 = arith.constant 0 : i32
            %parallel_loop3A_593 = vector.broadcast %parallel_loop3A_591 : i32 to vector<16xi32>
            %parallel_loop3A_594 = vector.broadcast %parallel_loop3A_592 : i32 to vector<16xi32>
            %parallel_loop3A_595 = arith.select %parallel_loop3A_590, %parallel_loop3A_593, %parallel_loop3A_594 : vector<16xi1>, vector<16xi32>
            %parallel_loop3A_596 = arith.xori %parallel_loop3A_589, %parallel_loop3A_595 : vector<16xi32>
            %parallel_loop3A_597 = arith.constant 1 : i32
            %parallel_loop3A_598 = vector.broadcast %parallel_loop3A_597 : i32 to vector<16xi32>
            %parallel_loop3A_599 = arith.xori %parallel_loop3A_596, %parallel_loop3A_598 : vector<16xi32>
            %parallel_loop3A_600 = arith.constant 0 : i32
            %parallel_loop3A_601 = vector.broadcast %parallel_loop3A_600 : i32 to vector<16xi32>
            %parallel_loop3A_602 = arith.cmpi ne, %parallel_loop3A_599, %parallel_loop3A_601 : vector<16xi32>
            %parallel_loop3A_603 = arith.select %parallel_loop3A_602, %parallel_loop3A_568, %parallel_loop3A_561 : vector<16xi1>, vector<16xi32>
            %parallel_loop3A_604 = tpu.assume_multiple %parallel_loop3A_553, 8 : i32
            %parallel_loop3A_605 = arith.index_cast %parallel_loop3A_604 : i32 to index
            %parallel_loop3A_606 = tpu.vector_load %arg12[%parallel_loop3A_605] {strides = array<i32>} : memref<16384xi32, #tpu.memory_space<vmem>>, vector<16xi32>,
            %parallel_loop3A_607 = vector.shape_cast %parallel_loop3A_606 : vector<16xi32> to vector<16xi32>
            %parallel_loop3A_608 = vector.shape_cast %parallel_loop3A_603 : vector<16xi32> to vector<16xi32>
            tpu.vector_store %arg12[%parallel_loop3A_605], %parallel_loop3A_608 {strides = array<i32>} : memref<16384xi32, #tpu.memory_space<vmem>>, vector<16xi32>,
            %parallel_loop3A_609 = arith.select %parallel_loop3A_602, %parallel_loop3A_571, %parallel_loop3A_565 : vector<16xi1>, vector<16xi32>
            %parallel_loop3A_610 = tpu.assume_multiple %parallel_loop3A_553, 8 : i32
            %parallel_loop3A_611 = arith.index_cast %parallel_loop3A_610 : i32 to index
            %parallel_loop3A_612 = tpu.vector_load %arg13[%parallel_loop3A_611] {strides = array<i32>} : memref<16384xi32, #tpu.memory_space<vmem>>, vector<16xi32>,
            %parallel_loop3A_613 = vector.shape_cast %parallel_loop3A_612 : vector<16xi32> to vector<16xi32>
            %parallel_loop3A_614 = vector.shape_cast %parallel_loop3A_609 : vector<16xi32> to vector<16xi32>
            tpu.vector_store %arg13[%parallel_loop3A_611], %parallel_loop3A_614 {strides = array<i32>} : memref<16384xi32, #tpu.memory_space<vmem>>, vector<16xi32>,
          } {sc.loop_unroll_factor = 4 : i64, sc.parallel_access}
        } else {
        }
        %gt3A_529 = arith.constant 0 : i32
        %gt3A_530 = arith.cmpi sgt, %while3A_499, %gt3A_529 : i32
        %convert_element_type3A_531 = arith.extui %gt3A_530 : i1 to i32
        %cond3A_532 = arith.constant 0 : i32
        %cond3A_533 = arith.cmpi ne, %convert_element_type3A_531, %cond3A_532 : i32
        scf.if %cond3A_533 {
          %shift_right_logical3A = arith.constant 4 : i32
          %shift_right_logical3A_534 = arith.shrui %select_n3A_263, %shift_right_logical3A : i32
          %parallel_loop3A = arith.constant 0 : i32
          %parallel_loop3A_535 = arith.constant 1 : i32
          scf.for %parallel_loop3A_536 = %parallel_loop3A to %shift_right_logical3A_534 step %parallel_loop3A_535  : i32 {
            %parallel_loop3A_537 = tpu.iota {dimensions = array<i32: 0>} : vector<16xi32>
            %parallel_loop3A_538 = arith.constant 1 : i32
            %parallel_loop3A_539 = vector.broadcast %parallel_loop3A_538 : i32 to vector<16xi32>
            %parallel_loop3A_540 = arith.xori %parallel_loop3A_537, %parallel_loop3A_539 : vector<16xi32>
            %parallel_loop3A_541 = arith.constant 1 : i32
            %parallel_loop3A_542 = vector.broadcast %parallel_loop3A_541 : i32 to vector<16xi32>
            %parallel_loop3A_543 = arith.andi %parallel_loop3A_537, %parallel_loop3A_542 : vector<16xi32>
            %parallel_loop3A_544 = arith.constant 0 : i32
            %parallel_loop3A_545 = vector.broadcast %parallel_loop3A_544 : i32 to vector<16xi32>
            %parallel_loop3A_546 = arith.cmpi eq, %parallel_loop3A_543, %parallel_loop3A_545 : vector<16xi32>
            %parallel_loop3A_547 = arith.constant 1 : i32
            %parallel_loop3A_548 = arith.constant 0 : i32
            %parallel_loop3A_549 = vector.broadcast %parallel_loop3A_547 : i32 to vector<16xi32>
            %parallel_loop3A_550 = vector.broadcast %parallel_loop3A_548 : i32 to vector<16xi32>
            %parallel_loop3A_551 = arith.select %parallel_loop3A_546, %parallel_loop3A_549, %parallel_loop3A_550 : vector<16xi1>, vector<16xi32>
            %parallel_loop3A_552 = arith.constant 16 : i32
            %parallel_loop3A_553 = arith.muli %parallel_loop3A_536, %parallel_loop3A_552 : i32
            %parallel_loop3A_554 = arith.muli %arg1, %select_n3A_263 : i32
            %parallel_loop3A_555 = arith.addi %parallel_loop3A_554, %parallel_loop3A_553 : i32
            %parallel_loop3A_556 = vector.broadcast %parallel_loop3A_555 : i32 to vector<16xi32>
            %parallel_loop3A_557 = arith.addi %parallel_loop3A_556, %parallel_loop3A_537 : vector<16xi32>
            %parallel_loop3A_558 = tpu.assume_multiple %parallel_loop3A_553, 8 : i32
            %parallel_loop3A_559 = arith.index_cast %parallel_loop3A_558 : i32 to index
            %parallel_loop3A_560 = tpu.vector_load %arg12[%parallel_loop3A_559] {strides = array<i32>} : memref<16384xi32, #tpu.memory_space<vmem>>, vector<16xi32>,
            %parallel_loop3A_561 = vector.shape_cast %parallel_loop3A_560 : vector<16xi32> to vector<16xi32>
            %parallel_loop3A_562 = tpu.assume_multiple %parallel_loop3A_553, 8 : i32
            %parallel_loop3A_563 = arith.index_cast %parallel_loop3A_562 : i32 to index
            %parallel_loop3A_564 = tpu.vector_load %arg13[%parallel_loop3A_563] {strides = array<i32>} : memref<16384xi32, #tpu.memory_space<vmem>>, vector<16xi32>,
            %parallel_loop3A_565 = vector.shape_cast %parallel_loop3A_564 : vector<16xi32> to vector<16xi32>
            %parallel_loop3A_566 = vector.shape_cast %parallel_loop3A_540 : vector<16xi32> to vector<16x1xi32>
            %parallel_loop3A_567 = vector.shape_cast %parallel_loop3A_566 : vector<16x1xi32> to vector<16xi32>
            %parallel_loop3A_568 = tpu.dynamic_gather %parallel_loop3A_561[%parallel_loop3A_567] in [0] : vector<16xi32>, vector<16xi32> -> vector<16xi32>
            %parallel_loop3A_569 = vector.shape_cast %parallel_loop3A_540 : vector<16xi32> to vector<16x1xi32>
            %parallel_loop3A_570 = vector.shape_cast %parallel_loop3A_569 : vector<16x1xi32> to vector<16xi32>
            %parallel_loop3A_571 = tpu.dynamic_gather %parallel_loop3A_565[%parallel_loop3A_570] in [0] : vector<16xi32>, vector<16xi32> -> vector<16xi32>
            %parallel_loop3A_572 = vector.broadcast %while3A_499 : i32 to vector<16xi32>
            %parallel_loop3A_573 = arith.shrui %parallel_loop3A_557, %parallel_loop3A_572 : vector<16xi32>
            %parallel_loop3A_574 = arith.constant 1 : i32
            %parallel_loop3A_575 = vector.broadcast %parallel_loop3A_574 : i32 to vector<16xi32>
            %parallel_loop3A_576 = arith.andi %parallel_loop3A_573, %parallel_loop3A_575 : vector<16xi32>
            %parallel_loop3A_577 = arith.constant 1 : i32
            %parallel_loop3A_578 = vector.broadcast %parallel_loop3A_577 : i32 to vector<16xi32>
            %parallel_loop3A_579 = arith.subi %parallel_loop3A_578, %parallel_loop3A_576 : vector<16xi32>
            %parallel_loop3A_580 = arith.cmpi sgt, %parallel_loop3A_561, %parallel_loop3A_568 : vector<16xi32>
            %parallel_loop3A_581 = arith.cmpi eq, %parallel_loop3A_561, %parallel_loop3A_568 : vector<16xi32>
            %parallel_loop3A_582 = arith.cmpi sgt, %parallel_loop3A_565, %parallel_loop3A_571 : vector<16xi32>
            %parallel_loop3A_583 = arith.andi %parallel_loop3A_581, %parallel_loop3A_582 : vector<16xi1>
            %parallel_loop3A_584 = arith.ori %parallel_loop3A_580, %parallel_loop3A_583 : vector<16xi1>
            %parallel_loop3A_585 = arith.constant 1 : i32
            %parallel_loop3A_586 = arith.constant 0 : i32
            %parallel_loop3A_587 = vector.broadcast %parallel_loop3A_585 : i32 to vector<16xi32>
            %parallel_loop3A_588 = vector.broadcast %parallel_loop3A_586 : i32 to vector<16xi32>
            %parallel_loop3A_589 = arith.select %parallel_loop3A_584, %parallel_loop3A_587, %parallel_loop3A_588 : vector<16xi1>, vector<16xi32>
            %parallel_loop3A_590 = arith.cmpi eq, %parallel_loop3A_551, %parallel_loop3A_579 : vector<16xi32>
            %parallel_loop3A_591 = arith.constant 1 : i32
            %parallel_loop3A_592 = arith.constant 0 : i32
            %parallel_loop3A_593 = vector.broadcast %parallel_loop3A_591 : i32 to vector<16xi32>
            %parallel_loop3A_594 = vector.broadcast %parallel_loop3A_592 : i32 to vector<16xi32>
            %parallel_loop3A_595 = arith.select %parallel_loop3A_590, %parallel_loop3A_593, %parallel_loop3A_594 : vector<16xi1>, vector<16xi32>
            %parallel_loop3A_596 = arith.xori %parallel_loop3A_589, %parallel_loop3A_595 : vector<16xi32>
            %parallel_loop3A_597 = arith.constant 1 : i32
            %parallel_loop3A_598 = vector.broadcast %parallel_loop3A_597 : i32 to vector<16xi32>
            %parallel_loop3A_599 = arith.xori %parallel_loop3A_596, %parallel_loop3A_598 : vector<16xi32>
            %parallel_loop3A_600 = arith.constant 0 : i32
            %parallel_loop3A_601 = vector.broadcast %parallel_loop3A_600 : i32 to vector<16xi32>
            %parallel_loop3A_602 = arith.cmpi ne, %parallel_loop3A_599, %parallel_loop3A_601 : vector<16xi32>
            %parallel_loop3A_603 = arith.select %parallel_loop3A_602, %parallel_loop3A_568, %parallel_loop3A_561 : vector<16xi1>, vector<16xi32>
            %parallel_loop3A_604 = tpu.assume_multiple %parallel_loop3A_553, 8 : i32
            %parallel_loop3A_605 = arith.index_cast %parallel_loop3A_604 : i32 to index
            %parallel_loop3A_606 = tpu.vector_load %arg12[%parallel_loop3A_605] {strides = array<i32>} : memref<16384xi32, #tpu.memory_space<vmem>>, vector<16xi32>,
            %parallel_loop3A_607 = vector.shape_cast %parallel_loop3A_606 : vector<16xi32> to vector<16xi32>
            %parallel_loop3A_608 = vector.shape_cast %parallel_loop3A_603 : vector<16xi32> to vector<16xi32>
            tpu.vector_store %arg12[%parallel_loop3A_605], %parallel_loop3A_608 {strides = array<i32>} : memref<16384xi32, #tpu.memory_space<vmem>>, vector<16xi32>,
            %parallel_loop3A_609 = arith.select %parallel_loop3A_602, %parallel_loop3A_571, %parallel_loop3A_565 : vector<16xi1>, vector<16xi32>
            %parallel_loop3A_610 = tpu.assume_multiple %parallel_loop3A_553, 8 : i32
            %parallel_loop3A_611 = arith.index_cast %parallel_loop3A_610 : i32 to index
            %parallel_loop3A_612 = tpu.vector_load %arg13[%parallel_loop3A_611] {strides = array<i32>} : memref<16384xi32, #tpu.memory_space<vmem>>, vector<16xi32>,
            %parallel_loop3A_613 = vector.shape_cast %parallel_loop3A_612 : vector<16xi32> to vector<16xi32>
            %parallel_loop3A_614 = vector.shape_cast %parallel_loop3A_609 : vector<16xi32> to vector<16xi32>
            tpu.vector_store %arg13[%parallel_loop3A_611], %parallel_loop3A_614 {strides = array<i32>} : memref<16384xi32, #tpu.memory_space<vmem>>, vector<16xi32>,
          } {sc.loop_unroll_factor = 4 : i64, sc.parallel_access}
        } else {
        }
      }
      %while3A_403 = arith.constant 1 : i32
      scf.for %while3A_499 = %while3A_401 to %while3A_397 step %while3A_403  : i32 {
        %sub3A_500 = arith.constant 4 : i32
        %sub3A_501 = arith.subi %while3A_499, %sub3A_500 : i32
        %max3A_502 = arith.constant 0 : i32
        %max3A_503 = arith.maxsi %sub3A_501, %max3A_502 : i32
        %while3A_504 = arith.constant 0 : i32
        %while3A_505 = arith.constant 0 : i32
        %while3A_506 = arith.subi %max3A_503, %while3A_505 : i32
        %while3A_507 = arith.addi %while3A_505, %while3A_506 : i32
        %while3A_508 = arith.constant 1 : i32
        %while3A_509 = arith.divsi %while3A_506, %while3A_508 : i32
        %while3A_510 = arith.muli %while3A_509, %while3A_508 : i32
        %while3A_511 = arith.addi %while3A_505, %while3A_510 : i32
        %while3A_512 = arith.constant 1 : i32
        scf.for %while3A_534 = %while3A_505 to %while3A_511 step %while3A_512  : i32 {
          %sub3A_535 = arith.constant 1 : i32
          %sub3A_536 = arith.subi %while3A_499, %sub3A_535 : i32
          %sub3A_537 = arith.subi %sub3A_536, %while3A_534 : i32
          %ge3A_538 = arith.cmpi sge, %sub3A_537, %sub3A_265 : i32
          %convert_element_type3A_539 = arith.extui %ge3A_538 : i1 to i32
          %cond3A_540 = arith.constant 0 : i32
          %cond3A_541 = arith.cmpi ne, %convert_element_type3A_539, %cond3A_540 : i32
          scf.if %cond3A_541 {
            %while3A_545 = arith.constant 0 : i32
            %while3A_546 = arith.constant 0 : i32
            %while3A_547 = arith.subi %select_n3A_289, %while3A_546 : i32
            %while3A_548 = arith.addi %while3A_546, %while3A_547 : i32
            %while3A_549 = arith.constant 1 : i32
            %while3A_550 = arith.divsi %while3A_547, %while3A_549 : i32
            %while3A_551 = arith.muli %while3A_550, %while3A_549 : i32
            %while3A_552 = arith.addi %while3A_546, %while3A_551 : i32
            %while3A_553 = arith.constant 1 : i32
            scf.for %while3A_585 = %while3A_546 to %while3A_552 step %while3A_553  : i32 {
              %mul3A_586 = arith.constant 2048 : i32
              %mul3A_587 = arith.muli %while3A_585, %mul3A_586 : i32
              %multiple_of3A_588 = tpu.assume_multiple %mul3A_587, 8 : i32
              %mul3A_589 = arith.muli %arg1, %select_n3A_263 : i32
              %mul3A_590 = arith.constant 2048 : i32
              %mul3A_591 = arith.muli %while3A_585, %mul3A_590 : i32
              %add3A_592 = arith.addi %mul3A_589, %mul3A_591 : i32
              %multiple_of3A_593 = tpu.assume_multiple %add3A_592, 8 : i32
              "tpu.region"() ({
                %run_scoped3A = tpu.sem_alloc : memref<!tpu.dma_semaphore, #tpu.memory_space<semaphore_mem>>
                %dma_start3A = tpu.memref_slice %arg12[%multiple_of3A_588] : memref<16384xi32, #tpu.memory_space<vmem>> -> memref<2048xi32, #tpu.memory_space<vmem>>
                %dma_start3A_602 = tpu.memref_slice %arg26[%multiple_of3A_593] : memref<266240xi32, #tpu.memory_space<vmem_shared>> -> memref<2048xi32, #tpu.memory_space<vmem_shared>>
                %dma_start3A_603 = tpu.memref_slice %arg26[%multiple_of3A_593] : memref<266240xi32, #tpu.memory_space<vmem_shared>> -> memref<2048xi32, #tpu.memory_space<vmem_shared>>
                %dma_start3A_604 = tpu.memref_slice %arg12[%multiple_of3A_588] : memref<16384xi32, #tpu.memory_space<vmem>> -> memref<2048xi32, #tpu.memory_space<vmem>>
                tpu.enqueue_dma source(%dma_start3A_604 : memref<2048xi32, #tpu.memory_space<vmem>>) target(%dma_start3A_603 : memref<2048xi32, #tpu.memory_space<vmem_shared>>) target_semaphore(%run_scoped3A : memref<!tpu.dma_semaphore, #tpu.memory_space<semaphore_mem>>)
                %dma_wait3A = tpu.memref_slice %arg12[%multiple_of3A_588] : memref<16384xi32, #tpu.memory_space<vmem>> -> memref<2048xi32, #tpu.memory_space<vmem>>
                %dma_wait3A_605 = tpu.memref_slice %arg26[%multiple_of3A_593] : memref<266240xi32, #tpu.memory_space<vmem_shared>> -> memref<2048xi32, #tpu.memory_space<vmem_shared>>
                %dma_wait3A_606 = tpu.memref_slice %arg26[%multiple_of3A_593] : memref<266240xi32, #tpu.memory_space<vmem_shared>> -> memref<2048xi32, #tpu.memory_space<vmem_shared>>
                %dma_wait3A_607 = tpu.memref_slice %arg12[%multiple_of3A_588] : memref<16384xi32, #tpu.memory_space<vmem>> -> memref<2048xi32, #tpu.memory_space<vmem>>
                tpu.wait_dma2 semaphore(%run_scoped3A : memref<!tpu.dma_semaphore, #tpu.memory_space<semaphore_mem>>) src(%dma_wait3A_607 : memref<2048xi32, #tpu.memory_space<vmem>>) dst(%dma_wait3A_606 : memref<2048xi32, #tpu.memory_space<vmem_shared>>)
                tpu.yield
              }) : () -> ()
              %mul3A_594 = arith.constant 2048 : i32
              %mul3A_595 = arith.muli %while3A_585, %mul3A_594 : i32
              %multiple_of3A_596 = tpu.assume_multiple %mul3A_595, 8 : i32
              %mul3A_597 = arith.muli %arg1, %select_n3A_263 : i32
              %mul3A_598 = arith.constant 2048 : i32
              %mul3A_599 = arith.muli %while3A_585, %mul3A_598 : i32
              %add3A_600 = arith.addi %mul3A_597, %mul3A_599 : i32
              %multiple_of3A_601 = tpu.assume_multiple %add3A_600, 8 : i32
              "tpu.region"() ({
                %run_scoped3A = tpu.sem_alloc : memref<!tpu.dma_semaphore, #tpu.memory_space<semaphore_mem>>
                %dma_start3A = tpu.memref_slice %arg13[%multiple_of3A_596] : memref<16384xi32, #tpu.memory_space<vmem>> -> memref<2048xi32, #tpu.memory_space<vmem>>
                %dma_start3A_602 = tpu.memref_slice %arg27[%multiple_of3A_601] : memref<266240xi32, #tpu.memory_space<vmem_shared>> -> memref<2048xi32, #tpu.memory_space<vmem_shared>>
                %dma_start3A_603 = tpu.memref_slice %arg27[%multiple_of3A_601] : memref<266240xi32, #tpu.memory_space<vmem_shared>> -> memref<2048xi32, #tpu.memory_space<vmem_shared>>
                %dma_start3A_604 = tpu.memref_slice %arg13[%multiple_of3A_596] : memref<16384xi32, #tpu.memory_space<vmem>> -> memref<2048xi32, #tpu.memory_space<vmem>>
                tpu.enqueue_dma source(%dma_start3A_604 : memref<2048xi32, #tpu.memory_space<vmem>>) target(%dma_start3A_603 : memref<2048xi32, #tpu.memory_space<vmem_shared>>) target_semaphore(%run_scoped3A : memref<!tpu.dma_semaphore, #tpu.memory_space<semaphore_mem>>)
                %dma_wait3A = tpu.memref_slice %arg13[%multiple_of3A_596] : memref<16384xi32, #tpu.memory_space<vmem>> -> memref<2048xi32, #tpu.memory_space<vmem>>
                %dma_wait3A_605 = tpu.memref_slice %arg27[%multiple_of3A_601] : memref<266240xi32, #tpu.memory_space<vmem_shared>> -> memref<2048xi32, #tpu.memory_space<vmem_shared>>
                %dma_wait3A_606 = tpu.memref_slice %arg27[%multiple_of3A_601] : memref<266240xi32, #tpu.memory_space<vmem_shared>> -> memref<2048xi32, #tpu.memory_space<vmem_shared>>
                %dma_wait3A_607 = tpu.memref_slice %arg13[%multiple_of3A_596] : memref<16384xi32, #tpu.memory_space<vmem>> -> memref<2048xi32, #tpu.memory_space<vmem>>
                tpu.wait_dma2 semaphore(%run_scoped3A : memref<!tpu.dma_semaphore, #tpu.memory_space<semaphore_mem>>) src(%dma_wait3A_607 : memref<2048xi32, #tpu.memory_space<vmem>>) dst(%dma_wait3A_606 : memref<2048xi32, #tpu.memory_space<vmem_shared>>)
                tpu.yield
              }) : () -> ()
            }
            %while3A_554 = arith.constant 1 : i32
            scf.for %while3A_585 = %while3A_552 to %while3A_548 step %while3A_554  : i32 {
              %mul3A_586 = arith.constant 2048 : i32
              %mul3A_587 = arith.muli %while3A_585, %mul3A_586 : i32
              %multiple_of3A_588 = tpu.assume_multiple %mul3A_587, 8 : i32
              %mul3A_589 = arith.muli %arg1, %select_n3A_263 : i32
              %mul3A_590 = arith.constant 2048 : i32
              %mul3A_591 = arith.muli %while3A_585, %mul3A_590 : i32
              %add3A_592 = arith.addi %mul3A_589, %mul3A_591 : i32
              %multiple_of3A_593 = tpu.assume_multiple %add3A_592, 8 : i32
              "tpu.region"() ({
                %run_scoped3A = tpu.sem_alloc : memref<!tpu.dma_semaphore, #tpu.memory_space<semaphore_mem>>
                %dma_start3A = tpu.memref_slice %arg12[%multiple_of3A_588] : memref<16384xi32, #tpu.memory_space<vmem>> -> memref<2048xi32, #tpu.memory_space<vmem>>
                %dma_start3A_602 = tpu.memref_slice %arg26[%multiple_of3A_593] : memref<266240xi32, #tpu.memory_space<vmem_shared>> -> memref<2048xi32, #tpu.memory_space<vmem_shared>>
                %dma_start3A_603 = tpu.memref_slice %arg26[%multiple_of3A_593] : memref<266240xi32, #tpu.memory_space<vmem_shared>> -> memref<2048xi32, #tpu.memory_space<vmem_shared>>
                %dma_start3A_604 = tpu.memref_slice %arg12[%multiple_of3A_588] : memref<16384xi32, #tpu.memory_space<vmem>> -> memref<2048xi32, #tpu.memory_space<vmem>>
                tpu.enqueue_dma source(%dma_start3A_604 : memref<2048xi32, #tpu.memory_space<vmem>>) target(%dma_start3A_603 : memref<2048xi32, #tpu.memory_space<vmem_shared>>) target_semaphore(%run_scoped3A : memref<!tpu.dma_semaphore, #tpu.memory_space<semaphore_mem>>)
                %dma_wait3A = tpu.memref_slice %arg12[%multiple_of3A_588] : memref<16384xi32, #tpu.memory_space<vmem>> -> memref<2048xi32, #tpu.memory_space<vmem>>
                %dma_wait3A_605 = tpu.memref_slice %arg26[%multiple_of3A_593] : memref<266240xi32, #tpu.memory_space<vmem_shared>> -> memref<2048xi32, #tpu.memory_space<vmem_shared>>
                %dma_wait3A_606 = tpu.memref_slice %arg26[%multiple_of3A_593] : memref<266240xi32, #tpu.memory_space<vmem_shared>> -> memref<2048xi32, #tpu.memory_space<vmem_shared>>
                %dma_wait3A_607 = tpu.memref_slice %arg12[%multiple_of3A_588] : memref<16384xi32, #tpu.memory_space<vmem>> -> memref<2048xi32, #tpu.memory_space<vmem>>
                tpu.wait_dma2 semaphore(%run_scoped3A : memref<!tpu.dma_semaphore, #tpu.memory_space<semaphore_mem>>) src(%dma_wait3A_607 : memref<2048xi32, #tpu.memory_space<vmem>>) dst(%dma_wait3A_606 : memref<2048xi32, #tpu.memory_space<vmem_shared>>)
                tpu.yield
              }) : () -> ()
              %mul3A_594 = arith.constant 2048 : i32
              %mul3A_595 = arith.muli %while3A_585, %mul3A_594 : i32
              %multiple_of3A_596 = tpu.assume_multiple %mul3A_595, 8 : i32
              %mul3A_597 = arith.muli %arg1, %select_n3A_263 : i32
              %mul3A_598 = arith.constant 2048 : i32
              %mul3A_599 = arith.muli %while3A_585, %mul3A_598 : i32
              %add3A_600 = arith.addi %mul3A_597, %mul3A_599 : i32
              %multiple_of3A_601 = tpu.assume_multiple %add3A_600, 8 : i32
              "tpu.region"() ({
                %run_scoped3A = tpu.sem_alloc : memref<!tpu.dma_semaphore, #tpu.memory_space<semaphore_mem>>
                %dma_start3A = tpu.memref_slice %arg13[%multiple_of3A_596] : memref<16384xi32, #tpu.memory_space<vmem>> -> memref<2048xi32, #tpu.memory_space<vmem>>
                %dma_start3A_602 = tpu.memref_slice %arg27[%multiple_of3A_601] : memref<266240xi32, #tpu.memory_space<vmem_shared>> -> memref<2048xi32, #tpu.memory_space<vmem_shared>>
                %dma_start3A_603 = tpu.memref_slice %arg27[%multiple_of3A_601] : memref<266240xi32, #tpu.memory_space<vmem_shared>> -> memref<2048xi32, #tpu.memory_space<vmem_shared>>
                %dma_start3A_604 = tpu.memref_slice %arg13[%multiple_of3A_596] : memref<16384xi32, #tpu.memory_space<vmem>> -> memref<2048xi32, #tpu.memory_space<vmem>>
                tpu.enqueue_dma source(%dma_start3A_604 : memref<2048xi32, #tpu.memory_space<vmem>>) target(%dma_start3A_603 : memref<2048xi32, #tpu.memory_space<vmem_shared>>) target_semaphore(%run_scoped3A : memref<!tpu.dma_semaphore, #tpu.memory_space<semaphore_mem>>)
                %dma_wait3A = tpu.memref_slice %arg13[%multiple_of3A_596] : memref<16384xi32, #tpu.memory_space<vmem>> -> memref<2048xi32, #tpu.memory_space<vmem>>
                %dma_wait3A_605 = tpu.memref_slice %arg27[%multiple_of3A_601] : memref<266240xi32, #tpu.memory_space<vmem_shared>> -> memref<2048xi32, #tpu.memory_space<vmem_shared>>
                %dma_wait3A_606 = tpu.memref_slice %arg27[%multiple_of3A_601] : memref<266240xi32, #tpu.memory_space<vmem_shared>> -> memref<2048xi32, #tpu.memory_space<vmem_shared>>
                %dma_wait3A_607 = tpu.memref_slice %arg13[%multiple_of3A_596] : memref<16384xi32, #tpu.memory_space<vmem>> -> memref<2048xi32, #tpu.memory_space<vmem>>
                tpu.wait_dma2 semaphore(%run_scoped3A : memref<!tpu.dma_semaphore, #tpu.memory_space<semaphore_mem>>) src(%dma_wait3A_607 : memref<2048xi32, #tpu.memory_space<vmem>>) dst(%dma_wait3A_606 : memref<2048xi32, #tpu.memory_space<vmem_shared>>)
                tpu.yield
              }) : () -> ()
            }
            %barrier3A_555 = arith.constant 0 : index
            tpu.barrier barrier_id(%barrier3A_555)
            %sub3A_556 = arith.subi %sub3A_537, %sub3A_265 : i32
            %shift_left3A_557 = arith.constant 1 : i32
            %shift_left3A_558 = arith.shli %shift_left3A_557, %sub3A_556 : i32
            %xor3A = arith.xori %arg1, %shift_left3A_558 : i32
            %and3A_559 = arith.andi %arg1, %shift_left3A_558 : i32
            %gt3A_560 = arith.constant 0 : i32
            %gt3A_561 = arith.cmpi sgt, %and3A_559, %gt3A_560 : i32
            %jit3A_562 = arith.constant 1 : i32
            %jit3A_563 = arith.constant 0 : i32
            %select_n3A_564 = arith.select %gt3A_561, %jit3A_562, %jit3A_563 : i32
            %mul3A_565 = arith.muli %arg1, %select_n3A_263 : i32
            %shift_right_logical3A = arith.shrui %mul3A_565, %while3A_499 : i32
            %and3A_566 = arith.constant 1 : i32
            %and3A_567 = arith.andi %shift_right_logical3A, %and3A_566 : i32
            %sub3A_568 = arith.constant 1 : i32
            %sub3A_569 = arith.subi %sub3A_568, %and3A_567 : i32
            %eq3A_570 = arith.cmpi eq, %select_n3A_564, %sub3A_569 : i32
            %jit3A_571 = arith.constant 1 : i32
            %jit3A_572 = arith.constant 0 : i32
            %select_n3A_573 = arith.select %eq3A_570, %jit3A_571, %jit3A_572 : i32
            %while3A_574 = arith.constant 0 : i32
            %while3A_575 = arith.constant 0 : i32
            %while3A_576 = arith.subi %select_n3A_289, %while3A_575 : i32
            %while3A_577 = arith.addi %while3A_575, %while3A_576 : i32
            %while3A_578 = arith.constant 1 : i32
            %while3A_579 = arith.divsi %while3A_576, %while3A_578 : i32
            %while3A_580 = arith.muli %while3A_579, %while3A_578 : i32
            %while3A_581 = arith.addi %while3A_575, %while3A_580 : i32
            %while3A_582 = arith.constant 1 : i32
            scf.for %while3A_585 = %while3A_575 to %while3A_581 step %while3A_582  : i32 {
              %mul3A_586 = arith.muli %xor3A, %select_n3A_263 : i32
              %mul3A_587 = arith.constant 2048 : i32
              %mul3A_588 = arith.muli %while3A_585, %mul3A_587 : i32
              %add3A_589 = arith.addi %mul3A_586, %mul3A_588 : i32
              %multiple_of3A_590 = tpu.assume_multiple %add3A_589, 8 : i32
              "tpu.region"() ({
                %run_scoped3A = tpu.sem_alloc : memref<!tpu.dma_semaphore, #tpu.memory_space<semaphore_mem>>
                %dma_start3A = tpu.memref_slice %arg26[%multiple_of3A_590] : memref<266240xi32, #tpu.memory_space<vmem_shared>> -> memref<2048xi32, #tpu.memory_space<vmem_shared>>
                %dma_start3A_598 = tpu.memref_slice %arg26[%multiple_of3A_590] : memref<266240xi32, #tpu.memory_space<vmem_shared>> -> memref<2048xi32, #tpu.memory_space<vmem_shared>>
                tpu.enqueue_dma source(%dma_start3A_598 : memref<2048xi32, #tpu.memory_space<vmem_shared>>) target(%arg14 : memref<2048xi32, #tpu.memory_space<vmem>>) target_semaphore(%run_scoped3A : memref<!tpu.dma_semaphore, #tpu.memory_space<semaphore_mem>>)
                %dma_wait3A = tpu.memref_slice %arg26[%multiple_of3A_590] : memref<266240xi32, #tpu.memory_space<vmem_shared>> -> memref<2048xi32, #tpu.memory_space<vmem_shared>>
                %dma_wait3A_599 = tpu.memref_slice %arg26[%multiple_of3A_590] : memref<266240xi32, #tpu.memory_space<vmem_shared>> -> memref<2048xi32, #tpu.memory_space<vmem_shared>>
                tpu.wait_dma2 semaphore(%run_scoped3A : memref<!tpu.dma_semaphore, #tpu.memory_space<semaphore_mem>>) src(%dma_wait3A_599 : memref<2048xi32, #tpu.memory_space<vmem_shared>>) dst(%arg14 : memref<2048xi32, #tpu.memory_space<vmem>>)
                tpu.yield
              }) : () -> ()
              %mul3A_591 = arith.muli %xor3A, %select_n3A_263 : i32
              %mul3A_592 = arith.constant 2048 : i32
              %mul3A_593 = arith.muli %while3A_585, %mul3A_592 : i32
              %add3A_594 = arith.addi %mul3A_591, %mul3A_593 : i32
              %multiple_of3A_595 = tpu.assume_multiple %add3A_594, 8 : i32
              "tpu.region"() ({
                %run_scoped3A = tpu.sem_alloc : memref<!tpu.dma_semaphore, #tpu.memory_space<semaphore_mem>>
                %dma_start3A = tpu.memref_slice %arg27[%multiple_of3A_595] : memref<266240xi32, #tpu.memory_space<vmem_shared>> -> memref<2048xi32, #tpu.memory_space<vmem_shared>>
                %dma_start3A_598 = tpu.memref_slice %arg27[%multiple_of3A_595] : memref<266240xi32, #tpu.memory_space<vmem_shared>> -> memref<2048xi32, #tpu.memory_space<vmem_shared>>
                tpu.enqueue_dma source(%dma_start3A_598 : memref<2048xi32, #tpu.memory_space<vmem_shared>>) target(%arg15 : memref<2048xi32, #tpu.memory_space<vmem>>) target_semaphore(%run_scoped3A : memref<!tpu.dma_semaphore, #tpu.memory_space<semaphore_mem>>)
                %dma_wait3A = tpu.memref_slice %arg27[%multiple_of3A_595] : memref<266240xi32, #tpu.memory_space<vmem_shared>> -> memref<2048xi32, #tpu.memory_space<vmem_shared>>
                %dma_wait3A_599 = tpu.memref_slice %arg27[%multiple_of3A_595] : memref<266240xi32, #tpu.memory_space<vmem_shared>> -> memref<2048xi32, #tpu.memory_space<vmem_shared>>
                tpu.wait_dma2 semaphore(%run_scoped3A : memref<!tpu.dma_semaphore, #tpu.memory_space<semaphore_mem>>) src(%dma_wait3A_599 : memref<2048xi32, #tpu.memory_space<vmem_shared>>) dst(%arg15 : memref<2048xi32, #tpu.memory_space<vmem>>)
                tpu.yield
              }) : () -> ()
              %parallel_loop3A = arith.constant 0 : i32
              %parallel_loop3A_596 = arith.constant 128 : i32
              %parallel_loop3A_597 = arith.constant 1 : i32
              scf.for %parallel_loop3A_598 = %parallel_loop3A to %parallel_loop3A_596 step %parallel_loop3A_597  : i32 {
                %parallel_loop3A_599 = arith.constant 2048 : i32
                %parallel_loop3A_600 = arith.muli %while3A_585, %parallel_loop3A_599 : i32
                %parallel_loop3A_601 = arith.constant 16 : i32
                %parallel_loop3A_602 = arith.muli %parallel_loop3A_598, %parallel_loop3A_601 : i32
                %parallel_loop3A_603 = arith.addi %parallel_loop3A_600, %parallel_loop3A_602 : i32
                %parallel_loop3A_604 = tpu.assume_multiple %parallel_loop3A_603, 8 : i32
                %parallel_loop3A_605 = arith.index_cast %parallel_loop3A_604 : i32 to index
                %parallel_loop3A_606 = tpu.vector_load %arg12[%parallel_loop3A_605] {strides = array<i32>} : memref<16384xi32, #tpu.memory_space<vmem>>, vector<16xi32>,
                %parallel_loop3A_607 = vector.shape_cast %parallel_loop3A_606 : vector<16xi32> to vector<16xi32>
                %parallel_loop3A_608 = tpu.assume_multiple %parallel_loop3A_603, 8 : i32
                %parallel_loop3A_609 = arith.index_cast %parallel_loop3A_608 : i32 to index
                %parallel_loop3A_610 = tpu.vector_load %arg13[%parallel_loop3A_609] {strides = array<i32>} : memref<16384xi32, #tpu.memory_space<vmem>>, vector<16xi32>,
                %parallel_loop3A_611 = vector.shape_cast %parallel_loop3A_610 : vector<16xi32> to vector<16xi32>
                %parallel_loop3A_612 = arith.constant 16 : i32
                %parallel_loop3A_613 = arith.muli %parallel_loop3A_598, %parallel_loop3A_612 : i32
                %parallel_loop3A_614 = tpu.assume_multiple %parallel_loop3A_613, 8 : i32
                %parallel_loop3A_615 = arith.index_cast %parallel_loop3A_614 : i32 to index
                %parallel_loop3A_616 = tpu.vector_load %arg14[%parallel_loop3A_615] {strides = array<i32>} : memref<2048xi32, #tpu.memory_space<vmem>>, vector<16xi32>,
                %parallel_loop3A_617 = vector.shape_cast %parallel_loop3A_616 : vector<16xi32> to vector<16xi32>
                %parallel_loop3A_618 = arith.constant 16 : i32
                %parallel_loop3A_619 = arith.muli %parallel_loop3A_598, %parallel_loop3A_618 : i32
                %parallel_loop3A_620 = tpu.assume_multiple %parallel_loop3A_619, 8 : i32
                %parallel_loop3A_621 = arith.index_cast %parallel_loop3A_620 : i32 to index
                %parallel_loop3A_622 = tpu.vector_load %arg15[%parallel_loop3A_621] {strides = array<i32>} : memref<2048xi32, #tpu.memory_space<vmem>>, vector<16xi32>,
                %parallel_loop3A_623 = vector.shape_cast %parallel_loop3A_622 : vector<16xi32> to vector<16xi32>
                %parallel_loop3A_624 = arith.cmpi sgt, %parallel_loop3A_607, %parallel_loop3A_617 : vector<16xi32>
                %parallel_loop3A_625 = arith.cmpi eq, %parallel_loop3A_607, %parallel_loop3A_617 : vector<16xi32>
                %parallel_loop3A_626 = arith.cmpi sgt, %parallel_loop3A_611, %parallel_loop3A_623 : vector<16xi32>
                %parallel_loop3A_627 = arith.andi %parallel_loop3A_625, %parallel_loop3A_626 : vector<16xi1>
                %parallel_loop3A_628 = arith.ori %parallel_loop3A_624, %parallel_loop3A_627 : vector<16xi1>
                %parallel_loop3A_629 = arith.constant 1 : i32
                %parallel_loop3A_630 = arith.constant 0 : i32
                %parallel_loop3A_631 = vector.broadcast %parallel_loop3A_629 : i32 to vector<16xi32>
                %parallel_loop3A_632 = vector.broadcast %parallel_loop3A_630 : i32 to vector<16xi32>
                %parallel_loop3A_633 = arith.select %parallel_loop3A_628, %parallel_loop3A_631, %parallel_loop3A_632 : vector<16xi1>, vector<16xi32>
                %parallel_loop3A_634 = vector.broadcast %select_n3A_573 : i32 to vector<16xi32>
                %parallel_loop3A_635 = arith.xori %parallel_loop3A_633, %parallel_loop3A_634 : vector<16xi32>
                %parallel_loop3A_636 = arith.constant 0 : i32
                %parallel_loop3A_637 = vector.broadcast %parallel_loop3A_636 : i32 to vector<16xi32>
                %parallel_loop3A_638 = arith.cmpi ne, %parallel_loop3A_635, %parallel_loop3A_637 : vector<16xi32>
                %parallel_loop3A_639 = arith.select %parallel_loop3A_638, %parallel_loop3A_617, %parallel_loop3A_607 : vector<16xi1>, vector<16xi32>
                %parallel_loop3A_640 = tpu.assume_multiple %parallel_loop3A_603, 8 : i32
                %parallel_loop3A_641 = arith.index_cast %parallel_loop3A_640 : i32 to index
                %parallel_loop3A_642 = tpu.vector_load %arg12[%parallel_loop3A_641] {strides = array<i32>} : memref<16384xi32, #tpu.memory_space<vmem>>, vector<16xi32>,
                %parallel_loop3A_643 = vector.shape_cast %parallel_loop3A_642 : vector<16xi32> to vector<16xi32>
                %parallel_loop3A_644 = vector.shape_cast %parallel_loop3A_639 : vector<16xi32> to vector<16xi32>
                tpu.vector_store %arg12[%parallel_loop3A_641], %parallel_loop3A_644 {strides = array<i32>} : memref<16384xi32, #tpu.memory_space<vmem>>, vector<16xi32>,
                %parallel_loop3A_645 = arith.select %parallel_loop3A_638, %parallel_loop3A_623, %parallel_loop3A_611 : vector<16xi1>, vector<16xi32>
                %parallel_loop3A_646 = tpu.assume_multiple %parallel_loop3A_603, 8 : i32
                %parallel_loop3A_647 = arith.index_cast %parallel_loop3A_646 : i32 to index
                %parallel_loop3A_648 = tpu.vector_load %arg13[%parallel_loop3A_647] {strides = array<i32>} : memref<16384xi32, #tpu.memory_space<vmem>>, vector<16xi32>,
                %parallel_loop3A_649 = vector.shape_cast %parallel_loop3A_648 : vector<16xi32> to vector<16xi32>
                %parallel_loop3A_650 = vector.shape_cast %parallel_loop3A_645 : vector<16xi32> to vector<16xi32>
                tpu.vector_store %arg13[%parallel_loop3A_647], %parallel_loop3A_650 {strides = array<i32>} : memref<16384xi32, #tpu.memory_space<vmem>>, vector<16xi32>,
              } {sc.loop_unroll_factor = 4 : i64, sc.parallel_access}
            }
            %while3A_583 = arith.constant 1 : i32
            scf.for %while3A_585 = %while3A_581 to %while3A_577 step %while3A_583  : i32 {
              %mul3A_586 = arith.muli %xor3A, %select_n3A_263 : i32
              %mul3A_587 = arith.constant 2048 : i32
              %mul3A_588 = arith.muli %while3A_585, %mul3A_587 : i32
              %add3A_589 = arith.addi %mul3A_586, %mul3A_588 : i32
              %multiple_of3A_590 = tpu.assume_multiple %add3A_589, 8 : i32
              "tpu.region"() ({
                %run_scoped3A = tpu.sem_alloc : memref<!tpu.dma_semaphore, #tpu.memory_space<semaphore_mem>>
                %dma_start3A = tpu.memref_slice %arg26[%multiple_of3A_590] : memref<266240xi32, #tpu.memory_space<vmem_shared>> -> memref<2048xi32, #tpu.memory_space<vmem_shared>>
                %dma_start3A_598 = tpu.memref_slice %arg26[%multiple_of3A_590] : memref<266240xi32, #tpu.memory_space<vmem_shared>> -> memref<2048xi32, #tpu.memory_space<vmem_shared>>
                tpu.enqueue_dma source(%dma_start3A_598 : memref<2048xi32, #tpu.memory_space<vmem_shared>>) target(%arg14 : memref<2048xi32, #tpu.memory_space<vmem>>) target_semaphore(%run_scoped3A : memref<!tpu.dma_semaphore, #tpu.memory_space<semaphore_mem>>)
                %dma_wait3A = tpu.memref_slice %arg26[%multiple_of3A_590] : memref<266240xi32, #tpu.memory_space<vmem_shared>> -> memref<2048xi32, #tpu.memory_space<vmem_shared>>
                %dma_wait3A_599 = tpu.memref_slice %arg26[%multiple_of3A_590] : memref<266240xi32, #tpu.memory_space<vmem_shared>> -> memref<2048xi32, #tpu.memory_space<vmem_shared>>
                tpu.wait_dma2 semaphore(%run_scoped3A : memref<!tpu.dma_semaphore, #tpu.memory_space<semaphore_mem>>) src(%dma_wait3A_599 : memref<2048xi32, #tpu.memory_space<vmem_shared>>) dst(%arg14 : memref<2048xi32, #tpu.memory_space<vmem>>)
                tpu.yield
              }) : () -> ()
              %mul3A_591 = arith.muli %xor3A, %select_n3A_263 : i32
              %mul3A_592 = arith.constant 2048 : i32
              %mul3A_593 = arith.muli %while3A_585, %mul3A_592 : i32
              %add3A_594 = arith.addi %mul3A_591, %mul3A_593 : i32
              %multiple_of3A_595 = tpu.assume_multiple %add3A_594, 8 : i32
              "tpu.region"() ({
                %run_scoped3A = tpu.sem_alloc : memref<!tpu.dma_semaphore, #tpu.memory_space<semaphore_mem>>
                %dma_start3A = tpu.memref_slice %arg27[%multiple_of3A_595] : memref<266240xi32, #tpu.memory_space<vmem_shared>> -> memref<2048xi32, #tpu.memory_space<vmem_shared>>
                %dma_start3A_598 = tpu.memref_slice %arg27[%multiple_of3A_595] : memref<266240xi32, #tpu.memory_space<vmem_shared>> -> memref<2048xi32, #tpu.memory_space<vmem_shared>>
                tpu.enqueue_dma source(%dma_start3A_598 : memref<2048xi32, #tpu.memory_space<vmem_shared>>) target(%arg15 : memref<2048xi32, #tpu.memory_space<vmem>>) target_semaphore(%run_scoped3A : memref<!tpu.dma_semaphore, #tpu.memory_space<semaphore_mem>>)
                %dma_wait3A = tpu.memref_slice %arg27[%multiple_of3A_595] : memref<266240xi32, #tpu.memory_space<vmem_shared>> -> memref<2048xi32, #tpu.memory_space<vmem_shared>>
                %dma_wait3A_599 = tpu.memref_slice %arg27[%multiple_of3A_595] : memref<266240xi32, #tpu.memory_space<vmem_shared>> -> memref<2048xi32, #tpu.memory_space<vmem_shared>>
                tpu.wait_dma2 semaphore(%run_scoped3A : memref<!tpu.dma_semaphore, #tpu.memory_space<semaphore_mem>>) src(%dma_wait3A_599 : memref<2048xi32, #tpu.memory_space<vmem_shared>>) dst(%arg15 : memref<2048xi32, #tpu.memory_space<vmem>>)
                tpu.yield
              }) : () -> ()
              %parallel_loop3A = arith.constant 0 : i32
              %parallel_loop3A_596 = arith.constant 128 : i32
              %parallel_loop3A_597 = arith.constant 1 : i32
              scf.for %parallel_loop3A_598 = %parallel_loop3A to %parallel_loop3A_596 step %parallel_loop3A_597  : i32 {
                %parallel_loop3A_599 = arith.constant 2048 : i32
                %parallel_loop3A_600 = arith.muli %while3A_585, %parallel_loop3A_599 : i32
                %parallel_loop3A_601 = arith.constant 16 : i32
                %parallel_loop3A_602 = arith.muli %parallel_loop3A_598, %parallel_loop3A_601 : i32
                %parallel_loop3A_603 = arith.addi %parallel_loop3A_600, %parallel_loop3A_602 : i32
                %parallel_loop3A_604 = tpu.assume_multiple %parallel_loop3A_603, 8 : i32
                %parallel_loop3A_605 = arith.index_cast %parallel_loop3A_604 : i32 to index
                %parallel_loop3A_606 = tpu.vector_load %arg12[%parallel_loop3A_605] {strides = array<i32>} : memref<16384xi32, #tpu.memory_space<vmem>>, vector<16xi32>,
                %parallel_loop3A_607 = vector.shape_cast %parallel_loop3A_606 : vector<16xi32> to vector<16xi32>
                %parallel_loop3A_608 = tpu.assume_multiple %parallel_loop3A_603, 8 : i32
                %parallel_loop3A_609 = arith.index_cast %parallel_loop3A_608 : i32 to index
                %parallel_loop3A_610 = tpu.vector_load %arg13[%parallel_loop3A_609] {strides = array<i32>} : memref<16384xi32, #tpu.memory_space<vmem>>, vector<16xi32>,
                %parallel_loop3A_611 = vector.shape_cast %parallel_loop3A_610 : vector<16xi32> to vector<16xi32>
                %parallel_loop3A_612 = arith.constant 16 : i32
                %parallel_loop3A_613 = arith.muli %parallel_loop3A_598, %parallel_loop3A_612 : i32
                %parallel_loop3A_614 = tpu.assume_multiple %parallel_loop3A_613, 8 : i32
                %parallel_loop3A_615 = arith.index_cast %parallel_loop3A_614 : i32 to index
                %parallel_loop3A_616 = tpu.vector_load %arg14[%parallel_loop3A_615] {strides = array<i32>} : memref<2048xi32, #tpu.memory_space<vmem>>, vector<16xi32>,
                %parallel_loop3A_617 = vector.shape_cast %parallel_loop3A_616 : vector<16xi32> to vector<16xi32>
                %parallel_loop3A_618 = arith.constant 16 : i32
                %parallel_loop3A_619 = arith.muli %parallel_loop3A_598, %parallel_loop3A_618 : i32
                %parallel_loop3A_620 = tpu.assume_multiple %parallel_loop3A_619, 8 : i32
                %parallel_loop3A_621 = arith.index_cast %parallel_loop3A_620 : i32 to index
                %parallel_loop3A_622 = tpu.vector_load %arg15[%parallel_loop3A_621] {strides = array<i32>} : memref<2048xi32, #tpu.memory_space<vmem>>, vector<16xi32>,
                %parallel_loop3A_623 = vector.shape_cast %parallel_loop3A_622 : vector<16xi32> to vector<16xi32>
                %parallel_loop3A_624 = arith.cmpi sgt, %parallel_loop3A_607, %parallel_loop3A_617 : vector<16xi32>
                %parallel_loop3A_625 = arith.cmpi eq, %parallel_loop3A_607, %parallel_loop3A_617 : vector<16xi32>
                %parallel_loop3A_626 = arith.cmpi sgt, %parallel_loop3A_611, %parallel_loop3A_623 : vector<16xi32>
                %parallel_loop3A_627 = arith.andi %parallel_loop3A_625, %parallel_loop3A_626 : vector<16xi1>
                %parallel_loop3A_628 = arith.ori %parallel_loop3A_624, %parallel_loop3A_627 : vector<16xi1>
                %parallel_loop3A_629 = arith.constant 1 : i32
                %parallel_loop3A_630 = arith.constant 0 : i32
                %parallel_loop3A_631 = vector.broadcast %parallel_loop3A_629 : i32 to vector<16xi32>
                %parallel_loop3A_632 = vector.broadcast %parallel_loop3A_630 : i32 to vector<16xi32>
                %parallel_loop3A_633 = arith.select %parallel_loop3A_628, %parallel_loop3A_631, %parallel_loop3A_632 : vector<16xi1>, vector<16xi32>
                %parallel_loop3A_634 = vector.broadcast %select_n3A_573 : i32 to vector<16xi32>
                %parallel_loop3A_635 = arith.xori %parallel_loop3A_633, %parallel_loop3A_634 : vector<16xi32>
                %parallel_loop3A_636 = arith.constant 0 : i32
                %parallel_loop3A_637 = vector.broadcast %parallel_loop3A_636 : i32 to vector<16xi32>
                %parallel_loop3A_638 = arith.cmpi ne, %parallel_loop3A_635, %parallel_loop3A_637 : vector<16xi32>
                %parallel_loop3A_639 = arith.select %parallel_loop3A_638, %parallel_loop3A_617, %parallel_loop3A_607 : vector<16xi1>, vector<16xi32>
                %parallel_loop3A_640 = tpu.assume_multiple %parallel_loop3A_603, 8 : i32
                %parallel_loop3A_641 = arith.index_cast %parallel_loop3A_640 : i32 to index
                %parallel_loop3A_642 = tpu.vector_load %arg12[%parallel_loop3A_641] {strides = array<i32>} : memref<16384xi32, #tpu.memory_space<vmem>>, vector<16xi32>,
                %parallel_loop3A_643 = vector.shape_cast %parallel_loop3A_642 : vector<16xi32> to vector<16xi32>
                %parallel_loop3A_644 = vector.shape_cast %parallel_loop3A_639 : vector<16xi32> to vector<16xi32>
                tpu.vector_store %arg12[%parallel_loop3A_641], %parallel_loop3A_644 {strides = array<i32>} : memref<16384xi32, #tpu.memory_space<vmem>>, vector<16xi32>,
                %parallel_loop3A_645 = arith.select %parallel_loop3A_638, %parallel_loop3A_623, %parallel_loop3A_611 : vector<16xi1>, vector<16xi32>
                %parallel_loop3A_646 = tpu.assume_multiple %parallel_loop3A_603, 8 : i32
                %parallel_loop3A_647 = arith.index_cast %parallel_loop3A_646 : i32 to index
                %parallel_loop3A_648 = tpu.vector_load %arg13[%parallel_loop3A_647] {strides = array<i32>} : memref<16384xi32, #tpu.memory_space<vmem>>, vector<16xi32>,
                %parallel_loop3A_649 = vector.shape_cast %parallel_loop3A_648 : vector<16xi32> to vector<16xi32>
                %parallel_loop3A_650 = vector.shape_cast %parallel_loop3A_645 : vector<16xi32> to vector<16xi32>
                tpu.vector_store %arg13[%parallel_loop3A_647], %parallel_loop3A_650 {strides = array<i32>} : memref<16384xi32, #tpu.memory_space<vmem>>, vector<16xi32>,
              } {sc.loop_unroll_factor = 4 : i64, sc.parallel_access}
            }
            %barrier3A_584 = arith.constant 0 : index
            tpu.barrier barrier_id(%barrier3A_584)
          } else {
          }
          %lt3A = arith.cmpi slt, %sub3A_537, %sub3A_265 : i32
          %convert_element_type3A_542 = arith.extui %lt3A : i1 to i32
          %cond3A_543 = arith.constant 0 : i32
          %cond3A_544 = arith.cmpi ne, %convert_element_type3A_542, %cond3A_543 : i32
          scf.if %cond3A_544 {
            %shift_left3A_545 = arith.constant 1 : i32
            %shift_left3A_546 = arith.shli %shift_left3A_545, %sub3A_537 : i32
            %shift_right_logical3A = arith.constant 5 : i32
            %shift_right_logical3A_547 = arith.shrui %select_n3A_263, %shift_right_logical3A : i32
            %parallel_loop3A = arith.constant 0 : i32
            %parallel_loop3A_548 = arith.constant 1 : i32
            scf.for %parallel_loop3A_549 = %parallel_loop3A to %shift_right_logical3A_547 step %parallel_loop3A_548  : i32 {
              %parallel_loop3A_550 = arith.constant 4 : i32
              %parallel_loop3A_551 = arith.subi %sub3A_537, %parallel_loop3A_550 : i32
              %parallel_loop3A_552 = arith.shrui %parallel_loop3A_549, %parallel_loop3A_551 : i32
              %parallel_loop3A_553 = arith.constant 4 : i32
              %parallel_loop3A_554 = arith.shrui %shift_left3A_546, %parallel_loop3A_553 : i32
              %parallel_loop3A_555 = arith.constant 1 : i32
              %parallel_loop3A_556 = arith.subi %parallel_loop3A_554, %parallel_loop3A_555 : i32
              %parallel_loop3A_557 = arith.andi %parallel_loop3A_549, %parallel_loop3A_556 : i32
              %parallel_loop3A_558 = arith.constant 1 : i32
              %parallel_loop3A_559 = arith.addi %sub3A_537, %parallel_loop3A_558 : i32
              %parallel_loop3A_560 = arith.shli %parallel_loop3A_552, %parallel_loop3A_559 : i32
              %parallel_loop3A_561 = arith.constant 16 : i32
              %parallel_loop3A_562 = arith.muli %parallel_loop3A_557, %parallel_loop3A_561 : i32
              %parallel_loop3A_563 = arith.addi %parallel_loop3A_560, %parallel_loop3A_562 : i32
              %parallel_loop3A_564 = arith.muli %arg1, %select_n3A_263 : i32
              %parallel_loop3A_565 = arith.addi %parallel_loop3A_564, %parallel_loop3A_560 : i32
              %parallel_loop3A_566 = arith.shrui %parallel_loop3A_565, %while3A_499 : i32
              %parallel_loop3A_567 = arith.constant 1 : i32
              %parallel_loop3A_568 = arith.andi %parallel_loop3A_566, %parallel_loop3A_567 : i32
              %parallel_loop3A_569 = tpu.assume_multiple %parallel_loop3A_563, 8 : i32
              %parallel_loop3A_570 = arith.index_cast %parallel_loop3A_569 : i32 to index
              %parallel_loop3A_571 = tpu.vector_load %arg12[%parallel_loop3A_570] {strides = array<i32>} : memref<16384xi32, #tpu.memory_space<vmem>>, vector<16xi32>,
              %parallel_loop3A_572 = vector.shape_cast %parallel_loop3A_571 : vector<16xi32> to vector<16xi32>
              %parallel_loop3A_573 = tpu.assume_multiple %parallel_loop3A_563, 8 : i32
              %parallel_loop3A_574 = arith.index_cast %parallel_loop3A_573 : i32 to index
              %parallel_loop3A_575 = tpu.vector_load %arg13[%parallel_loop3A_574] {strides = array<i32>} : memref<16384xi32, #tpu.memory_space<vmem>>, vector<16xi32>,
              %parallel_loop3A_576 = vector.shape_cast %parallel_loop3A_575 : vector<16xi32> to vector<16xi32>
              %parallel_loop3A_577 = arith.addi %parallel_loop3A_563, %shift_left3A_546 : i32
              %parallel_loop3A_578 = tpu.assume_multiple %parallel_loop3A_577, 8 : i32
              %parallel_loop3A_579 = arith.index_cast %parallel_loop3A_578 : i32 to index
              %parallel_loop3A_580 = tpu.vector_load %arg12[%parallel_loop3A_579] {strides = array<i32>} : memref<16384xi32, #tpu.memory_space<vmem>>, vector<16xi32>,
              %parallel_loop3A_581 = vector.shape_cast %parallel_loop3A_580 : vector<16xi32> to vector<16xi32>
              %parallel_loop3A_582 = arith.addi %parallel_loop3A_563, %shift_left3A_546 : i32
              %parallel_loop3A_583 = tpu.assume_multiple %parallel_loop3A_582, 8 : i32
              %parallel_loop3A_584 = arith.index_cast %parallel_loop3A_583 : i32 to index
              %parallel_loop3A_585 = tpu.vector_load %arg13[%parallel_loop3A_584] {strides = array<i32>} : memref<16384xi32, #tpu.memory_space<vmem>>, vector<16xi32>,
              %parallel_loop3A_586 = vector.shape_cast %parallel_loop3A_585 : vector<16xi32> to vector<16xi32>
              %parallel_loop3A_587 = arith.cmpi sgt, %parallel_loop3A_572, %parallel_loop3A_581 : vector<16xi32>
              %parallel_loop3A_588 = arith.cmpi eq, %parallel_loop3A_572, %parallel_loop3A_581 : vector<16xi32>
              %parallel_loop3A_589 = arith.cmpi sgt, %parallel_loop3A_576, %parallel_loop3A_586 : vector<16xi32>
              %parallel_loop3A_590 = arith.andi %parallel_loop3A_588, %parallel_loop3A_589 : vector<16xi1>
              %parallel_loop3A_591 = arith.ori %parallel_loop3A_587, %parallel_loop3A_590 : vector<16xi1>
              %parallel_loop3A_592 = arith.constant 1 : i32
              %parallel_loop3A_593 = arith.constant 0 : i32
              %parallel_loop3A_594 = vector.broadcast %parallel_loop3A_592 : i32 to vector<16xi32>
              %parallel_loop3A_595 = vector.broadcast %parallel_loop3A_593 : i32 to vector<16xi32>
              %parallel_loop3A_596 = arith.select %parallel_loop3A_591, %parallel_loop3A_594, %parallel_loop3A_595 : vector<16xi1>, vector<16xi32>
              %parallel_loop3A_597 = vector.broadcast %parallel_loop3A_568 : i32 to vector<16xi32>
              %parallel_loop3A_598 = arith.xori %parallel_loop3A_596, %parallel_loop3A_597 : vector<16xi32>
              %parallel_loop3A_599 = arith.constant 0 : i32
              %parallel_loop3A_600 = vector.broadcast %parallel_loop3A_599 : i32 to vector<16xi32>
              %parallel_loop3A_601 = arith.cmpi ne, %parallel_loop3A_598, %parallel_loop3A_600 : vector<16xi32>
              %parallel_loop3A_602 = arith.select %parallel_loop3A_601, %parallel_loop3A_581, %parallel_loop3A_572 : vector<16xi1>, vector<16xi32>
              %parallel_loop3A_603 = tpu.assume_multiple %parallel_loop3A_563, 8 : i32
              %parallel_loop3A_604 = arith.index_cast %parallel_loop3A_603 : i32 to index
              %parallel_loop3A_605 = tpu.vector_load %arg12[%parallel_loop3A_604] {strides = array<i32>} : memref<16384xi32, #tpu.memory_space<vmem>>, vector<16xi32>,
              %parallel_loop3A_606 = vector.shape_cast %parallel_loop3A_605 : vector<16xi32> to vector<16xi32>
              %parallel_loop3A_607 = vector.shape_cast %parallel_loop3A_602 : vector<16xi32> to vector<16xi32>
              tpu.vector_store %arg12[%parallel_loop3A_604], %parallel_loop3A_607 {strides = array<i32>} : memref<16384xi32, #tpu.memory_space<vmem>>, vector<16xi32>,
              %parallel_loop3A_608 = arith.select %parallel_loop3A_601, %parallel_loop3A_586, %parallel_loop3A_576 : vector<16xi1>, vector<16xi32>
              %parallel_loop3A_609 = tpu.assume_multiple %parallel_loop3A_563, 8 : i32
              %parallel_loop3A_610 = arith.index_cast %parallel_loop3A_609 : i32 to index
              %parallel_loop3A_611 = tpu.vector_load %arg13[%parallel_loop3A_610] {strides = array<i32>} : memref<16384xi32, #tpu.memory_space<vmem>>, vector<16xi32>,
              %parallel_loop3A_612 = vector.shape_cast %parallel_loop3A_611 : vector<16xi32> to vector<16xi32>
              %parallel_loop3A_613 = vector.shape_cast %parallel_loop3A_608 : vector<16xi32> to vector<16xi32>
              tpu.vector_store %arg13[%parallel_loop3A_610], %parallel_loop3A_613 {strides = array<i32>} : memref<16384xi32, #tpu.memory_space<vmem>>, vector<16xi32>,
              %parallel_loop3A_614 = arith.select %parallel_loop3A_601, %parallel_loop3A_572, %parallel_loop3A_581 : vector<16xi1>, vector<16xi32>
              %parallel_loop3A_615 = arith.addi %parallel_loop3A_563, %shift_left3A_546 : i32
              %parallel_loop3A_616 = tpu.assume_multiple %parallel_loop3A_615, 8 : i32
              %parallel_loop3A_617 = arith.index_cast %parallel_loop3A_616 : i32 to index
              %parallel_loop3A_618 = tpu.vector_load %arg12[%parallel_loop3A_617] {strides = array<i32>} : memref<16384xi32, #tpu.memory_space<vmem>>, vector<16xi32>,
              %parallel_loop3A_619 = vector.shape_cast %parallel_loop3A_618 : vector<16xi32> to vector<16xi32>
              %parallel_loop3A_620 = vector.shape_cast %parallel_loop3A_614 : vector<16xi32> to vector<16xi32>
              tpu.vector_store %arg12[%parallel_loop3A_617], %parallel_loop3A_620 {strides = array<i32>} : memref<16384xi32, #tpu.memory_space<vmem>>, vector<16xi32>,
              %parallel_loop3A_621 = arith.select %parallel_loop3A_601, %parallel_loop3A_576, %parallel_loop3A_586 : vector<16xi1>, vector<16xi32>
              %parallel_loop3A_622 = arith.addi %parallel_loop3A_563, %shift_left3A_546 : i32
              %parallel_loop3A_623 = tpu.assume_multiple %parallel_loop3A_622, 8 : i32
              %parallel_loop3A_624 = arith.index_cast %parallel_loop3A_623 : i32 to index
              %parallel_loop3A_625 = tpu.vector_load %arg13[%parallel_loop3A_624] {strides = array<i32>} : memref<16384xi32, #tpu.memory_space<vmem>>, vector<16xi32>,
              %parallel_loop3A_626 = vector.shape_cast %parallel_loop3A_625 : vector<16xi32> to vector<16xi32>
              %parallel_loop3A_627 = vector.shape_cast %parallel_loop3A_621 : vector<16xi32> to vector<16xi32>
              tpu.vector_store %arg13[%parallel_loop3A_624], %parallel_loop3A_627 {strides = array<i32>} : memref<16384xi32, #tpu.memory_space<vmem>>, vector<16xi32>,
            } {sc.loop_unroll_factor = 4 : i64, sc.parallel_access}
          } else {
          }
        }
        %while3A_513 = arith.constant 1 : i32
        scf.for %while3A_534 = %while3A_511 to %while3A_507 step %while3A_513  : i32 {
          %sub3A_535 = arith.constant 1 : i32
          %sub3A_536 = arith.subi %while3A_499, %sub3A_535 : i32
          %sub3A_537 = arith.subi %sub3A_536, %while3A_534 : i32
          %ge3A_538 = arith.cmpi sge, %sub3A_537, %sub3A_265 : i32
          %convert_element_type3A_539 = arith.extui %ge3A_538 : i1 to i32
          %cond3A_540 = arith.constant 0 : i32
          %cond3A_541 = arith.cmpi ne, %convert_element_type3A_539, %cond3A_540 : i32
          scf.if %cond3A_541 {
            %while3A_545 = arith.constant 0 : i32
            %while3A_546 = arith.constant 0 : i32
            %while3A_547 = arith.subi %select_n3A_289, %while3A_546 : i32
            %while3A_548 = arith.addi %while3A_546, %while3A_547 : i32
            %while3A_549 = arith.constant 1 : i32
            %while3A_550 = arith.divsi %while3A_547, %while3A_549 : i32
            %while3A_551 = arith.muli %while3A_550, %while3A_549 : i32
            %while3A_552 = arith.addi %while3A_546, %while3A_551 : i32
            %while3A_553 = arith.constant 1 : i32
            scf.for %while3A_585 = %while3A_546 to %while3A_552 step %while3A_553  : i32 {
              %mul3A_586 = arith.constant 2048 : i32
              %mul3A_587 = arith.muli %while3A_585, %mul3A_586 : i32
              %multiple_of3A_588 = tpu.assume_multiple %mul3A_587, 8 : i32
              %mul3A_589 = arith.muli %arg1, %select_n3A_263 : i32
              %mul3A_590 = arith.constant 2048 : i32
              %mul3A_591 = arith.muli %while3A_585, %mul3A_590 : i32
              %add3A_592 = arith.addi %mul3A_589, %mul3A_591 : i32
              %multiple_of3A_593 = tpu.assume_multiple %add3A_592, 8 : i32
              "tpu.region"() ({
                %run_scoped3A = tpu.sem_alloc : memref<!tpu.dma_semaphore, #tpu.memory_space<semaphore_mem>>
                %dma_start3A = tpu.memref_slice %arg12[%multiple_of3A_588] : memref<16384xi32, #tpu.memory_space<vmem>> -> memref<2048xi32, #tpu.memory_space<vmem>>
                %dma_start3A_602 = tpu.memref_slice %arg26[%multiple_of3A_593] : memref<266240xi32, #tpu.memory_space<vmem_shared>> -> memref<2048xi32, #tpu.memory_space<vmem_shared>>
                %dma_start3A_603 = tpu.memref_slice %arg26[%multiple_of3A_593] : memref<266240xi32, #tpu.memory_space<vmem_shared>> -> memref<2048xi32, #tpu.memory_space<vmem_shared>>
                %dma_start3A_604 = tpu.memref_slice %arg12[%multiple_of3A_588] : memref<16384xi32, #tpu.memory_space<vmem>> -> memref<2048xi32, #tpu.memory_space<vmem>>
                tpu.enqueue_dma source(%dma_start3A_604 : memref<2048xi32, #tpu.memory_space<vmem>>) target(%dma_start3A_603 : memref<2048xi32, #tpu.memory_space<vmem_shared>>) target_semaphore(%run_scoped3A : memref<!tpu.dma_semaphore, #tpu.memory_space<semaphore_mem>>)
                %dma_wait3A = tpu.memref_slice %arg12[%multiple_of3A_588] : memref<16384xi32, #tpu.memory_space<vmem>> -> memref<2048xi32, #tpu.memory_space<vmem>>
                %dma_wait3A_605 = tpu.memref_slice %arg26[%multiple_of3A_593] : memref<266240xi32, #tpu.memory_space<vmem_shared>> -> memref<2048xi32, #tpu.memory_space<vmem_shared>>
                %dma_wait3A_606 = tpu.memref_slice %arg26[%multiple_of3A_593] : memref<266240xi32, #tpu.memory_space<vmem_shared>> -> memref<2048xi32, #tpu.memory_space<vmem_shared>>
                %dma_wait3A_607 = tpu.memref_slice %arg12[%multiple_of3A_588] : memref<16384xi32, #tpu.memory_space<vmem>> -> memref<2048xi32, #tpu.memory_space<vmem>>
                tpu.wait_dma2 semaphore(%run_scoped3A : memref<!tpu.dma_semaphore, #tpu.memory_space<semaphore_mem>>) src(%dma_wait3A_607 : memref<2048xi32, #tpu.memory_space<vmem>>) dst(%dma_wait3A_606 : memref<2048xi32, #tpu.memory_space<vmem_shared>>)
                tpu.yield
              }) : () -> ()
              %mul3A_594 = arith.constant 2048 : i32
              %mul3A_595 = arith.muli %while3A_585, %mul3A_594 : i32
              %multiple_of3A_596 = tpu.assume_multiple %mul3A_595, 8 : i32
              %mul3A_597 = arith.muli %arg1, %select_n3A_263 : i32
              %mul3A_598 = arith.constant 2048 : i32
              %mul3A_599 = arith.muli %while3A_585, %mul3A_598 : i32
              %add3A_600 = arith.addi %mul3A_597, %mul3A_599 : i32
              %multiple_of3A_601 = tpu.assume_multiple %add3A_600, 8 : i32
              "tpu.region"() ({
                %run_scoped3A = tpu.sem_alloc : memref<!tpu.dma_semaphore, #tpu.memory_space<semaphore_mem>>
                %dma_start3A = tpu.memref_slice %arg13[%multiple_of3A_596] : memref<16384xi32, #tpu.memory_space<vmem>> -> memref<2048xi32, #tpu.memory_space<vmem>>
                %dma_start3A_602 = tpu.memref_slice %arg27[%multiple_of3A_601] : memref<266240xi32, #tpu.memory_space<vmem_shared>> -> memref<2048xi32, #tpu.memory_space<vmem_shared>>
                %dma_start3A_603 = tpu.memref_slice %arg27[%multiple_of3A_601] : memref<266240xi32, #tpu.memory_space<vmem_shared>> -> memref<2048xi32, #tpu.memory_space<vmem_shared>>
                %dma_start3A_604 = tpu.memref_slice %arg13[%multiple_of3A_596] : memref<16384xi32, #tpu.memory_space<vmem>> -> memref<2048xi32, #tpu.memory_space<vmem>>
                tpu.enqueue_dma source(%dma_start3A_604 : memref<2048xi32, #tpu.memory_space<vmem>>) target(%dma_start3A_603 : memref<2048xi32, #tpu.memory_space<vmem_shared>>) target_semaphore(%run_scoped3A : memref<!tpu.dma_semaphore, #tpu.memory_space<semaphore_mem>>)
                %dma_wait3A = tpu.memref_slice %arg13[%multiple_of3A_596] : memref<16384xi32, #tpu.memory_space<vmem>> -> memref<2048xi32, #tpu.memory_space<vmem>>
                %dma_wait3A_605 = tpu.memref_slice %arg27[%multiple_of3A_601] : memref<266240xi32, #tpu.memory_space<vmem_shared>> -> memref<2048xi32, #tpu.memory_space<vmem_shared>>
                %dma_wait3A_606 = tpu.memref_slice %arg27[%multiple_of3A_601] : memref<266240xi32, #tpu.memory_space<vmem_shared>> -> memref<2048xi32, #tpu.memory_space<vmem_shared>>
                %dma_wait3A_607 = tpu.memref_slice %arg13[%multiple_of3A_596] : memref<16384xi32, #tpu.memory_space<vmem>> -> memref<2048xi32, #tpu.memory_space<vmem>>
                tpu.wait_dma2 semaphore(%run_scoped3A : memref<!tpu.dma_semaphore, #tpu.memory_space<semaphore_mem>>) src(%dma_wait3A_607 : memref<2048xi32, #tpu.memory_space<vmem>>) dst(%dma_wait3A_606 : memref<2048xi32, #tpu.memory_space<vmem_shared>>)
                tpu.yield
              }) : () -> ()
            }
            %while3A_554 = arith.constant 1 : i32
            scf.for %while3A_585 = %while3A_552 to %while3A_548 step %while3A_554  : i32 {
              %mul3A_586 = arith.constant 2048 : i32
              %mul3A_587 = arith.muli %while3A_585, %mul3A_586 : i32
              %multiple_of3A_588 = tpu.assume_multiple %mul3A_587, 8 : i32
              %mul3A_589 = arith.muli %arg1, %select_n3A_263 : i32
              %mul3A_590 = arith.constant 2048 : i32
              %mul3A_591 = arith.muli %while3A_585, %mul3A_590 : i32
              %add3A_592 = arith.addi %mul3A_589, %mul3A_591 : i32
              %multiple_of3A_593 = tpu.assume_multiple %add3A_592, 8 : i32
              "tpu.region"() ({
                %run_scoped3A = tpu.sem_alloc : memref<!tpu.dma_semaphore, #tpu.memory_space<semaphore_mem>>
                %dma_start3A = tpu.memref_slice %arg12[%multiple_of3A_588] : memref<16384xi32, #tpu.memory_space<vmem>> -> memref<2048xi32, #tpu.memory_space<vmem>>
                %dma_start3A_602 = tpu.memref_slice %arg26[%multiple_of3A_593] : memref<266240xi32, #tpu.memory_space<vmem_shared>> -> memref<2048xi32, #tpu.memory_space<vmem_shared>>
                %dma_start3A_603 = tpu.memref_slice %arg26[%multiple_of3A_593] : memref<266240xi32, #tpu.memory_space<vmem_shared>> -> memref<2048xi32, #tpu.memory_space<vmem_shared>>
                %dma_start3A_604 = tpu.memref_slice %arg12[%multiple_of3A_588] : memref<16384xi32, #tpu.memory_space<vmem>> -> memref<2048xi32, #tpu.memory_space<vmem>>
                tpu.enqueue_dma source(%dma_start3A_604 : memref<2048xi32, #tpu.memory_space<vmem>>) target(%dma_start3A_603 : memref<2048xi32, #tpu.memory_space<vmem_shared>>) target_semaphore(%run_scoped3A : memref<!tpu.dma_semaphore, #tpu.memory_space<semaphore_mem>>)
                %dma_wait3A = tpu.memref_slice %arg12[%multiple_of3A_588] : memref<16384xi32, #tpu.memory_space<vmem>> -> memref<2048xi32, #tpu.memory_space<vmem>>
                %dma_wait3A_605 = tpu.memref_slice %arg26[%multiple_of3A_593] : memref<266240xi32, #tpu.memory_space<vmem_shared>> -> memref<2048xi32, #tpu.memory_space<vmem_shared>>
                %dma_wait3A_606 = tpu.memref_slice %arg26[%multiple_of3A_593] : memref<266240xi32, #tpu.memory_space<vmem_shared>> -> memref<2048xi32, #tpu.memory_space<vmem_shared>>
                %dma_wait3A_607 = tpu.memref_slice %arg12[%multiple_of3A_588] : memref<16384xi32, #tpu.memory_space<vmem>> -> memref<2048xi32, #tpu.memory_space<vmem>>
                tpu.wait_dma2 semaphore(%run_scoped3A : memref<!tpu.dma_semaphore, #tpu.memory_space<semaphore_mem>>) src(%dma_wait3A_607 : memref<2048xi32, #tpu.memory_space<vmem>>) dst(%dma_wait3A_606 : memref<2048xi32, #tpu.memory_space<vmem_shared>>)
                tpu.yield
              }) : () -> ()
              %mul3A_594 = arith.constant 2048 : i32
              %mul3A_595 = arith.muli %while3A_585, %mul3A_594 : i32
              %multiple_of3A_596 = tpu.assume_multiple %mul3A_595, 8 : i32
              %mul3A_597 = arith.muli %arg1, %select_n3A_263 : i32
              %mul3A_598 = arith.constant 2048 : i32
              %mul3A_599 = arith.muli %while3A_585, %mul3A_598 : i32
              %add3A_600 = arith.addi %mul3A_597, %mul3A_599 : i32
              %multiple_of3A_601 = tpu.assume_multiple %add3A_600, 8 : i32
              "tpu.region"() ({
                %run_scoped3A = tpu.sem_alloc : memref<!tpu.dma_semaphore, #tpu.memory_space<semaphore_mem>>
                %dma_start3A = tpu.memref_slice %arg13[%multiple_of3A_596] : memref<16384xi32, #tpu.memory_space<vmem>> -> memref<2048xi32, #tpu.memory_space<vmem>>
                %dma_start3A_602 = tpu.memref_slice %arg27[%multiple_of3A_601] : memref<266240xi32, #tpu.memory_space<vmem_shared>> -> memref<2048xi32, #tpu.memory_space<vmem_shared>>
                %dma_start3A_603 = tpu.memref_slice %arg27[%multiple_of3A_601] : memref<266240xi32, #tpu.memory_space<vmem_shared>> -> memref<2048xi32, #tpu.memory_space<vmem_shared>>
                %dma_start3A_604 = tpu.memref_slice %arg13[%multiple_of3A_596] : memref<16384xi32, #tpu.memory_space<vmem>> -> memref<2048xi32, #tpu.memory_space<vmem>>
                tpu.enqueue_dma source(%dma_start3A_604 : memref<2048xi32, #tpu.memory_space<vmem>>) target(%dma_start3A_603 : memref<2048xi32, #tpu.memory_space<vmem_shared>>) target_semaphore(%run_scoped3A : memref<!tpu.dma_semaphore, #tpu.memory_space<semaphore_mem>>)
                %dma_wait3A = tpu.memref_slice %arg13[%multiple_of3A_596] : memref<16384xi32, #tpu.memory_space<vmem>> -> memref<2048xi32, #tpu.memory_space<vmem>>
                %dma_wait3A_605 = tpu.memref_slice %arg27[%multiple_of3A_601] : memref<266240xi32, #tpu.memory_space<vmem_shared>> -> memref<2048xi32, #tpu.memory_space<vmem_shared>>
                %dma_wait3A_606 = tpu.memref_slice %arg27[%multiple_of3A_601] : memref<266240xi32, #tpu.memory_space<vmem_shared>> -> memref<2048xi32, #tpu.memory_space<vmem_shared>>
                %dma_wait3A_607 = tpu.memref_slice %arg13[%multiple_of3A_596] : memref<16384xi32, #tpu.memory_space<vmem>> -> memref<2048xi32, #tpu.memory_space<vmem>>
                tpu.wait_dma2 semaphore(%run_scoped3A : memref<!tpu.dma_semaphore, #tpu.memory_space<semaphore_mem>>) src(%dma_wait3A_607 : memref<2048xi32, #tpu.memory_space<vmem>>) dst(%dma_wait3A_606 : memref<2048xi32, #tpu.memory_space<vmem_shared>>)
                tpu.yield
              }) : () -> ()
            }
            %barrier3A_555 = arith.constant 0 : index
            tpu.barrier barrier_id(%barrier3A_555)
            %sub3A_556 = arith.subi %sub3A_537, %sub3A_265 : i32
            %shift_left3A_557 = arith.constant 1 : i32
            %shift_left3A_558 = arith.shli %shift_left3A_557, %sub3A_556 : i32
            %xor3A = arith.xori %arg1, %shift_left3A_558 : i32
            %and3A_559 = arith.andi %arg1, %shift_left3A_558 : i32
            %gt3A_560 = arith.constant 0 : i32
            %gt3A_561 = arith.cmpi sgt, %and3A_559, %gt3A_560 : i32
            %jit3A_562 = arith.constant 1 : i32
            %jit3A_563 = arith.constant 0 : i32
            %select_n3A_564 = arith.select %gt3A_561, %jit3A_562, %jit3A_563 : i32
            %mul3A_565 = arith.muli %arg1, %select_n3A_263 : i32
            %shift_right_logical3A = arith.shrui %mul3A_565, %while3A_499 : i32
            %and3A_566 = arith.constant 1 : i32
            %and3A_567 = arith.andi %shift_right_logical3A, %and3A_566 : i32
            %sub3A_568 = arith.constant 1 : i32
            %sub3A_569 = arith.subi %sub3A_568, %and3A_567 : i32
            %eq3A_570 = arith.cmpi eq, %select_n3A_564, %sub3A_569 : i32
            %jit3A_571 = arith.constant 1 : i32
            %jit3A_572 = arith.constant 0 : i32
            %select_n3A_573 = arith.select %eq3A_570, %jit3A_571, %jit3A_572 : i32
            %while3A_574 = arith.constant 0 : i32
            %while3A_575 = arith.constant 0 : i32
            %while3A_576 = arith.subi %select_n3A_289, %while3A_575 : i32
            %while3A_577 = arith.addi %while3A_575, %while3A_576 : i32
            %while3A_578 = arith.constant 1 : i32
            %while3A_579 = arith.divsi %while3A_576, %while3A_578 : i32
            %while3A_580 = arith.muli %while3A_579, %while3A_578 : i32
            %while3A_581 = arith.addi %while3A_575, %while3A_580 : i32
            %while3A_582 = arith.constant 1 : i32
            scf.for %while3A_585 = %while3A_575 to %while3A_581 step %while3A_582  : i32 {
              %mul3A_586 = arith.muli %xor3A, %select_n3A_263 : i32
              %mul3A_587 = arith.constant 2048 : i32
              %mul3A_588 = arith.muli %while3A_585, %mul3A_587 : i32
              %add3A_589 = arith.addi %mul3A_586, %mul3A_588 : i32
              %multiple_of3A_590 = tpu.assume_multiple %add3A_589, 8 : i32
              "tpu.region"() ({
                %run_scoped3A = tpu.sem_alloc : memref<!tpu.dma_semaphore, #tpu.memory_space<semaphore_mem>>
                %dma_start3A = tpu.memref_slice %arg26[%multiple_of3A_590] : memref<266240xi32, #tpu.memory_space<vmem_shared>> -> memref<2048xi32, #tpu.memory_space<vmem_shared>>
                %dma_start3A_598 = tpu.memref_slice %arg26[%multiple_of3A_590] : memref<266240xi32, #tpu.memory_space<vmem_shared>> -> memref<2048xi32, #tpu.memory_space<vmem_shared>>
                tpu.enqueue_dma source(%dma_start3A_598 : memref<2048xi32, #tpu.memory_space<vmem_shared>>) target(%arg14 : memref<2048xi32, #tpu.memory_space<vmem>>) target_semaphore(%run_scoped3A : memref<!tpu.dma_semaphore, #tpu.memory_space<semaphore_mem>>)
                %dma_wait3A = tpu.memref_slice %arg26[%multiple_of3A_590] : memref<266240xi32, #tpu.memory_space<vmem_shared>> -> memref<2048xi32, #tpu.memory_space<vmem_shared>>
                %dma_wait3A_599 = tpu.memref_slice %arg26[%multiple_of3A_590] : memref<266240xi32, #tpu.memory_space<vmem_shared>> -> memref<2048xi32, #tpu.memory_space<vmem_shared>>
                tpu.wait_dma2 semaphore(%run_scoped3A : memref<!tpu.dma_semaphore, #tpu.memory_space<semaphore_mem>>) src(%dma_wait3A_599 : memref<2048xi32, #tpu.memory_space<vmem_shared>>) dst(%arg14 : memref<2048xi32, #tpu.memory_space<vmem>>)
                tpu.yield
              }) : () -> ()
              %mul3A_591 = arith.muli %xor3A, %select_n3A_263 : i32
              %mul3A_592 = arith.constant 2048 : i32
              %mul3A_593 = arith.muli %while3A_585, %mul3A_592 : i32
              %add3A_594 = arith.addi %mul3A_591, %mul3A_593 : i32
              %multiple_of3A_595 = tpu.assume_multiple %add3A_594, 8 : i32
              "tpu.region"() ({
                %run_scoped3A = tpu.sem_alloc : memref<!tpu.dma_semaphore, #tpu.memory_space<semaphore_mem>>
                %dma_start3A = tpu.memref_slice %arg27[%multiple_of3A_595] : memref<266240xi32, #tpu.memory_space<vmem_shared>> -> memref<2048xi32, #tpu.memory_space<vmem_shared>>
                %dma_start3A_598 = tpu.memref_slice %arg27[%multiple_of3A_595] : memref<266240xi32, #tpu.memory_space<vmem_shared>> -> memref<2048xi32, #tpu.memory_space<vmem_shared>>
                tpu.enqueue_dma source(%dma_start3A_598 : memref<2048xi32, #tpu.memory_space<vmem_shared>>) target(%arg15 : memref<2048xi32, #tpu.memory_space<vmem>>) target_semaphore(%run_scoped3A : memref<!tpu.dma_semaphore, #tpu.memory_space<semaphore_mem>>)
                %dma_wait3A = tpu.memref_slice %arg27[%multiple_of3A_595] : memref<266240xi32, #tpu.memory_space<vmem_shared>> -> memref<2048xi32, #tpu.memory_space<vmem_shared>>
                %dma_wait3A_599 = tpu.memref_slice %arg27[%multiple_of3A_595] : memref<266240xi32, #tpu.memory_space<vmem_shared>> -> memref<2048xi32, #tpu.memory_space<vmem_shared>>
                tpu.wait_dma2 semaphore(%run_scoped3A : memref<!tpu.dma_semaphore, #tpu.memory_space<semaphore_mem>>) src(%dma_wait3A_599 : memref<2048xi32, #tpu.memory_space<vmem_shared>>) dst(%arg15 : memref<2048xi32, #tpu.memory_space<vmem>>)
                tpu.yield
              }) : () -> ()
              %parallel_loop3A = arith.constant 0 : i32
              %parallel_loop3A_596 = arith.constant 128 : i32
              %parallel_loop3A_597 = arith.constant 1 : i32
              scf.for %parallel_loop3A_598 = %parallel_loop3A to %parallel_loop3A_596 step %parallel_loop3A_597  : i32 {
                %parallel_loop3A_599 = arith.constant 2048 : i32
                %parallel_loop3A_600 = arith.muli %while3A_585, %parallel_loop3A_599 : i32
                %parallel_loop3A_601 = arith.constant 16 : i32
                %parallel_loop3A_602 = arith.muli %parallel_loop3A_598, %parallel_loop3A_601 : i32
                %parallel_loop3A_603 = arith.addi %parallel_loop3A_600, %parallel_loop3A_602 : i32
                %parallel_loop3A_604 = tpu.assume_multiple %parallel_loop3A_603, 8 : i32
                %parallel_loop3A_605 = arith.index_cast %parallel_loop3A_604 : i32 to index
                %parallel_loop3A_606 = tpu.vector_load %arg12[%parallel_loop3A_605] {strides = array<i32>} : memref<16384xi32, #tpu.memory_space<vmem>>, vector<16xi32>,
                %parallel_loop3A_607 = vector.shape_cast %parallel_loop3A_606 : vector<16xi32> to vector<16xi32>
                %parallel_loop3A_608 = tpu.assume_multiple %parallel_loop3A_603, 8 : i32
                %parallel_loop3A_609 = arith.index_cast %parallel_loop3A_608 : i32 to index
                %parallel_loop3A_610 = tpu.vector_load %arg13[%parallel_loop3A_609] {strides = array<i32>} : memref<16384xi32, #tpu.memory_space<vmem>>, vector<16xi32>,
                %parallel_loop3A_611 = vector.shape_cast %parallel_loop3A_610 : vector<16xi32> to vector<16xi32>
                %parallel_loop3A_612 = arith.constant 16 : i32
                %parallel_loop3A_613 = arith.muli %parallel_loop3A_598, %parallel_loop3A_612 : i32
                %parallel_loop3A_614 = tpu.assume_multiple %parallel_loop3A_613, 8 : i32
                %parallel_loop3A_615 = arith.index_cast %parallel_loop3A_614 : i32 to index
                %parallel_loop3A_616 = tpu.vector_load %arg14[%parallel_loop3A_615] {strides = array<i32>} : memref<2048xi32, #tpu.memory_space<vmem>>, vector<16xi32>,
                %parallel_loop3A_617 = vector.shape_cast %parallel_loop3A_616 : vector<16xi32> to vector<16xi32>
                %parallel_loop3A_618 = arith.constant 16 : i32
                %parallel_loop3A_619 = arith.muli %parallel_loop3A_598, %parallel_loop3A_618 : i32
                %parallel_loop3A_620 = tpu.assume_multiple %parallel_loop3A_619, 8 : i32
                %parallel_loop3A_621 = arith.index_cast %parallel_loop3A_620 : i32 to index
                %parallel_loop3A_622 = tpu.vector_load %arg15[%parallel_loop3A_621] {strides = array<i32>} : memref<2048xi32, #tpu.memory_space<vmem>>, vector<16xi32>,
                %parallel_loop3A_623 = vector.shape_cast %parallel_loop3A_622 : vector<16xi32> to vector<16xi32>
                %parallel_loop3A_624 = arith.cmpi sgt, %parallel_loop3A_607, %parallel_loop3A_617 : vector<16xi32>
                %parallel_loop3A_625 = arith.cmpi eq, %parallel_loop3A_607, %parallel_loop3A_617 : vector<16xi32>
                %parallel_loop3A_626 = arith.cmpi sgt, %parallel_loop3A_611, %parallel_loop3A_623 : vector<16xi32>
                %parallel_loop3A_627 = arith.andi %parallel_loop3A_625, %parallel_loop3A_626 : vector<16xi1>
                %parallel_loop3A_628 = arith.ori %parallel_loop3A_624, %parallel_loop3A_627 : vector<16xi1>
                %parallel_loop3A_629 = arith.constant 1 : i32
                %parallel_loop3A_630 = arith.constant 0 : i32
                %parallel_loop3A_631 = vector.broadcast %parallel_loop3A_629 : i32 to vector<16xi32>
                %parallel_loop3A_632 = vector.broadcast %parallel_loop3A_630 : i32 to vector<16xi32>
                %parallel_loop3A_633 = arith.select %parallel_loop3A_628, %parallel_loop3A_631, %parallel_loop3A_632 : vector<16xi1>, vector<16xi32>
                %parallel_loop3A_634 = vector.broadcast %select_n3A_573 : i32 to vector<16xi32>
                %parallel_loop3A_635 = arith.xori %parallel_loop3A_633, %parallel_loop3A_634 : vector<16xi32>
                %parallel_loop3A_636 = arith.constant 0 : i32
                %parallel_loop3A_637 = vector.broadcast %parallel_loop3A_636 : i32 to vector<16xi32>
                %parallel_loop3A_638 = arith.cmpi ne, %parallel_loop3A_635, %parallel_loop3A_637 : vector<16xi32>
                %parallel_loop3A_639 = arith.select %parallel_loop3A_638, %parallel_loop3A_617, %parallel_loop3A_607 : vector<16xi1>, vector<16xi32>
                %parallel_loop3A_640 = tpu.assume_multiple %parallel_loop3A_603, 8 : i32
                %parallel_loop3A_641 = arith.index_cast %parallel_loop3A_640 : i32 to index
                %parallel_loop3A_642 = tpu.vector_load %arg12[%parallel_loop3A_641] {strides = array<i32>} : memref<16384xi32, #tpu.memory_space<vmem>>, vector<16xi32>,
                %parallel_loop3A_643 = vector.shape_cast %parallel_loop3A_642 : vector<16xi32> to vector<16xi32>
                %parallel_loop3A_644 = vector.shape_cast %parallel_loop3A_639 : vector<16xi32> to vector<16xi32>
                tpu.vector_store %arg12[%parallel_loop3A_641], %parallel_loop3A_644 {strides = array<i32>} : memref<16384xi32, #tpu.memory_space<vmem>>, vector<16xi32>,
                %parallel_loop3A_645 = arith.select %parallel_loop3A_638, %parallel_loop3A_623, %parallel_loop3A_611 : vector<16xi1>, vector<16xi32>
                %parallel_loop3A_646 = tpu.assume_multiple %parallel_loop3A_603, 8 : i32
                %parallel_loop3A_647 = arith.index_cast %parallel_loop3A_646 : i32 to index
                %parallel_loop3A_648 = tpu.vector_load %arg13[%parallel_loop3A_647] {strides = array<i32>} : memref<16384xi32, #tpu.memory_space<vmem>>, vector<16xi32>,
                %parallel_loop3A_649 = vector.shape_cast %parallel_loop3A_648 : vector<16xi32> to vector<16xi32>
                %parallel_loop3A_650 = vector.shape_cast %parallel_loop3A_645 : vector<16xi32> to vector<16xi32>
                tpu.vector_store %arg13[%parallel_loop3A_647], %parallel_loop3A_650 {strides = array<i32>} : memref<16384xi32, #tpu.memory_space<vmem>>, vector<16xi32>,
              } {sc.loop_unroll_factor = 4 : i64, sc.parallel_access}
            }
            %while3A_583 = arith.constant 1 : i32
            scf.for %while3A_585 = %while3A_581 to %while3A_577 step %while3A_583  : i32 {
              %mul3A_586 = arith.muli %xor3A, %select_n3A_263 : i32
              %mul3A_587 = arith.constant 2048 : i32
              %mul3A_588 = arith.muli %while3A_585, %mul3A_587 : i32
              %add3A_589 = arith.addi %mul3A_586, %mul3A_588 : i32
              %multiple_of3A_590 = tpu.assume_multiple %add3A_589, 8 : i32
              "tpu.region"() ({
                %run_scoped3A = tpu.sem_alloc : memref<!tpu.dma_semaphore, #tpu.memory_space<semaphore_mem>>
                %dma_start3A = tpu.memref_slice %arg26[%multiple_of3A_590] : memref<266240xi32, #tpu.memory_space<vmem_shared>> -> memref<2048xi32, #tpu.memory_space<vmem_shared>>
                %dma_start3A_598 = tpu.memref_slice %arg26[%multiple_of3A_590] : memref<266240xi32, #tpu.memory_space<vmem_shared>> -> memref<2048xi32, #tpu.memory_space<vmem_shared>>
                tpu.enqueue_dma source(%dma_start3A_598 : memref<2048xi32, #tpu.memory_space<vmem_shared>>) target(%arg14 : memref<2048xi32, #tpu.memory_space<vmem>>) target_semaphore(%run_scoped3A : memref<!tpu.dma_semaphore, #tpu.memory_space<semaphore_mem>>)
                %dma_wait3A = tpu.memref_slice %arg26[%multiple_of3A_590] : memref<266240xi32, #tpu.memory_space<vmem_shared>> -> memref<2048xi32, #tpu.memory_space<vmem_shared>>
                %dma_wait3A_599 = tpu.memref_slice %arg26[%multiple_of3A_590] : memref<266240xi32, #tpu.memory_space<vmem_shared>> -> memref<2048xi32, #tpu.memory_space<vmem_shared>>
                tpu.wait_dma2 semaphore(%run_scoped3A : memref<!tpu.dma_semaphore, #tpu.memory_space<semaphore_mem>>) src(%dma_wait3A_599 : memref<2048xi32, #tpu.memory_space<vmem_shared>>) dst(%arg14 : memref<2048xi32, #tpu.memory_space<vmem>>)
                tpu.yield
              }) : () -> ()
              %mul3A_591 = arith.muli %xor3A, %select_n3A_263 : i32
              %mul3A_592 = arith.constant 2048 : i32
              %mul3A_593 = arith.muli %while3A_585, %mul3A_592 : i32
              %add3A_594 = arith.addi %mul3A_591, %mul3A_593 : i32
              %multiple_of3A_595 = tpu.assume_multiple %add3A_594, 8 : i32
              "tpu.region"() ({
                %run_scoped3A = tpu.sem_alloc : memref<!tpu.dma_semaphore, #tpu.memory_space<semaphore_mem>>
                %dma_start3A = tpu.memref_slice %arg27[%multiple_of3A_595] : memref<266240xi32, #tpu.memory_space<vmem_shared>> -> memref<2048xi32, #tpu.memory_space<vmem_shared>>
                %dma_start3A_598 = tpu.memref_slice %arg27[%multiple_of3A_595] : memref<266240xi32, #tpu.memory_space<vmem_shared>> -> memref<2048xi32, #tpu.memory_space<vmem_shared>>
                tpu.enqueue_dma source(%dma_start3A_598 : memref<2048xi32, #tpu.memory_space<vmem_shared>>) target(%arg15 : memref<2048xi32, #tpu.memory_space<vmem>>) target_semaphore(%run_scoped3A : memref<!tpu.dma_semaphore, #tpu.memory_space<semaphore_mem>>)
                %dma_wait3A = tpu.memref_slice %arg27[%multiple_of3A_595] : memref<266240xi32, #tpu.memory_space<vmem_shared>> -> memref<2048xi32, #tpu.memory_space<vmem_shared>>
                %dma_wait3A_599 = tpu.memref_slice %arg27[%multiple_of3A_595] : memref<266240xi32, #tpu.memory_space<vmem_shared>> -> memref<2048xi32, #tpu.memory_space<vmem_shared>>
                tpu.wait_dma2 semaphore(%run_scoped3A : memref<!tpu.dma_semaphore, #tpu.memory_space<semaphore_mem>>) src(%dma_wait3A_599 : memref<2048xi32, #tpu.memory_space<vmem_shared>>) dst(%arg15 : memref<2048xi32, #tpu.memory_space<vmem>>)
                tpu.yield
              }) : () -> ()
              %parallel_loop3A = arith.constant 0 : i32
              %parallel_loop3A_596 = arith.constant 128 : i32
              %parallel_loop3A_597 = arith.constant 1 : i32
              scf.for %parallel_loop3A_598 = %parallel_loop3A to %parallel_loop3A_596 step %parallel_loop3A_597  : i32 {
                %parallel_loop3A_599 = arith.constant 2048 : i32
                %parallel_loop3A_600 = arith.muli %while3A_585, %parallel_loop3A_599 : i32
                %parallel_loop3A_601 = arith.constant 16 : i32
                %parallel_loop3A_602 = arith.muli %parallel_loop3A_598, %parallel_loop3A_601 : i32
                %parallel_loop3A_603 = arith.addi %parallel_loop3A_600, %parallel_loop3A_602 : i32
                %parallel_loop3A_604 = tpu.assume_multiple %parallel_loop3A_603, 8 : i32
                %parallel_loop3A_605 = arith.index_cast %parallel_loop3A_604 : i32 to index
                %parallel_loop3A_606 = tpu.vector_load %arg12[%parallel_loop3A_605] {strides = array<i32>} : memref<16384xi32, #tpu.memory_space<vmem>>, vector<16xi32>,
                %parallel_loop3A_607 = vector.shape_cast %parallel_loop3A_606 : vector<16xi32> to vector<16xi32>
                %parallel_loop3A_608 = tpu.assume_multiple %parallel_loop3A_603, 8 : i32
                %parallel_loop3A_609 = arith.index_cast %parallel_loop3A_608 : i32 to index
                %parallel_loop3A_610 = tpu.vector_load %arg13[%parallel_loop3A_609] {strides = array<i32>} : memref<16384xi32, #tpu.memory_space<vmem>>, vector<16xi32>,
                %parallel_loop3A_611 = vector.shape_cast %parallel_loop3A_610 : vector<16xi32> to vector<16xi32>
                %parallel_loop3A_612 = arith.constant 16 : i32
                %parallel_loop3A_613 = arith.muli %parallel_loop3A_598, %parallel_loop3A_612 : i32
                %parallel_loop3A_614 = tpu.assume_multiple %parallel_loop3A_613, 8 : i32
                %parallel_loop3A_615 = arith.index_cast %parallel_loop3A_614 : i32 to index
                %parallel_loop3A_616 = tpu.vector_load %arg14[%parallel_loop3A_615] {strides = array<i32>} : memref<2048xi32, #tpu.memory_space<vmem>>, vector<16xi32>,
                %parallel_loop3A_617 = vector.shape_cast %parallel_loop3A_616 : vector<16xi32> to vector<16xi32>
                %parallel_loop3A_618 = arith.constant 16 : i32
                %parallel_loop3A_619 = arith.muli %parallel_loop3A_598, %parallel_loop3A_618 : i32
                %parallel_loop3A_620 = tpu.assume_multiple %parallel_loop3A_619, 8 : i32
                %parallel_loop3A_621 = arith.index_cast %parallel_loop3A_620 : i32 to index
                %parallel_loop3A_622 = tpu.vector_load %arg15[%parallel_loop3A_621] {strides = array<i32>} : memref<2048xi32, #tpu.memory_space<vmem>>, vector<16xi32>,
                %parallel_loop3A_623 = vector.shape_cast %parallel_loop3A_622 : vector<16xi32> to vector<16xi32>
                %parallel_loop3A_624 = arith.cmpi sgt, %parallel_loop3A_607, %parallel_loop3A_617 : vector<16xi32>
                %parallel_loop3A_625 = arith.cmpi eq, %parallel_loop3A_607, %parallel_loop3A_617 : vector<16xi32>
                %parallel_loop3A_626 = arith.cmpi sgt, %parallel_loop3A_611, %parallel_loop3A_623 : vector<16xi32>
                %parallel_loop3A_627 = arith.andi %parallel_loop3A_625, %parallel_loop3A_626 : vector<16xi1>
                %parallel_loop3A_628 = arith.ori %parallel_loop3A_624, %parallel_loop3A_627 : vector<16xi1>
                %parallel_loop3A_629 = arith.constant 1 : i32
                %parallel_loop3A_630 = arith.constant 0 : i32
                %parallel_loop3A_631 = vector.broadcast %parallel_loop3A_629 : i32 to vector<16xi32>
                %parallel_loop3A_632 = vector.broadcast %parallel_loop3A_630 : i32 to vector<16xi32>
                %parallel_loop3A_633 = arith.select %parallel_loop3A_628, %parallel_loop3A_631, %parallel_loop3A_632 : vector<16xi1>, vector<16xi32>
                %parallel_loop3A_634 = vector.broadcast %select_n3A_573 : i32 to vector<16xi32>
                %parallel_loop3A_635 = arith.xori %parallel_loop3A_633, %parallel_loop3A_634 : vector<16xi32>
                %parallel_loop3A_636 = arith.constant 0 : i32
                %parallel_loop3A_637 = vector.broadcast %parallel_loop3A_636 : i32 to vector<16xi32>
                %parallel_loop3A_638 = arith.cmpi ne, %parallel_loop3A_635, %parallel_loop3A_637 : vector<16xi32>
                %parallel_loop3A_639 = arith.select %parallel_loop3A_638, %parallel_loop3A_617, %parallel_loop3A_607 : vector<16xi1>, vector<16xi32>
                %parallel_loop3A_640 = tpu.assume_multiple %parallel_loop3A_603, 8 : i32
                %parallel_loop3A_641 = arith.index_cast %parallel_loop3A_640 : i32 to index
                %parallel_loop3A_642 = tpu.vector_load %arg12[%parallel_loop3A_641] {strides = array<i32>} : memref<16384xi32, #tpu.memory_space<vmem>>, vector<16xi32>,
                %parallel_loop3A_643 = vector.shape_cast %parallel_loop3A_642 : vector<16xi32> to vector<16xi32>
                %parallel_loop3A_644 = vector.shape_cast %parallel_loop3A_639 : vector<16xi32> to vector<16xi32>
                tpu.vector_store %arg12[%parallel_loop3A_641], %parallel_loop3A_644 {strides = array<i32>} : memref<16384xi32, #tpu.memory_space<vmem>>, vector<16xi32>,
                %parallel_loop3A_645 = arith.select %parallel_loop3A_638, %parallel_loop3A_623, %parallel_loop3A_611 : vector<16xi1>, vector<16xi32>
                %parallel_loop3A_646 = tpu.assume_multiple %parallel_loop3A_603, 8 : i32
                %parallel_loop3A_647 = arith.index_cast %parallel_loop3A_646 : i32 to index
                %parallel_loop3A_648 = tpu.vector_load %arg13[%parallel_loop3A_647] {strides = array<i32>} : memref<16384xi32, #tpu.memory_space<vmem>>, vector<16xi32>,
                %parallel_loop3A_649 = vector.shape_cast %parallel_loop3A_648 : vector<16xi32> to vector<16xi32>
                %parallel_loop3A_650 = vector.shape_cast %parallel_loop3A_645 : vector<16xi32> to vector<16xi32>
                tpu.vector_store %arg13[%parallel_loop3A_647], %parallel_loop3A_650 {strides = array<i32>} : memref<16384xi32, #tpu.memory_space<vmem>>, vector<16xi32>,
              } {sc.loop_unroll_factor = 4 : i64, sc.parallel_access}
            }
            %barrier3A_584 = arith.constant 0 : index
            tpu.barrier barrier_id(%barrier3A_584)
          } else {
          }
          %lt3A = arith.cmpi slt, %sub3A_537, %sub3A_265 : i32
          %convert_element_type3A_542 = arith.extui %lt3A : i1 to i32
          %cond3A_543 = arith.constant 0 : i32
          %cond3A_544 = arith.cmpi ne, %convert_element_type3A_542, %cond3A_543 : i32
          scf.if %cond3A_544 {
            %shift_left3A_545 = arith.constant 1 : i32
            %shift_left3A_546 = arith.shli %shift_left3A_545, %sub3A_537 : i32
            %shift_right_logical3A = arith.constant 5 : i32
            %shift_right_logical3A_547 = arith.shrui %select_n3A_263, %shift_right_logical3A : i32
            %parallel_loop3A = arith.constant 0 : i32
            %parallel_loop3A_548 = arith.constant 1 : i32
            scf.for %parallel_loop3A_549 = %parallel_loop3A to %shift_right_logical3A_547 step %parallel_loop3A_548  : i32 {
              %parallel_loop3A_550 = arith.constant 4 : i32
              %parallel_loop3A_551 = arith.subi %sub3A_537, %parallel_loop3A_550 : i32
              %parallel_loop3A_552 = arith.shrui %parallel_loop3A_549, %parallel_loop3A_551 : i32
              %parallel_loop3A_553 = arith.constant 4 : i32
              %parallel_loop3A_554 = arith.shrui %shift_left3A_546, %parallel_loop3A_553 : i32
              %parallel_loop3A_555 = arith.constant 1 : i32
              %parallel_loop3A_556 = arith.subi %parallel_loop3A_554, %parallel_loop3A_555 : i32
              %parallel_loop3A_557 = arith.andi %parallel_loop3A_549, %parallel_loop3A_556 : i32
              %parallel_loop3A_558 = arith.constant 1 : i32
              %parallel_loop3A_559 = arith.addi %sub3A_537, %parallel_loop3A_558 : i32
              %parallel_loop3A_560 = arith.shli %parallel_loop3A_552, %parallel_loop3A_559 : i32
              %parallel_loop3A_561 = arith.constant 16 : i32
              %parallel_loop3A_562 = arith.muli %parallel_loop3A_557, %parallel_loop3A_561 : i32
              %parallel_loop3A_563 = arith.addi %parallel_loop3A_560, %parallel_loop3A_562 : i32
              %parallel_loop3A_564 = arith.muli %arg1, %select_n3A_263 : i32
              %parallel_loop3A_565 = arith.addi %parallel_loop3A_564, %parallel_loop3A_560 : i32
              %parallel_loop3A_566 = arith.shrui %parallel_loop3A_565, %while3A_499 : i32
              %parallel_loop3A_567 = arith.constant 1 : i32
              %parallel_loop3A_568 = arith.andi %parallel_loop3A_566, %parallel_loop3A_567 : i32
              %parallel_loop3A_569 = tpu.assume_multiple %parallel_loop3A_563, 8 : i32
              %parallel_loop3A_570 = arith.index_cast %parallel_loop3A_569 : i32 to index
              %parallel_loop3A_571 = tpu.vector_load %arg12[%parallel_loop3A_570] {strides = array<i32>} : memref<16384xi32, #tpu.memory_space<vmem>>, vector<16xi32>,
              %parallel_loop3A_572 = vector.shape_cast %parallel_loop3A_571 : vector<16xi32> to vector<16xi32>
              %parallel_loop3A_573 = tpu.assume_multiple %parallel_loop3A_563, 8 : i32
              %parallel_loop3A_574 = arith.index_cast %parallel_loop3A_573 : i32 to index
              %parallel_loop3A_575 = tpu.vector_load %arg13[%parallel_loop3A_574] {strides = array<i32>} : memref<16384xi32, #tpu.memory_space<vmem>>, vector<16xi32>,
              %parallel_loop3A_576 = vector.shape_cast %parallel_loop3A_575 : vector<16xi32> to vector<16xi32>
              %parallel_loop3A_577 = arith.addi %parallel_loop3A_563, %shift_left3A_546 : i32
              %parallel_loop3A_578 = tpu.assume_multiple %parallel_loop3A_577, 8 : i32
              %parallel_loop3A_579 = arith.index_cast %parallel_loop3A_578 : i32 to index
              %parallel_loop3A_580 = tpu.vector_load %arg12[%parallel_loop3A_579] {strides = array<i32>} : memref<16384xi32, #tpu.memory_space<vmem>>, vector<16xi32>,
              %parallel_loop3A_581 = vector.shape_cast %parallel_loop3A_580 : vector<16xi32> to vector<16xi32>
              %parallel_loop3A_582 = arith.addi %parallel_loop3A_563, %shift_left3A_546 : i32
              %parallel_loop3A_583 = tpu.assume_multiple %parallel_loop3A_582, 8 : i32
              %parallel_loop3A_584 = arith.index_cast %parallel_loop3A_583 : i32 to index
              %parallel_loop3A_585 = tpu.vector_load %arg13[%parallel_loop3A_584] {strides = array<i32>} : memref<16384xi32, #tpu.memory_space<vmem>>, vector<16xi32>,
              %parallel_loop3A_586 = vector.shape_cast %parallel_loop3A_585 : vector<16xi32> to vector<16xi32>
              %parallel_loop3A_587 = arith.cmpi sgt, %parallel_loop3A_572, %parallel_loop3A_581 : vector<16xi32>
              %parallel_loop3A_588 = arith.cmpi eq, %parallel_loop3A_572, %parallel_loop3A_581 : vector<16xi32>
              %parallel_loop3A_589 = arith.cmpi sgt, %parallel_loop3A_576, %parallel_loop3A_586 : vector<16xi32>
              %parallel_loop3A_590 = arith.andi %parallel_loop3A_588, %parallel_loop3A_589 : vector<16xi1>
              %parallel_loop3A_591 = arith.ori %parallel_loop3A_587, %parallel_loop3A_590 : vector<16xi1>
              %parallel_loop3A_592 = arith.constant 1 : i32
              %parallel_loop3A_593 = arith.constant 0 : i32
              %parallel_loop3A_594 = vector.broadcast %parallel_loop3A_592 : i32 to vector<16xi32>
              %parallel_loop3A_595 = vector.broadcast %parallel_loop3A_593 : i32 to vector<16xi32>
              %parallel_loop3A_596 = arith.select %parallel_loop3A_591, %parallel_loop3A_594, %parallel_loop3A_595 : vector<16xi1>, vector<16xi32>
              %parallel_loop3A_597 = vector.broadcast %parallel_loop3A_568 : i32 to vector<16xi32>
              %parallel_loop3A_598 = arith.xori %parallel_loop3A_596, %parallel_loop3A_597 : vector<16xi32>
              %parallel_loop3A_599 = arith.constant 0 : i32
              %parallel_loop3A_600 = vector.broadcast %parallel_loop3A_599 : i32 to vector<16xi32>
              %parallel_loop3A_601 = arith.cmpi ne, %parallel_loop3A_598, %parallel_loop3A_600 : vector<16xi32>
              %parallel_loop3A_602 = arith.select %parallel_loop3A_601, %parallel_loop3A_581, %parallel_loop3A_572 : vector<16xi1>, vector<16xi32>
              %parallel_loop3A_603 = tpu.assume_multiple %parallel_loop3A_563, 8 : i32
              %parallel_loop3A_604 = arith.index_cast %parallel_loop3A_603 : i32 to index
              %parallel_loop3A_605 = tpu.vector_load %arg12[%parallel_loop3A_604] {strides = array<i32>} : memref<16384xi32, #tpu.memory_space<vmem>>, vector<16xi32>,
              %parallel_loop3A_606 = vector.shape_cast %parallel_loop3A_605 : vector<16xi32> to vector<16xi32>
              %parallel_loop3A_607 = vector.shape_cast %parallel_loop3A_602 : vector<16xi32> to vector<16xi32>
              tpu.vector_store %arg12[%parallel_loop3A_604], %parallel_loop3A_607 {strides = array<i32>} : memref<16384xi32, #tpu.memory_space<vmem>>, vector<16xi32>,
              %parallel_loop3A_608 = arith.select %parallel_loop3A_601, %parallel_loop3A_586, %parallel_loop3A_576 : vector<16xi1>, vector<16xi32>
              %parallel_loop3A_609 = tpu.assume_multiple %parallel_loop3A_563, 8 : i32
              %parallel_loop3A_610 = arith.index_cast %parallel_loop3A_609 : i32 to index
              %parallel_loop3A_611 = tpu.vector_load %arg13[%parallel_loop3A_610] {strides = array<i32>} : memref<16384xi32, #tpu.memory_space<vmem>>, vector<16xi32>,
              %parallel_loop3A_612 = vector.shape_cast %parallel_loop3A_611 : vector<16xi32> to vector<16xi32>
              %parallel_loop3A_613 = vector.shape_cast %parallel_loop3A_608 : vector<16xi32> to vector<16xi32>
              tpu.vector_store %arg13[%parallel_loop3A_610], %parallel_loop3A_613 {strides = array<i32>} : memref<16384xi32, #tpu.memory_space<vmem>>, vector<16xi32>,
              %parallel_loop3A_614 = arith.select %parallel_loop3A_601, %parallel_loop3A_572, %parallel_loop3A_581 : vector<16xi1>, vector<16xi32>
              %parallel_loop3A_615 = arith.addi %parallel_loop3A_563, %shift_left3A_546 : i32
              %parallel_loop3A_616 = tpu.assume_multiple %parallel_loop3A_615, 8 : i32
              %parallel_loop3A_617 = arith.index_cast %parallel_loop3A_616 : i32 to index
              %parallel_loop3A_618 = tpu.vector_load %arg12[%parallel_loop3A_617] {strides = array<i32>} : memref<16384xi32, #tpu.memory_space<vmem>>, vector<16xi32>,
              %parallel_loop3A_619 = vector.shape_cast %parallel_loop3A_618 : vector<16xi32> to vector<16xi32>
              %parallel_loop3A_620 = vector.shape_cast %parallel_loop3A_614 : vector<16xi32> to vector<16xi32>
              tpu.vector_store %arg12[%parallel_loop3A_617], %parallel_loop3A_620 {strides = array<i32>} : memref<16384xi32, #tpu.memory_space<vmem>>, vector<16xi32>,
              %parallel_loop3A_621 = arith.select %parallel_loop3A_601, %parallel_loop3A_576, %parallel_loop3A_586 : vector<16xi1>, vector<16xi32>
              %parallel_loop3A_622 = arith.addi %parallel_loop3A_563, %shift_left3A_546 : i32
              %parallel_loop3A_623 = tpu.assume_multiple %parallel_loop3A_622, 8 : i32
              %parallel_loop3A_624 = arith.index_cast %parallel_loop3A_623 : i32 to index
              %parallel_loop3A_625 = tpu.vector_load %arg13[%parallel_loop3A_624] {strides = array<i32>} : memref<16384xi32, #tpu.memory_space<vmem>>, vector<16xi32>,
              %parallel_loop3A_626 = vector.shape_cast %parallel_loop3A_625 : vector<16xi32> to vector<16xi32>
              %parallel_loop3A_627 = vector.shape_cast %parallel_loop3A_621 : vector<16xi32> to vector<16xi32>
              tpu.vector_store %arg13[%parallel_loop3A_624], %parallel_loop3A_627 {strides = array<i32>} : memref<16384xi32, #tpu.memory_space<vmem>>, vector<16xi32>,
            } {sc.loop_unroll_factor = 4 : i64, sc.parallel_access}
          } else {
          }
        }
        %gt3A_514 = arith.constant 3 : i32
        %gt3A_515 = arith.cmpi sgt, %while3A_499, %gt3A_514 : i32
        %convert_element_type3A_516 = arith.extui %gt3A_515 : i1 to i32
        %cond3A_517 = arith.constant 0 : i32
        %cond3A_518 = arith.cmpi ne, %convert_element_type3A_516, %cond3A_517 : i32
        scf.if %cond3A_518 {
          %shift_right_logical3A = arith.constant 4 : i32
          %shift_right_logical3A_534 = arith.shrui %select_n3A_263, %shift_right_logical3A : i32
          %parallel_loop3A = arith.constant 0 : i32
          %parallel_loop3A_535 = arith.constant 1 : i32
          scf.for %parallel_loop3A_536 = %parallel_loop3A to %shift_right_logical3A_534 step %parallel_loop3A_535  : i32 {
            %parallel_loop3A_537 = tpu.iota {dimensions = array<i32: 0>} : vector<16xi32>
            %parallel_loop3A_538 = arith.constant 8 : i32
            %parallel_loop3A_539 = vector.broadcast %parallel_loop3A_538 : i32 to vector<16xi32>
            %parallel_loop3A_540 = arith.xori %parallel_loop3A_537, %parallel_loop3A_539 : vector<16xi32>
            %parallel_loop3A_541 = arith.constant 8 : i32
            %parallel_loop3A_542 = vector.broadcast %parallel_loop3A_541 : i32 to vector<16xi32>
            %parallel_loop3A_543 = arith.andi %parallel_loop3A_537, %parallel_loop3A_542 : vector<16xi32>
            %parallel_loop3A_544 = arith.constant 0 : i32
            %parallel_loop3A_545 = vector.broadcast %parallel_loop3A_544 : i32 to vector<16xi32>
            %parallel_loop3A_546 = arith.cmpi eq, %parallel_loop3A_543, %parallel_loop3A_545 : vector<16xi32>
            %parallel_loop3A_547 = arith.constant 1 : i32
            %parallel_loop3A_548 = arith.constant 0 : i32
            %parallel_loop3A_549 = vector.broadcast %parallel_loop3A_547 : i32 to vector<16xi32>
            %parallel_loop3A_550 = vector.broadcast %parallel_loop3A_548 : i32 to vector<16xi32>
            %parallel_loop3A_551 = arith.select %parallel_loop3A_546, %parallel_loop3A_549, %parallel_loop3A_550 : vector<16xi1>, vector<16xi32>
            %parallel_loop3A_552 = arith.constant 16 : i32
            %parallel_loop3A_553 = arith.muli %parallel_loop3A_536, %parallel_loop3A_552 : i32
            %parallel_loop3A_554 = arith.muli %arg1, %select_n3A_263 : i32
            %parallel_loop3A_555 = arith.addi %parallel_loop3A_554, %parallel_loop3A_553 : i32
            %parallel_loop3A_556 = vector.broadcast %parallel_loop3A_555 : i32 to vector<16xi32>
            %parallel_loop3A_557 = arith.addi %parallel_loop3A_556, %parallel_loop3A_537 : vector<16xi32>
            %parallel_loop3A_558 = tpu.assume_multiple %parallel_loop3A_553, 8 : i32
            %parallel_loop3A_559 = arith.index_cast %parallel_loop3A_558 : i32 to index
            %parallel_loop3A_560 = tpu.vector_load %arg12[%parallel_loop3A_559] {strides = array<i32>} : memref<16384xi32, #tpu.memory_space<vmem>>, vector<16xi32>,
            %parallel_loop3A_561 = vector.shape_cast %parallel_loop3A_560 : vector<16xi32> to vector<16xi32>
            %parallel_loop3A_562 = tpu.assume_multiple %parallel_loop3A_553, 8 : i32
            %parallel_loop3A_563 = arith.index_cast %parallel_loop3A_562 : i32 to index
            %parallel_loop3A_564 = tpu.vector_load %arg13[%parallel_loop3A_563] {strides = array<i32>} : memref<16384xi32, #tpu.memory_space<vmem>>, vector<16xi32>,
            %parallel_loop3A_565 = vector.shape_cast %parallel_loop3A_564 : vector<16xi32> to vector<16xi32>
            %parallel_loop3A_566 = vector.shape_cast %parallel_loop3A_540 : vector<16xi32> to vector<16x1xi32>
            %parallel_loop3A_567 = vector.shape_cast %parallel_loop3A_566 : vector<16x1xi32> to vector<16xi32>
            %parallel_loop3A_568 = tpu.dynamic_gather %parallel_loop3A_561[%parallel_loop3A_567] in [0] : vector<16xi32>, vector<16xi32> -> vector<16xi32>
            %parallel_loop3A_569 = vector.shape_cast %parallel_loop3A_540 : vector<16xi32> to vector<16x1xi32>
            %parallel_loop3A_570 = vector.shape_cast %parallel_loop3A_569 : vector<16x1xi32> to vector<16xi32>
            %parallel_loop3A_571 = tpu.dynamic_gather %parallel_loop3A_565[%parallel_loop3A_570] in [0] : vector<16xi32>, vector<16xi32> -> vector<16xi32>
            %parallel_loop3A_572 = vector.broadcast %while3A_499 : i32 to vector<16xi32>
            %parallel_loop3A_573 = arith.shrui %parallel_loop3A_557, %parallel_loop3A_572 : vector<16xi32>
            %parallel_loop3A_574 = arith.constant 1 : i32
            %parallel_loop3A_575 = vector.broadcast %parallel_loop3A_574 : i32 to vector<16xi32>
            %parallel_loop3A_576 = arith.andi %parallel_loop3A_573, %parallel_loop3A_575 : vector<16xi32>
            %parallel_loop3A_577 = arith.constant 1 : i32
            %parallel_loop3A_578 = vector.broadcast %parallel_loop3A_577 : i32 to vector<16xi32>
            %parallel_loop3A_579 = arith.subi %parallel_loop3A_578, %parallel_loop3A_576 : vector<16xi32>
            %parallel_loop3A_580 = arith.cmpi sgt, %parallel_loop3A_561, %parallel_loop3A_568 : vector<16xi32>
            %parallel_loop3A_581 = arith.cmpi eq, %parallel_loop3A_561, %parallel_loop3A_568 : vector<16xi32>
            %parallel_loop3A_582 = arith.cmpi sgt, %parallel_loop3A_565, %parallel_loop3A_571 : vector<16xi32>
            %parallel_loop3A_583 = arith.andi %parallel_loop3A_581, %parallel_loop3A_582 : vector<16xi1>
            %parallel_loop3A_584 = arith.ori %parallel_loop3A_580, %parallel_loop3A_583 : vector<16xi1>
            %parallel_loop3A_585 = arith.constant 1 : i32
            %parallel_loop3A_586 = arith.constant 0 : i32
            %parallel_loop3A_587 = vector.broadcast %parallel_loop3A_585 : i32 to vector<16xi32>
            %parallel_loop3A_588 = vector.broadcast %parallel_loop3A_586 : i32 to vector<16xi32>
            %parallel_loop3A_589 = arith.select %parallel_loop3A_584, %parallel_loop3A_587, %parallel_loop3A_588 : vector<16xi1>, vector<16xi32>
            %parallel_loop3A_590 = arith.cmpi eq, %parallel_loop3A_551, %parallel_loop3A_579 : vector<16xi32>
            %parallel_loop3A_591 = arith.constant 1 : i32
            %parallel_loop3A_592 = arith.constant 0 : i32
            %parallel_loop3A_593 = vector.broadcast %parallel_loop3A_591 : i32 to vector<16xi32>
            %parallel_loop3A_594 = vector.broadcast %parallel_loop3A_592 : i32 to vector<16xi32>
            %parallel_loop3A_595 = arith.select %parallel_loop3A_590, %parallel_loop3A_593, %parallel_loop3A_594 : vector<16xi1>, vector<16xi32>
            %parallel_loop3A_596 = arith.xori %parallel_loop3A_589, %parallel_loop3A_595 : vector<16xi32>
            %parallel_loop3A_597 = arith.constant 1 : i32
            %parallel_loop3A_598 = vector.broadcast %parallel_loop3A_597 : i32 to vector<16xi32>
            %parallel_loop3A_599 = arith.xori %parallel_loop3A_596, %parallel_loop3A_598 : vector<16xi32>
            %parallel_loop3A_600 = arith.constant 0 : i32
            %parallel_loop3A_601 = vector.broadcast %parallel_loop3A_600 : i32 to vector<16xi32>
            %parallel_loop3A_602 = arith.cmpi ne, %parallel_loop3A_599, %parallel_loop3A_601 : vector<16xi32>
            %parallel_loop3A_603 = arith.select %parallel_loop3A_602, %parallel_loop3A_568, %parallel_loop3A_561 : vector<16xi1>, vector<16xi32>
            %parallel_loop3A_604 = tpu.assume_multiple %parallel_loop3A_553, 8 : i32
            %parallel_loop3A_605 = arith.index_cast %parallel_loop3A_604 : i32 to index
            %parallel_loop3A_606 = tpu.vector_load %arg12[%parallel_loop3A_605] {strides = array<i32>} : memref<16384xi32, #tpu.memory_space<vmem>>, vector<16xi32>,
            %parallel_loop3A_607 = vector.shape_cast %parallel_loop3A_606 : vector<16xi32> to vector<16xi32>
            %parallel_loop3A_608 = vector.shape_cast %parallel_loop3A_603 : vector<16xi32> to vector<16xi32>
            tpu.vector_store %arg12[%parallel_loop3A_605], %parallel_loop3A_608 {strides = array<i32>} : memref<16384xi32, #tpu.memory_space<vmem>>, vector<16xi32>,
            %parallel_loop3A_609 = arith.select %parallel_loop3A_602, %parallel_loop3A_571, %parallel_loop3A_565 : vector<16xi1>, vector<16xi32>
            %parallel_loop3A_610 = tpu.assume_multiple %parallel_loop3A_553, 8 : i32
            %parallel_loop3A_611 = arith.index_cast %parallel_loop3A_610 : i32 to index
            %parallel_loop3A_612 = tpu.vector_load %arg13[%parallel_loop3A_611] {strides = array<i32>} : memref<16384xi32, #tpu.memory_space<vmem>>, vector<16xi32>,
            %parallel_loop3A_613 = vector.shape_cast %parallel_loop3A_612 : vector<16xi32> to vector<16xi32>
            %parallel_loop3A_614 = vector.shape_cast %parallel_loop3A_609 : vector<16xi32> to vector<16xi32>
            tpu.vector_store %arg13[%parallel_loop3A_611], %parallel_loop3A_614 {strides = array<i32>} : memref<16384xi32, #tpu.memory_space<vmem>>, vector<16xi32>,
          } {sc.loop_unroll_factor = 4 : i64, sc.parallel_access}
        } else {
        }
        %gt3A_519 = arith.constant 2 : i32
        %gt3A_520 = arith.cmpi sgt, %while3A_499, %gt3A_519 : i32
        %convert_element_type3A_521 = arith.extui %gt3A_520 : i1 to i32
        %cond3A_522 = arith.constant 0 : i32
        %cond3A_523 = arith.cmpi ne, %convert_element_type3A_521, %cond3A_522 : i32
        scf.if %cond3A_523 {
          %shift_right_logical3A = arith.constant 4 : i32
          %shift_right_logical3A_534 = arith.shrui %select_n3A_263, %shift_right_logical3A : i32
          %parallel_loop3A = arith.constant 0 : i32
          %parallel_loop3A_535 = arith.constant 1 : i32
          scf.for %parallel_loop3A_536 = %parallel_loop3A to %shift_right_logical3A_534 step %parallel_loop3A_535  : i32 {
            %parallel_loop3A_537 = tpu.iota {dimensions = array<i32: 0>} : vector<16xi32>
            %parallel_loop3A_538 = arith.constant 4 : i32
            %parallel_loop3A_539 = vector.broadcast %parallel_loop3A_538 : i32 to vector<16xi32>
            %parallel_loop3A_540 = arith.xori %parallel_loop3A_537, %parallel_loop3A_539 : vector<16xi32>
            %parallel_loop3A_541 = arith.constant 4 : i32
            %parallel_loop3A_542 = vector.broadcast %parallel_loop3A_541 : i32 to vector<16xi32>
            %parallel_loop3A_543 = arith.andi %parallel_loop3A_537, %parallel_loop3A_542 : vector<16xi32>
            %parallel_loop3A_544 = arith.constant 0 : i32
            %parallel_loop3A_545 = vector.broadcast %parallel_loop3A_544 : i32 to vector<16xi32>
            %parallel_loop3A_546 = arith.cmpi eq, %parallel_loop3A_543, %parallel_loop3A_545 : vector<16xi32>
            %parallel_loop3A_547 = arith.constant 1 : i32
            %parallel_loop3A_548 = arith.constant 0 : i32
            %parallel_loop3A_549 = vector.broadcast %parallel_loop3A_547 : i32 to vector<16xi32>
            %parallel_loop3A_550 = vector.broadcast %parallel_loop3A_548 : i32 to vector<16xi32>
            %parallel_loop3A_551 = arith.select %parallel_loop3A_546, %parallel_loop3A_549, %parallel_loop3A_550 : vector<16xi1>, vector<16xi32>
            %parallel_loop3A_552 = arith.constant 16 : i32
            %parallel_loop3A_553 = arith.muli %parallel_loop3A_536, %parallel_loop3A_552 : i32
            %parallel_loop3A_554 = arith.muli %arg1, %select_n3A_263 : i32
            %parallel_loop3A_555 = arith.addi %parallel_loop3A_554, %parallel_loop3A_553 : i32
            %parallel_loop3A_556 = vector.broadcast %parallel_loop3A_555 : i32 to vector<16xi32>
            %parallel_loop3A_557 = arith.addi %parallel_loop3A_556, %parallel_loop3A_537 : vector<16xi32>
            %parallel_loop3A_558 = tpu.assume_multiple %parallel_loop3A_553, 8 : i32
            %parallel_loop3A_559 = arith.index_cast %parallel_loop3A_558 : i32 to index
            %parallel_loop3A_560 = tpu.vector_load %arg12[%parallel_loop3A_559] {strides = array<i32>} : memref<16384xi32, #tpu.memory_space<vmem>>, vector<16xi32>,
            %parallel_loop3A_561 = vector.shape_cast %parallel_loop3A_560 : vector<16xi32> to vector<16xi32>
            %parallel_loop3A_562 = tpu.assume_multiple %parallel_loop3A_553, 8 : i32
            %parallel_loop3A_563 = arith.index_cast %parallel_loop3A_562 : i32 to index
            %parallel_loop3A_564 = tpu.vector_load %arg13[%parallel_loop3A_563] {strides = array<i32>} : memref<16384xi32, #tpu.memory_space<vmem>>, vector<16xi32>,
            %parallel_loop3A_565 = vector.shape_cast %parallel_loop3A_564 : vector<16xi32> to vector<16xi32>
            %parallel_loop3A_566 = vector.shape_cast %parallel_loop3A_540 : vector<16xi32> to vector<16x1xi32>
            %parallel_loop3A_567 = vector.shape_cast %parallel_loop3A_566 : vector<16x1xi32> to vector<16xi32>
            %parallel_loop3A_568 = tpu.dynamic_gather %parallel_loop3A_561[%parallel_loop3A_567] in [0] : vector<16xi32>, vector<16xi32> -> vector<16xi32>
            %parallel_loop3A_569 = vector.shape_cast %parallel_loop3A_540 : vector<16xi32> to vector<16x1xi32>
            %parallel_loop3A_570 = vector.shape_cast %parallel_loop3A_569 : vector<16x1xi32> to vector<16xi32>
            %parallel_loop3A_571 = tpu.dynamic_gather %parallel_loop3A_565[%parallel_loop3A_570] in [0] : vector<16xi32>, vector<16xi32> -> vector<16xi32>
            %parallel_loop3A_572 = vector.broadcast %while3A_499 : i32 to vector<16xi32>
            %parallel_loop3A_573 = arith.shrui %parallel_loop3A_557, %parallel_loop3A_572 : vector<16xi32>
            %parallel_loop3A_574 = arith.constant 1 : i32
            %parallel_loop3A_575 = vector.broadcast %parallel_loop3A_574 : i32 to vector<16xi32>
            %parallel_loop3A_576 = arith.andi %parallel_loop3A_573, %parallel_loop3A_575 : vector<16xi32>
            %parallel_loop3A_577 = arith.constant 1 : i32
            %parallel_loop3A_578 = vector.broadcast %parallel_loop3A_577 : i32 to vector<16xi32>
            %parallel_loop3A_579 = arith.subi %parallel_loop3A_578, %parallel_loop3A_576 : vector<16xi32>
            %parallel_loop3A_580 = arith.cmpi sgt, %parallel_loop3A_561, %parallel_loop3A_568 : vector<16xi32>
            %parallel_loop3A_581 = arith.cmpi eq, %parallel_loop3A_561, %parallel_loop3A_568 : vector<16xi32>
            %parallel_loop3A_582 = arith.cmpi sgt, %parallel_loop3A_565, %parallel_loop3A_571 : vector<16xi32>
            %parallel_loop3A_583 = arith.andi %parallel_loop3A_581, %parallel_loop3A_582 : vector<16xi1>
            %parallel_loop3A_584 = arith.ori %parallel_loop3A_580, %parallel_loop3A_583 : vector<16xi1>
            %parallel_loop3A_585 = arith.constant 1 : i32
            %parallel_loop3A_586 = arith.constant 0 : i32
            %parallel_loop3A_587 = vector.broadcast %parallel_loop3A_585 : i32 to vector<16xi32>
            %parallel_loop3A_588 = vector.broadcast %parallel_loop3A_586 : i32 to vector<16xi32>
            %parallel_loop3A_589 = arith.select %parallel_loop3A_584, %parallel_loop3A_587, %parallel_loop3A_588 : vector<16xi1>, vector<16xi32>
            %parallel_loop3A_590 = arith.cmpi eq, %parallel_loop3A_551, %parallel_loop3A_579 : vector<16xi32>
            %parallel_loop3A_591 = arith.constant 1 : i32
            %parallel_loop3A_592 = arith.constant 0 : i32
            %parallel_loop3A_593 = vector.broadcast %parallel_loop3A_591 : i32 to vector<16xi32>
            %parallel_loop3A_594 = vector.broadcast %parallel_loop3A_592 : i32 to vector<16xi32>
            %parallel_loop3A_595 = arith.select %parallel_loop3A_590, %parallel_loop3A_593, %parallel_loop3A_594 : vector<16xi1>, vector<16xi32>
            %parallel_loop3A_596 = arith.xori %parallel_loop3A_589, %parallel_loop3A_595 : vector<16xi32>
            %parallel_loop3A_597 = arith.constant 1 : i32
            %parallel_loop3A_598 = vector.broadcast %parallel_loop3A_597 : i32 to vector<16xi32>
            %parallel_loop3A_599 = arith.xori %parallel_loop3A_596, %parallel_loop3A_598 : vector<16xi32>
            %parallel_loop3A_600 = arith.constant 0 : i32
            %parallel_loop3A_601 = vector.broadcast %parallel_loop3A_600 : i32 to vector<16xi32>
            %parallel_loop3A_602 = arith.cmpi ne, %parallel_loop3A_599, %parallel_loop3A_601 : vector<16xi32>
            %parallel_loop3A_603 = arith.select %parallel_loop3A_602, %parallel_loop3A_568, %parallel_loop3A_561 : vector<16xi1>, vector<16xi32>
            %parallel_loop3A_604 = tpu.assume_multiple %parallel_loop3A_553, 8 : i32
            %parallel_loop3A_605 = arith.index_cast %parallel_loop3A_604 : i32 to index
            %parallel_loop3A_606 = tpu.vector_load %arg12[%parallel_loop3A_605] {strides = array<i32>} : memref<16384xi32, #tpu.memory_space<vmem>>, vector<16xi32>,
            %parallel_loop3A_607 = vector.shape_cast %parallel_loop3A_606 : vector<16xi32> to vector<16xi32>
            %parallel_loop3A_608 = vector.shape_cast %parallel_loop3A_603 : vector<16xi32> to vector<16xi32>
            tpu.vector_store %arg12[%parallel_loop3A_605], %parallel_loop3A_608 {strides = array<i32>} : memref<16384xi32, #tpu.memory_space<vmem>>, vector<16xi32>,
            %parallel_loop3A_609 = arith.select %parallel_loop3A_602, %parallel_loop3A_571, %parallel_loop3A_565 : vector<16xi1>, vector<16xi32>
            %parallel_loop3A_610 = tpu.assume_multiple %parallel_loop3A_553, 8 : i32
            %parallel_loop3A_611 = arith.index_cast %parallel_loop3A_610 : i32 to index
            %parallel_loop3A_612 = tpu.vector_load %arg13[%parallel_loop3A_611] {strides = array<i32>} : memref<16384xi32, #tpu.memory_space<vmem>>, vector<16xi32>,
            %parallel_loop3A_613 = vector.shape_cast %parallel_loop3A_612 : vector<16xi32> to vector<16xi32>
            %parallel_loop3A_614 = vector.shape_cast %parallel_loop3A_609 : vector<16xi32> to vector<16xi32>
            tpu.vector_store %arg13[%parallel_loop3A_611], %parallel_loop3A_614 {strides = array<i32>} : memref<16384xi32, #tpu.memory_space<vmem>>, vector<16xi32>,
          } {sc.loop_unroll_factor = 4 : i64, sc.parallel_access}
        } else {
        }
        %gt3A_524 = arith.constant 1 : i32
        %gt3A_525 = arith.cmpi sgt, %while3A_499, %gt3A_524 : i32
        %convert_element_type3A_526 = arith.extui %gt3A_525 : i1 to i32
        %cond3A_527 = arith.constant 0 : i32
        %cond3A_528 = arith.cmpi ne, %convert_element_type3A_526, %cond3A_527 : i32
        scf.if %cond3A_528 {
          %shift_right_logical3A = arith.constant 4 : i32
          %shift_right_logical3A_534 = arith.shrui %select_n3A_263, %shift_right_logical3A : i32
          %parallel_loop3A = arith.constant 0 : i32
          %parallel_loop3A_535 = arith.constant 1 : i32
          scf.for %parallel_loop3A_536 = %parallel_loop3A to %shift_right_logical3A_534 step %parallel_loop3A_535  : i32 {
            %parallel_loop3A_537 = tpu.iota {dimensions = array<i32: 0>} : vector<16xi32>
            %parallel_loop3A_538 = arith.constant 2 : i32
            %parallel_loop3A_539 = vector.broadcast %parallel_loop3A_538 : i32 to vector<16xi32>
            %parallel_loop3A_540 = arith.xori %parallel_loop3A_537, %parallel_loop3A_539 : vector<16xi32>
            %parallel_loop3A_541 = arith.constant 2 : i32
            %parallel_loop3A_542 = vector.broadcast %parallel_loop3A_541 : i32 to vector<16xi32>
            %parallel_loop3A_543 = arith.andi %parallel_loop3A_537, %parallel_loop3A_542 : vector<16xi32>
            %parallel_loop3A_544 = arith.constant 0 : i32
            %parallel_loop3A_545 = vector.broadcast %parallel_loop3A_544 : i32 to vector<16xi32>
            %parallel_loop3A_546 = arith.cmpi eq, %parallel_loop3A_543, %parallel_loop3A_545 : vector<16xi32>
            %parallel_loop3A_547 = arith.constant 1 : i32
            %parallel_loop3A_548 = arith.constant 0 : i32
            %parallel_loop3A_549 = vector.broadcast %parallel_loop3A_547 : i32 to vector<16xi32>
            %parallel_loop3A_550 = vector.broadcast %parallel_loop3A_548 : i32 to vector<16xi32>
            %parallel_loop3A_551 = arith.select %parallel_loop3A_546, %parallel_loop3A_549, %parallel_loop3A_550 : vector<16xi1>, vector<16xi32>
            %parallel_loop3A_552 = arith.constant 16 : i32
            %parallel_loop3A_553 = arith.muli %parallel_loop3A_536, %parallel_loop3A_552 : i32
            %parallel_loop3A_554 = arith.muli %arg1, %select_n3A_263 : i32
            %parallel_loop3A_555 = arith.addi %parallel_loop3A_554, %parallel_loop3A_553 : i32
            %parallel_loop3A_556 = vector.broadcast %parallel_loop3A_555 : i32 to vector<16xi32>
            %parallel_loop3A_557 = arith.addi %parallel_loop3A_556, %parallel_loop3A_537 : vector<16xi32>
            %parallel_loop3A_558 = tpu.assume_multiple %parallel_loop3A_553, 8 : i32
            %parallel_loop3A_559 = arith.index_cast %parallel_loop3A_558 : i32 to index
            %parallel_loop3A_560 = tpu.vector_load %arg12[%parallel_loop3A_559] {strides = array<i32>} : memref<16384xi32, #tpu.memory_space<vmem>>, vector<16xi32>,
            %parallel_loop3A_561 = vector.shape_cast %parallel_loop3A_560 : vector<16xi32> to vector<16xi32>
            %parallel_loop3A_562 = tpu.assume_multiple %parallel_loop3A_553, 8 : i32
            %parallel_loop3A_563 = arith.index_cast %parallel_loop3A_562 : i32 to index
            %parallel_loop3A_564 = tpu.vector_load %arg13[%parallel_loop3A_563] {strides = array<i32>} : memref<16384xi32, #tpu.memory_space<vmem>>, vector<16xi32>,
            %parallel_loop3A_565 = vector.shape_cast %parallel_loop3A_564 : vector<16xi32> to vector<16xi32>
            %parallel_loop3A_566 = vector.shape_cast %parallel_loop3A_540 : vector<16xi32> to vector<16x1xi32>
            %parallel_loop3A_567 = vector.shape_cast %parallel_loop3A_566 : vector<16x1xi32> to vector<16xi32>
            %parallel_loop3A_568 = tpu.dynamic_gather %parallel_loop3A_561[%parallel_loop3A_567] in [0] : vector<16xi32>, vector<16xi32> -> vector<16xi32>
            %parallel_loop3A_569 = vector.shape_cast %parallel_loop3A_540 : vector<16xi32> to vector<16x1xi32>
            %parallel_loop3A_570 = vector.shape_cast %parallel_loop3A_569 : vector<16x1xi32> to vector<16xi32>
            %parallel_loop3A_571 = tpu.dynamic_gather %parallel_loop3A_565[%parallel_loop3A_570] in [0] : vector<16xi32>, vector<16xi32> -> vector<16xi32>
            %parallel_loop3A_572 = vector.broadcast %while3A_499 : i32 to vector<16xi32>
            %parallel_loop3A_573 = arith.shrui %parallel_loop3A_557, %parallel_loop3A_572 : vector<16xi32>
            %parallel_loop3A_574 = arith.constant 1 : i32
            %parallel_loop3A_575 = vector.broadcast %parallel_loop3A_574 : i32 to vector<16xi32>
            %parallel_loop3A_576 = arith.andi %parallel_loop3A_573, %parallel_loop3A_575 : vector<16xi32>
            %parallel_loop3A_577 = arith.constant 1 : i32
            %parallel_loop3A_578 = vector.broadcast %parallel_loop3A_577 : i32 to vector<16xi32>
            %parallel_loop3A_579 = arith.subi %parallel_loop3A_578, %parallel_loop3A_576 : vector<16xi32>
            %parallel_loop3A_580 = arith.cmpi sgt, %parallel_loop3A_561, %parallel_loop3A_568 : vector<16xi32>
            %parallel_loop3A_581 = arith.cmpi eq, %parallel_loop3A_561, %parallel_loop3A_568 : vector<16xi32>
            %parallel_loop3A_582 = arith.cmpi sgt, %parallel_loop3A_565, %parallel_loop3A_571 : vector<16xi32>
            %parallel_loop3A_583 = arith.andi %parallel_loop3A_581, %parallel_loop3A_582 : vector<16xi1>
            %parallel_loop3A_584 = arith.ori %parallel_loop3A_580, %parallel_loop3A_583 : vector<16xi1>
            %parallel_loop3A_585 = arith.constant 1 : i32
            %parallel_loop3A_586 = arith.constant 0 : i32
            %parallel_loop3A_587 = vector.broadcast %parallel_loop3A_585 : i32 to vector<16xi32>
            %parallel_loop3A_588 = vector.broadcast %parallel_loop3A_586 : i32 to vector<16xi32>
            %parallel_loop3A_589 = arith.select %parallel_loop3A_584, %parallel_loop3A_587, %parallel_loop3A_588 : vector<16xi1>, vector<16xi32>
            %parallel_loop3A_590 = arith.cmpi eq, %parallel_loop3A_551, %parallel_loop3A_579 : vector<16xi32>
            %parallel_loop3A_591 = arith.constant 1 : i32
            %parallel_loop3A_592 = arith.constant 0 : i32
            %parallel_loop3A_593 = vector.broadcast %parallel_loop3A_591 : i32 to vector<16xi32>
            %parallel_loop3A_594 = vector.broadcast %parallel_loop3A_592 : i32 to vector<16xi32>
            %parallel_loop3A_595 = arith.select %parallel_loop3A_590, %parallel_loop3A_593, %parallel_loop3A_594 : vector<16xi1>, vector<16xi32>
            %parallel_loop3A_596 = arith.xori %parallel_loop3A_589, %parallel_loop3A_595 : vector<16xi32>
            %parallel_loop3A_597 = arith.constant 1 : i32
            %parallel_loop3A_598 = vector.broadcast %parallel_loop3A_597 : i32 to vector<16xi32>
            %parallel_loop3A_599 = arith.xori %parallel_loop3A_596, %parallel_loop3A_598 : vector<16xi32>
            %parallel_loop3A_600 = arith.constant 0 : i32
            %parallel_loop3A_601 = vector.broadcast %parallel_loop3A_600 : i32 to vector<16xi32>
            %parallel_loop3A_602 = arith.cmpi ne, %parallel_loop3A_599, %parallel_loop3A_601 : vector<16xi32>
            %parallel_loop3A_603 = arith.select %parallel_loop3A_602, %parallel_loop3A_568, %parallel_loop3A_561 : vector<16xi1>, vector<16xi32>
            %parallel_loop3A_604 = tpu.assume_multiple %parallel_loop3A_553, 8 : i32
            %parallel_loop3A_605 = arith.index_cast %parallel_loop3A_604 : i32 to index
            %parallel_loop3A_606 = tpu.vector_load %arg12[%parallel_loop3A_605] {strides = array<i32>} : memref<16384xi32, #tpu.memory_space<vmem>>, vector<16xi32>,
            %parallel_loop3A_607 = vector.shape_cast %parallel_loop3A_606 : vector<16xi32> to vector<16xi32>
            %parallel_loop3A_608 = vector.shape_cast %parallel_loop3A_603 : vector<16xi32> to vector<16xi32>
            tpu.vector_store %arg12[%parallel_loop3A_605], %parallel_loop3A_608 {strides = array<i32>} : memref<16384xi32, #tpu.memory_space<vmem>>, vector<16xi32>,
            %parallel_loop3A_609 = arith.select %parallel_loop3A_602, %parallel_loop3A_571, %parallel_loop3A_565 : vector<16xi1>, vector<16xi32>
            %parallel_loop3A_610 = tpu.assume_multiple %parallel_loop3A_553, 8 : i32
            %parallel_loop3A_611 = arith.index_cast %parallel_loop3A_610 : i32 to index
            %parallel_loop3A_612 = tpu.vector_load %arg13[%parallel_loop3A_611] {strides = array<i32>} : memref<16384xi32, #tpu.memory_space<vmem>>, vector<16xi32>,
            %parallel_loop3A_613 = vector.shape_cast %parallel_loop3A_612 : vector<16xi32> to vector<16xi32>
            %parallel_loop3A_614 = vector.shape_cast %parallel_loop3A_609 : vector<16xi32> to vector<16xi32>
            tpu.vector_store %arg13[%parallel_loop3A_611], %parallel_loop3A_614 {strides = array<i32>} : memref<16384xi32, #tpu.memory_space<vmem>>, vector<16xi32>,
          } {sc.loop_unroll_factor = 4 : i64, sc.parallel_access}
        } else {
        }
        %gt3A_529 = arith.constant 0 : i32
        %gt3A_530 = arith.cmpi sgt, %while3A_499, %gt3A_529 : i32
        %convert_element_type3A_531 = arith.extui %gt3A_530 : i1 to i32
        %cond3A_532 = arith.constant 0 : i32
        %cond3A_533 = arith.cmpi ne, %convert_element_type3A_531, %cond3A_532 : i32
        scf.if %cond3A_533 {
          %shift_right_logical3A = arith.constant 4 : i32
          %shift_right_logical3A_534 = arith.shrui %select_n3A_263, %shift_right_logical3A : i32
          %parallel_loop3A = arith.constant 0 : i32
          %parallel_loop3A_535 = arith.constant 1 : i32
          scf.for %parallel_loop3A_536 = %parallel_loop3A to %shift_right_logical3A_534 step %parallel_loop3A_535  : i32 {
            %parallel_loop3A_537 = tpu.iota {dimensions = array<i32: 0>} : vector<16xi32>
            %parallel_loop3A_538 = arith.constant 1 : i32
            %parallel_loop3A_539 = vector.broadcast %parallel_loop3A_538 : i32 to vector<16xi32>
            %parallel_loop3A_540 = arith.xori %parallel_loop3A_537, %parallel_loop3A_539 : vector<16xi32>
            %parallel_loop3A_541 = arith.constant 1 : i32
            %parallel_loop3A_542 = vector.broadcast %parallel_loop3A_541 : i32 to vector<16xi32>
            %parallel_loop3A_543 = arith.andi %parallel_loop3A_537, %parallel_loop3A_542 : vector<16xi32>
            %parallel_loop3A_544 = arith.constant 0 : i32
            %parallel_loop3A_545 = vector.broadcast %parallel_loop3A_544 : i32 to vector<16xi32>
            %parallel_loop3A_546 = arith.cmpi eq, %parallel_loop3A_543, %parallel_loop3A_545 : vector<16xi32>
            %parallel_loop3A_547 = arith.constant 1 : i32
            %parallel_loop3A_548 = arith.constant 0 : i32
            %parallel_loop3A_549 = vector.broadcast %parallel_loop3A_547 : i32 to vector<16xi32>
            %parallel_loop3A_550 = vector.broadcast %parallel_loop3A_548 : i32 to vector<16xi32>
            %parallel_loop3A_551 = arith.select %parallel_loop3A_546, %parallel_loop3A_549, %parallel_loop3A_550 : vector<16xi1>, vector<16xi32>
            %parallel_loop3A_552 = arith.constant 16 : i32
            %parallel_loop3A_553 = arith.muli %parallel_loop3A_536, %parallel_loop3A_552 : i32
            %parallel_loop3A_554 = arith.muli %arg1, %select_n3A_263 : i32
            %parallel_loop3A_555 = arith.addi %parallel_loop3A_554, %parallel_loop3A_553 : i32
            %parallel_loop3A_556 = vector.broadcast %parallel_loop3A_555 : i32 to vector<16xi32>
            %parallel_loop3A_557 = arith.addi %parallel_loop3A_556, %parallel_loop3A_537 : vector<16xi32>
            %parallel_loop3A_558 = tpu.assume_multiple %parallel_loop3A_553, 8 : i32
            %parallel_loop3A_559 = arith.index_cast %parallel_loop3A_558 : i32 to index
            %parallel_loop3A_560 = tpu.vector_load %arg12[%parallel_loop3A_559] {strides = array<i32>} : memref<16384xi32, #tpu.memory_space<vmem>>, vector<16xi32>,
            %parallel_loop3A_561 = vector.shape_cast %parallel_loop3A_560 : vector<16xi32> to vector<16xi32>
            %parallel_loop3A_562 = tpu.assume_multiple %parallel_loop3A_553, 8 : i32
            %parallel_loop3A_563 = arith.index_cast %parallel_loop3A_562 : i32 to index
            %parallel_loop3A_564 = tpu.vector_load %arg13[%parallel_loop3A_563] {strides = array<i32>} : memref<16384xi32, #tpu.memory_space<vmem>>, vector<16xi32>,
            %parallel_loop3A_565 = vector.shape_cast %parallel_loop3A_564 : vector<16xi32> to vector<16xi32>
            %parallel_loop3A_566 = vector.shape_cast %parallel_loop3A_540 : vector<16xi32> to vector<16x1xi32>
            %parallel_loop3A_567 = vector.shape_cast %parallel_loop3A_566 : vector<16x1xi32> to vector<16xi32>
            %parallel_loop3A_568 = tpu.dynamic_gather %parallel_loop3A_561[%parallel_loop3A_567] in [0] : vector<16xi32>, vector<16xi32> -> vector<16xi32>
            %parallel_loop3A_569 = vector.shape_cast %parallel_loop3A_540 : vector<16xi32> to vector<16x1xi32>
            %parallel_loop3A_570 = vector.shape_cast %parallel_loop3A_569 : vector<16x1xi32> to vector<16xi32>
            %parallel_loop3A_571 = tpu.dynamic_gather %parallel_loop3A_565[%parallel_loop3A_570] in [0] : vector<16xi32>, vector<16xi32> -> vector<16xi32>
            %parallel_loop3A_572 = vector.broadcast %while3A_499 : i32 to vector<16xi32>
            %parallel_loop3A_573 = arith.shrui %parallel_loop3A_557, %parallel_loop3A_572 : vector<16xi32>
            %parallel_loop3A_574 = arith.constant 1 : i32
            %parallel_loop3A_575 = vector.broadcast %parallel_loop3A_574 : i32 to vector<16xi32>
            %parallel_loop3A_576 = arith.andi %parallel_loop3A_573, %parallel_loop3A_575 : vector<16xi32>
            %parallel_loop3A_577 = arith.constant 1 : i32
            %parallel_loop3A_578 = vector.broadcast %parallel_loop3A_577 : i32 to vector<16xi32>
            %parallel_loop3A_579 = arith.subi %parallel_loop3A_578, %parallel_loop3A_576 : vector<16xi32>
            %parallel_loop3A_580 = arith.cmpi sgt, %parallel_loop3A_561, %parallel_loop3A_568 : vector<16xi32>
            %parallel_loop3A_581 = arith.cmpi eq, %parallel_loop3A_561, %parallel_loop3A_568 : vector<16xi32>
            %parallel_loop3A_582 = arith.cmpi sgt, %parallel_loop3A_565, %parallel_loop3A_571 : vector<16xi32>
            %parallel_loop3A_583 = arith.andi %parallel_loop3A_581, %parallel_loop3A_582 : vector<16xi1>
            %parallel_loop3A_584 = arith.ori %parallel_loop3A_580, %parallel_loop3A_583 : vector<16xi1>
            %parallel_loop3A_585 = arith.constant 1 : i32
            %parallel_loop3A_586 = arith.constant 0 : i32
            %parallel_loop3A_587 = vector.broadcast %parallel_loop3A_585 : i32 to vector<16xi32>
            %parallel_loop3A_588 = vector.broadcast %parallel_loop3A_586 : i32 to vector<16xi32>
            %parallel_loop3A_589 = arith.select %parallel_loop3A_584, %parallel_loop3A_587, %parallel_loop3A_588 : vector<16xi1>, vector<16xi32>
            %parallel_loop3A_590 = arith.cmpi eq, %parallel_loop3A_551, %parallel_loop3A_579 : vector<16xi32>
            %parallel_loop3A_591 = arith.constant 1 : i32
            %parallel_loop3A_592 = arith.constant 0 : i32
            %parallel_loop3A_593 = vector.broadcast %parallel_loop3A_591 : i32 to vector<16xi32>
            %parallel_loop3A_594 = vector.broadcast %parallel_loop3A_592 : i32 to vector<16xi32>
            %parallel_loop3A_595 = arith.select %parallel_loop3A_590, %parallel_loop3A_593, %parallel_loop3A_594 : vector<16xi1>, vector<16xi32>
            %parallel_loop3A_596 = arith.xori %parallel_loop3A_589, %parallel_loop3A_595 : vector<16xi32>
            %parallel_loop3A_597 = arith.constant 1 : i32
            %parallel_loop3A_598 = vector.broadcast %parallel_loop3A_597 : i32 to vector<16xi32>
            %parallel_loop3A_599 = arith.xori %parallel_loop3A_596, %parallel_loop3A_598 : vector<16xi32>
            %parallel_loop3A_600 = arith.constant 0 : i32
            %parallel_loop3A_601 = vector.broadcast %parallel_loop3A_600 : i32 to vector<16xi32>
            %parallel_loop3A_602 = arith.cmpi ne, %parallel_loop3A_599, %parallel_loop3A_601 : vector<16xi32>
            %parallel_loop3A_603 = arith.select %parallel_loop3A_602, %parallel_loop3A_568, %parallel_loop3A_561 : vector<16xi1>, vector<16xi32>
            %parallel_loop3A_604 = tpu.assume_multiple %parallel_loop3A_553, 8 : i32
            %parallel_loop3A_605 = arith.index_cast %parallel_loop3A_604 : i32 to index
            %parallel_loop3A_606 = tpu.vector_load %arg12[%parallel_loop3A_605] {strides = array<i32>} : memref<16384xi32, #tpu.memory_space<vmem>>, vector<16xi32>,
            %parallel_loop3A_607 = vector.shape_cast %parallel_loop3A_606 : vector<16xi32> to vector<16xi32>
            %parallel_loop3A_608 = vector.shape_cast %parallel_loop3A_603 : vector<16xi32> to vector<16xi32>
            tpu.vector_store %arg12[%parallel_loop3A_605], %parallel_loop3A_608 {strides = array<i32>} : memref<16384xi32, #tpu.memory_space<vmem>>, vector<16xi32>,
            %parallel_loop3A_609 = arith.select %parallel_loop3A_602, %parallel_loop3A_571, %parallel_loop3A_565 : vector<16xi1>, vector<16xi32>
            %parallel_loop3A_610 = tpu.assume_multiple %parallel_loop3A_553, 8 : i32
            %parallel_loop3A_611 = arith.index_cast %parallel_loop3A_610 : i32 to index
            %parallel_loop3A_612 = tpu.vector_load %arg13[%parallel_loop3A_611] {strides = array<i32>} : memref<16384xi32, #tpu.memory_space<vmem>>, vector<16xi32>,
            %parallel_loop3A_613 = vector.shape_cast %parallel_loop3A_612 : vector<16xi32> to vector<16xi32>
            %parallel_loop3A_614 = vector.shape_cast %parallel_loop3A_609 : vector<16xi32> to vector<16xi32>
            tpu.vector_store %arg13[%parallel_loop3A_611], %parallel_loop3A_614 {strides = array<i32>} : memref<16384xi32, #tpu.memory_space<vmem>>, vector<16xi32>,
          } {sc.loop_unroll_factor = 4 : i64, sc.parallel_access}
        } else {
        }
      }
      %while3A_404 = arith.constant 0 : i32
      %while3A_405 = arith.constant 0 : i32
      %while3A_406 = arith.subi %select_n3A_289, %while3A_405 : i32
      %while3A_407 = arith.addi %while3A_405, %while3A_406 : i32
      %while3A_408 = arith.constant 1 : i32
      %while3A_409 = arith.divsi %while3A_406, %while3A_408 : i32
      %while3A_410 = arith.muli %while3A_409, %while3A_408 : i32
      %while3A_411 = arith.addi %while3A_405, %while3A_410 : i32
      %while3A_412 = arith.constant 1 : i32
      scf.for %while3A_499 = %while3A_405 to %while3A_411 step %while3A_412  : i32 {
        %mul3A_500 = arith.muli %arg1, %select_n3A_263 : i32
        %mul3A_501 = arith.constant 2048 : i32
        %mul3A_502 = arith.muli %while3A_499, %mul3A_501 : i32
        %add3A_503 = arith.addi %mul3A_500, %mul3A_502 : i32
        %lt3A = arith.constant 65536 : i32
        %lt3A_504 = arith.cmpi slt, %add3A_503, %lt3A : i32
        %convert_element_type3A_505 = arith.extui %lt3A_504 : i1 to i32
        %cond3A_506 = arith.constant 0 : i32
        %cond3A_507 = arith.cmpi ne, %convert_element_type3A_505, %cond3A_506 : i32
        scf.if %cond3A_507 {
          %mul3A_508 = arith.constant 2048 : i32
          %mul3A_509 = arith.muli %while3A_499, %mul3A_508 : i32
          %multiple_of3A_510 = tpu.assume_multiple %mul3A_509, 8 : i32
          %mul3A_511 = arith.constant 65536 : i32
          %mul3A_512 = arith.muli %arg0, %mul3A_511 : i32
          %add3A_513 = arith.addi %mul3A_512, %add3A_503 : i32
          %multiple_of3A_514 = tpu.assume_multiple %add3A_513, 8 : i32
          "tpu.region"() ({
            %run_scoped3A = tpu.sem_alloc : memref<!tpu.dma_semaphore, #tpu.memory_space<semaphore_mem>>
            %dma_start3A = tpu.memref_slice %arg13[%multiple_of3A_510] : memref<16384xi32, #tpu.memory_space<vmem>> -> memref<2048xi32, #tpu.memory_space<vmem>>
            %dma_start3A_515 = tpu.memref_slice %arg7[%multiple_of3A_514] : memref<143360xi32, #tpu.memory_space<hbm>> -> memref<2048xi32, #tpu.memory_space<hbm>>
            %dma_start3A_516 = tpu.memref_slice %arg7[%multiple_of3A_514] : memref<143360xi32, #tpu.memory_space<hbm>> -> memref<2048xi32, #tpu.memory_space<hbm>>
            %dma_start3A_517 = tpu.memref_slice %arg13[%multiple_of3A_510] : memref<16384xi32, #tpu.memory_space<vmem>> -> memref<2048xi32, #tpu.memory_space<vmem>>
            tpu.enqueue_dma source(%dma_start3A_517 : memref<2048xi32, #tpu.memory_space<vmem>>) target(%dma_start3A_516 : memref<2048xi32, #tpu.memory_space<hbm>>) target_semaphore(%run_scoped3A : memref<!tpu.dma_semaphore, #tpu.memory_space<semaphore_mem>>)
            %dma_wait3A = tpu.memref_slice %arg13[%multiple_of3A_510] : memref<16384xi32, #tpu.memory_space<vmem>> -> memref<2048xi32, #tpu.memory_space<vmem>>
            %dma_wait3A_518 = tpu.memref_slice %arg7[%multiple_of3A_514] : memref<143360xi32, #tpu.memory_space<hbm>> -> memref<2048xi32, #tpu.memory_space<hbm>>
            %dma_wait3A_519 = tpu.memref_slice %arg7[%multiple_of3A_514] : memref<143360xi32, #tpu.memory_space<hbm>> -> memref<2048xi32, #tpu.memory_space<hbm>>
            %dma_wait3A_520 = tpu.memref_slice %arg13[%multiple_of3A_510] : memref<16384xi32, #tpu.memory_space<vmem>> -> memref<2048xi32, #tpu.memory_space<vmem>>
            tpu.wait_dma2 semaphore(%run_scoped3A : memref<!tpu.dma_semaphore, #tpu.memory_space<semaphore_mem>>) src(%dma_wait3A_520 : memref<2048xi32, #tpu.memory_space<vmem>>) dst(%dma_wait3A_519 : memref<2048xi32, #tpu.memory_space<hbm>>)
            tpu.yield
          }) : () -> ()
        } else {
        }
      }
      %while3A_413 = arith.constant 1 : i32
      scf.for %while3A_499 = %while3A_411 to %while3A_407 step %while3A_413  : i32 {
        %mul3A_500 = arith.muli %arg1, %select_n3A_263 : i32
        %mul3A_501 = arith.constant 2048 : i32
        %mul3A_502 = arith.muli %while3A_499, %mul3A_501 : i32
        %add3A_503 = arith.addi %mul3A_500, %mul3A_502 : i32
        %lt3A = arith.constant 65536 : i32
        %lt3A_504 = arith.cmpi slt, %add3A_503, %lt3A : i32
        %convert_element_type3A_505 = arith.extui %lt3A_504 : i1 to i32
        %cond3A_506 = arith.constant 0 : i32
        %cond3A_507 = arith.cmpi ne, %convert_element_type3A_505, %cond3A_506 : i32
        scf.if %cond3A_507 {
          %mul3A_508 = arith.constant 2048 : i32
          %mul3A_509 = arith.muli %while3A_499, %mul3A_508 : i32
          %multiple_of3A_510 = tpu.assume_multiple %mul3A_509, 8 : i32
          %mul3A_511 = arith.constant 65536 : i32
          %mul3A_512 = arith.muli %arg0, %mul3A_511 : i32
          %add3A_513 = arith.addi %mul3A_512, %add3A_503 : i32
          %multiple_of3A_514 = tpu.assume_multiple %add3A_513, 8 : i32
          "tpu.region"() ({
            %run_scoped3A = tpu.sem_alloc : memref<!tpu.dma_semaphore, #tpu.memory_space<semaphore_mem>>
            %dma_start3A = tpu.memref_slice %arg13[%multiple_of3A_510] : memref<16384xi32, #tpu.memory_space<vmem>> -> memref<2048xi32, #tpu.memory_space<vmem>>
            %dma_start3A_515 = tpu.memref_slice %arg7[%multiple_of3A_514] : memref<143360xi32, #tpu.memory_space<hbm>> -> memref<2048xi32, #tpu.memory_space<hbm>>
            %dma_start3A_516 = tpu.memref_slice %arg7[%multiple_of3A_514] : memref<143360xi32, #tpu.memory_space<hbm>> -> memref<2048xi32, #tpu.memory_space<hbm>>
            %dma_start3A_517 = tpu.memref_slice %arg13[%multiple_of3A_510] : memref<16384xi32, #tpu.memory_space<vmem>> -> memref<2048xi32, #tpu.memory_space<vmem>>
            tpu.enqueue_dma source(%dma_start3A_517 : memref<2048xi32, #tpu.memory_space<vmem>>) target(%dma_start3A_516 : memref<2048xi32, #tpu.memory_space<hbm>>) target_semaphore(%run_scoped3A : memref<!tpu.dma_semaphore, #tpu.memory_space<semaphore_mem>>)
            %dma_wait3A = tpu.memref_slice %arg13[%multiple_of3A_510] : memref<16384xi32, #tpu.memory_space<vmem>> -> memref<2048xi32, #tpu.memory_space<vmem>>
            %dma_wait3A_518 = tpu.memref_slice %arg7[%multiple_of3A_514] : memref<143360xi32, #tpu.memory_space<hbm>> -> memref<2048xi32, #tpu.memory_space<hbm>>
            %dma_wait3A_519 = tpu.memref_slice %arg7[%multiple_of3A_514] : memref<143360xi32, #tpu.memory_space<hbm>> -> memref<2048xi32, #tpu.memory_space<hbm>>
            %dma_wait3A_520 = tpu.memref_slice %arg13[%multiple_of3A_510] : memref<16384xi32, #tpu.memory_space<vmem>> -> memref<2048xi32, #tpu.memory_space<vmem>>
            tpu.wait_dma2 semaphore(%run_scoped3A : memref<!tpu.dma_semaphore, #tpu.memory_space<semaphore_mem>>) src(%dma_wait3A_520 : memref<2048xi32, #tpu.memory_space<vmem>>) dst(%dma_wait3A_519 : memref<2048xi32, #tpu.memory_space<hbm>>)
            tpu.yield
          }) : () -> ()
        } else {
        }
      }
      %barrier3A_414 = arith.constant 0 : index
      tpu.barrier barrier_id(%barrier3A_414)
      %mul3A_415 = arith.constant 384 : i32
      %mul3A_416 = arith.muli %arg1, %mul3A_415 : i32
      %multiple_of3A_417 = tpu.assume_multiple %mul3A_416, 8 : i32
      "tpu.region"() ({
        %run_scoped3A = tpu.sem_alloc : memref<!tpu.dma_semaphore, #tpu.memory_space<semaphore_mem>>
        %dma_start3A = tpu.memref_slice %arg4[%multiple_of3A_417] : memref<6144xi32, #tpu.memory_space<hbm>> -> memref<384xi32, #tpu.memory_space<hbm>>
        %dma_start3A_499 = tpu.memref_slice %arg4[%multiple_of3A_417] : memref<6144xi32, #tpu.memory_space<hbm>> -> memref<384xi32, #tpu.memory_space<hbm>>
        tpu.enqueue_dma source(%dma_start3A_499 : memref<384xi32, #tpu.memory_space<hbm>>) target(%arg22 : memref<384xi32, #tpu.memory_space<vmem>>) target_semaphore(%run_scoped3A : memref<!tpu.dma_semaphore, #tpu.memory_space<semaphore_mem>>)
        %dma_wait3A = tpu.memref_slice %arg4[%multiple_of3A_417] : memref<6144xi32, #tpu.memory_space<hbm>> -> memref<384xi32, #tpu.memory_space<hbm>>
        %dma_wait3A_500 = tpu.memref_slice %arg4[%multiple_of3A_417] : memref<6144xi32, #tpu.memory_space<hbm>> -> memref<384xi32, #tpu.memory_space<hbm>>
        tpu.wait_dma2 semaphore(%run_scoped3A : memref<!tpu.dma_semaphore, #tpu.memory_space<semaphore_mem>>) src(%dma_wait3A_500 : memref<384xi32, #tpu.memory_space<hbm>>) dst(%arg22 : memref<384xi32, #tpu.memory_space<vmem>>)
        tpu.yield
      }) : () -> ()
      %mul3A_418 = arith.constant 65536 : i32
      %mul3A_419 = arith.muli %arg0, %mul3A_418 : i32
      %multiple_of3A_420 = tpu.assume_multiple %mul3A_419, 8 : i32
      "tpu.region"() ({
        %run_scoped3A = tpu.sem_alloc : memref<!tpu.dma_semaphore, #tpu.memory_space<semaphore_mem>>
        %dma_start3A = arith.constant 0 : i32
        %dma_start3A_499 = tpu.memref_slice %arg23[%dma_start3A] : memref<384xi32, #tpu.memory_space<vmem>> -> memref<128xi32, #tpu.memory_space<vmem>>
        %dma_start3A_500 = arith.constant 0 : i32
        %dma_start3A_501 = tpu.memref_slice %arg22[%dma_start3A_500] : memref<384xi32, #tpu.memory_space<vmem>> -> memref<128xi32, #tpu.memory_space<vmem>>
        %dma_start3A_502 = tpu.memref_slice %arg7[%multiple_of3A_420] : memref<143360xi32, #tpu.memory_space<hbm>> -> memref<65536xi32, #tpu.memory_space<hbm>>
        %dma_start3A_503 = arith.constant 0 : i32
        %dma_start3A_504 = tpu.memref_slice %dma_start3A_502[%dma_start3A_503] : memref<65536xi32, #tpu.memory_space<hbm>> -> memref<65536xi32, #tpu.memory_space<hbm>>
        tpu.enqueue_indirect_dma source(%dma_start3A_504 : memref<65536xi32, #tpu.memory_space<hbm>>) target(%dma_start3A_499 : memref<128xi32, #tpu.memory_space<vmem>>) offsets(%dma_start3A_501 : memref<128xi32, #tpu.memory_space<vmem>>) semaphore(%run_scoped3A : memref<!tpu.dma_semaphore, #tpu.memory_space<semaphore_mem>>)
        %dma_wait3A = arith.constant 0 : i32
        %dma_wait3A_505 = tpu.memref_slice %arg23[%dma_wait3A] : memref<384xi32, #tpu.memory_space<vmem>> -> memref<128xi32, #tpu.memory_space<vmem>>
        %dma_wait3A_506 = arith.constant 0 : i32
        %dma_wait3A_507 = tpu.memref_slice %arg22[%dma_wait3A_506] : memref<384xi32, #tpu.memory_space<vmem>> -> memref<128xi32, #tpu.memory_space<vmem>>
        %dma_wait3A_508 = tpu.memref_slice %arg7[%multiple_of3A_420] : memref<143360xi32, #tpu.memory_space<hbm>> -> memref<65536xi32, #tpu.memory_space<hbm>>
        %dma_wait3A_509 = arith.constant 0 : i32
        %dma_wait3A_510 = tpu.memref_slice %dma_wait3A_508[%dma_wait3A_509] : memref<65536xi32, #tpu.memory_space<hbm>> -> memref<65536xi32, #tpu.memory_space<hbm>>
        tpu.wait_indirect_dma semaphore(%run_scoped3A : memref<!tpu.dma_semaphore, #tpu.memory_space<semaphore_mem>>) src(%dma_wait3A_510 : memref<65536xi32, #tpu.memory_space<hbm>>) dst(%dma_wait3A_505 : memref<128xi32, #tpu.memory_space<vmem>>)
        tpu.yield
      }) : () -> ()
      "tpu.region"() ({
        %run_scoped3A = tpu.sem_alloc : memref<!tpu.dma_semaphore, #tpu.memory_space<semaphore_mem>>
        %dma_start3A = arith.constant 128 : i32
        %dma_start3A_499 = tpu.memref_slice %arg23[%dma_start3A] : memref<384xi32, #tpu.memory_space<vmem>> -> memref<128xi32, #tpu.memory_space<vmem>>
        %dma_start3A_500 = arith.constant 128 : i32
        %dma_start3A_501 = tpu.memref_slice %arg22[%dma_start3A_500] : memref<384xi32, #tpu.memory_space<vmem>> -> memref<128xi32, #tpu.memory_space<vmem>>
        %dma_start3A_502 = tpu.memref_slice %arg7[%multiple_of3A_420] : memref<143360xi32, #tpu.memory_space<hbm>> -> memref<65536xi32, #tpu.memory_space<hbm>>
        %dma_start3A_503 = arith.constant 0 : i32
        %dma_start3A_504 = tpu.memref_slice %dma_start3A_502[%dma_start3A_503] : memref<65536xi32, #tpu.memory_space<hbm>> -> memref<65536xi32, #tpu.memory_space<hbm>>
        tpu.enqueue_indirect_dma source(%dma_start3A_504 : memref<65536xi32, #tpu.memory_space<hbm>>) target(%dma_start3A_499 : memref<128xi32, #tpu.memory_space<vmem>>) offsets(%dma_start3A_501 : memref<128xi32, #tpu.memory_space<vmem>>) semaphore(%run_scoped3A : memref<!tpu.dma_semaphore, #tpu.memory_space<semaphore_mem>>)
        %dma_wait3A = arith.constant 128 : i32
        %dma_wait3A_505 = tpu.memref_slice %arg23[%dma_wait3A] : memref<384xi32, #tpu.memory_space<vmem>> -> memref<128xi32, #tpu.memory_space<vmem>>
        %dma_wait3A_506 = arith.constant 128 : i32
        %dma_wait3A_507 = tpu.memref_slice %arg22[%dma_wait3A_506] : memref<384xi32, #tpu.memory_space<vmem>> -> memref<128xi32, #tpu.memory_space<vmem>>
        %dma_wait3A_508 = tpu.memref_slice %arg7[%multiple_of3A_420] : memref<143360xi32, #tpu.memory_space<hbm>> -> memref<65536xi32, #tpu.memory_space<hbm>>
        %dma_wait3A_509 = arith.constant 0 : i32
        %dma_wait3A_510 = tpu.memref_slice %dma_wait3A_508[%dma_wait3A_509] : memref<65536xi32, #tpu.memory_space<hbm>> -> memref<65536xi32, #tpu.memory_space<hbm>>
        tpu.wait_indirect_dma semaphore(%run_scoped3A : memref<!tpu.dma_semaphore, #tpu.memory_space<semaphore_mem>>) src(%dma_wait3A_510 : memref<65536xi32, #tpu.memory_space<hbm>>) dst(%dma_wait3A_505 : memref<128xi32, #tpu.memory_space<vmem>>)
        tpu.yield
      }) : () -> ()
      "tpu.region"() ({
        %run_scoped3A = tpu.sem_alloc : memref<!tpu.dma_semaphore, #tpu.memory_space<semaphore_mem>>
        %dma_start3A = arith.constant 256 : i32
        %dma_start3A_499 = tpu.memref_slice %arg23[%dma_start3A] : memref<384xi32, #tpu.memory_space<vmem>> -> memref<128xi32, #tpu.memory_space<vmem>>
        %dma_start3A_500 = arith.constant 256 : i32
        %dma_start3A_501 = tpu.memref_slice %arg22[%dma_start3A_500] : memref<384xi32, #tpu.memory_space<vmem>> -> memref<128xi32, #tpu.memory_space<vmem>>
        %dma_start3A_502 = tpu.memref_slice %arg7[%multiple_of3A_420] : memref<143360xi32, #tpu.memory_space<hbm>> -> memref<65536xi32, #tpu.memory_space<hbm>>
        %dma_start3A_503 = arith.constant 0 : i32
        %dma_start3A_504 = tpu.memref_slice %dma_start3A_502[%dma_start3A_503] : memref<65536xi32, #tpu.memory_space<hbm>> -> memref<65536xi32, #tpu.memory_space<hbm>>
        tpu.enqueue_indirect_dma source(%dma_start3A_504 : memref<65536xi32, #tpu.memory_space<hbm>>) target(%dma_start3A_499 : memref<128xi32, #tpu.memory_space<vmem>>) offsets(%dma_start3A_501 : memref<128xi32, #tpu.memory_space<vmem>>) semaphore(%run_scoped3A : memref<!tpu.dma_semaphore, #tpu.memory_space<semaphore_mem>>)
        %dma_wait3A = arith.constant 256 : i32
        %dma_wait3A_505 = tpu.memref_slice %arg23[%dma_wait3A] : memref<384xi32, #tpu.memory_space<vmem>> -> memref<128xi32, #tpu.memory_space<vmem>>
        %dma_wait3A_506 = arith.constant 256 : i32
        %dma_wait3A_507 = tpu.memref_slice %arg22[%dma_wait3A_506] : memref<384xi32, #tpu.memory_space<vmem>> -> memref<128xi32, #tpu.memory_space<vmem>>
        %dma_wait3A_508 = tpu.memref_slice %arg7[%multiple_of3A_420] : memref<143360xi32, #tpu.memory_space<hbm>> -> memref<65536xi32, #tpu.memory_space<hbm>>
        %dma_wait3A_509 = arith.constant 0 : i32
        %dma_wait3A_510 = tpu.memref_slice %dma_wait3A_508[%dma_wait3A_509] : memref<65536xi32, #tpu.memory_space<hbm>> -> memref<65536xi32, #tpu.memory_space<hbm>>
        tpu.wait_indirect_dma semaphore(%run_scoped3A : memref<!tpu.dma_semaphore, #tpu.memory_space<semaphore_mem>>) src(%dma_wait3A_510 : memref<65536xi32, #tpu.memory_space<hbm>>) dst(%dma_wait3A_505 : memref<128xi32, #tpu.memory_space<vmem>>)
        tpu.yield
      }) : () -> ()
      %mul3A_421 = arith.constant 16 : i32
      %mul3A_422 = arith.muli %arg0, %mul3A_421 : i32
      %add3A_423 = arith.addi %mul3A_422, %arg1 : i32
      %mul3A_424 = arith.constant 384 : i32
      %mul3A_425 = arith.muli %add3A_423, %mul3A_424 : i32
      %add3A_426 = arith.constant 131072 : i32
      %add3A_427 = arith.addi %add3A_426, %mul3A_425 : i32
      %multiple_of3A_428 = tpu.assume_multiple %add3A_427, 8 : i32
      "tpu.region"() ({
        %run_scoped3A = tpu.sem_alloc : memref<!tpu.dma_semaphore, #tpu.memory_space<semaphore_mem>>
        %dma_start3A = tpu.memref_slice %arg7[%multiple_of3A_428] : memref<143360xi32, #tpu.memory_space<hbm>> -> memref<384xi32, #tpu.memory_space<hbm>>
        %dma_start3A_499 = tpu.memref_slice %arg7[%multiple_of3A_428] : memref<143360xi32, #tpu.memory_space<hbm>> -> memref<384xi32, #tpu.memory_space<hbm>>
        tpu.enqueue_dma source(%arg23 : memref<384xi32, #tpu.memory_space<vmem>>) target(%dma_start3A_499 : memref<384xi32, #tpu.memory_space<hbm>>) target_semaphore(%run_scoped3A : memref<!tpu.dma_semaphore, #tpu.memory_space<semaphore_mem>>)
        %dma_wait3A = tpu.memref_slice %arg7[%multiple_of3A_428] : memref<143360xi32, #tpu.memory_space<hbm>> -> memref<384xi32, #tpu.memory_space<hbm>>
        %dma_wait3A_500 = tpu.memref_slice %arg7[%multiple_of3A_428] : memref<143360xi32, #tpu.memory_space<hbm>> -> memref<384xi32, #tpu.memory_space<hbm>>
        tpu.wait_dma2 semaphore(%run_scoped3A : memref<!tpu.dma_semaphore, #tpu.memory_space<semaphore_mem>>) src(%arg23 : memref<384xi32, #tpu.memory_space<vmem>>) dst(%dma_wait3A_500 : memref<384xi32, #tpu.memory_space<hbm>>)
        tpu.yield
      }) : () -> ()
      %multiple_of3A_429 = tpu.assume_multiple %add3A_427, 8 : i32
      "tpu.region"() ({
        %run_scoped3A = tpu.sem_alloc : memref<!tpu.dma_semaphore, #tpu.memory_space<semaphore_mem>>
        %dma_start3A = tpu.memref_slice %arg7[%multiple_of3A_429] : memref<143360xi32, #tpu.memory_space<hbm>> -> memref<384xi32, #tpu.memory_space<hbm>>
        %dma_start3A_499 = tpu.memref_slice %arg7[%multiple_of3A_429] : memref<143360xi32, #tpu.memory_space<hbm>> -> memref<384xi32, #tpu.memory_space<hbm>>
        tpu.enqueue_dma source(%dma_start3A_499 : memref<384xi32, #tpu.memory_space<hbm>>) target(%arg24 : memref<384xi32, #tpu.memory_space<vmem>>) target_semaphore(%run_scoped3A : memref<!tpu.dma_semaphore, #tpu.memory_space<semaphore_mem>>)
        %dma_wait3A = tpu.memref_slice %arg7[%multiple_of3A_429] : memref<143360xi32, #tpu.memory_space<hbm>> -> memref<384xi32, #tpu.memory_space<hbm>>
        %dma_wait3A_500 = tpu.memref_slice %arg7[%multiple_of3A_429] : memref<143360xi32, #tpu.memory_space<hbm>> -> memref<384xi32, #tpu.memory_space<hbm>>
        tpu.wait_dma2 semaphore(%run_scoped3A : memref<!tpu.dma_semaphore, #tpu.memory_space<semaphore_mem>>) src(%dma_wait3A_500 : memref<384xi32, #tpu.memory_space<hbm>>) dst(%arg24 : memref<384xi32, #tpu.memory_space<vmem>>)
        tpu.yield
      }) : () -> ()
      %mul3A_430 = arith.constant 4 : i32
      %mul3A_431 = arith.muli %add3A, %mul3A_430 : i32
      %add3A_432 = arith.constant 0 : i32
      %add3A_433 = arith.addi %mul3A_431, %add3A_432 : i32
      %mul3A_434 = arith.constant 262144 : i32
      %mul3A_435 = arith.muli %add3A_433, %mul3A_434 : i32
      %multiple_of3A_436 = tpu.assume_multiple %mul3A_435, 8 : i32
      "tpu.region"() ({
        %run_scoped3A = tpu.sem_alloc : memref<!tpu.dma_semaphore, #tpu.memory_space<semaphore_mem>>
        %dma_start3A = arith.constant 0 : i32
        %dma_start3A_499 = tpu.memref_slice %arg25[%dma_start3A] : memref<384xf32, #tpu.memory_space<vmem>> -> memref<128xf32, #tpu.memory_space<vmem>>
        %dma_start3A_500 = arith.constant 0 : i32
        %dma_start3A_501 = tpu.memref_slice %arg24[%dma_start3A_500] : memref<384xi32, #tpu.memory_space<vmem>> -> memref<128xi32, #tpu.memory_space<vmem>>
        %dma_start3A_502 = tpu.memref_slice %arg3[%multiple_of3A_436] : memref<4194304xf32, #tpu.memory_space<hbm>> -> memref<262144xf32, #tpu.memory_space<hbm>>
        %dma_start3A_503 = arith.constant 0 : i32
        %dma_start3A_504 = tpu.memref_slice %dma_start3A_502[%dma_start3A_503] : memref<262144xf32, #tpu.memory_space<hbm>> -> memref<262144xf32, #tpu.memory_space<hbm>>
        tpu.enqueue_indirect_dma source(%dma_start3A_504 : memref<262144xf32, #tpu.memory_space<hbm>>) target(%dma_start3A_499 : memref<128xf32, #tpu.memory_space<vmem>>) offsets(%dma_start3A_501 : memref<128xi32, #tpu.memory_space<vmem>>) semaphore(%run_scoped3A : memref<!tpu.dma_semaphore, #tpu.memory_space<semaphore_mem>>)
        %dma_wait3A = arith.constant 0 : i32
        %dma_wait3A_505 = tpu.memref_slice %arg25[%dma_wait3A] : memref<384xf32, #tpu.memory_space<vmem>> -> memref<128xf32, #tpu.memory_space<vmem>>
        %dma_wait3A_506 = arith.constant 0 : i32
        %dma_wait3A_507 = tpu.memref_slice %arg24[%dma_wait3A_506] : memref<384xi32, #tpu.memory_space<vmem>> -> memref<128xi32, #tpu.memory_space<vmem>>
        %dma_wait3A_508 = tpu.memref_slice %arg3[%multiple_of3A_436] : memref<4194304xf32, #tpu.memory_space<hbm>> -> memref<262144xf32, #tpu.memory_space<hbm>>
        %dma_wait3A_509 = arith.constant 0 : i32
        %dma_wait3A_510 = tpu.memref_slice %dma_wait3A_508[%dma_wait3A_509] : memref<262144xf32, #tpu.memory_space<hbm>> -> memref<262144xf32, #tpu.memory_space<hbm>>
        tpu.wait_indirect_dma semaphore(%run_scoped3A : memref<!tpu.dma_semaphore, #tpu.memory_space<semaphore_mem>>) src(%dma_wait3A_510 : memref<262144xf32, #tpu.memory_space<hbm>>) dst(%dma_wait3A_505 : memref<128xf32, #tpu.memory_space<vmem>>)
        tpu.yield
      }) : () -> ()
      "tpu.region"() ({
        %run_scoped3A = tpu.sem_alloc : memref<!tpu.dma_semaphore, #tpu.memory_space<semaphore_mem>>
        %dma_start3A = arith.constant 128 : i32
        %dma_start3A_499 = tpu.memref_slice %arg25[%dma_start3A] : memref<384xf32, #tpu.memory_space<vmem>> -> memref<128xf32, #tpu.memory_space<vmem>>
        %dma_start3A_500 = arith.constant 128 : i32
        %dma_start3A_501 = tpu.memref_slice %arg24[%dma_start3A_500] : memref<384xi32, #tpu.memory_space<vmem>> -> memref<128xi32, #tpu.memory_space<vmem>>
        %dma_start3A_502 = tpu.memref_slice %arg3[%multiple_of3A_436] : memref<4194304xf32, #tpu.memory_space<hbm>> -> memref<262144xf32, #tpu.memory_space<hbm>>
        %dma_start3A_503 = arith.constant 0 : i32
        %dma_start3A_504 = tpu.memref_slice %dma_start3A_502[%dma_start3A_503] : memref<262144xf32, #tpu.memory_space<hbm>> -> memref<262144xf32, #tpu.memory_space<hbm>>
        tpu.enqueue_indirect_dma source(%dma_start3A_504 : memref<262144xf32, #tpu.memory_space<hbm>>) target(%dma_start3A_499 : memref<128xf32, #tpu.memory_space<vmem>>) offsets(%dma_start3A_501 : memref<128xi32, #tpu.memory_space<vmem>>) semaphore(%run_scoped3A : memref<!tpu.dma_semaphore, #tpu.memory_space<semaphore_mem>>)
        %dma_wait3A = arith.constant 128 : i32
        %dma_wait3A_505 = tpu.memref_slice %arg25[%dma_wait3A] : memref<384xf32, #tpu.memory_space<vmem>> -> memref<128xf32, #tpu.memory_space<vmem>>
        %dma_wait3A_506 = arith.constant 128 : i32
        %dma_wait3A_507 = tpu.memref_slice %arg24[%dma_wait3A_506] : memref<384xi32, #tpu.memory_space<vmem>> -> memref<128xi32, #tpu.memory_space<vmem>>
        %dma_wait3A_508 = tpu.memref_slice %arg3[%multiple_of3A_436] : memref<4194304xf32, #tpu.memory_space<hbm>> -> memref<262144xf32, #tpu.memory_space<hbm>>
        %dma_wait3A_509 = arith.constant 0 : i32
        %dma_wait3A_510 = tpu.memref_slice %dma_wait3A_508[%dma_wait3A_509] : memref<262144xf32, #tpu.memory_space<hbm>> -> memref<262144xf32, #tpu.memory_space<hbm>>
        tpu.wait_indirect_dma semaphore(%run_scoped3A : memref<!tpu.dma_semaphore, #tpu.memory_space<semaphore_mem>>) src(%dma_wait3A_510 : memref<262144xf32, #tpu.memory_space<hbm>>) dst(%dma_wait3A_505 : memref<128xf32, #tpu.memory_space<vmem>>)
        tpu.yield
      }) : () -> ()
      "tpu.region"() ({
        %run_scoped3A = tpu.sem_alloc : memref<!tpu.dma_semaphore, #tpu.memory_space<semaphore_mem>>
        %dma_start3A = arith.constant 256 : i32
        %dma_start3A_499 = tpu.memref_slice %arg25[%dma_start3A] : memref<384xf32, #tpu.memory_space<vmem>> -> memref<128xf32, #tpu.memory_space<vmem>>
        %dma_start3A_500 = arith.constant 256 : i32
        %dma_start3A_501 = tpu.memref_slice %arg24[%dma_start3A_500] : memref<384xi32, #tpu.memory_space<vmem>> -> memref<128xi32, #tpu.memory_space<vmem>>
        %dma_start3A_502 = tpu.memref_slice %arg3[%multiple_of3A_436] : memref<4194304xf32, #tpu.memory_space<hbm>> -> memref<262144xf32, #tpu.memory_space<hbm>>
        %dma_start3A_503 = arith.constant 0 : i32
        %dma_start3A_504 = tpu.memref_slice %dma_start3A_502[%dma_start3A_503] : memref<262144xf32, #tpu.memory_space<hbm>> -> memref<262144xf32, #tpu.memory_space<hbm>>
        tpu.enqueue_indirect_dma source(%dma_start3A_504 : memref<262144xf32, #tpu.memory_space<hbm>>) target(%dma_start3A_499 : memref<128xf32, #tpu.memory_space<vmem>>) offsets(%dma_start3A_501 : memref<128xi32, #tpu.memory_space<vmem>>) semaphore(%run_scoped3A : memref<!tpu.dma_semaphore, #tpu.memory_space<semaphore_mem>>)
        %dma_wait3A = arith.constant 256 : i32
        %dma_wait3A_505 = tpu.memref_slice %arg25[%dma_wait3A] : memref<384xf32, #tpu.memory_space<vmem>> -> memref<128xf32, #tpu.memory_space<vmem>>
        %dma_wait3A_506 = arith.constant 256 : i32
        %dma_wait3A_507 = tpu.memref_slice %arg24[%dma_wait3A_506] : memref<384xi32, #tpu.memory_space<vmem>> -> memref<128xi32, #tpu.memory_space<vmem>>
        %dma_wait3A_508 = tpu.memref_slice %arg3[%multiple_of3A_436] : memref<4194304xf32, #tpu.memory_space<hbm>> -> memref<262144xf32, #tpu.memory_space<hbm>>
        %dma_wait3A_509 = arith.constant 0 : i32
        %dma_wait3A_510 = tpu.memref_slice %dma_wait3A_508[%dma_wait3A_509] : memref<262144xf32, #tpu.memory_space<hbm>> -> memref<262144xf32, #tpu.memory_space<hbm>>
        tpu.wait_indirect_dma semaphore(%run_scoped3A : memref<!tpu.dma_semaphore, #tpu.memory_space<semaphore_mem>>) src(%dma_wait3A_510 : memref<262144xf32, #tpu.memory_space<hbm>>) dst(%dma_wait3A_505 : memref<128xf32, #tpu.memory_space<vmem>>)
        tpu.yield
      }) : () -> ()
      %mul3A_437 = arith.constant 4 : i32
      %mul3A_438 = arith.muli %add3A, %mul3A_437 : i32
      %add3A_439 = arith.constant 0 : i32
      %add3A_440 = arith.addi %mul3A_438, %add3A_439 : i32
      %mul3A_441 = arith.constant 6144 : i32
      %mul3A_442 = arith.muli %add3A_440, %mul3A_441 : i32
      %mul3A_443 = arith.constant 384 : i32
      %mul3A_444 = arith.muli %arg1, %mul3A_443 : i32
      %add3A_445 = arith.addi %mul3A_442, %mul3A_444 : i32
      %multiple_of3A_446 = tpu.assume_multiple %add3A_445, 8 : i32
      "tpu.region"() ({
        %run_scoped3A = tpu.sem_alloc : memref<!tpu.dma_semaphore, #tpu.memory_space<semaphore_mem>>
        %dma_start3A = tpu.memref_slice %arg6[%multiple_of3A_446] : memref<98304xf32, #tpu.memory_space<hbm>> -> memref<384xf32, #tpu.memory_space<hbm>>
        %dma_start3A_499 = tpu.memref_slice %arg6[%multiple_of3A_446] : memref<98304xf32, #tpu.memory_space<hbm>> -> memref<384xf32, #tpu.memory_space<hbm>>
        tpu.enqueue_dma source(%arg25 : memref<384xf32, #tpu.memory_space<vmem>>) target(%dma_start3A_499 : memref<384xf32, #tpu.memory_space<hbm>>) target_semaphore(%run_scoped3A : memref<!tpu.dma_semaphore, #tpu.memory_space<semaphore_mem>>)
        %dma_wait3A = tpu.memref_slice %arg6[%multiple_of3A_446] : memref<98304xf32, #tpu.memory_space<hbm>> -> memref<384xf32, #tpu.memory_space<hbm>>
        %dma_wait3A_500 = tpu.memref_slice %arg6[%multiple_of3A_446] : memref<98304xf32, #tpu.memory_space<hbm>> -> memref<384xf32, #tpu.memory_space<hbm>>
        tpu.wait_dma2 semaphore(%run_scoped3A : memref<!tpu.dma_semaphore, #tpu.memory_space<semaphore_mem>>) src(%arg25 : memref<384xf32, #tpu.memory_space<vmem>>) dst(%dma_wait3A_500 : memref<384xf32, #tpu.memory_space<hbm>>)
        tpu.yield
      }) : () -> ()
      %mul3A_447 = arith.constant 4 : i32
      %mul3A_448 = arith.muli %add3A, %mul3A_447 : i32
      %add3A_449 = arith.constant 1 : i32
      %add3A_450 = arith.addi %mul3A_448, %add3A_449 : i32
      %mul3A_451 = arith.constant 262144 : i32
      %mul3A_452 = arith.muli %add3A_450, %mul3A_451 : i32
      %multiple_of3A_453 = tpu.assume_multiple %mul3A_452, 8 : i32
      "tpu.region"() ({
        %run_scoped3A = tpu.sem_alloc : memref<!tpu.dma_semaphore, #tpu.memory_space<semaphore_mem>>
        %dma_start3A = arith.constant 0 : i32
        %dma_start3A_499 = tpu.memref_slice %arg25[%dma_start3A] : memref<384xf32, #tpu.memory_space<vmem>> -> memref<128xf32, #tpu.memory_space<vmem>>
        %dma_start3A_500 = arith.constant 0 : i32
        %dma_start3A_501 = tpu.memref_slice %arg24[%dma_start3A_500] : memref<384xi32, #tpu.memory_space<vmem>> -> memref<128xi32, #tpu.memory_space<vmem>>
        %dma_start3A_502 = tpu.memref_slice %arg3[%multiple_of3A_453] : memref<4194304xf32, #tpu.memory_space<hbm>> -> memref<262144xf32, #tpu.memory_space<hbm>>
        %dma_start3A_503 = arith.constant 0 : i32
        %dma_start3A_504 = tpu.memref_slice %dma_start3A_502[%dma_start3A_503] : memref<262144xf32, #tpu.memory_space<hbm>> -> memref<262144xf32, #tpu.memory_space<hbm>>
        tpu.enqueue_indirect_dma source(%dma_start3A_504 : memref<262144xf32, #tpu.memory_space<hbm>>) target(%dma_start3A_499 : memref<128xf32, #tpu.memory_space<vmem>>) offsets(%dma_start3A_501 : memref<128xi32, #tpu.memory_space<vmem>>) semaphore(%run_scoped3A : memref<!tpu.dma_semaphore, #tpu.memory_space<semaphore_mem>>)
        %dma_wait3A = arith.constant 0 : i32
        %dma_wait3A_505 = tpu.memref_slice %arg25[%dma_wait3A] : memref<384xf32, #tpu.memory_space<vmem>> -> memref<128xf32, #tpu.memory_space<vmem>>
        %dma_wait3A_506 = arith.constant 0 : i32
        %dma_wait3A_507 = tpu.memref_slice %arg24[%dma_wait3A_506] : memref<384xi32, #tpu.memory_space<vmem>> -> memref<128xi32, #tpu.memory_space<vmem>>
        %dma_wait3A_508 = tpu.memref_slice %arg3[%multiple_of3A_453] : memref<4194304xf32, #tpu.memory_space<hbm>> -> memref<262144xf32, #tpu.memory_space<hbm>>
        %dma_wait3A_509 = arith.constant 0 : i32
        %dma_wait3A_510 = tpu.memref_slice %dma_wait3A_508[%dma_wait3A_509] : memref<262144xf32, #tpu.memory_space<hbm>> -> memref<262144xf32, #tpu.memory_space<hbm>>
        tpu.wait_indirect_dma semaphore(%run_scoped3A : memref<!tpu.dma_semaphore, #tpu.memory_space<semaphore_mem>>) src(%dma_wait3A_510 : memref<262144xf32, #tpu.memory_space<hbm>>) dst(%dma_wait3A_505 : memref<128xf32, #tpu.memory_space<vmem>>)
        tpu.yield
      }) : () -> ()
      "tpu.region"() ({
        %run_scoped3A = tpu.sem_alloc : memref<!tpu.dma_semaphore, #tpu.memory_space<semaphore_mem>>
        %dma_start3A = arith.constant 128 : i32
        %dma_start3A_499 = tpu.memref_slice %arg25[%dma_start3A] : memref<384xf32, #tpu.memory_space<vmem>> -> memref<128xf32, #tpu.memory_space<vmem>>
        %dma_start3A_500 = arith.constant 128 : i32
        %dma_start3A_501 = tpu.memref_slice %arg24[%dma_start3A_500] : memref<384xi32, #tpu.memory_space<vmem>> -> memref<128xi32, #tpu.memory_space<vmem>>
        %dma_start3A_502 = tpu.memref_slice %arg3[%multiple_of3A_453] : memref<4194304xf32, #tpu.memory_space<hbm>> -> memref<262144xf32, #tpu.memory_space<hbm>>
        %dma_start3A_503 = arith.constant 0 : i32
        %dma_start3A_504 = tpu.memref_slice %dma_start3A_502[%dma_start3A_503] : memref<262144xf32, #tpu.memory_space<hbm>> -> memref<262144xf32, #tpu.memory_space<hbm>>
        tpu.enqueue_indirect_dma source(%dma_start3A_504 : memref<262144xf32, #tpu.memory_space<hbm>>) target(%dma_start3A_499 : memref<128xf32, #tpu.memory_space<vmem>>) offsets(%dma_start3A_501 : memref<128xi32, #tpu.memory_space<vmem>>) semaphore(%run_scoped3A : memref<!tpu.dma_semaphore, #tpu.memory_space<semaphore_mem>>)
        %dma_wait3A = arith.constant 128 : i32
        %dma_wait3A_505 = tpu.memref_slice %arg25[%dma_wait3A] : memref<384xf32, #tpu.memory_space<vmem>> -> memref<128xf32, #tpu.memory_space<vmem>>
        %dma_wait3A_506 = arith.constant 128 : i32
        %dma_wait3A_507 = tpu.memref_slice %arg24[%dma_wait3A_506] : memref<384xi32, #tpu.memory_space<vmem>> -> memref<128xi32, #tpu.memory_space<vmem>>
        %dma_wait3A_508 = tpu.memref_slice %arg3[%multiple_of3A_453] : memref<4194304xf32, #tpu.memory_space<hbm>> -> memref<262144xf32, #tpu.memory_space<hbm>>
        %dma_wait3A_509 = arith.constant 0 : i32
        %dma_wait3A_510 = tpu.memref_slice %dma_wait3A_508[%dma_wait3A_509] : memref<262144xf32, #tpu.memory_space<hbm>> -> memref<262144xf32, #tpu.memory_space<hbm>>
        tpu.wait_indirect_dma semaphore(%run_scoped3A : memref<!tpu.dma_semaphore, #tpu.memory_space<semaphore_mem>>) src(%dma_wait3A_510 : memref<262144xf32, #tpu.memory_space<hbm>>) dst(%dma_wait3A_505 : memref<128xf32, #tpu.memory_space<vmem>>)
        tpu.yield
      }) : () -> ()
      "tpu.region"() ({
        %run_scoped3A = tpu.sem_alloc : memref<!tpu.dma_semaphore, #tpu.memory_space<semaphore_mem>>
        %dma_start3A = arith.constant 256 : i32
        %dma_start3A_499 = tpu.memref_slice %arg25[%dma_start3A] : memref<384xf32, #tpu.memory_space<vmem>> -> memref<128xf32, #tpu.memory_space<vmem>>
        %dma_start3A_500 = arith.constant 256 : i32
        %dma_start3A_501 = tpu.memref_slice %arg24[%dma_start3A_500] : memref<384xi32, #tpu.memory_space<vmem>> -> memref<128xi32, #tpu.memory_space<vmem>>
        %dma_start3A_502 = tpu.memref_slice %arg3[%multiple_of3A_453] : memref<4194304xf32, #tpu.memory_space<hbm>> -> memref<262144xf32, #tpu.memory_space<hbm>>
        %dma_start3A_503 = arith.constant 0 : i32
        %dma_start3A_504 = tpu.memref_slice %dma_start3A_502[%dma_start3A_503] : memref<262144xf32, #tpu.memory_space<hbm>> -> memref<262144xf32, #tpu.memory_space<hbm>>
        tpu.enqueue_indirect_dma source(%dma_start3A_504 : memref<262144xf32, #tpu.memory_space<hbm>>) target(%dma_start3A_499 : memref<128xf32, #tpu.memory_space<vmem>>) offsets(%dma_start3A_501 : memref<128xi32, #tpu.memory_space<vmem>>) semaphore(%run_scoped3A : memref<!tpu.dma_semaphore, #tpu.memory_space<semaphore_mem>>)
        %dma_wait3A = arith.constant 256 : i32
        %dma_wait3A_505 = tpu.memref_slice %arg25[%dma_wait3A] : memref<384xf32, #tpu.memory_space<vmem>> -> memref<128xf32, #tpu.memory_space<vmem>>
        %dma_wait3A_506 = arith.constant 256 : i32
        %dma_wait3A_507 = tpu.memref_slice %arg24[%dma_wait3A_506] : memref<384xi32, #tpu.memory_space<vmem>> -> memref<128xi32, #tpu.memory_space<vmem>>
        %dma_wait3A_508 = tpu.memref_slice %arg3[%multiple_of3A_453] : memref<4194304xf32, #tpu.memory_space<hbm>> -> memref<262144xf32, #tpu.memory_space<hbm>>
        %dma_wait3A_509 = arith.constant 0 : i32
        %dma_wait3A_510 = tpu.memref_slice %dma_wait3A_508[%dma_wait3A_509] : memref<262144xf32, #tpu.memory_space<hbm>> -> memref<262144xf32, #tpu.memory_space<hbm>>
        tpu.wait_indirect_dma semaphore(%run_scoped3A : memref<!tpu.dma_semaphore, #tpu.memory_space<semaphore_mem>>) src(%dma_wait3A_510 : memref<262144xf32, #tpu.memory_space<hbm>>) dst(%dma_wait3A_505 : memref<128xf32, #tpu.memory_space<vmem>>)
        tpu.yield
      }) : () -> ()
      %mul3A_454 = arith.constant 4 : i32
      %mul3A_455 = arith.muli %add3A, %mul3A_454 : i32
      %add3A_456 = arith.constant 1 : i32
      %add3A_457 = arith.addi %mul3A_455, %add3A_456 : i32
      %mul3A_458 = arith.constant 6144 : i32
      %mul3A_459 = arith.muli %add3A_457, %mul3A_458 : i32
      %mul3A_460 = arith.constant 384 : i32
      %mul3A_461 = arith.muli %arg1, %mul3A_460 : i32
      %add3A_462 = arith.addi %mul3A_459, %mul3A_461 : i32
      %multiple_of3A_463 = tpu.assume_multiple %add3A_462, 8 : i32
      "tpu.region"() ({
        %run_scoped3A = tpu.sem_alloc : memref<!tpu.dma_semaphore, #tpu.memory_space<semaphore_mem>>
        %dma_start3A = tpu.memref_slice %arg6[%multiple_of3A_463] : memref<98304xf32, #tpu.memory_space<hbm>> -> memref<384xf32, #tpu.memory_space<hbm>>
        %dma_start3A_499 = tpu.memref_slice %arg6[%multiple_of3A_463] : memref<98304xf32, #tpu.memory_space<hbm>> -> memref<384xf32, #tpu.memory_space<hbm>>
        tpu.enqueue_dma source(%arg25 : memref<384xf32, #tpu.memory_space<vmem>>) target(%dma_start3A_499 : memref<384xf32, #tpu.memory_space<hbm>>) target_semaphore(%run_scoped3A : memref<!tpu.dma_semaphore, #tpu.memory_space<semaphore_mem>>)
        %dma_wait3A = tpu.memref_slice %arg6[%multiple_of3A_463] : memref<98304xf32, #tpu.memory_space<hbm>> -> memref<384xf32, #tpu.memory_space<hbm>>
        %dma_wait3A_500 = tpu.memref_slice %arg6[%multiple_of3A_463] : memref<98304xf32, #tpu.memory_space<hbm>> -> memref<384xf32, #tpu.memory_space<hbm>>
        tpu.wait_dma2 semaphore(%run_scoped3A : memref<!tpu.dma_semaphore, #tpu.memory_space<semaphore_mem>>) src(%arg25 : memref<384xf32, #tpu.memory_space<vmem>>) dst(%dma_wait3A_500 : memref<384xf32, #tpu.memory_space<hbm>>)
        tpu.yield
      }) : () -> ()
      %mul3A_464 = arith.constant 4 : i32
      %mul3A_465 = arith.muli %add3A, %mul3A_464 : i32
      %add3A_466 = arith.constant 2 : i32
      %add3A_467 = arith.addi %mul3A_465, %add3A_466 : i32
      %mul3A_468 = arith.constant 262144 : i32
      %mul3A_469 = arith.muli %add3A_467, %mul3A_468 : i32
      %multiple_of3A_470 = tpu.assume_multiple %mul3A_469, 8 : i32
      "tpu.region"() ({
        %run_scoped3A = tpu.sem_alloc : memref<!tpu.dma_semaphore, #tpu.memory_space<semaphore_mem>>
        %dma_start3A = arith.constant 0 : i32
        %dma_start3A_499 = tpu.memref_slice %arg25[%dma_start3A] : memref<384xf32, #tpu.memory_space<vmem>> -> memref<128xf32, #tpu.memory_space<vmem>>
        %dma_start3A_500 = arith.constant 0 : i32
        %dma_start3A_501 = tpu.memref_slice %arg24[%dma_start3A_500] : memref<384xi32, #tpu.memory_space<vmem>> -> memref<128xi32, #tpu.memory_space<vmem>>
        %dma_start3A_502 = tpu.memref_slice %arg3[%multiple_of3A_470] : memref<4194304xf32, #tpu.memory_space<hbm>> -> memref<262144xf32, #tpu.memory_space<hbm>>
        %dma_start3A_503 = arith.constant 0 : i32
        %dma_start3A_504 = tpu.memref_slice %dma_start3A_502[%dma_start3A_503] : memref<262144xf32, #tpu.memory_space<hbm>> -> memref<262144xf32, #tpu.memory_space<hbm>>
        tpu.enqueue_indirect_dma source(%dma_start3A_504 : memref<262144xf32, #tpu.memory_space<hbm>>) target(%dma_start3A_499 : memref<128xf32, #tpu.memory_space<vmem>>) offsets(%dma_start3A_501 : memref<128xi32, #tpu.memory_space<vmem>>) semaphore(%run_scoped3A : memref<!tpu.dma_semaphore, #tpu.memory_space<semaphore_mem>>)
        %dma_wait3A = arith.constant 0 : i32
        %dma_wait3A_505 = tpu.memref_slice %arg25[%dma_wait3A] : memref<384xf32, #tpu.memory_space<vmem>> -> memref<128xf32, #tpu.memory_space<vmem>>
        %dma_wait3A_506 = arith.constant 0 : i32
        %dma_wait3A_507 = tpu.memref_slice %arg24[%dma_wait3A_506] : memref<384xi32, #tpu.memory_space<vmem>> -> memref<128xi32, #tpu.memory_space<vmem>>
        %dma_wait3A_508 = tpu.memref_slice %arg3[%multiple_of3A_470] : memref<4194304xf32, #tpu.memory_space<hbm>> -> memref<262144xf32, #tpu.memory_space<hbm>>
        %dma_wait3A_509 = arith.constant 0 : i32
        %dma_wait3A_510 = tpu.memref_slice %dma_wait3A_508[%dma_wait3A_509] : memref<262144xf32, #tpu.memory_space<hbm>> -> memref<262144xf32, #tpu.memory_space<hbm>>
        tpu.wait_indirect_dma semaphore(%run_scoped3A : memref<!tpu.dma_semaphore, #tpu.memory_space<semaphore_mem>>) src(%dma_wait3A_510 : memref<262144xf32, #tpu.memory_space<hbm>>) dst(%dma_wait3A_505 : memref<128xf32, #tpu.memory_space<vmem>>)
        tpu.yield
      }) : () -> ()
      "tpu.region"() ({
        %run_scoped3A = tpu.sem_alloc : memref<!tpu.dma_semaphore, #tpu.memory_space<semaphore_mem>>
        %dma_start3A = arith.constant 128 : i32
        %dma_start3A_499 = tpu.memref_slice %arg25[%dma_start3A] : memref<384xf32, #tpu.memory_space<vmem>> -> memref<128xf32, #tpu.memory_space<vmem>>
        %dma_start3A_500 = arith.constant 128 : i32
        %dma_start3A_501 = tpu.memref_slice %arg24[%dma_start3A_500] : memref<384xi32, #tpu.memory_space<vmem>> -> memref<128xi32, #tpu.memory_space<vmem>>
        %dma_start3A_502 = tpu.memref_slice %arg3[%multiple_of3A_470] : memref<4194304xf32, #tpu.memory_space<hbm>> -> memref<262144xf32, #tpu.memory_space<hbm>>
        %dma_start3A_503 = arith.constant 0 : i32
        %dma_start3A_504 = tpu.memref_slice %dma_start3A_502[%dma_start3A_503] : memref<262144xf32, #tpu.memory_space<hbm>> -> memref<262144xf32, #tpu.memory_space<hbm>>
        tpu.enqueue_indirect_dma source(%dma_start3A_504 : memref<262144xf32, #tpu.memory_space<hbm>>) target(%dma_start3A_499 : memref<128xf32, #tpu.memory_space<vmem>>) offsets(%dma_start3A_501 : memref<128xi32, #tpu.memory_space<vmem>>) semaphore(%run_scoped3A : memref<!tpu.dma_semaphore, #tpu.memory_space<semaphore_mem>>)
        %dma_wait3A = arith.constant 128 : i32
        %dma_wait3A_505 = tpu.memref_slice %arg25[%dma_wait3A] : memref<384xf32, #tpu.memory_space<vmem>> -> memref<128xf32, #tpu.memory_space<vmem>>
        %dma_wait3A_506 = arith.constant 128 : i32
        %dma_wait3A_507 = tpu.memref_slice %arg24[%dma_wait3A_506] : memref<384xi32, #tpu.memory_space<vmem>> -> memref<128xi32, #tpu.memory_space<vmem>>
        %dma_wait3A_508 = tpu.memref_slice %arg3[%multiple_of3A_470] : memref<4194304xf32, #tpu.memory_space<hbm>> -> memref<262144xf32, #tpu.memory_space<hbm>>
        %dma_wait3A_509 = arith.constant 0 : i32
        %dma_wait3A_510 = tpu.memref_slice %dma_wait3A_508[%dma_wait3A_509] : memref<262144xf32, #tpu.memory_space<hbm>> -> memref<262144xf32, #tpu.memory_space<hbm>>
        tpu.wait_indirect_dma semaphore(%run_scoped3A : memref<!tpu.dma_semaphore, #tpu.memory_space<semaphore_mem>>) src(%dma_wait3A_510 : memref<262144xf32, #tpu.memory_space<hbm>>) dst(%dma_wait3A_505 : memref<128xf32, #tpu.memory_space<vmem>>)
        tpu.yield
      }) : () -> ()
      "tpu.region"() ({
        %run_scoped3A = tpu.sem_alloc : memref<!tpu.dma_semaphore, #tpu.memory_space<semaphore_mem>>
        %dma_start3A = arith.constant 256 : i32
        %dma_start3A_499 = tpu.memref_slice %arg25[%dma_start3A] : memref<384xf32, #tpu.memory_space<vmem>> -> memref<128xf32, #tpu.memory_space<vmem>>
        %dma_start3A_500 = arith.constant 256 : i32
        %dma_start3A_501 = tpu.memref_slice %arg24[%dma_start3A_500] : memref<384xi32, #tpu.memory_space<vmem>> -> memref<128xi32, #tpu.memory_space<vmem>>
        %dma_start3A_502 = tpu.memref_slice %arg3[%multiple_of3A_470] : memref<4194304xf32, #tpu.memory_space<hbm>> -> memref<262144xf32, #tpu.memory_space<hbm>>
        %dma_start3A_503 = arith.constant 0 : i32
        %dma_start3A_504 = tpu.memref_slice %dma_start3A_502[%dma_start3A_503] : memref<262144xf32, #tpu.memory_space<hbm>> -> memref<262144xf32, #tpu.memory_space<hbm>>
        tpu.enqueue_indirect_dma source(%dma_start3A_504 : memref<262144xf32, #tpu.memory_space<hbm>>) target(%dma_start3A_499 : memref<128xf32, #tpu.memory_space<vmem>>) offsets(%dma_start3A_501 : memref<128xi32, #tpu.memory_space<vmem>>) semaphore(%run_scoped3A : memref<!tpu.dma_semaphore, #tpu.memory_space<semaphore_mem>>)
        %dma_wait3A = arith.constant 256 : i32
        %dma_wait3A_505 = tpu.memref_slice %arg25[%dma_wait3A] : memref<384xf32, #tpu.memory_space<vmem>> -> memref<128xf32, #tpu.memory_space<vmem>>
        %dma_wait3A_506 = arith.constant 256 : i32
        %dma_wait3A_507 = tpu.memref_slice %arg24[%dma_wait3A_506] : memref<384xi32, #tpu.memory_space<vmem>> -> memref<128xi32, #tpu.memory_space<vmem>>
        %dma_wait3A_508 = tpu.memref_slice %arg3[%multiple_of3A_470] : memref<4194304xf32, #tpu.memory_space<hbm>> -> memref<262144xf32, #tpu.memory_space<hbm>>
        %dma_wait3A_509 = arith.constant 0 : i32
        %dma_wait3A_510 = tpu.memref_slice %dma_wait3A_508[%dma_wait3A_509] : memref<262144xf32, #tpu.memory_space<hbm>> -> memref<262144xf32, #tpu.memory_space<hbm>>
        tpu.wait_indirect_dma semaphore(%run_scoped3A : memref<!tpu.dma_semaphore, #tpu.memory_space<semaphore_mem>>) src(%dma_wait3A_510 : memref<262144xf32, #tpu.memory_space<hbm>>) dst(%dma_wait3A_505 : memref<128xf32, #tpu.memory_space<vmem>>)
        tpu.yield
      }) : () -> ()
      %mul3A_471 = arith.constant 4 : i32
      %mul3A_472 = arith.muli %add3A, %mul3A_471 : i32
      %add3A_473 = arith.constant 2 : i32
      %add3A_474 = arith.addi %mul3A_472, %add3A_473 : i32
      %mul3A_475 = arith.constant 6144 : i32
      %mul3A_476 = arith.muli %add3A_474, %mul3A_475 : i32
      %mul3A_477 = arith.constant 384 : i32
      %mul3A_478 = arith.muli %arg1, %mul3A_477 : i32
      %add3A_479 = arith.addi %mul3A_476, %mul3A_478 : i32
      %multiple_of3A_480 = tpu.assume_multiple %add3A_479, 8 : i32
      "tpu.region"() ({
        %run_scoped3A = tpu.sem_alloc : memref<!tpu.dma_semaphore, #tpu.memory_space<semaphore_mem>>
        %dma_start3A = tpu.memref_slice %arg6[%multiple_of3A_480] : memref<98304xf32, #tpu.memory_space<hbm>> -> memref<384xf32, #tpu.memory_space<hbm>>
        %dma_start3A_499 = tpu.memref_slice %arg6[%multiple_of3A_480] : memref<98304xf32, #tpu.memory_space<hbm>> -> memref<384xf32, #tpu.memory_space<hbm>>
        tpu.enqueue_dma source(%arg25 : memref<384xf32, #tpu.memory_space<vmem>>) target(%dma_start3A_499 : memref<384xf32, #tpu.memory_space<hbm>>) target_semaphore(%run_scoped3A : memref<!tpu.dma_semaphore, #tpu.memory_space<semaphore_mem>>)
        %dma_wait3A = tpu.memref_slice %arg6[%multiple_of3A_480] : memref<98304xf32, #tpu.memory_space<hbm>> -> memref<384xf32, #tpu.memory_space<hbm>>
        %dma_wait3A_500 = tpu.memref_slice %arg6[%multiple_of3A_480] : memref<98304xf32, #tpu.memory_space<hbm>> -> memref<384xf32, #tpu.memory_space<hbm>>
        tpu.wait_dma2 semaphore(%run_scoped3A : memref<!tpu.dma_semaphore, #tpu.memory_space<semaphore_mem>>) src(%arg25 : memref<384xf32, #tpu.memory_space<vmem>>) dst(%dma_wait3A_500 : memref<384xf32, #tpu.memory_space<hbm>>)
        tpu.yield
      }) : () -> ()
      %mul3A_481 = arith.constant 4 : i32
      %mul3A_482 = arith.muli %add3A, %mul3A_481 : i32
      %add3A_483 = arith.constant 3 : i32
      %add3A_484 = arith.addi %mul3A_482, %add3A_483 : i32
      %mul3A_485 = arith.constant 262144 : i32
      %mul3A_486 = arith.muli %add3A_484, %mul3A_485 : i32
      %multiple_of3A_487 = tpu.assume_multiple %mul3A_486, 8 : i32
      "tpu.region"() ({
        %run_scoped3A = tpu.sem_alloc : memref<!tpu.dma_semaphore, #tpu.memory_space<semaphore_mem>>
        %dma_start3A = arith.constant 0 : i32
        %dma_start3A_499 = tpu.memref_slice %arg25[%dma_start3A] : memref<384xf32, #tpu.memory_space<vmem>> -> memref<128xf32, #tpu.memory_space<vmem>>
        %dma_start3A_500 = arith.constant 0 : i32
        %dma_start3A_501 = tpu.memref_slice %arg24[%dma_start3A_500] : memref<384xi32, #tpu.memory_space<vmem>> -> memref<128xi32, #tpu.memory_space<vmem>>
        %dma_start3A_502 = tpu.memref_slice %arg3[%multiple_of3A_487] : memref<4194304xf32, #tpu.memory_space<hbm>> -> memref<262144xf32, #tpu.memory_space<hbm>>
        %dma_start3A_503 = arith.constant 0 : i32
        %dma_start3A_504 = tpu.memref_slice %dma_start3A_502[%dma_start3A_503] : memref<262144xf32, #tpu.memory_space<hbm>> -> memref<262144xf32, #tpu.memory_space<hbm>>
        tpu.enqueue_indirect_dma source(%dma_start3A_504 : memref<262144xf32, #tpu.memory_space<hbm>>) target(%dma_start3A_499 : memref<128xf32, #tpu.memory_space<vmem>>) offsets(%dma_start3A_501 : memref<128xi32, #tpu.memory_space<vmem>>) semaphore(%run_scoped3A : memref<!tpu.dma_semaphore, #tpu.memory_space<semaphore_mem>>)
        %dma_wait3A = arith.constant 0 : i32
        %dma_wait3A_505 = tpu.memref_slice %arg25[%dma_wait3A] : memref<384xf32, #tpu.memory_space<vmem>> -> memref<128xf32, #tpu.memory_space<vmem>>
        %dma_wait3A_506 = arith.constant 0 : i32
        %dma_wait3A_507 = tpu.memref_slice %arg24[%dma_wait3A_506] : memref<384xi32, #tpu.memory_space<vmem>> -> memref<128xi32, #tpu.memory_space<vmem>>
        %dma_wait3A_508 = tpu.memref_slice %arg3[%multiple_of3A_487] : memref<4194304xf32, #tpu.memory_space<hbm>> -> memref<262144xf32, #tpu.memory_space<hbm>>
        %dma_wait3A_509 = arith.constant 0 : i32
        %dma_wait3A_510 = tpu.memref_slice %dma_wait3A_508[%dma_wait3A_509] : memref<262144xf32, #tpu.memory_space<hbm>> -> memref<262144xf32, #tpu.memory_space<hbm>>
        tpu.wait_indirect_dma semaphore(%run_scoped3A : memref<!tpu.dma_semaphore, #tpu.memory_space<semaphore_mem>>) src(%dma_wait3A_510 : memref<262144xf32, #tpu.memory_space<hbm>>) dst(%dma_wait3A_505 : memref<128xf32, #tpu.memory_space<vmem>>)
        tpu.yield
      }) : () -> ()
      "tpu.region"() ({
        %run_scoped3A = tpu.sem_alloc : memref<!tpu.dma_semaphore, #tpu.memory_space<semaphore_mem>>
        %dma_start3A = arith.constant 128 : i32
        %dma_start3A_499 = tpu.memref_slice %arg25[%dma_start3A] : memref<384xf32, #tpu.memory_space<vmem>> -> memref<128xf32, #tpu.memory_space<vmem>>
        %dma_start3A_500 = arith.constant 128 : i32
        %dma_start3A_501 = tpu.memref_slice %arg24[%dma_start3A_500] : memref<384xi32, #tpu.memory_space<vmem>> -> memref<128xi32, #tpu.memory_space<vmem>>
        %dma_start3A_502 = tpu.memref_slice %arg3[%multiple_of3A_487] : memref<4194304xf32, #tpu.memory_space<hbm>> -> memref<262144xf32, #tpu.memory_space<hbm>>
        %dma_start3A_503 = arith.constant 0 : i32
        %dma_start3A_504 = tpu.memref_slice %dma_start3A_502[%dma_start3A_503] : memref<262144xf32, #tpu.memory_space<hbm>> -> memref<262144xf32, #tpu.memory_space<hbm>>
        tpu.enqueue_indirect_dma source(%dma_start3A_504 : memref<262144xf32, #tpu.memory_space<hbm>>) target(%dma_start3A_499 : memref<128xf32, #tpu.memory_space<vmem>>) offsets(%dma_start3A_501 : memref<128xi32, #tpu.memory_space<vmem>>) semaphore(%run_scoped3A : memref<!tpu.dma_semaphore, #tpu.memory_space<semaphore_mem>>)
        %dma_wait3A = arith.constant 128 : i32
        %dma_wait3A_505 = tpu.memref_slice %arg25[%dma_wait3A] : memref<384xf32, #tpu.memory_space<vmem>> -> memref<128xf32, #tpu.memory_space<vmem>>
        %dma_wait3A_506 = arith.constant 128 : i32
        %dma_wait3A_507 = tpu.memref_slice %arg24[%dma_wait3A_506] : memref<384xi32, #tpu.memory_space<vmem>> -> memref<128xi32, #tpu.memory_space<vmem>>
        %dma_wait3A_508 = tpu.memref_slice %arg3[%multiple_of3A_487] : memref<4194304xf32, #tpu.memory_space<hbm>> -> memref<262144xf32, #tpu.memory_space<hbm>>
        %dma_wait3A_509 = arith.constant 0 : i32
        %dma_wait3A_510 = tpu.memref_slice %dma_wait3A_508[%dma_wait3A_509] : memref<262144xf32, #tpu.memory_space<hbm>> -> memref<262144xf32, #tpu.memory_space<hbm>>
        tpu.wait_indirect_dma semaphore(%run_scoped3A : memref<!tpu.dma_semaphore, #tpu.memory_space<semaphore_mem>>) src(%dma_wait3A_510 : memref<262144xf32, #tpu.memory_space<hbm>>) dst(%dma_wait3A_505 : memref<128xf32, #tpu.memory_space<vmem>>)
        tpu.yield
      }) : () -> ()
      "tpu.region"() ({
        %run_scoped3A = tpu.sem_alloc : memref<!tpu.dma_semaphore, #tpu.memory_space<semaphore_mem>>
        %dma_start3A = arith.constant 256 : i32
        %dma_start3A_499 = tpu.memref_slice %arg25[%dma_start3A] : memref<384xf32, #tpu.memory_space<vmem>> -> memref<128xf32, #tpu.memory_space<vmem>>
        %dma_start3A_500 = arith.constant 256 : i32
        %dma_start3A_501 = tpu.memref_slice %arg24[%dma_start3A_500] : memref<384xi32, #tpu.memory_space<vmem>> -> memref<128xi32, #tpu.memory_space<vmem>>
        %dma_start3A_502 = tpu.memref_slice %arg3[%multiple_of3A_487] : memref<4194304xf32, #tpu.memory_space<hbm>> -> memref<262144xf32, #tpu.memory_space<hbm>>
        %dma_start3A_503 = arith.constant 0 : i32
        %dma_start3A_504 = tpu.memref_slice %dma_start3A_502[%dma_start3A_503] : memref<262144xf32, #tpu.memory_space<hbm>> -> memref<262144xf32, #tpu.memory_space<hbm>>
        tpu.enqueue_indirect_dma source(%dma_start3A_504 : memref<262144xf32, #tpu.memory_space<hbm>>) target(%dma_start3A_499 : memref<128xf32, #tpu.memory_space<vmem>>) offsets(%dma_start3A_501 : memref<128xi32, #tpu.memory_space<vmem>>) semaphore(%run_scoped3A : memref<!tpu.dma_semaphore, #tpu.memory_space<semaphore_mem>>)
        %dma_wait3A = arith.constant 256 : i32
        %dma_wait3A_505 = tpu.memref_slice %arg25[%dma_wait3A] : memref<384xf32, #tpu.memory_space<vmem>> -> memref<128xf32, #tpu.memory_space<vmem>>
        %dma_wait3A_506 = arith.constant 256 : i32
        %dma_wait3A_507 = tpu.memref_slice %arg24[%dma_wait3A_506] : memref<384xi32, #tpu.memory_space<vmem>> -> memref<128xi32, #tpu.memory_space<vmem>>
        %dma_wait3A_508 = tpu.memref_slice %arg3[%multiple_of3A_487] : memref<4194304xf32, #tpu.memory_space<hbm>> -> memref<262144xf32, #tpu.memory_space<hbm>>
        %dma_wait3A_509 = arith.constant 0 : i32
        %dma_wait3A_510 = tpu.memref_slice %dma_wait3A_508[%dma_wait3A_509] : memref<262144xf32, #tpu.memory_space<hbm>> -> memref<262144xf32, #tpu.memory_space<hbm>>
        tpu.wait_indirect_dma semaphore(%run_scoped3A : memref<!tpu.dma_semaphore, #tpu.memory_space<semaphore_mem>>) src(%dma_wait3A_510 : memref<262144xf32, #tpu.memory_space<hbm>>) dst(%dma_wait3A_505 : memref<128xf32, #tpu.memory_space<vmem>>)
        tpu.yield
      }) : () -> ()
      %mul3A_488 = arith.constant 4 : i32
      %mul3A_489 = arith.muli %add3A, %mul3A_488 : i32
      %add3A_490 = arith.constant 3 : i32
      %add3A_491 = arith.addi %mul3A_489, %add3A_490 : i32
      %mul3A_492 = arith.constant 6144 : i32
      %mul3A_493 = arith.muli %add3A_491, %mul3A_492 : i32
      %mul3A_494 = arith.constant 384 : i32
      %mul3A_495 = arith.muli %arg1, %mul3A_494 : i32
      %add3A_496 = arith.addi %mul3A_493, %mul3A_495 : i32
      %multiple_of3A_497 = tpu.assume_multiple %add3A_496, 8 : i32
      "tpu.region"() ({
        %run_scoped3A = tpu.sem_alloc : memref<!tpu.dma_semaphore, #tpu.memory_space<semaphore_mem>>
        %dma_start3A = tpu.memref_slice %arg6[%multiple_of3A_497] : memref<98304xf32, #tpu.memory_space<hbm>> -> memref<384xf32, #tpu.memory_space<hbm>>
        %dma_start3A_499 = tpu.memref_slice %arg6[%multiple_of3A_497] : memref<98304xf32, #tpu.memory_space<hbm>> -> memref<384xf32, #tpu.memory_space<hbm>>
        tpu.enqueue_dma source(%arg25 : memref<384xf32, #tpu.memory_space<vmem>>) target(%dma_start3A_499 : memref<384xf32, #tpu.memory_space<hbm>>) target_semaphore(%run_scoped3A : memref<!tpu.dma_semaphore, #tpu.memory_space<semaphore_mem>>)
        %dma_wait3A = tpu.memref_slice %arg6[%multiple_of3A_497] : memref<98304xf32, #tpu.memory_space<hbm>> -> memref<384xf32, #tpu.memory_space<hbm>>
        %dma_wait3A_500 = tpu.memref_slice %arg6[%multiple_of3A_497] : memref<98304xf32, #tpu.memory_space<hbm>> -> memref<384xf32, #tpu.memory_space<hbm>>
        tpu.wait_dma2 semaphore(%run_scoped3A : memref<!tpu.dma_semaphore, #tpu.memory_space<semaphore_mem>>) src(%arg25 : memref<384xf32, #tpu.memory_space<vmem>>) dst(%dma_wait3A_500 : memref<384xf32, #tpu.memory_space<hbm>>)
        tpu.yield
      }) : () -> ()
      %barrier3A_498 = arith.constant 0 : index
      tpu.barrier barrier_id(%barrier3A_498)
    }
    %scan3A_7 = arith.constant 2 : i32
    return
  }
}

</mosaic_0001>

<sc_bundles>
// kernel: kernel.3.cloned.1.call-start
scs
__scs_entry_jumppad:
0x0: {  	(pc) =	sbr.rel $0x88, $3  }
0x1: {  	(tag) =	ssettag $0x0;
	lr =	simm.s32 $0x1  }
0x2: {  	[smem:$0x3F9F] =	sst lr;
	_ =	strace $0xD0000000  }
0x3: {  	_ = 	snop  }
0x4: {  	_ = 	snop  }
0x5: {  	_ = 	snop  }
0x6: {  	_ = 	snop  }
0x7: {  	_ = 	snop  }
__scs_overlays_trampoline_lowered:
0x8: {  	[smem:$0x3FAE] =	sst s0  }
0x9: {  	[smem:$0x3FAF] =	sst s1  }
0xa: {  	[smem:$0x3FB0] =	sst s2  }
0xb: {  	[smem:$0x3FB1] =	sst s3  }
0xc: {  	[smem:$0x3FB2] =	sst s4  }
0xd: {  	[smem:$0x3FB3] =	sst s5  }
0xe: {  	[smem:$0x3FB4] =	sst s6  }
0xf: {  	[smem:$0x3FB5] =	sst s7  }
0x10: {  	[smem:$0x3FB6] =	sst s8  }
0x11: {  	[smem:$0x3FB7] =	sst s9;
	s0 =	simm.s32 @!p0 $0x0  }
0x12: {  	s1 =	sld [smem:$0x3F9D];
	s0 =	simm.s32 @p0 $0x1  }
0x13: {  	[smem:$0x3FB8] =	sst s0;
	s0 =	simm.s32 @!p1 $0x0  }
0x14: {  	s2 =	sld [smem:$0x3F9C];
	s0 =	simm.s32 @p1 $0x1  }
0x15: {  	[smem:$0x3FB9] =	sst s0;
	s0 =	simm.s32 @!p2 $0x0  }
0x16: {  	s3 =	sld [smem:$0x3FDB];
	s0 =	simm.s32 @p2 $0x1  }
0x17: {  	s4 =	simm.s32 $0x1BF5;
	[smem:$0x3FBB] =	sst s0  }
0x18: {  	s0 =	sld [smem:$0x3F9E];
	_ =	swait.ge [sflag:s4], $0x0  }
0x19: {  	s7 =	sld [smem:$0x3F9F]  }
0x1a: {  	s8 =	sadd.s32 $0xFFFFE003, lr  }
0x1b: {  	s9 =	sadd.s32 $0xFFFFFEF7, lr;
	s5 =	simm.s32 $0xFFFFFFFF;
	p2 =	slt.u32 s8, $0xFFFFF086  }
0x1c: {  	p1 =	slt.u32 s9, $0xF7A;
	s5 =	simm.s32 @!p2 $0x0  }
0x1d: {  	s5 =	simm.s32 @p1 $0x1;
	p0 =	seq.s32 s7, s2  }
0x1e: {  	s7 =	smul.u32 @!p0 $0xF7A, s2;
	p2 =	seq.s32 @!p0 s5, $0x0  }
0x1f: {  	s9 =	smul.u32 $0xF7A, s1;
	s8 =	simm.s32 @!p0 $0x1BF5;
	p2 =	por !p2, p0  }
0x20: {  	[sflag:s8] =	ssyncset.s32 @!p0 $0xFFFFF086;
	s6 =	sadd.s32 @!p0 s3, s7;
	s7 =	simm.s32 @!p0 $0x108  }
0x21: {  	s3 =	sadd.s32 s3, s9;
	s6 =	sadd.s32 @!p0 $0x88, s6;
	s7 =	simm.s32 @p2 $0x1082  }
0x22: {  	[simem:s7], [sflag:s8] =	dma.local @!p0 [hbm:s6], $0xF7A  }
0x23: {  	s9 =	sor.u32 $0xD0000000, s2;
	s6 =	simm.s32 $0x108;
	_ =	swait.ge @!p0 [sflag:s8], $0x0  }
0x24: {  	s3 =	sadd.s32 $0x88, s3;
	s6 =	simm.s32 @!p1 $0x1082;
	[sflag:s4] =	ssyncset.s32 $0xFFFFF086  }
0x25: {  	[simem:s6], [sflag:s4] =	dma.local [hbm:s3], $0xF7A  }
0x26: {  	[smem:$0x3F9F] =	sst s1;
	(tag) =	ssettag s2;
	_ =	strace s9  }
0x27: {  	s1 =	sld [smem:$0x3FAF]  }
0x28: {  	s2 =	sld [smem:$0x3FB0]  }
0x29: {  	s4 =	sld [smem:$0x3FB2]  }
0x2a: {  	p0 =	seq.s32 s5, $0x0;
	s5 =	sld [smem:$0x3FB3]  }
0x2b: {  	s6 =	sld [smem:$0x3FB4]  }
0x2c: {  	s7 =	sld [smem:$0x3FB5]  }
0x2d: {  	s3 =	simm.s32 $0x108;
	s8 =	sld [smem:$0x3FB6]  }
0x2e: {  	s3 =	simm.s32 @!p0 $0x1082;
	s9 =	sld [smem:$0x3FB7]  }
0x2f: {  	lr =	sadd.s32 s0, s3;
	s0 =	sld [smem:$0x3FAE]  }
0x30: {  	s3 =	sld [smem:$0x3FB1]  }
0x31: {  	[smem:$0x3FBA] =	sst s10  }
0x32: {  	s10 =	sld [smem:$0x3FB8];
	_ =	sdelay $0x3  }
0x33: {  	p0 =	seq.s32 s10, $0x1;
	s10 =	sld [smem:$0x3FBA];
	_ =	sdelay $0x3  }
0x34: {  	[smem:$0x3FBA] =	sst s10  }
0x35: {  	s10 =	sld [smem:$0x3FB9];
	_ =	sdelay $0x3  }
0x36: {  	p1 =	seq.s32 s10, $0x1;
	s10 =	sld [smem:$0x3FBA];
	_ =	sdelay $0x3  }
0x37: {  	[smem:$0x3FBA] =	sst s10  }
0x38: {  	s10 =	sld [smem:$0x3FBB]  }
0x39: {  	_ = 	snop;
	(pc) =	sbr.ind lr, $3  }
0x3a: {  	_ = 	snop  }
0x3b: {  	_ = 	snop  }
0x3c: {  	p2 =	seq.s32 s10, $0x1;
	s10 =	sld [smem:$0x3FBA]  }
0x3d: {  	_ =	shalt  }
0x3e: {  	_ =	shalt  }
0x3f: {  	_ =	shalt  }
0x40: {  	_ =	shalt  }
0x41: {  	_ =	shalt  }
0x42: {  	_ =	shalt  }
0x43: {  	_ =	shalt  }
0x44: {  	_ =	shalt  }
0x45: {  	_ =	shalt  }
0x46: {  	_ =	shalt  }
0x47: {  	_ =	shalt  }
0x48: {  	_ =	shalt  }
0x49: {  	_ =	shalt  }
0x4a: {  	_ =	shalt  }
0x4b: {  	_ =	shalt  }
0x4c: {  	_ =	shalt  }
0x4d: {  	_ =	shalt  }
0x4e: {  	_ =	shalt  }
0x4f: {  	_ =	shalt  }
0x50: {  	_ =	shalt  }
0x51: {  	_ =	shalt  }
0x52: {  	_ =	shalt  }
0x53: {  	_ =	shalt  }
0x54: {  	_ =	shalt  }
0x55: {  	_ =	shalt  }
0x56: {  	_ =	shalt  }
0x57: {  	_ =	shalt  }
0x58: {  	_ =	shalt  }
0x59: {  	_ =	shalt  }
0x5a: {  	_ =	shalt  }
0x5b: {  	_ =	shalt  }
0x5c: {  	_ =	shalt  }
0x5d: {  	_ =	shalt  }
0x5e: {  	_ =	shalt  }
0x5f: {  	_ =	shalt  }
0x60: {  	_ =	shalt  }
0x61: {  	_ =	shalt  }
0x62: {  	_ =	shalt  }
0x63: {  	_ =	shalt  }
0x64: {  	_ =	shalt  }
0x65: {  	_ =	shalt  }
0x66: {  	_ =	shalt  }
0x67: {  	_ =	shalt  }
0x68: {  	_ =	shalt  }
0x69: {  	_ =	shalt  }
0x6a: {  	_ =	shalt  }
0x6b: {  	_ =	shalt  }
0x6c: {  	_ =	shalt  }
0x6d: {  	_ =	shalt  }
0x6e: {  	_ =	shalt  }
0x6f: {  	_ =	shalt  }
0x70: {  	_ =	shalt  }
0x71: {  	_ =	shalt  }
0x72: {  	_ =	shalt  }
0x73: {  	_ =	shalt  }
0x74: {  	_ =	shalt  }
0x75: {  	_ =	shalt  }
0x76: {  	_ =	shalt  }
0x77: {  	_ =	shalt  }
0x78: {  	_ =	shalt  }
0x79: {  	_ =	shalt  }
0x7a: {  	_ =	shalt  }
0x7b: {  	_ =	shalt  }
0x7c: {  	_ =	shalt  }
0x7d: {  	_ =	shalt  }
0x7e: {  	_ =	shalt  }
0x7f: {  	_ =	shalt  }
0x80: {  	_ =	shalt  }
0x81: {  	_ =	shalt  }
0x82: {  	_ =	shalt  }
0x83: {  	_ =	shalt  }
0x84: {  	_ =	shalt  }
0x85: {  	_ =	shalt  }
0x86: {  	_ =	shalt  }
0x87: {  	_ =	shalt  }
.Lfunc_end0:
.L_simem_size_0:
called_computation_lowered:
.L_overlay_start_0:
0x88: {  	s2 =	sld [smem:$0x3FD9]  }
0x89: {  	s3 =	sld [smem:$0x3FFE];
	_ =	sdelay $0x1  }
0x8a: {  	s1 =	srdreg.scid  }
0x8b: {  	s0 =	sand.u32 $0x1, s1  }
0x8c: {  	s17 =	sshll.u32 s0, $0xA;
	s2 =	sadd.s32 s3, s2  }
0x8d: {  	s2 =	sadd.s32 s2, s17  }
0x8e: {  	[smem:$0x3FC6] =	sst s2  }
0x8f: {  	_ = 	snop  }
0x90: {  	s2 =	sld [smem:$0x3FD0];
	(tm) =	ssettm $0x1  }
0x91: {  	s18 =	sld [smem:$0x3FFB];
	_ =	sdelay $0x3  }
0x92: {  	_ =	strace s18  }
0x93: {  	s3 =	sld [smem:$0x3FFC];
	_ =	sdelay $0x3  }
0x94: {  	_ =	strace s3  }
0x95: {  	s3 =	sld [smem:$0x3FFD];
	_ =	sdelay $0x3  }
0x96: {  	_ =	strace s3  }
0x97: {  	_ =	strace $0x8FFFFFFF  }
0x98: {  	s19 =	sld [smem:$0x3FDB];
	_ =	sdelay $0x1  }
0x99: {  	s4 =	simm.s32 $_scs_section_size  }
0x9a: {  	s5 =	simm.s32 $_size__tile_overlayer_lowered;
	s6 =	simm.s32 $_tile_overlayer_lowered  }
0x9b: {  	s22 =	simm.s32 $0x1BFF;
	s21 =	sshll.u32 s6, $0x1;
	s3 =	sadd.s32 s4, s19  }
0x9c: {  	s7 =	simm.s32 $0x0;
	s20 =	sshll.u32 s5, $0x1;
	s5 =	sadd.s32 s21, s3  }
0x9d: {  	[timem:s7], [sflag:s22] =	dma.local [hbm:s5], s20  }
0x9e: {  	_ =	swait.ge [sflag:s22], s20  }
0x9f: {  	s4 =	ssub.s32 $0x0, s20;
	[sflag:s22] =	ssyncset.done $0x0  }
0xa0: {  	[sflag:s22] =	ssyncadd.s32 s4;
	_ =	sdelay $0x1  }
0xa1: {  	s23 =	simm.s32 $0x1B8B  }
0xa2: {  	_ =	swait.ge [sflag:s23], $0x1  }
0xa3: {  	[sflag:s23] =	ssyncset.done $0x0  }
0xa4: {  	s25 =	simm.s32 $0x1B8E;
	s24 =	sld [smem:$0x3FFE];
	[sflag:s23] =	ssyncadd.s32 $0xFFFFFFFF  }
0xa5: {  	s26 =	simm.s32 $execute0_lowered;
	[smem:$0x3FD2] =	sst s25  }
0xa6: {  	s5 =	sshll.u32 s26, $0x1;
	_ =	strace $0x80000046;
	[dreg:$0x1] =	wrdreg $0xFFFFFFFF  }
0xa7: {  	s28 =	simm.s32 $_size_execute0_lowered;
	s3 =	sadd.s32 s3, s5;
	[dreg:$0x0] =	wrdreg $0x0  }
0xa8: {  	s5 =	sshll.u32 s28, $0x1;
	[dreg:$0x2] =	wrdreg s3  }
0xa9: {  	[dreg:$0x3] =	wrdreg s5  }
0xaa: {  	[dreg:$0x4] =	wrdreg $0xC0  }
0xab: {  	_ =	task [dreg:s7], $0x5FFFF  }
0xac: {  	[dreg:$0x1] =	wrdreg $0xFFFFFFFF  }
0xad: {  	[dreg:$0x0] =	wrdreg $0x60  }
0xae: {  	[dreg:$0x2] =	wrdreg s24  }
0xaf: {  	[dreg:$0x3] =	wrdreg s2  }
0xb0: {  	[dreg:$0x4] =	wrdreg $0x17A800  }
0xb1: {  	[dreg:$0x5] =	wrdreg $0x17E800  }
0xb2: {  	[dreg:$0x6] =	wrdreg $0xF8800  }
0xb3: {  	[dreg:$0x7] =	wrdreg $0x139800  }
0xb4: {  	[dreg:$0x8] =	wrdreg $0x9  }
0xb5: {  	_ =	task.clear_ibuf [dreg:s7], $0x9FFFF;
	_ =	strace $0x90000046  }
0xb6: {  	s29 =	simm.s32 $0x9;
	_ =	strace $0x80000048  }
0xb7: {  	_ =	swait.ge [sflag:s29], $0x1  }
0xb8: {  	[sflag:s29] =	ssyncadd.s32 $0xFFFFFFFF  }
0xb9: {  	_ =	strace $0x90000048  }
0xba: {  	_ =	sfence  }
0xbb: {  	s30 =	sld [smem:$0x0];
	_ =	sdelay $0x2  }
0xbc: {  	s31 =	sshll.u32 s1, $0xD;
	s1 =	sshrl.u32 s1, $0x2  }
0xbd: {  	s3 =	sand.u32 $0x4000, s31;
	s1 =	sadd.s32 s1, s30  }
0xbe: {  	s0 =	sor.u32 s3, s0;
	s1 =	sshll.u32 s1, $0x11  }
0xbf: {  	s0 =	sor.u32 s1, s0  }
0xc0: {  	s0 =	sadd.s32 $0x8F2B, s0  }
0xc1: {  	[sflag:s0] =	ssyncadd.remote.s32 $0x1  }
0xc2: {  	_ =	sfence.sel $0xFFFF  }
0xc3: {  	[dreg:$0x0] =	wrdreg $0xFFFFFFFF;
	(pc) =	sbr.abs _section_cstart, $3  }
0xc4: {  	[dreg:$0x1] =	wrdreg $0xFFFFFFFF  }
0xc5: {  	_ =	task.clear_ibuf [dreg:s7], $0x2FFFF;
	_ =	strace $0x9FFFFFFF  }
0xc6: {  	(tm) =	ssettm $0x7FFFFFFF  }
0xc7: {  	_ =	shalt  }
tec
execute0_lowered:
.L_overlay_start_1:
0x0: {  	(tag) =	ssettag $0x1  }
0x1: {  	v0 =	vlaneseq.u32;
	v4 =	vimm.s32 $0xEDCBA987  }
0x2: {  	v6 =	vimm.s32 $0x65432100;
	v5 =	vimm.s32 $0x0;
	v9 =	vimm.s32 $0xDCBA9876  }
0x3: {  	v10 =	vimm.s32 $0x54321000;
	v11 =	vimm.s32 $0xBA987654;
	v12 =	vimm.s32 $0x32100000  }
0x4: {  	v13 =	vimm.s32 $0xE40000;
	vm0 =	vmmov $0x3;
	v15 =	vimm.s32 $0xFFFEDCBA  }
0x5: {  	v16 =	vimm.s32 $0x98765432;
	vm2 =	vcmask $0x3F30;
	vm1 =	vmmov $0xf  }
0x6: {  	vm3 =	vmmov $0x7fff;
	vm4 =	vmmov $0x3fff;
	v17 =	vimm.s32 $0x8F8E8D8C  }
0x7: {  	v18 =	vimm.s32 $0x83828100;
	v19 =	vimm.s32 $0x87868584;
	vm6 =	vcmask $0x1F00  }
0x8: {  	vm5 =	vcmask $0x1F10;
	v24 =	vimm.s32 $0xBA98FEDC;
	v25 =	vimm.s32 $0x76543210  }
0x9: {  	s7 =	stileid.u32;
	v26 =	vimm.s32 $0x32107654;
	v27 =	vimm.s32 $0xDCFE98BA;
	v28 =	vimm.s32 $0x54761032  }
0xa: {  	v29 =	vimm.s32 $0xEFCDAB89;
	v30 =	vimm.s32 $0x67452301;
	v3 =	vadd.s32 s7, v0  }
0xb: {  	v7 =	vunpack.c.l.s4.s8 v4;
	v8 =	vunpack.c.l.s4.s8 v6;
	v6 =	vimm.s32 $0x1  }
0xc: {  	v9 =	vunpack.c.l.s4.s8 v9;
	v10 =	vunpack.c.l.s4.s8 v10;
	v11 =	vunpack.c.l.s4.s8 v11  }
0xd: {  	v12 =	vunpack.c.l.s4.s8 v12;
	v15 =	vunpack.c.l.s4.s8 v15;
	v16 =	vunpack.c.l.s4.s8 v16  }
0xe: {  	v17 =	vunpack.c.0.s8.s32 v17;
	v18 =	vunpack.c.0.s8.s32 v18;
	v19 =	vunpack.c.0.s8.s32 v19  }
0xf: {  	v20 =	vor.u32 $0xC0, v0;
	v21 =	vor.u32 $0xD0, v0;
	v22 =	vor.u32 $0xE0, v0  }
0x10: {  	v23 =	vor.u32 $0xF0, v0;
	v24 =	vunpack.c.l.s4.s8 v24;
	v26 =	vunpack.c.l.s4.s8 v26  }
0x11: {  	s13 =	rddreg [dreg:$0x0];
	v27 =	vunpack.c.l.s4.s8 v27;
	v28 =	vunpack.c.l.s4.s8 v28;
	v29 =	vunpack.c.l.s4.s8 v29  }
0x12: {  	s14 =	rddreg [dreg:$0x1];
	s0 =	sshll.u32 s7, $0x3;
	s1 =	sor.u32 $0x10, s7;
	v30 =	vunpack.c.l.s4.s8 v30;
	v32 =	vunpack.c.l.s4.s8 v25;
	v25 =	vimm.s32 $0x7FFFFFFF  }
0x13: {  	s9 =	rddreg [dreg:$0x2];
	s12 =	sshll.u32 s7, $0xE;
	v1 =	vadd.s32 s0, v0;
	v2 =	vmov s1;
	v3 =	vand.u32 $0xF, v3  }
0x14: {  	s15 =	rddreg [dreg:$0x3];
	v4 =	vor.u32 s12, v0;
	v7 =	vunpack.c.0.s8.s32 v7;
	v8 =	vunpack.c.0.s8.s32 v8  }
0x15: {  	s4 =	rddreg [dreg:$0x4];
	v9 =	vunpack.c.0.s8.s32 v9;
	v10 =	vunpack.c.0.s8.s32 v10;
	v14 =	vunpack.c.0.s8.s32 v11  }
0x16: {  	s6 =	rddreg [dreg:$0x5];
	s2 =	simm.s32 $0x0;
	s8 =	simm.s32 $0x0;
	v11 =	vunpack.c.l.s2.s4 v13;
	v13 =	vimm.s32 $0x87654321;
	v15 =	vunpack.c.0.s8.s32 v15  }
0x17: {  	s16 =	srdreg.scid;
	[smem:$0x7FF] =	sst s2;
	s19 =	sadd.s32 $0xE00, s13;
	v16 =	vunpack.c.0.s8.s32 v16;
	v31 =	vunpack.c.0.s8.s32 v24;
	v26 =	vunpack.c.0.s8.s32 v26  }
0x18: {  	s3 =	sadd.s32 $0x20E00, s13;
	s2 =	sand.u32 $0x1, s16;
	s17 =	sadd.s32 $0xC00, s13;
	v27 =	vunpack.c.0.s8.s32 v27;
	v28 =	vunpack.c.0.s8.s32 v28;
	v29 =	vunpack.c.0.s8.s32 v29  }
0x19: {  	s18 =	sadd.s32 $0xA5400, s13;
	s16 =	sadd.s32 $0xA0E00, s13;
	s10 =	smul.u32 $0x180, s7;
	v30 =	vunpack.c.0.s8.s32 v30;
	v24 =	vimm.s32 $0x80000000;
	v13 =	vunpack.c.l.s4.s8 v13  }
0x1a: {  	s24 =	sshll.u32 s7, $0xA;
	s30 =	sshll.u32 s7, $0x7;
	[dreg:$0x8] =	wrdreg s12;
	v7 =	vand.u32 $0xF, v7;
	v9 =	vand.u32 $0xF, v9;
	v31 =	vcombine.low v26, v31  }
0x1b: {  	p0 =	sne.s32 s7, $0x0;
	_ =	strace $0x80000047;
	[dreg:$0xa] =	wrdreg s3;
	v11 =	vunpack.c.l.s4.s8 v11;
	v33 =	vcombine.low v28, v27;
	v34 =	vcombine.low v30, v29  }
0x1c: {  	s20 =	ssub.s32 $0x2, s2;
	s5 =	sshll.u32 s2, $0x4;
	[dreg:$0xb] =	wrdreg s17;
	v26 =	vor.u32 $0x40000, v0;
	v27 =	vimm.s32 $0x3FFFFFFF;
	v7 =	vcombine.low v8, v7  }
0x1d: {  	s23 =	sshll.u32 s2, $0x1;
	s26 =	sshll.u32 s2, $0xD;
	[dreg:$0xc] =	wrdreg s18;
	v8 =	vcombine.low v10, v9;
	v9 =	vunpack.c.0.s8.s32 v12;
	v12 =	vimm.s32 $0xFFEDCBA9  }
0x1e: {  	s31 =	sadd.s32 s30, s6;
	s21 =	sshrl.u32 s20, $0x1;
	[dreg:$0xf] =	wrdreg s23;
	v28 =	vunpack.c.0.s8.s32 v32;
	v10 =	vand.u32 $0xF, v14;
	v12 =	vunpack.c.l.s4.s8 v12  }
0x1f: {  	s22 =	sor.u32 s7, s5;
	s5 =	sadd.s32 s24, s9;
	[dreg:$0xe] =	wrdreg s10;
	v11 =	vunpack.c.0.s8.s32 v11;
	v9 =	vcombine.low v9, v10;
	v10 =	vimm.s32 $0x7060504  }
0x20: {  	s17 =	sshll.u32 s2, $0x10;
	s25 =	sshrl.u32 s10, $0x3;
	[dreg:$0x16] =	wrdreg s31;
	v13 =	vunpack.c.0.s8.s32 v13;
	v10 =	vunpack.c.0.s8.s32 v10;
	v12 =	vunpack.c.0.s8.s32 v12  }
0x21: {  	s18 =	simm.s32 $0xF000;
	s24 =	simm.s32 $0x1;
	[dreg:$0x9] =	wrdreg s19;
	v14 =	vnsel vm6, $0xF, v14;
	v29 =	vand.u32 $0xF, v31;
	v11 =	vand.u32 $0x3, v11  }
0x22: {  	s23 =	simm.s32 $0x1800;
	[dreg:$0xd] =	wrdreg s16;
	s1 =	ssub.s32 s20, s21;
	v30 =	vand.u32 $0xF, v33;
	v10 =	vsel vm2, v10, v11;
	v11 =	vcombine.low v13, v12  }
0x23: {  	s3 =	smul.u32 $0x30, s22;
	[dreg:$0x10] =	wrdreg s5;
	s0 =	sadd.s32 s14, s25;
	v12 =	vcombine.low v16, v15;
	v13 =	vimm.s32 $0xFEDCBA98;
	v15 =	vimm.s32 $0x8B8A8988  }
0x24: {  	s22 =	simm.s32 $0x800;
	s25 =	simm.s32 $0x1000;
	[dreg:$0x11] =	wrdreg s17;
	v16 =	vimm.s32 $0xF0E0D0C;
	v13 =	vunpack.c.l.s4.s8 v13;
	v15 =	vunpack.c.0.s8.s32 v15  }
.Ltmp0:
0x25: {  	[dreg:$0x12] =	wrdreg s0;
	s0 =	sadd.s32 s16, s26;
	v31 =	vand.u32 $0xF, v34;
	vm2 =	vmmov $0xff;
	v16 =	vunpack.c.0.s8.s32 v16;
	(pc) =	sbr.rel .LBB2_1-.Ltmp0, $4  }
0x26: {  	s20 =	simm.s32 $0xA000;
	s1 =	smax.u32 s1, $0x1;
	[dreg:$0x13] =	wrdreg s0;
	v13 =	vunpack.c.0.s8.s32 v13;
	v15 =	vsel vm5, v17, v15;
	v17 =	vsel vm5, v19, v18  }
0x27: {  	s28 =	sadd.s32 s3, s16;
	[dreg:$0x15] =	wrdreg s1;
	s0 =	sadd.s32 s30, s4;
	vm5 =	vcmask $0x2F20;
	v18 =	vor.u32 $0xA0, v0;
	v17 =	vcombine.low v17, v15  }
0x28: {  	s21 =	simm.s32 $0xA800;
	s29 =	sadd.s32 $0x4000, s28;
	[dreg:$0x17] =	wrdreg s0;
	v19 =	vor.u32 $0xB0, v0;
	v14 =	vsel vm5, v16, v14;
	vm5 =	vmmov $0xfff  }
0x29: {  	s26 =	simm.s32 $0x80;
	s1 =	simm.s32 $0x0;
	[dreg:$0x14] =	wrdreg s29;
	v15 =	vnsel vm6, $0xF, v13;
	v16 =	vand.u32 $0xFF, v17;
	v17 =	vor.u32 $0x90, v0  }
.LBB2_74:
0x2a: {  	s1 =	rddreg [dreg:$0x18]  }
0x2b: {  	s0 =	rddreg [dreg:$0x15];
	s1 =	sadd.s32 $0x1, s1  }
0x2c: {  	p1 =	sne.s32 s1, s0  }
.Ltmp1:
0x2d: {  	_ = 	snop;
	(pc) =	sbr.rel @!p1 .LBB2_75-.Ltmp1, $1  }
0x2e: {  	_ =	sdelay $0x3  }
.LBB2_1:
0x2f: {  	[dreg:$0x18] =	wrdreg s1  }
0x30: {  	s0 =	rddreg [dreg:$0xb]  }
0x31: {  	[tilespmem:s18], [sflag:$0x1] =	stream.linear.gather [hbm4b:s0+s8], $0x80, $0x38;
	[tilespmem:$0x17E90] =	vst v63  }
0x32: {  	_ =	swait.ge [sflag:s24], $0x80  }
0x33: {  	[sflag:s24] =	ssyncset.done $0x0  }
0x34: {  	[sflag:s24] =	ssyncadd.s32 $0xFFFFFF80  }
0x35: {  	v32 =	vld [tilespmem:$0xF000];
	_ =	sdelay $0x4  }
0x36: {  	(v2sf) =	vpush v32, $0x0;
	_ =	sdelay $0xe  }
0x37: {  	s28 =	spop (v2sf)  }
0x38: {  	p2 =	por $0x1, $0x1;
	s0 =	simm.s32 $0x0;
	v32 =	vbroadcast v32, $0x0;
	[dreg:$0x19] =	wrdreg s28  }
.LBB2_2:
0x39: {  	s1 =	simm.s32 @!p2 $0x0  }
0x3a: {  	s1 =	simm.s32 @p2 $0x1  }
0x3b: {  	s2 =	simm.s32 $0x0;
	[smem:$0x7FD] =	sst s1;
	s1 =	simm.s32 $0x40  }
.LBB2_3:
0x3c: {  	p1 =	sne.s32 s1, $0x1FC0;
	[tilespmem:s2+$0x800] =	vst v5;
	s2 =	smov.u32 s1;
	s1 =	sadd.s32 $0x40, s1  }
.Ltmp2:
0x3d: {  	(pc) =	sbr.rel @p1 .LBB2_3-.Ltmp2, $2  }
0x3e: {  	_ =	sdelay $0x2  }
0x3f: {  	s2 =	sshra.s32 s2, $0x2  }
0x40: {  	[tilespmem:s2+$0x800] =	vst v5;
	s1 =	rddreg [dreg:$0x10]  }
0x41: {  	[spmem:s1] =	stream.linear.scatter [tilespmem:s22], [sflag:$0x1], $0x400, $0x38;
	[tilespmem:$0x17E90] =	vst v63  }
0x42: {  	_ =	swait.ge [sflag:s24], $0x400  }
0x43: {  	[sflag:s24] =	ssyncset.done $0x0  }
0x44: {  	s1 =	simm.s32 @!p0 $0x800;
	[sflag:s24] =	ssyncadd.s32 $0xFFFFFC00  }
0x45: {  	[spmem:s15] =	stream.linear.scatter @!p0 [tilespmem:s1], [sflag:$0x1], $0x100, $0x38;
	[tilespmem:$0x17E90] =	vst v63  }
0x46: {  	s1 =	simm.s32 @!p0 $0x1  }
0x47: {  	_ =	swait.ge @!p0 [sflag:s1], $0x100  }
0x48: {  	s31 =	rddreg [dreg:$0xf]  }
0x49: {  	[sflag:s1] =	ssyncset.done @!p0 $0x0;
	s0 =	sor.u32 s31, s0  }
0x4a: {  	s2 =	simm.s32 $0x0;
	[sflag:s1] =	ssyncadd.s32 @!p0 $0xFFFFFF00;
	[dreg:$0x1a] =	wrdreg s0  }
0x4b: {  	s1 =	simm.s32 $0x40;
	s0 =	sshll.u32 s0, $0x12;
	[bflag:$0x0] =	sbarrier.arrive $0xFFFF  }
.LBB2_5:
0x4c: {  	p1 =	seq.s32 s1, $0x1FC0;
	[tilespmem:s2+$0x1000] =	vst v6;
	s2 =	smov.u32 s1;
	s1 =	sadd.s32 $0x40, s1  }
.Ltmp3:
0x4d: {  	(pc) =	sbr.rel @!p1 .LBB2_5-.Ltmp3, $2  }
0x4e: {  	_ =	sdelay $0x2  }
0x4f: {  	s2 =	sshra.s32 s2, $0x2  }
0x50: {  	s1 =	rddreg [dreg:$0x8]  }
0x51: {  	[tilespmem:s2+$0x1000] =	vst v6;
	s3 =	sor.u32 s0, s1;
	s0 =	simm.s32 $0x0;
	s1 =	simm.s32 $0x0  }
.LBB2_7:
0x52: {  	s2 =	sshll.u32 s1, $0xB  }
0x53: {  	s2 =	sadd.s32 s3, s2  }
0x54: {  	s2 =	sshrl.u32 s2, $0x3  }
0x55: {  	s2 =	sadd.s32 s19, s2  }
0x56: {  	[tilespmem:s0], [sflag:$0x1] =	stream.linear.gather [hbm4b:s2+s0], $0x800, $0x38;
	[tilespmem:$0x17E90] =	vst v63  }
0x57: {  	_ =	swait.ge [sflag:s24], $0x800  }
0x58: {  	[sflag:s24] =	ssyncset.done $0x0  }
0x59: {  	s2 =	simm.s32 $0x0;
	[sflag:s24] =	ssyncadd.s32 $0xFFFFF800  }
0x5a: {  	v33 =	vld [tilespmem:s2+$0x0];
	_ =	sdelay $0x4  }
0x5b: {  	v33 =	vmul.f32 $1.638400000e+04, v33;
	_ =	sdelay $0x1  }
0x5c: {  	v33 =	vmax.f32 v33, $0.0e+00  }
0x5d: {  	s5 =	simm.s32 $0x10;
	v33 =	vmin.f32 v33, $1.638300000e+04  }
0x5e: {  	v34 =	vtrunc.f32 v33;
	v33 =	vld [tilespmem:s5+$0x0];
	_ =	sdelay $0x3  }
0x5f: {  	s7 =	simm.s32 $0x80;
	v34 =	vcvt.f32.s32 v34  }
.LBB2_8:
0x60: {  	s8 =	sshra.s32 s7, $0x2;
	p1 =	sne.s32 s7, $0x1FC0;
	s7 =	sadd.s32 $0x40, s7;
	v35 =	vmul.f32 $1.638400000e+04, v33  }
.Ltmp4:
0x61: {  	v33 =	vld [tilespmem:s8+$0x0];
	v34 =	vsub.s32 $0x3FFF, v34;
	(pc) =	sbr.rel @p1 .LBB2_8-.Ltmp4, $4  }
0x62: {  	v35 =	vmax.f32 v35, $0.0e+00;
	[tilespmem:s2+$0x1800] =	vst v34;
	s2 =	smov.u32 s5;
	s5 =	smov.u32 s8  }
0x63: {  	v34 =	vmin.f32 v35, $1.638300000e+04  }
0x64: {  	v34 =	vtrunc.f32 v34  }
0x65: {  	v34 =	vcvt.f32.s32 v34  }
0x66: {  	v33 =	vmul.f32 $1.638400000e+04, v33;
	_ =	sdelay $0x1  }
0x67: {  	v33 =	vmax.f32 v33, $0.0e+00  }
0x68: {  	v33 =	vmin.f32 v33, $1.638300000e+04  }
0x69: {  	v33 =	vtrunc.f32 v33  }
0x6a: {  	v33 =	vcvt.f32.s32 v33  }
0x6b: {  	s1 =	sadd.s32 $0x1, s1;
	v34 =	vsub.s32 $0x3FFF, v34  }
0x6c: {  	p1 =	sne.s32 s1, $0x8;
	[tilespmem:s2+$0x1800] =	vst v34;
	v33 =	vsub.s32 $0x3FFF, v33  }
.Ltmp5:
0x6d: {  	[tilespmem:s5+$0x1800] =	vst v33;
	(pc) =	sbr.rel @p1 .LBB2_7-.Ltmp5, $4  }
0x6e: {  	[spmem:s9] =	stream.indirect.scatter.add.s32 [tilespmem:s25], [sflag:$0x1], $0x1, s23, s22, $0xb8;
	[tilespmem:$0x17E90] =	vst v63  }
0x6f: {  	_ =	swait.ge [sflag:s24], $0x800  }
0x70: {  	[sflag:s24] =	ssyncset.done $0x0  }
0x71: {  	[sflag:s24] =	ssyncadd.s32 $0xFFFFF800  }
.Ltmp6:
0x72: {  	(pc) =	sbr.rel @p0 .LBB2_14-.Ltmp6, $2  }
0x73: {  	_ =	sdelay $0x1  }
0x74: {  	[bflag:$0x0] =	sbarrier.arrive $0xFFFF;
	_ =	sdelay $0x1  }
0x75: {  	s2 =	simm.s32 $0xB000  }
0x76: {  	[tilespmem:s2], [sflag:$0x1] =	stream.linear.gather [spmem:s9], $0x4000, $0x38;
	[tilespmem:$0x17E90] =	vst v63  }
0x77: {  	_ =	swait.ge [sflag:s24], $0x4000  }
0x78: {  	[sflag:s24] =	ssyncset.done $0x0  }
0x79: {  	[sflag:s24] =	ssyncadd.s32 $0xFFFFC000  }
0x7a: {  	v33 =	vld [tilespmem:s2+$0x0];
	_ =	sdelay $0x4  }
0x7b: {  	v34 =	vperm.xlane v33, v7  }
0x7c: {  	vm6 =	veq.s32 v0, $0x0  }
0x7d: {  	v34 =	vsel vm6, $0x0, v34  }
0x7e: {  	v33 =	vadd.s32 v33, v34  }
0x7f: {  	v34 =	vperm.xlane v33, v8;
	_ =	sdelay $0x1  }
0x80: {  	v34 =	vsel vm0, $0x0, v34  }
0x81: {  	v33 =	vadd.s32 v34, v33  }
0x82: {  	v34 =	vperm.xlane v33, v9;
	_ =	sdelay $0x1  }
0x83: {  	v34 =	vsel vm1, $0x0, v34  }
0x84: {  	v33 =	vadd.s32 v34, v33  }
0x85: {  	s30 =	simm.s32 $0xB010;
	v34 =	vperm.xlane v33, v10  }
0x86: {  	v35 =	vld [tilespmem:s30+$0x0]  }
0x87: {  	s0 =	simm.s32 $0x0;
	v34 =	vsel vm2, $0x0, v34  }
0x88: {  	v34 =	vadd.s32 s0, v34  }
0x89: {  	v33 =	vadd.s32 v33, v34  }
0x8a: {  	vm7 =	vgt.s32 v33, v32;
	(v2sf) =	vpush v33, $0xF  }
0x8b: {  	v43 =	vperm.xlane v35, v7;
	v44 =	vnsel vm7, $0x10, v0  }
0x8c: {  	v36 =	vperm.xlane v44, v11  }
0x8d: {  	v33 =	vsel vm6, $0x0, v43  }
0x8e: {  	v33 =	vadd.s32 v35, v33;
	v45 =	vsel vm3, v36, v44  }
0x8f: {  	v46 =	vperm.xlane v33, v8;
	vm7 =	vlt.s32 v44, v45  }
0x90: {  	v34 =	vsel vm7, v44, v45  }
0x91: {  	v47 =	vsel vm0, $0x0, v46;
	v48 =	vperm.xlane v34, v12  }
0x92: {  	v33 =	vadd.s32 v47, v33  }
0x93: {  	v35 =	vperm.xlane v33, v9;
	v36 =	vsel vm4, v48, v34  }
0x94: {  	vm7 =	vlt.s32 v34, v36  }
0x95: {  	v35 =	vsel vm1, $0x0, v35;
	v34 =	vsel vm7, v34, v36  }
0x96: {  	v33 =	vadd.s32 v35, v33;
	v49 =	vperm.xlane v34, v14  }
0x97: {  	v50 =	vperm.xlane v33, v10  }
0x98: {  	s31 =	simm.s32 $0xB020;
	v35 =	vsel vm5, v49, v34  }
0x99: {  	v37 =	vld [tilespmem:s31+$0x0];
	v36 =	vsel vm2, $0x0, v50;
	vm7 =	vlt.s32 v34, v35;
	s0 =	spop (v2sf)  }
0x9a: {  	v36 =	vadd.s32 s0, v36;
	v34 =	vsel vm7, v34, v35  }
0x9b: {  	v33 =	vadd.s32 v33, v36;
	v35 =	vperm.xlane v34, v15  }
0x9c: {  	vm7 =	vgt.s32 v33, v32  }
0x9d: {  	(v2sf) =	vpush v33, $0xF;
	v51 =	vnsel vm7, $0x10, v0;
	v35 =	vsel vm2, v35, v34  }
0x9e: {  	v52 =	vperm.xlane v37, v7;
	v38 =	vperm.xlane v51, v11;
	vm7 =	vlt.s32 v34, v35  }
0x9f: {  	v34 =	vsel vm7, v34, v35  }
0xa0: {  	v53 =	vsel vm6, $0x0, v52;
	v54 =	vsel vm3, v38, v51;
	(v2sf) =	vpush v34, $0x0  }
0xa1: {  	v55 =	vadd.s32 v37, v53;
	vm7 =	vlt.s32 v51, v54  }
0xa2: {  	v35 =	vperm.xlane v55, v8;
	v33 =	vsel vm7, v51, v54  }
0xa3: {  	v36 =	vperm.xlane v33, v12  }
0xa4: {  	v35 =	vsel vm0, $0x0, v35  }
0xa5: {  	v34 =	vadd.s32 v35, v55;
	v56 =	vsel vm4, v36, v33  }
0xa6: {  	v57 =	vperm.xlane v34, v9;
	vm7 =	vlt.s32 v33, v56  }
0xa7: {  	v35 =	vsel vm7, v33, v56  }
0xa8: {  	s9 =	simm.s32 $0xB030;
	v58 =	vsel vm1, $0x0, v57;
	v59 =	vperm.xlane v35, v14  }
0xa9: {  	v34 =	vadd.s32 v58, v34;
	v33 =	vld [tilespmem:s9+$0x0]  }
0xaa: {  	v60 =	vperm.xlane v34, v10;
	v36 =	vsel vm5, v59, v35  }
0xab: {  	vm7 =	vlt.s32 v35, v36  }
0xac: {  	v37 =	vsel vm2, $0x0, v60;
	s8 =	spop (v2sf);
	v35 =	vsel vm7, v35, v36  }
0xad: {  	v61 =	vadd.s32 s8, v37;
	v62 =	vperm.xlane v35, v15  }
0xae: {  	s1 =	simm.s32 $0x3FFF;
	s7 =	simm.s32 $0x10;
	v63 =	vperm.xlane v33, v7;
	v34 =	vadd.s32 v34, v61  }
0xaf: {  	s5 =	simm.s32 $0x20;
	s11 =	simm.s32 $0x3FFF;
	vm7 =	vgt.s32 v34, v32;
	(v2sf) =	vpush v34, $0xF;
	v39 =	vsel vm2, v62, v35;
	s10 =	spop (v2sf)  }
0xb0: {  	p1 =	sge.s32 s28, $0x0;
	p2 =	sgt.s32 s0, s28;
	v34 =	vnsel vm7, $0x10, v0;
	vm7 =	vlt.s32 v35, v39;
	s12 =	sadd.s32 $0x0, s10  }
0xb1: {  	s2 =	simm.s32 $0x30;
	v37 =	vsel vm6, $0x0, v63;
	s10 =	simm.s32 $0x40;
	v36 =	vperm.xlane v34, v11;
	v35 =	vsel vm7, v35, v39;
	s11 =	smov.u32 @p2 s12  }
.LBB2_12:
0xb2: {  	p2 =	seq.s32 s10, $0x3FF0;
	s1 =	smov.u32 @p1 s11;
	s12 =	smov.u32 s2  }
0xb3: {  	v33 =	vadd.s32 v33, v37;
	v36 =	vsel vm3, v36, v34;
	(v2sf) =	vpush v35, $0x0;
	s2 =	smov.u32 s10;
	s10 =	sadd.s32 $0x10, s10;
	s11 =	smov.u32 s8  }
0xb4: {  	s13 =	smov.u32 s0;
	s0 =	smov.u32 s8;
	v35 =	vperm.xlane v33, v8;
	vm7 =	vlt.s32 v34, v36  }
0xb5: {  	v34 =	vsel vm7, v34, v36  }
0xb6: {  	v35 =	vsel vm0, $0x0, v35;
	v36 =	vperm.xlane v34, v12  }
0xb7: {  	v33 =	vadd.s32 v35, v33  }
0xb8: {  	v35 =	vperm.xlane v33, v9;
	v36 =	vsel vm4, v36, v34  }
0xb9: {  	vm7 =	vlt.s32 v34, v36  }
0xba: {  	v35 =	vsel vm1, $0x0, v35;
	v34 =	vsel vm7, v34, v36  }
0xbb: {  	v35 =	vadd.s32 v35, v33;
	v36 =	vperm.xlane v34, v14  }
0xbc: {  	s9 =	sadd.s32 $0x10, s9;
	v37 =	vperm.xlane v35, v10  }
0xbd: {  	v33 =	vld [tilespmem:s9+$0x0];
	v36 =	vsel vm5, v36, v34  }
0xbe: {  	v37 =	vsel vm2, $0x0, v37;
	vm7 =	vlt.s32 v34, v36;
	s8 =	spop (v2sf)  }
0xbf: {  	v37 =	vadd.s32 s8, v37;
	v38 =	vsel vm7, v34, v36  }
.Ltmp7:
0xc0: {  	v34 =	vadd.s32 v35, v37;
	v35 =	vperm.xlane v38, v15;
	(pc) =	sbr.rel @!p2 .LBB2_12-.Ltmp7, $4  }
0xc1: {  	vm7 =	vgt.s32 v34, v32;
	(v2sf) =	vpush v34, $0xF  }
0xc2: {  	p3 =	sgt.s32 s11, s28;
	v37 =	vperm.xlane v33, v7;
	v34 =	vnsel vm7, $0x10, v0;
	v35 =	vsel vm2, v35, v38;
	s14 =	spop (v2sf)  }
0xc3: {  	s11 =	smov.u32 s1;
	v36 =	vperm.xlane v34, v11;
	vm7 =	vlt.s32 v38, v35;
	s14 =	sadd.s32 s7, s14;
	s7 =	smov.u32 s5  }
0xc4: {  	p1 =	sle.s32 s13, s28;
	s5 =	smov.u32 s12;
	v37 =	vsel vm6, $0x0, v37;
	v35 =	vsel vm7, v38, v35;
	s11 =	smov.u32 @p3 s14  }
0xc5: {  	v33 =	vadd.s32 v33, v37  }
0xc6: {  	v37 =	vperm.xlane v33, v8;
	_ =	sdelay $0x1  }
0xc7: {  	v37 =	vsel vm0, $0x0, v37  }
0xc8: {  	v33 =	vadd.s32 v37, v33  }
0xc9: {  	v37 =	vperm.xlane v33, v9;
	_ =	sdelay $0x1  }
0xca: {  	v37 =	vsel vm1, $0x0, v37  }
0xcb: {  	v33 =	vadd.s32 v37, v33  }
0xcc: {  	v37 =	vperm.xlane v33, v10;
	_ =	sdelay $0x1  }
0xcd: {  	v37 =	vsel vm2, $0x0, v37;
	s9 =	spop (v2sf)  }
0xce: {  	v37 =	vadd.s32 s9, v37  }
0xcf: {  	v33 =	vadd.s32 v33, v37  }
0xd0: {  	vm6 =	vgt.s32 v33, v32  }
0xd1: {  	v36 =	vsel vm3, v36, v34;
	v58 =	vnsel vm6, $0x10, v0  }
0xd2: {  	vm6 =	vlt.s32 v34, v36;
	v38 =	vperm.xlane v58, v11  }
0xd3: {  	v34 =	vsel vm6, v34, v36  }
0xd4: {  	v36 =	vperm.xlane v34, v12;
	v38 =	vsel vm3, v38, v58  }
0xd5: {  	vm6 =	vlt.s32 v58, v38  }
0xd6: {  	v36 =	vsel vm4, v36, v34;
	v37 =	vsel vm6, v58, v38  }
0xd7: {  	vm6 =	vlt.s32 v34, v36;
	v38 =	vperm.xlane v37, v12  }
0xd8: {  	v34 =	vsel vm6, v34, v36  }
0xd9: {  	v36 =	vperm.xlane v34, v14;
	v38 =	vsel vm4, v38, v37  }
0xda: {  	vm6 =	vlt.s32 v37, v38  }
0xdb: {  	v36 =	vsel vm5, v36, v34;
	v37 =	vsel vm6, v37, v38  }
0xdc: {  	vm6 =	vlt.s32 v34, v36;
	v38 =	vperm.xlane v37, v14  }
0xdd: {  	v34 =	vsel vm6, v34, v36  }
0xde: {  	v36 =	vperm.xlane v34, v15;
	v38 =	vsel vm5, v38, v37  }
0xdf: {  	vm6 =	vlt.s32 v37, v38  }
0xe0: {  	(v2sf) =	vpush v35, $0x0;
	v59 =	vsel vm2, v36, v34;
	v60 =	vsel vm6, v37, v38  }
0xe1: {  	vm6 =	vlt.s32 v34, v59;
	v37 =	vperm.xlane v60, v15  }
0xe2: {  	(v2sf) =	vpush v33, $0xF;
	v61 =	vsel vm6, v34, v59  }
0xe3: {  	(v2sf) =	vpush v61, $0x0;
	v62 =	vsel vm2, v37, v60  }
0xe4: {  	vm6 =	vlt.s32 v60, v62  }
0xe5: {  	v33 =	vsel vm6, v60, v62  }
0xe6: {  	(v2sf) =	vpush v33, $0x0;
	_ =	sdelay $0x8  }
0xe7: {  	s1 =	smov.u32 @p1 s11;
	s10 =	spop (v2sf)  }
0xe8: {  	p1 =	sgt.s32 s8, s28;
	s7 =	sadd.s32 s7, s10;
	s10 =	smov.u32 s1  }
0xe9: {  	p2 =	sle.s32 s0, s28;
	s10 =	smov.u32 @p1 s7;
	s16 =	spop (v2sf)  }
0xea: {  	[tilespmem:$0xF080] =	vst v16;
	s1 =	smov.u32 @p2 s10;
	s17 =	spop (v2sf)  }
0xeb: {  	[tilespmem:$0xF090] =	vst v17;
	p1 =	sgt.s32 s9, s28;
	s7 =	smov.u32 s1;
	s5 =	sadd.s32 s5, s17  }
0xec: {  	[tilespmem:$0xF0A0] =	vst v18;
	p2 =	sle.s32 s8, s28;
	s7 =	smov.u32 @p1 s5  }
0xed: {  	[tilespmem:$0xF0B0] =	vst v19;
	s1 =	smov.u32 @p2 s7;
	s29 =	spop (v2sf)  }
0xee: {  	[tilespmem:$0xF0C0] =	vst v20;
	p1 =	sgt.s32 s16, s28;
	s0 =	smov.u32 s1;
	s2 =	sadd.s32 s2, s29  }
0xef: {  	[tilespmem:$0xF0D0] =	vst v21;
	p2 =	sle.s32 s9, s28;
	s0 =	smov.u32 @p1 s2  }
0xf0: {  	[tilespmem:$0xF0E0] =	vst v22;
	s1 =	smov.u32 @p2 s0  }
0xf1: {  	[tilespmem:$0xF0F0] =	vst v23;
	v63 =	vmov s1  }
0xf2: {  	[tilespmem:$0xF100] =	vst v63  }
0xf3: {  	[tilespmem:$0xF110] =	vst v63  }
0xf4: {  	[tilespmem:$0xF120] =	vst v63  }
0xf5: {  	[tilespmem:$0xF130] =	vst v63  }
0xf6: {  	[tilespmem:$0xF140] =	vst v63  }
0xf7: {  	[tilespmem:$0xF150] =	vst v63  }
0xf8: {  	[tilespmem:$0xF160] =	vst v63  }
0xf9: {  	s30 =	simm.s32 $0xF080;
	s31 =	simm.s32 $0xF100;
	[tilespmem:$0xF170] =	vst v63  }
0xfa: {  	[spmem:s15] =	stream.indirect.scatter [tilespmem:s31], [sflag:$0x1], $0x1, s30, s26, $0xb8;
	[tilespmem:$0x17E90] =	vst v63  }
0xfb: {  	_ =	swait.ge [sflag:s24], $0x80  }
0xfc: {  	[sflag:s24] =	ssyncset.done $0x0  }
0xfd: {  	[sflag:s24] =	ssyncadd.s32 $0xFFFFFF80  }
.LBB2_14:
0xfe: {  	[bflag:$0x0] =	sbarrier.arrive $0xFFFF  }
0xff: {  	[tilespmem:s18], [sflag:$0x1] =	stream.linear.gather [spmem:s15], $0x80, $0x38;
	[tilespmem:$0x17E90] =	vst v63  }
0x100: {  	_ =	swait.ge [sflag:s24], $0x80  }
0x101: {  	[sflag:s24] =	ssyncset.done $0x0  }
0x102: {  	[sflag:s24] =	ssyncadd.s32 $0xFFFFFF80  }
0x103: {  	v33 =	vld.msk [tilespmem:$0xF000 ss:$0x0], $0xffff;
	_ =	sdelay $0x1  }
0x104: {  	s0 =	simm.s32 $0x0;
	v34 =	vimm.s32 $0x0;
	s1 =	simm.s32 $0x0  }
.LBB2_15:
0x105: {  	s2 =	sshll.u32 s1, $0xB  }
0x106: {  	s2 =	sadd.s32 s3, s2  }
0x107: {  	s2 =	sshrl.u32 s2, $0x3  }
0x108: {  	s2 =	sadd.s32 s19, s2  }
0x109: {  	[tilespmem:s0], [sflag:$0x1] =	stream.linear.gather [hbm4b:s2+s0], $0x800, $0x38;
	[tilespmem:$0x17E90] =	vst v63  }
0x10a: {  	_ =	swait.ge [sflag:s24], $0x800  }
0x10b: {  	[sflag:s24] =	ssyncset.done $0x0  }
0x10c: {  	s31 =	simm.s32 $0x0;
	[sflag:s24] =	ssyncadd.s32 $0xFFFFF800  }
0x10d: {  	v35 =	vld [tilespmem:s31+$0x0];
	_ =	sdelay $0x4  }
0x10e: {  	v35 =	vmul.f32 $1.638400000e+04, v35;
	_ =	sdelay $0x1  }
0x10f: {  	v35 =	vmax.f32 v35, $0.0e+00  }
0x110: {  	s5 =	simm.s32 $0x10;
	v35 =	vmin.f32 v35, $1.638300000e+04  }
0x111: {  	v36 =	vtrunc.f32 v35;
	v35 =	vld [tilespmem:s5+$0x0];
	_ =	sdelay $0x3  }
0x112: {  	s2 =	simm.s32 $0x80;
	v36 =	vcvt.f32.s32 v36  }
.LBB2_16:
0x113: {  	s5 =	sshra.s32 s2, $0x2;
	p1 =	sne.s32 s2, $0x1FC0;
	s2 =	sadd.s32 $0x40, s2;
	v37 =	vmul.f32 $1.638400000e+04, v35  }
.Ltmp8:
0x114: {  	v35 =	vld [tilespmem:s5+$0x0];
	v36 =	vsub.s32 $0x3FFF, v36;
	(pc) =	sbr.rel @p1 .LBB2_16-.Ltmp8, $4  }
0x115: {  	v37 =	vmax.f32 v37, $0.0e+00;
	vm6 =	vle.s32 v36, v33  }
0x116: {  	v36 =	vmin.f32 v37, $1.638300000e+04;
	v37 =	vsel vm6, $0x1, v5  }
0x117: {  	v36 =	vtrunc.f32 v36;
	v34 =	vadd.s32 v37, v34  }
0x118: {  	v36 =	vcvt.f32.s32 v36  }
0x119: {  	v35 =	vmul.f32 $1.638400000e+04, v35;
	_ =	sdelay $0x1  }
0x11a: {  	v35 =	vmax.f32 v35, $0.0e+00  }
0x11b: {  	v35 =	vmin.f32 v35, $1.638300000e+04  }
0x11c: {  	s1 =	sadd.s32 $0x1, s1;
	v35 =	vtrunc.f32 v35  }
0x11d: {  	p1 =	sne.s32 s1, $0x8;
	v35 =	vcvt.f32.s32 v35  }
.Ltmp9:
0x11e: {  	v36 =	vsub.s32 $0x3FFF, v36;
	(pc) =	sbr.rel @p1 .LBB2_15-.Ltmp9, $4  }
0x11f: {  	vm6 =	vle.s32 v36, v33;
	v35 =	vsub.s32 $0x3FFF, v35  }
0x120: {  	v36 =	vsel vm6, $0x1, v5;
	vm6 =	vle.s32 v35, v33  }
0x121: {  	v34 =	vadd.s32 v36, v34;
	v35 =	vsel vm6, $0x1, v5  }
0x122: {  	v34 =	vadd.s32 v35, v34  }
0x123: {  	v35 =	vperm.xlane v34, v7  }
0x124: {  	vm6 =	veq.s32 v0, $0x0  }
0x125: {  	v35 =	vsel vm6, $0x0, v35  }
0x126: {  	v62 =	vadd.s32 v34, v35  }
0x127: {  	v35 =	vperm.xlane v62, v8;
	_ =	sdelay $0x1  }
0x128: {  	v35 =	vsel vm0, $0x0, v35  }
0x129: {  	v34 =	vadd.s32 v35, v62  }
0x12a: {  	v35 =	vperm.xlane v34, v9;
	_ =	sdelay $0x1  }
0x12b: {  	v35 =	vsel vm1, $0x0, v35  }
0x12c: {  	s0 =	simm.s32 $0x0;
	v34 =	vadd.s32 v35, v34  }
0x12d: {  	v36 =	vadd.s32 s0, v1;
	v35 =	vperm.xlane v34, v10  }
0x12e: {  	v37 =	vmov s0;
	v36 =	vand.u32 $0x7F, v36  }
0x12f: {  	vm6 =	veq.s32 v37, v0;
	v63 =	vor.u32 $0x80, v36;
	v34 =	vadd.s32 v35, v34  }
0x130: {  	s0 =	simm.s32 $0xF080;
	v35 =	vsel vm6, v2, v63;
	v34 =	vbroadcast v34, $0xF  }
0x131: {  	s1 =	simm.s32 $0xF100;
	[tilespmem:s0+$0x0] =	vst v35  }
0x132: {  	s2 =	simm.s32 $0x10;
	[tilespmem:s1+$0x0] =	vst v34  }
.LBB2_19:
0x133: {  	v35 =	vadd.s32 s2, v1;
	p1 =	sne.s32 s2, $0x70  }
.Ltmp10:
0x134: {  	v36 =	vmov s2;
	s2 =	sadd.s32 $0x10, s2;
	v35 =	vand.u32 $0x7F, v35;
	(pc) =	sbr.rel @p1 .LBB2_19-.Ltmp10, $4  }
0x135: {  	vm6 =	veq.s32 v36, v0;
	v35 =	vor.u32 $0x80, v35  }
0x136: {  	s0 =	sadd.s32 $0x10, s0;
	v35 =	vsel vm6, v2, v35  }
0x137: {  	s1 =	sadd.s32 $0x10, s1;
	[tilespmem:s0+$0x0] =	vst v35  }
0x138: {  	[tilespmem:s1+$0x0] =	vst v34  }
0x139: {  	s0 =	simm.s32 $0xF080;
	s1 =	simm.s32 $0xF100  }
0x13a: {  	[spmem:s15] =	stream.indirect.scatter [tilespmem:s1], [sflag:$0x1], $0x1, s0, s26, $0xb8;
	[tilespmem:$0x17E90] =	vst v63  }
0x13b: {  	_ =	swait.ge [sflag:s24], $0x80  }
0x13c: {  	[sflag:s24] =	ssyncset.done $0x0  }
0x13d: {  	[sflag:s24] =	ssyncadd.s32 $0xFFFFFF80  }
0x13e: {  	[bflag:$0x0] =	sbarrier.arrive $0xFFFF  }
0x13f: {  	[tilespmem:s18], [sflag:$0x1] =	stream.linear.gather [spmem:s15], $0x80, $0x38;
	[tilespmem:$0x17E90] =	vst v63  }
0x140: {  	_ =	swait.ge [sflag:s24], $0x80  }
0x141: {  	[sflag:s24] =	ssyncset.done $0x0  }
0x142: {  	[sflag:s24] =	ssyncadd.s32 $0xFFFFFF80  }
0x143: {  	v35 =	vld [tilespmem:$0xF010];
	_ =	sdelay $0x4  }
0x144: {  	v34 =	vadd.s32 $0x7F, v35  }
0x145: {  	v36 =	vand.u32 $0xFFFFFF80, v34  }
0x146: {  	v34 =	vperm.xlane v36, v7  }
0x147: {  	vm6 =	veq.s32 v0, $0x0  }
0x148: {  	v34 =	vsel vm6, $0x0, v34  }
0x149: {  	v34 =	vadd.s32 v34, v36  }
0x14a: {  	v37 =	vperm.xlane v34, v8;
	_ =	sdelay $0x1  }
0x14b: {  	v37 =	vsel vm0, $0x0, v37  }
0x14c: {  	v34 =	vadd.s32 v37, v34  }
0x14d: {  	v37 =	vperm.xlane v34, v9;
	_ =	sdelay $0x1  }
0x14e: {  	v37 =	vsel vm1, $0x0, v37  }
0x14f: {  	v34 =	vadd.s32 v37, v34  }
0x150: {  	v37 =	vperm.xlane v34, v10;
	_ =	sdelay $0x1  }
0x151: {  	v37 =	vsel vm2, $0x0, v37  }
0x152: {  	v34 =	vadd.s32 v37, v34  }
0x153: {  	v37 =	vsub.s32 v34, v36  }
0x154: {  	v37 =	vperm.xlane v37, v3;
	_ =	sdelay $0x1  }
0x155: {  	(v2sf) =	vpush v37, $0x0;
	_ =	sdelay $0xd  }
0x156: {  	s5 =	simm.s32 $0x0;
	s7 =	simm.s32 $0x0  }
0x157: {  	s14 =	simm.s32 $0x0;
	s9 =	simm.s32 $0x0;
	v35 =	vperm.xlane v35, v3;
	v36 =	vperm.xlane v36, v3;
	s1 =	spop (v2sf)  }
.LBB2_21:
0x158: {  	s0 =	sshll.u32 s9, $0xB  }
0x159: {  	s0 =	sor.u32 s0, s3  }
0x15a: {  	s0 =	sshrl.u32 s0, $0x3  }
0x15b: {  	s0 =	sadd.s32 s19, s0  }
0x15c: {  	[tilespmem:s5], [sflag:$0x1] =	stream.linear.gather [hbm4b:s0+s5], $0x800, $0x38;
	[tilespmem:$0x17E90] =	vst v63  }
0x15d: {  	_ =	swait.ge [sflag:s24], $0x800  }
0x15e: {  	[sflag:s24] =	ssyncset.done $0x0  }
0x15f: {  	s2 =	simm.s32 $0x0;
	[sflag:s24] =	ssyncadd.s32 $0xFFFFF800  }
0x160: {  	v37 =	vld [tilespmem:s2+$0x0];
	_ =	sdelay $0x4  }
0x161: {  	v38 =	vmul.f32 $1.638400000e+04, v37;
	_ =	sdelay $0x1  }
0x162: {  	v39 =	vor.u32 s7, v4;
	v38 =	vmax.f32 v38, $0.0e+00  }
0x163: {  	s11 =	simm.s32 $0x10;
	[tilespmem:s2+$0x1000] =	vst v39;
	v38 =	vmin.f32 v38, $1.638300000e+04  }
0x164: {  	v39 =	vld [tilespmem:s11+$0x0];
	v38 =	vtrunc.f32 v38  }
0x165: {  	v38 =	vcvt.f32.s32 v38;
	_ =	sdelay $0x1  }
0x166: {  	v38 =	vsub.s32 $0x3FFF, v38  }
0x167: {  	vm8 =	vle.s32 v38, v33  }
0x168: {  	v41 =	vmul.f32 $1.638400000e+04, v39;
	v38 =	vsel vm8, $0x1, v5  }
0x169: {  	v40 =	vperm.xlane v38, v7  }
0x16a: {  	vm7 =	vgt.s32 v37, $0xFFFFFFFF;
	v41 =	vmax.f32 v41, $0.0e+00  }
0x16b: {  	v42 =	vsel vm7, $0xFFFFFFFF, v24;
	v58 =	vmin.f32 v41, $1.638300000e+04;
	v40 =	vsel vm6, $0x0, v40  }
0x16c: {  	s17 =	sadd.s32 $0x10, s7;
	v37 =	vxor.u32 v37, v42;
	v57 =	vadd.s32 v38, v40;
	v38 =	vtrunc.f32 v58  }
0x16d: {  	v56 =	vor.u32 s17, v4;
	[tilespmem:s2+$0x800] =	vst v37;
	v38 =	vcvt.f32.s32 v38  }
0x16e: {  	s13 =	simm.s32 $0x20;
	[tilespmem:s11+$0x1000] =	vst v56;
	v40 =	vperm.xlane v57, v8  }
0x16f: {  	vm7 =	vgt.s32 v39, $0xFFFFFFFF;
	v59 =	vld [tilespmem:s13+$0x0];
	v61 =	vsub.s32 $0x3FFF, v38  }
0x170: {  	v62 =	vsel vm7, $0xFFFFFFFF, v24;
	v40 =	vsel vm0, $0x0, v40;
	vm7 =	vle.s32 v61, v33  }
0x171: {  	v40 =	vadd.s32 v40, v57;
	v63 =	vsel vm7, $0x1, v5  }
0x172: {  	s0 =	sadd.s32 $0x10, s17;
	v43 =	vperm.xlane v40, v9;
	v45 =	vperm.xlane v63, v7  }
0x173: {  	v55 =	vor.u32 s7, v0;
	v44 =	vor.u32 s0, v4  }
0x174: {  	v46 =	vmul.f32 $1.638400000e+04, v59;
	v43 =	vsel vm1, $0x0, v43;
	v45 =	vsel vm6, $0x0, v45  }
0x175: {  	v60 =	vsel vm8, $0xFFFFFFFF, v5;
	v40 =	vadd.s32 v43, v40;
	v45 =	vadd.s32 v63, v45  }
0x176: {  	v46 =	vmax.f32 v46, $0.0e+00;
	v43 =	vperm.xlane v40, v10;
	v49 =	vperm.xlane v45, v8  }
0x177: {  	vm8 =	vmmov vm8;
	vm9 =	vgt.s32 v59, $0xFFFFFFFF;
	v47 =	vmin.f32 v46, $1.638300000e+04  }
0x178: {  	v38 =	vxor.u32 v39, v62;
	v48 =	vsel vm2, $0x0, v43;
	v43 =	vsel vm0, $0x0, v49  }
0x179: {  	v39 =	vtrunc.f32 v47;
	[tilespmem:s11+$0x800] =	vst v38;
	v38 =	vadd.s32 v48, v40;
	v52 =	vadd.s32 v43, v45  }
0x17a: {  	s15 =	simm.s32 $0x30;
	s10 =	sadd.s32 s1, s14;
	v51 =	vcvt.f32.s32 v39;
	[tilespmem:s13+$0x1000] =	vst v44;
	(v2sf) =	vpush v38, $0xF;
	v54 =	vperm.xlane v52, v9  }
0x17b: {  	v42 =	vadd.s32 s10, v60;
	v50 =	vsel vm9, $0xFFFFFFFF, v24;
	vm9 =	vmmov vm8;
	v39 =	vld [tilespmem:s15+$0x0]  }
0x17c: {  	s8 =	sadd.s32 $0x10, s0;
	v41 =	vxor.u32 v59, v50;
	v53 =	vsub.s32 $0x3FFF, v51;
	v57 =	vsel vm1, $0x0, v54  }
0x17d: {  	v46 =	vor.u32 s8, v4;
	vm8 =	vle.s32 v53, v33;
	v40 =	vadd.s32 v57, v52  }
0x17e: {  	v47 =	vand.u32 $0x7FF, v55;
	v56 =	vsel vm8, $0x1, v5;
	v59 =	vperm.xlane v40, v10  }
0x17f: {  	v47 =	vor.u32 $0x40000, v47;
	v37 =	vsel vm7, $0xFFFFFFFF, v5;
	v58 =	vperm.xlane v56, v7  }
0x180: {  	v48 =	vmul.f32 $1.638400000e+04, v39;
	v49 =	vadd.s32 v38, v42;
	v42 =	vsel vm2, $0x0, v59  }
0x181: {  	vm7 =	vmmov vm7;
	v60 =	vsel vm6, $0x0, v58;
	v40 =	vadd.s32 v42, v40  }
0x182: {  	v43 =	vadd.s32 v56, v60;
	v61 =	vmax.f32 v48, $0.0e+00;
	(v2sf) =	vpush v40, $0xF  }
0x183: {  	vm10 =	vgt.s32 v39, $0xFFFFFFFF;
	v62 =	vperm.xlane v43, v8;
	v44 =	vmin.f32 v61, $1.638300000e+04  }
0x184: {  	[tilespmem:s13+$0x800] =	vst v41;
	v38 =	vsel vm8, $0xFFFFFFFF, v5;
	v41 =	vsel vm9, v49, v47;
	v63 =	vtrunc.f32 v44  }
0x185: {  	s18 =	simm.s32 $0x40;
	s12 =	simm.s32 $0x140;
	s10 =	sadd.s32 $0x10, s8;
	[tilespmem:s15+$0x1000] =	vst v46;
	v44 =	vsel vm0, $0x0, v62;
	v45 =	vcvt.f32.s32 v63;
	v42 =	vsel vm10, $0xFFFFFFFF, v24  }
.LBB2_22:
0x186: {  	p1 =	sne.s32 s12, $0x1FC0;
	v46 =	vor.u32 s10, v4;
	v42 =	vxor.u32 v39, v42  }
0x187: {  	v39 =	vld [tilespmem:s18+$0x0];
	v43 =	vadd.s32 v44, v43;
	[tilespmem:s2+$0x1800] =	vst v41;
	vm9 =	vmmov vm7;
	vm7 =	vmmov vm8;
	s2 =	smov.u32 s11;
	s11 =	smov.u32 s13;
	s13 =	smov.u32 s15  }
0x188: {  	v44 =	vor.u32 s17, v0;
	s15 =	smov.u32 s18;
	s17 =	smov.u32 s0;
	s0 =	smov.u32 s8;
	v41 =	vsub.s32 $0x3FFF, v45;
	[tilespmem:s13+$0x800] =	vst v42;
	v42 =	vperm.xlane v43, v9  }
0x189: {  	s8 =	smov.u32 s10;
	vm11 =	veq.s32 v0, $0x0;
	[tilespmem:s15+$0x1000] =	vst v46;
	vm8 =	vle.s32 v41, v33;
	v41 =	vand.u32 $0x7FF, v44;
	s16 =	spop (v2sf)  }
0x18a: {  	v44 =	vsel vm8, $0xFFFFFFFF, v5;
	v45 =	vsel vm8, $0x1, v5;
	v42 =	vsel vm1, $0x0, v42;
	s14 =	sadd.s32 s14, s16  }
0x18b: {  	v41 =	vor.u32 $0x40000, v41;
	v46 =	vperm.xlane v45, v7;
	v42 =	vadd.s32 v42, v43;
	s16 =	sadd.s32 s1, s14  }
0x18c: {  	v43 =	vmul.f32 $1.638400000e+04, v39;
	v47 =	vperm.xlane v42, v10;
	v48 =	vadd.s32 s16, v37;
	v37 =	vmovc v38;
	v38 =	vmovc v44  }
.Ltmp11:
0x18d: {  	vm10 =	vgt.s32 v39, $0xFFFFFFFF;
	v44 =	vsel vm11, $0x0, v46;
	v46 =	vadd.s32 v40, v48;
	(pc) =	sbr.rel @p1 .LBB2_22-.Ltmp11, $4  }
0x18e: {  	v40 =	vmax.f32 v43, $0.0e+00;
	v43 =	vadd.s32 v45, v44;
	v44 =	vsel vm2, $0x0, v47  }
0x18f: {  	v45 =	vmin.f32 v40, $1.638300000e+04;
	v47 =	vperm.xlane v43, v8;
	v40 =	vadd.s32 v44, v42  }
0x190: {  	v42 =	vsel vm10, $0xFFFFFFFF, v24;
	v44 =	vtrunc.f32 v45;
	(v2sf) =	vpush v40, $0xF  }
0x191: {  	s18 =	sshra.s32 s12, $0x2;
	s12 =	sadd.s32 $0x40, s12;
	s10 =	sadd.s32 $0x10, s10;
	v41 =	vsel vm9, v46, v41;
	v45 =	vcvt.f32.s32 v44;
	v44 =	vsel vm0, $0x0, v47  }
0x192: {  	v46 =	vld [tilespmem:s18+$0x0];
	_ =	sdelay $0x3  }
0x193: {  	v45 =	vsub.s32 $0x3FFF, v45  }
0x194: {  	vm10 =	vle.s32 v45, v33;
	v47 =	vmul.f32 $1.638400000e+04, v46  }
0x195: {  	v55 =	vsel vm10, $0x1, v5  }
0x196: {  	v48 =	vperm.xlane v55, v7;
	v54 =	vmax.f32 v47, $0.0e+00  }
0x197: {  	v45 =	vmin.f32 v54, $1.638300000e+04  }
0x198: {  	v48 =	vsel vm11, $0x0, v48;
	v45 =	vtrunc.f32 v45  }
0x199: {  	v47 =	vadd.s32 v55, v48;
	v45 =	vcvt.f32.s32 v45  }
0x19a: {  	v48 =	vperm.xlane v47, v8  }
0x19b: {  	v45 =	vsub.s32 $0x3FFF, v45  }
0x19c: {  	v43 =	vadd.s32 v44, v43;
	v48 =	vsel vm0, $0x0, v48;
	vm9 =	vle.s32 v45, v33  }
0x19d: {  	v57 =	vperm.xlane v43, v9;
	v47 =	vadd.s32 v48, v47;
	v56 =	vsel vm9, $0x1, v5  }
0x19e: {  	v59 =	vperm.xlane v47, v9;
	v49 =	vperm.xlane v56, v7  }
0x19f: {  	v45 =	vsel vm1, $0x0, v57  }
0x1a0: {  	v43 =	vadd.s32 v45, v43;
	v60 =	vsel vm1, $0x0, v59;
	v58 =	vsel vm11, $0x0, v49  }
0x1a1: {  	v45 =	vperm.xlane v43, v10;
	v47 =	vadd.s32 v60, v47;
	v44 =	vadd.s32 v56, v58  }
0x1a2: {  	v48 =	vperm.xlane v47, v10;
	v61 =	vperm.xlane v44, v8  }
0x1a3: {  	v45 =	vsel vm2, $0x0, v45  }
0x1a4: {  	v43 =	vadd.s32 v45, v43;
	v62 =	vsel vm2, $0x0, v48;
	v49 =	vsel vm0, $0x0, v61  }
0x1a5: {  	(v2sf) =	vpush v43, $0xF;
	v45 =	vadd.s32 v62, v47;
	v44 =	vadd.s32 v49, v44  }
0x1a6: {  	(v2sf) =	vpush v45, $0xF;
	v63 =	vperm.xlane v44, v9;
	_ =	sdelay $0x1  }
0x1a7: {  	v48 =	vsel vm1, $0x0, v63  }
0x1a8: {  	v44 =	vadd.s32 v48, v44  }
0x1a9: {  	v47 =	vperm.xlane v44, v10;
	_ =	sdelay $0x1  }
0x1aa: {  	s12 =	spop (v2sf);
	v47 =	vsel vm2, $0x0, v47  }
0x1ab: {  	v39 =	vxor.u32 v39, v42;
	vm7 =	vmmov vm7;
	s12 =	sadd.s32 s14, s12;
	v44 =	vadd.s32 v47, v44  }
0x1ac: {  	v50 =	vor.u32 s17, v0;
	vm8 =	vmmov vm8;
	s14 =	sadd.s32 s1, s12;
	(v2sf) =	vpush v44, $0xF  }
0x1ad: {  	v53 =	vor.u32 s0, v0;
	v42 =	vand.u32 $0x7FF, v50;
	v37 =	vadd.s32 s14, v37  }
0x1ae: {  	v42 =	vor.u32 $0x40000, v42;
	v37 =	vadd.s32 v40, v37;
	vm15 =	vgt.s32 v46, $0xFFFFFFFF  }
0x1af: {  	v51 =	vsel vm10, $0xFFFFFFFF, v5;
	v37 =	vsel vm7, v37, v42;
	v52 =	vsel vm15, $0xFFFFFFFF, v24;
	s31 =	spop (v2sf)  }
0x1b0: {  	vm7 =	vmmov vm8;
	v42 =	vxor.u32 v46, v52;
	v46 =	vand.u32 $0x7FF, v53;
	s12 =	sadd.s32 s12, s31  }
0x1b1: {  	[tilespmem:s2+$0x1800] =	vst v41;
	vm8 =	vmmov vm10;
	v55 =	vor.u32 s8, v0;
	v46 =	vor.u32 $0x40000, v46;
	s14 =	sadd.s32 s1, s12  }
0x1b2: {  	[tilespmem:s15+$0x800] =	vst v39;
	v39 =	vand.u32 $0x7FF, v55;
	v54 =	vsel vm9, $0xFFFFFFFF, v5;
	v38 =	vadd.s32 s14, v38;
	s16 =	spop (v2sf)  }
0x1b3: {  	v58 =	vor.u32 s10, v0;
	v38 =	vadd.s32 v43, v38;
	v49 =	vor.u32 s10, v4;
	s17 =	sadd.s32 s12, s16;
	s29 =	spop (v2sf)  }
0x1b4: {  	v56 =	vor.u32 $0x40000, v39;
	v59 =	vand.u32 $0x7FF, v58;
	v38 =	vsel vm7, v38, v46;
	[tilespmem:s18+$0x1000] =	vst v49;
	s28 =	sadd.s32 s1, s17;
	s0 =	sadd.s32 s17, s29  }
0x1b5: {  	vm7 =	vmmov vm8;
	vm8 =	vmmov vm9;
	[tilespmem:s11+$0x1800] =	vst v37;
	v40 =	vadd.s32 s28, v51;
	s30 =	sadd.s32 s1, s0  }
0x1b6: {  	v61 =	vor.u32 $0x40000, v59;
	[tilespmem:s18+$0x800] =	vst v42;
	v57 =	vadd.s32 v45, v40;
	v60 =	vadd.s32 s30, v54  }
0x1b7: {  	[tilespmem:s13+$0x1800] =	vst v38;
	v37 =	vsel vm7, v57, v56;
	vm7 =	vmmov vm8;
	v62 =	vadd.s32 v44, v60  }
0x1b8: {  	[tilespmem:s15+$0x1800] =	vst v37;
	v63 =	vsel vm7, v62, v61  }
0x1b9: {  	[tilespmem:s18+$0x1800] =	vst v63  }
0x1ba: {  	[spmem:s4] =	stream.indirect.scatter [tilespmem:s22], [sflag:$0x1], $0x1, s23, s22, $0xb8;
	[tilespmem:$0x17E90] =	vst v63  }
0x1bb: {  	s31 =	spop (v2sf)  }
0x1bc: {  	s9 =	sadd.s32 $0x1, s9;
	_ =	swait.ge [sflag:s24], $0x800  }
0x1bd: {  	p1 =	sne.s32 s9, $0x8;
	[sflag:s24] =	ssyncset.done $0x0  }
.Ltmp12:
0x1be: {  	[sflag:s24] =	ssyncadd.s32 $0xFFFFF800;
	(pc) =	sbr.rel @p1 .LBB2_21-.Ltmp12, $4  }
0x1bf: {  	[spmem:s6] =	stream.indirect.scatter [tilespmem:s25], [sflag:$0x1], $0x1, s23, s22, $0xb8;
	[tilespmem:$0x17E90] =	vst v63  }
0x1c0: {  	_ =	swait.ge [sflag:s24], $0x800  }
0x1c1: {  	[sflag:s24] =	ssyncset.done $0x0  }
0x1c2: {  	s7 =	sadd.s32 $0x800, s7;
	s14 =	sadd.s32 s0, s31;
	[sflag:s24] =	ssyncadd.s32 $0xFFFFF800  }
0x1c3: {  	(v2sf) =	vpush v35, $0x0  }
0x1c4: {  	(v2sf) =	vpush v36, $0x0;
	_ =	sdelay $0xd  }
0x1c5: {  	s0 =	spop (v2sf)  }
0x1c6: {  	s2 =	spop (v2sf)  }
0x1c7: {  	s31 =	simm.s32 $0x0;
	s2 =	ssub.s32 s2, s0;
	s0 =	sadd.s32 s1, s0  }
0x1c8: {  	v63 =	vor.u32 s31, v0;
	v33 =	vmov s2;
	v35 =	vmov s0  }
0x1c9: {  	v37 =	vor.u32 s31, v26;
	vm6 =	vlt.s32 v63, v33;
	v36 =	vadd.s32 v35, v63  }
0x1ca: {  	s0 =	simm.s32 $0xF180;
	v36 =	vsel vm6, v36, v37  }
0x1cb: {  	s1 =	simm.s32 $0xF200;
	[tilespmem:s0+$0x0] =	vst v36  }
0x1cc: {  	s2 =	simm.s32 $0x10;
	[tilespmem:s1+$0x0] =	vst v25  }
.LBB2_25:
0x1cd: {  	p1 =	sne.s32 s2, $0x70  }
.Ltmp13:
0x1ce: {  	v36 =	vor.u32 s2, v0;
	(pc) =	sbr.rel @p1 .LBB2_25-.Ltmp13, $4  }
0x1cf: {  	v37 =	vor.u32 s2, v26;
	s2 =	sadd.s32 $0x10, s2;
	vm6 =	vlt.s32 v36, v33;
	v36 =	vadd.s32 v35, v36  }
0x1d0: {  	s0 =	sadd.s32 $0x10, s0;
	v36 =	vsel vm6, v36, v37  }
0x1d1: {  	s1 =	sadd.s32 $0x10, s1;
	[tilespmem:s0+$0x0] =	vst v36  }
0x1d2: {  	[tilespmem:s1+$0x0] =	vst v25  }
0x1d3: {  	s0 =	simm.s32 $0xF180;
	s1 =	simm.s32 $0xF200  }
0x1d4: {  	[spmem:s4] =	stream.indirect.scatter [tilespmem:s1], [sflag:$0x1], $0x1, s0, s26, $0xb8;
	[tilespmem:$0x17E90] =	vst v63  }
0x1d5: {  	_ =	swait.ge [sflag:s24], $0x80  }
0x1d6: {  	[sflag:s24] =	ssyncset.done $0x0  }
0x1d7: {  	[sflag:s24] =	ssyncadd.s32 $0xFFFFFF80  }
0x1d8: {  	[tilespmem:$0xF200] =	vst v27  }
0x1d9: {  	[tilespmem:$0xF210] =	vst v27  }
0x1da: {  	[tilespmem:$0xF220] =	vst v27  }
0x1db: {  	[tilespmem:$0xF230] =	vst v27  }
0x1dc: {  	[tilespmem:$0xF240] =	vst v27  }
0x1dd: {  	[tilespmem:$0xF250] =	vst v27  }
0x1de: {  	[tilespmem:$0xF260] =	vst v27  }
0x1df: {  	[tilespmem:$0xF270] =	vst v27  }
0x1e0: {  	[spmem:s6] =	stream.indirect.scatter [tilespmem:s1], [sflag:$0x1], $0x1, s0, s26, $0xb8;
	[tilespmem:$0x17E90] =	vst v63  }
0x1e1: {  	_ =	swait.ge [sflag:s24], $0x80  }
0x1e2: {  	(v2sf) =	vpush v34, $0xF;
	_ =	sdelay $0xe  }
0x1e3: {  	s0 =	simm.s32 $0x1;
	s2 =	spop (v2sf)  }
0x1e4: {  	s1 =	simm.s32 $0x1;
	p1 =	sgt.s32 s2, $0x10000;
	p2 =	sgt.s32 s2, $0x20000  }
0x1e5: {  	s0 =	simm.s32 @!p1 $0x0;
	s1 =	simm.s32 @!p2 $0x0  }
0x1e6: {  	s28 =	simm.s32 $0x10000;
	s0 =	sadd.s32 s1, s0  }
0x1e7: {  	s1 =	sshll.u32 s28, s0  }
0x1e8: {  	s5 =	simm.s32 $0x1;
	s3 =	ssub.s32 s1, s2;
	p1 =	sne.s32 s1, s2  }
0x1e9: {  	s29 =	stileid.u32;
	s7 =	sshra.s32 s3, $0x1F;
	s5 =	simm.s32 @!p1 $0x0  }
0x1ea: {  	[sflag:s24] =	ssyncset.done $0x0;
	s8 =	sand.u32 $0x7F, s3;
	s5 =	sor.u32 s5, s7  }
0x1eb: {  	s7 =	sshrl.u32 s7, $0x19;
	p4 =	sne.s32 s8, $0x0;
	p3 =	sne.s32 s5, $0x1  }
0x1ec: {  	[sflag:s24] =	ssyncadd.s32 $0xFFFFFF80;
	s3 =	sadd.s32 s7, s3;
	p1 =	por !p4, !p3  }
0x1ed: {  	[tilespmem:$0x800] =	vst v25;
	s5 =	simm.s32 $0x1;
	s3 =	sshra.s32 s3, $0x7;
	p1 =	por !p1, !p1  }
0x1ee: {  	[tilespmem:$0x1000] =	vst v27;
	s3 =	ssub.s32 s3, s29;
	s5 =	simm.s32 @!p1 $0x0  }
0x1ef: {  	[tilespmem:$0x810] =	vst v25;
	s3 =	ssub.s32 s3, s5  }
0x1f0: {  	[tilespmem:$0x1010] =	vst v27;
	s5 =	sadd.s32 $0xF, s3  }
0x1f1: {  	[tilespmem:$0x820] =	vst v25;
	s30 =	sand.u32 $0xF, s5  }
0x1f2: {  	[tilespmem:$0x1020] =	vst v27;
	p5 =	slt.s32 s3, $0xFFFFFFF2;
	p6 =	sne.s32 s30, $0x0  }
0x1f3: {  	[tilespmem:$0x830] =	vst v25;
	s31 =	sshrl.u32 s5, $0x1C;
	p1 =	por !p5, !p6  }
0x1f4: {  	[tilespmem:$0x1030] =	vst v27;
	s3 =	sadd.s32 s31, s5;
	s5 =	simm.s32 $0x1;
	p1 =	por !p1, !p1  }
0x1f5: {  	[tilespmem:$0x840] =	vst v25;
	s3 =	sshra.s32 s3, $0x4;
	s5 =	simm.s32 @!p1 $0x0  }
0x1f6: {  	[tilespmem:$0x1040] =	vst v27;
	s5 =	ssub.s32 s3, s5  }
0x1f7: {  	[tilespmem:$0x850] =	vst v25;
	p1 =	slt.s32 s5, $0x1  }
.Ltmp14:
0x1f8: {  	[tilespmem:$0x1050] =	vst v27;
	(pc) =	sbr.rel @p1 .LBB2_30-.Ltmp14, $4  }
0x1f9: {  	[tilespmem:$0x860] =	vst v25  }
0x1fa: {  	[tilespmem:$0x1060] =	vst v27  }
0x1fb: {  	[tilespmem:$0x870] =	vst v25  }
0x1fc: {  	[tilespmem:$0x1070] =	vst v27  }
0x1fd: {  	s2 =	sshll.u32 s2, $0x2  }
0x1fe: {  	s31 =	rddreg [dreg:$0x17];
	s3 =	sshra.s32 s2, $0x2  }
0x1ff: {  	s2 =	sadd.s32 s3, s31  }
0x200: {  	[spmem:s2] =	stream.linear.scatter [tilespmem:s22], [sflag:$0x1], $0x80, $0x38;
	[tilespmem:$0x17E90] =	vst v63  }
0x201: {  	p1 =	sne.s32 s5, $0x1;
	_ =	swait.ge [sflag:s24], $0x80  }
.Ltmp15:
0x202: {  	[sflag:s24] =	ssyncset.done $0x0;
	s7 =	rddreg [dreg:$0x16];
	(pc) =	sbr.rel @!p1 .LBB2_29-.Ltmp15, $4  }
0x203: {  	s3 =	sadd.s32 s3, s7;
	[sflag:s24] =	ssyncadd.s32 $0xFFFFFF80  }
0x204: {  	[spmem:s3] =	stream.linear.scatter [tilespmem:s25], [sflag:$0x1], $0x80, $0x38;
	[tilespmem:$0x17E90] =	vst v63  }
0x205: {  	_ =	swait.ge [sflag:s24], $0x80  }
0x206: {  	s5 =	sadd.s32 $0xFFFFFFFF, s5;
	[sflag:s24] =	ssyncset.done $0x0  }
.LBB2_28:
0x207: {  	[sflag:s24] =	ssyncadd.s32 $0xFFFFFF80;
	s3 =	sadd.s32 $0x800, s3;
	s2 =	sadd.s32 $0x800, s2  }
0x208: {  	[spmem:s2] =	stream.linear.scatter [tilespmem:s22], [sflag:$0x1], $0x80, $0x38;
	[tilespmem:$0x17E90] =	vst v63  }
0x209: {  	p1 =	sne.s32 s5, $0x1;
	s5 =	sadd.s32 $0xFFFFFFFF, s5;
	_ =	swait.ge [sflag:s24], $0x80  }
.Ltmp16:
0x20a: {  	[sflag:s24] =	ssyncset.done $0x0;
	(pc) =	sbr.rel @p1 .LBB2_28-.Ltmp16, $4  }
0x20b: {  	[sflag:s24] =	ssyncadd.s32 $0xFFFFFF80  }
0x20c: {  	[spmem:s3] =	stream.linear.scatter [tilespmem:s25], [sflag:$0x1], $0x80, $0x38;
	[tilespmem:$0x17E90] =	vst v63  }
0x20d: {  	_ =	swait.ge [sflag:s24], $0x80  }
0x20e: {  	[sflag:s24] =	ssyncset.done $0x0  }
.LBB2_29:
0x20f: {  	[sflag:s24] =	ssyncadd.s32 $0xFFFFFF80  }
.LBB2_30:
0x210: {  	s16 =	sor.u32 $0xC, s0;
	s2 =	stileid.u32  }
0x211: {  	[bflag:$0x0] =	sbarrier.arrive $0xFFFF;
	s30 =	sshll.u32 s2, s16  }
0x212: {  	s19 =	sshrl.u32 s1, $0xF;
	s2 =	simm.s32 $0x2000;
	s8 =	sadd.s32 s30, s4  }
0x213: {  	[tilespmem:s2], [sflag:$0x1] =	stream.linear.gather [spmem:s8], $0x800, $0x38;
	[tilespmem:$0x17E90] =	vst v63  }
0x214: {  	p2 =	sne.s32 s19, $0x1;
	_ =	swait.ge [sflag:s24], $0x800  }
.Ltmp17:
0x215: {  	s3 =	simm.s32 $0x6000;
	[sflag:s24] =	ssyncset.done $0x0;
	(pc) =	sbr.rel @!p2 .LBB2_32-.Ltmp17, $4  }
0x216: {  	s5 =	sadd.s32 $0xFFFFFFFF, s19;
	s7 =	sadd.s32 s30, s6;
	[sflag:s24] =	ssyncadd.s32 $0xFFFFF800  }
0x217: {  	[tilespmem:s3], [sflag:$0x1] =	stream.linear.gather [spmem:s7], $0x800, $0x38;
	[tilespmem:$0x17E90] =	vst v63  }
0x218: {  	_ =	swait.ge [sflag:s24], $0x800;
	[dreg:$0x1c] =	wrdreg s7;
	s7 =	sadd.s32 $0x800, s7  }
0x219: {  	[dreg:$0x1b] =	wrdreg s8;
	s8 =	sadd.s32 $0x800, s8;
	[sflag:s24] =	ssyncset.done $0x0  }
.LBB2_31:
0x21a: {  	[sflag:s24] =	ssyncadd.s32 $0xFFFFF800;
	s2 =	sadd.s32 $0x800, s2;
	s3 =	sadd.s32 $0x800, s3  }
0x21b: {  	[tilespmem:s2], [sflag:$0x1] =	stream.linear.gather [spmem:s8], $0x800, $0x38;
	[tilespmem:$0x17E90] =	vst v63  }
0x21c: {  	p1 =	sne.s32 s5, $0x1;
	s5 =	sadd.s32 $0xFFFFFFFF, s5;
	_ =	swait.ge [sflag:s24], $0x800  }
.Ltmp18:
0x21d: {  	[sflag:s24] =	ssyncset.done $0x0;
	(pc) =	sbr.rel @p1 .LBB2_31-.Ltmp18, $4  }
0x21e: {  	[sflag:s24] =	ssyncadd.s32 $0xFFFFF800  }
0x21f: {  	[tilespmem:s3], [sflag:$0x1] =	stream.linear.gather [spmem:s7], $0x800, $0x38;
	[tilespmem:$0x17E90] =	vst v63  }
0x220: {  	_ =	swait.ge [sflag:s24], $0x800  }
0x221: {  	s8 =	sadd.s32 $0x800, s8;
	s7 =	sadd.s32 $0x800, s7;
	[sflag:s24] =	ssyncset.done $0x0  }
.LBB2_32:
0x222: {  	s2 =	sshrl.u32 s1, $0x9  }
0x223: {  	[sflag:s24] =	ssyncadd.s32 $0xFFFFF800;
	s0 =	sor.u32 $0x10, s0;
	[dreg:$0x7] =	wrdreg s2  }
0x224: {  	s17 =	sshrl.u32 s1, $0x8;
	s3 =	simm.s32 $0x1;
	[dreg:$0x1d] =	wrdreg s0  }
.LBB2_33:
0x225: {  	p1 =	slt.u32 s3, $0x5  }
.Ltmp19:
0x226: {  	_ = 	snop;
	(pc) =	sbr.rel @p1 .LBB2_53-.Ltmp19, $1  }
0x227: {  	_ =	sdelay $0x3  }
.Ltmp20:
0x228: {  	(pc) =	sbr.rel .LBB2_35-.Ltmp20, $4  }
0x229: {  	s0 =	sshrl.u32 s30, s3  }
0x22a: {  	s0 =	sand.u32 $0x1, s0  }
0x22b: {  	p3 =	seq.s32 s0, $0x1  }
0x22c: {  	s23 =	sadd.s32 $0xFFFFFFFB, s3;
	s18 =	simm.s32 $0x0;
	p4 =	por !p3, !p3  }
.LBB2_44:
0x22d: {  	s8 =	smov.u32 s13;
	v34 =	vmov v47;
	s5 =	simm.s32 $0x0  }
.LBB2_51:
0x22e: {  	_ =	sdelay $0x2  }
0x22f: {  	v50 =	vld @p6 [tilespmem:s22+$0x6000];
	vm7 =	veq.s32 @p6 v55, v56;
	s1 =	sadd.s32 @p5 $0x3, s25;
	vm8 =	veq.s32 @p6 v35, v37;
	vm9 =	vgt.s32 @p6 v40, v38  }
0x230: {  	[tilespmem:v33+s12+$0x6000 ss:$0x1] =	vst.idx.msk @p6 $0xffff, v54;
	s0 =	sadd.s32 @p6 s30, s0;
	v48 =	vld [tilespmem:s8+$0x2000];
	vm10 =	vgt.s32 @p6 v35, v37;
	v49 =	vsel @p6 vm7, v43, v39;
	s10 =	sshrl.u32 @p5 s1, s7;
	s1 =	sand.u32 @p5 s11, s1;
	vm8 =	vmand @p6 vm8, vm9  }
0x231: {  	s0 =	sshrl.u32 @p6 s0, s3;
	v53 =	vsel @p6 vm7, v46, v45;
	v43 =	vsel @p6 vm7, v39, v43;
	v39 =	vld.idx.msk [tilespmem:v33+s8+$0x6000 ss:$0x1], $0xffff;
	[tilespmem:s26+$0x2000] =	vst @p6 v49;
	s10 =	sshll.u32 @p5 s10, s9;
	s1 =	sshll.u32 @p5 s1, $0x4;
	vm8 =	vmor @p6 vm10, vm8  }
0x232: {  	v49 =	vld [tilespmem:s8+$0x6000];
	s12 =	sand.u32 @p6 $0x1, s0;
	[tilespmem:s26+$0x6000] =	vst @p6 v53;
	vm10 =	vgt.s32 @p6 v36, v41;
	s0 =	sadd.s32 @p5 s1, s10;
	v53 =	vsel @p6 vm8, $0x1, v5  }
0x233: {  	v54 =	vmov @p6 s12;
	[tilespmem:v33+s26+$0x2000 ss:$0x1] =	vst.idx.msk @p6 $0xffff, v43;
	v43 =	vsel @p6 vm7, v45, v46;
	vm7 =	veq.s32 @p6 v36, v41;
	v45 =	vld.idx.msk @p5 [tilespmem:v33+s0+$0x2000 ss:$0x1], $0xffff  }
0x234: {  	s1 =	sadd.s32 @p6 s30, s28;
	s28 =	sadd.s32 s30, s29;
	vm9 =	veq.s32 @p6 v54, v53;
	v46 =	vld @p5 [tilespmem:s0+$0x2000];
	[tilespmem:v33+s26+$0x6000 ss:$0x1] =	vst.idx.msk @p6 $0xffff, v43;
	v43 =	vsel @p5 vm6, v44, v47  }
0x235: {  	s1 =	sshrl.u32 @p6 s1, s3;
	v54 =	vld.idx.msk @p5 [tilespmem:v33+s0+$0x6000 ss:$0x1], $0xffff;
	s29 =	sshrl.u32 s28, s3;
	vm8 =	vgt.s32 @p6 v50, v42;
	v53 =	vsel @p6 vm9, v35, v37;
	v35 =	vsel @p6 vm9, v37, v35  }
0x236: {  	s12 =	sadd.s32 @p5 $0x2, s25;
	v55 =	vld @p5 [tilespmem:s0+$0x6000];
	s1 =	sand.u32 @p6 $0x1, s1;
	vm12 =	veq.s32 v48, v34;
	s31 =	sand.u32 $0x1, s29;
	vm7 =	vmand @p6 vm7, vm8;
	[tilespmem:s2+$0x2000] =	vst @p6 v53;
	v53 =	vsel @p6 vm9, v40, v38  }
0x237: {  	s14 =	sshrl.u32 @p5 s12, s7;
	s15 =	sand.u32 @p5 s11, s12;
	v61 =	vmov s31;
	vm7 =	vmor @p6 vm10, vm7;
	[tilespmem:s2+$0x6000] =	vst @p6 v53;
	v53 =	vmov @p6 s1  }
0x238: {  	s12 =	sshll.u32 @p5 s14, s9;
	s14 =	sshll.u32 @p5 s15, $0x4;
	vm13 =	vgt.s32 v49, v39;
	v56 =	vsel @p6 vm7, $0x1, v5;
	[tilespmem:v33+s2+$0x2000 ss:$0x1] =	vst.idx.msk @p6 $0xffff, v35;
	v35 =	vsel @p6 vm9, v38, v40  }
0x239: {  	v37 =	vmovc @p5 v52;
	[tilespmem:s13+$0x2000] =	vst @p5 v43;
	s1 =	sadd.s32 @p5 s14, s12;
	v43 =	vmovc @p5 v47;
	vm7 =	vmmov @p5 vm6;
	vm6 =	vgt.s32 v48, v34;
	vm9 =	vmand vm12, vm13  }
0x23a: {  	v40 =	vmovc @p5 v51;
	v51 =	vld.idx.msk @p5 [tilespmem:v33+s1+$0x6000 ss:$0x1], $0xffff;
	vm8 =	veq.s32 @p6 v53, v56;
	vm6 =	vmor vm6, vm9;
	vm9 =	veq.s32 @p5 v46, v45  }
0x23b: {  	[tilespmem:v33+s2+$0x6000 ss:$0x1] =	vst.idx.msk @p6 $0xffff, v35;
	vm10 =	vgt.s32 @p5 v55, v54;
	v38 =	vsel @p6 vm8, v36, v41;
	v62 =	vsel vm6, $0x1, v5  }
0x23c: {  	v52 =	vld @p5 [tilespmem:s1+$0x2000];
	v47 =	vpsel p5, v55, v0;
	[tilespmem:s22+$0x2000] =	vst @p6 v38;
	v38 =	vsel @p6 vm8, v50, v42;
	vm6 =	veq.s32 v61, v62  }
0x23d: {  	s15 =	sadd.s32 @p5 $0x1, s25;
	v35 =	vld.idx.msk @p5 [tilespmem:v33+s1+$0x2000 ss:$0x1], $0xffff;
	v36 =	vsel @p6 vm8, v41, v36;
	vm9 =	vmand @p5 vm9, vm10;
	[tilespmem:s22+$0x6000] =	vst @p6 v38;
	v63 =	vsel vm6, v48, v34  }
0x23e: {  	s10 =	sadd.s32 @p5 s30, s10;
	s2 =	sshrl.u32 @p5 s15, s7;
	s15 =	sand.u32 @p5 s11, s15;
	vm6 =	vmmov vm6;
	[tilespmem:v33+s22+$0x2000 ss:$0x1] =	vst.idx.msk @p6 $0xffff, v36;
	v36 =	vsel @p6 vm8, v42, v50;
	v42 =	vsel @p5 vm7, v37, v40  }
0x23f: {  	s10 =	sshrl.u32 @p5 s10, s3;
	s14 =	sshll.u32 @p5 s2, s9;
	s2 =	sshll.u32 @p5 s15, $0x4;
	vm8 =	vgt.s32 @p5 v46, v45;
	v37 =	vsel @p5 vm7, v40, v37;
	v46 =	vpsel p5, v46, v0  }
0x240: {  	s10 =	sand.u32 @p5 $0x1, s10;
	v41 =	vld @p5 [tilespmem:s1+$0x6000];
	s2 =	sadd.s32 @p5 s2, s14;
	v45 =	vpsel p5, v45, v0;
	[tilespmem:s8+$0x2000] =	vst v63;
	v61 =	vsel vm6, v49, v39;
	v62 =	vsel vm6, v34, v48  }
0x241: {  	v38 =	vld.idx.msk @p5 [tilespmem:v33+s2+$0x2000 ss:$0x1], $0xffff;
	v40 =	vmov @p5 s10;
	v63 =	vsel vm6, v39, v49;
	[tilespmem:v33+s22+$0x6000 ss:$0x1] =	vst.idx.msk @p6 $0xffff, v36;
	v36 =	vsel @p5 vm7, v43, v44  }
0x242: {  	[tilespmem:s13+$0x6000] =	vst @p5 v42;
	v37 =	vpsel p5, v37, v0;
	v40 =	vpsel p5, v40, v0;
	v42 =	vpsel p5, v52, v0  }
0x243: {  	s26 =	sadd.s32 $0x3, s5;
	v50 =	vld @p5 [tilespmem:s2+$0x2000];
	s10 =	smov.u32 @p5 s13;
	vm8 =	vmor @p5 vm8, vm9;
	v35 =	vpsel p5, v35, v0;
	v43 =	vpsel p5, v51, v0;
	[tilespmem:v33+s13+$0x2000 ss:$0x1] =	vst.idx.msk @p5 $0xffff, v36  }
0x244: {  	s28 =	sshrl.u32 s26, s7;
	v44 =	vld.idx.msk @p5 [tilespmem:v33+s2+$0x6000 ss:$0x1], $0xffff;
	v51 =	vpsel p5, v54, v0;
	v36 =	vsel @p5 vm8, $0x1, v5;
	[tilespmem:v33+s10+$0x6000 ss:$0x1] =	vst.idx.msk @p5 $0xffff, v37;
	s10 =	smov.u32 @p5 s0;
	s0 =	sand.u32 s11, s26  }
0x245: {  	s2 =	smov.u32 @p5 s2;
	[tilespmem:s8+$0x6000] =	vst v61;
	v41 =	vpsel p5, v41, v0;
	vm8 =	veq.s32 @p5 v42, v35;
	s13 =	sshll.u32 s28, s9;
	v36 =	vpsel p5, v36, v0;
	s0 =	sshll.u32 s0, $0x4  }
0x246: {  	s29 =	sadd.s32 $0x2, s5;
	s12 =	smov.u32 @p5 s12;
	vm10 =	vgt.s32 @p5 v42, v35;
	[tilespmem:v33+s8+$0x2000 ss:$0x1] =	vst.idx.msk $0xffff, v62;
	v37 =	vld @p5 [tilespmem:s2+$0x6000];
	vm7 =	veq.s32 @p5 v40, v36;
	s0 =	sadd.s32 s0, s13  }
0x247: {  	s31 =	sshrl.u32 s29, s7;
	s12 =	sadd.s32 @p5 s30, s12;
	s15 =	sadd.s32 $0x1, s5;
	vm9 =	vgt.s32 @p5 v41, v43;
	v38 =	vpsel p5, v38, v0;
	v36 =	vsel @p5 vm7, v46, v45;
	v56 =	vld.idx.msk [tilespmem:v33+s0+$0x2000 ss:$0x1], $0xffff  }
0x248: {  	s12 =	sshrl.u32 @p5 s12, s3;
	s5 =	sand.u32 s11, s15;
	s22 =	sshrl.u32 s15, s7;
	vm8 =	vmand @p5 vm8, vm9;
	v50 =	vpsel p5, v50, v0;
	[tilespmem:s10+$0x2000] =	vst @p5 v36;
	v36 =	vsel @p5 vm7, v47, v51;
	v57 =	vld [tilespmem:s0+$0x2000]  }
0x249: {  	s12 =	sand.u32 @p5 $0x1, s12;
	s5 =	sshll.u32 s5, $0x4;
	s7 =	sshll.u32 s22, s9;
	vm8 =	vmor @p5 vm10, vm8;
	v40 =	vpsel p5, v44, v0;
	v58 =	vld.idx.msk [tilespmem:v33+s0+$0x6000 ss:$0x1], $0xffff;
	[tilespmem:s10+$0x6000] =	vst @p5 v36;
	v36 =	vsel @p5 vm7, v45, v46  }
0x24a: {  	s14 =	smov.u32 @p5 s14;
	s5 =	sadd.s32 s5, s7;
	v44 =	vsel @p5 vm8, $0x1, v5;
	vm10 =	vgt.s32 @p5 v50, v38;
	v59 =	vld [tilespmem:s0+$0x6000];
	v45 =	vmov @p5 s12;
	[tilespmem:v33+s10+$0x2000 ss:$0x1] =	vst.idx.msk @p5 $0xffff, v36  }
0x24b: {  	s12 =	sadd.s32 @p5 s30, s14;
	s14 =	smov.u32 @p5 s1;
	s1 =	sand.u32 s11, s29;
	v36 =	vsel @p5 vm7, v51, v47;
	vm7 =	veq.s32 @p5 v50, v38;
	vm9 =	veq.s32 @p5 v45, v44  }
0x24c: {  	vm8 =	vgt.s32 @p5 v37, v40;
	s12 =	sshrl.u32 @p5 s12, s3;
	s1 =	sshll.u32 s1, $0x4;
	v45 =	vsel @p5 vm9, v42, v35;
	[tilespmem:v33+s10+$0x6000 ss:$0x1] =	vst.idx.msk @p5 $0xffff, v36;
	s10 =	sshll.u32 s31, s9  }
0x24d: {  	v48 =	vld.idx.msk [tilespmem:v33+s5+$0x6000 ss:$0x1], $0xffff;
	vm7 =	vmand @p5 vm7, vm8;
	s12 =	sand.u32 @p5 $0x1, s12;
	v35 =	vsel @p5 vm9, v35, v42;
	[tilespmem:s14+$0x2000] =	vst @p5 v45;
	v45 =	vsel @p5 vm9, v41, v43;
	s1 =	sadd.s32 s1, s10  }
0x24e: {  	vm7 =	vmor @p5 vm10, vm7;
	v52 =	vmov @p5 s12;
	[tilespmem:s14+$0x6000] =	vst @p5 v45;
	vm14 =	veq.s32 v57, v56;
	v60 =	vld [tilespmem:s1+$0x6000]  }
0x24f: {  	v51 =	vsel @p5 vm7, $0x1, v5;
	vm15 =	vgt.s32 v59, v58;
	[tilespmem:v33+s14+$0x2000 ss:$0x1] =	vst.idx.msk @p5 $0xffff, v35;
	v35 =	vsel @p5 vm9, v43, v41;
	v41 =	vld [tilespmem:s1+$0x2000]  }
0x250: {  	[tilespmem:v33+s8+$0x6000 ss:$0x1] =	vst.idx.msk $0xffff, v63;
	vm7 =	veq.s32 @p5 v52, v51;
	v43 =	vld.idx.msk [tilespmem:v33+s1+$0x6000 ss:$0x1], $0xffff;
	vm8 =	vmand vm14, vm15  }
0x251: {  	s25 =	sadd.s32 s30, s13;
	v42 =	vsel @p5 vm7, v50, v38;
	[tilespmem:v33+s14+$0x6000 ss:$0x1] =	vst.idx.msk @p5 $0xffff, v35;
	v35 =	vld.idx.msk [tilespmem:v33+s1+$0x2000 ss:$0x1], $0xffff;
	v38 =	vsel @p5 vm7, v38, v50  }
0x252: {  	s9 =	sshrl.u32 s25, s3;
	[tilespmem:s2+$0x2000] =	vst @p5 v42;
	v42 =	vsel @p5 vm7, v37, v40;
	v37 =	vsel @p5 vm7, v40, v37;
	vm7 =	vgt.s32 v57, v56  }
0x253: {  	s26 =	sand.u32 $0x1, s9;
	v51 =	vld [tilespmem:s5+$0x6000];
	[tilespmem:s2+$0x6000] =	vst @p5 v42;
	vm7 =	vmor vm7, vm8  }
0x254: {  	v50 =	vmov s26;
	v40 =	vld [tilespmem:s5+$0x2000];
	[tilespmem:v33+s2+$0x2000 ss:$0x1] =	vst.idx.msk @p5 $0xffff, v38;
	v49 =	vsel vm7, $0x1, v5  }
0x255: {  	[tilespmem:v33+s2+$0x6000 ss:$0x1] =	vst.idx.msk @p5 $0xffff, v37;
	v37 =	vld.idx.msk [tilespmem:v33+s5+$0x2000 ss:$0x1], $0xffff;
	vm6 =	veq.s32 v50, v49  }
0x256: {  	s28 =	sadd.s32 s30, s10;
	vm12 =	vgt.s32 v60, v43;
	vm7 =	veq.s32 v41, v35;
	v39 =	vsel vm6, v57, v56  }
0x257: {  	s2 =	sshrl.u32 s28, s3;
	vm13 =	vgt.s32 v41, v35;
	v52 =	vsel vm6, v59, v58;
	vm7 =	vmand vm7, vm12;
	[tilespmem:s0+$0x2000] =	vst v39  }
0x258: {  	s2 =	sand.u32 $0x1, s2;
	v53 =	vsel vm6, v56, v57;
	[tilespmem:s0+$0x6000] =	vst v52;
	vm7 =	vmor vm13, vm7  }
0x259: {  	v36 =	vsel vm6, v58, v59;
	v55 =	vmov s2;
	[tilespmem:v33+s0+$0x2000 ss:$0x1] =	vst.idx.msk $0xffff, v53;
	v54 =	vsel vm7, $0x1, v5  }
0x25a: {  	s29 =	sadd.s32 s30, s7;
	vm7 =	vgt.s32 v51, v48;
	vm6 =	veq.s32 v40, v37;
	vm14 =	veq.s32 v55, v54  }
0x25b: {  	s2 =	sshrl.u32 s29, s3;
	[tilespmem:v33+s0+$0x6000 ss:$0x1] =	vst.idx.msk $0xffff, v36;
	vm15 =	vgt.s32 v40, v37;
	vm6 =	vmand vm6, vm7;
	v56 =	vsel vm14, v41, v35  }
0x25c: {  	s31 =	sand.u32 $0x1, s2;
	v57 =	vsel vm14, v60, v43;
	vm6 =	vmor vm15, vm6;
	[tilespmem:s1+$0x2000] =	vst v56  }
0x25d: {  	v59 =	vmov s31;
	v35 =	vsel vm14, v35, v41;
	[tilespmem:s1+$0x6000] =	vst v57;
	v58 =	vsel vm6, $0x1, v5  }
0x25e: {  	v60 =	vsel vm14, v43, v60;
	[tilespmem:v33+s1+$0x2000 ss:$0x1] =	vst.idx.msk $0xffff, v35;
	vm6 =	veq.s32 v59, v58  }
0x25f: {  	[tilespmem:v33+s1+$0x6000 ss:$0x1] =	vst.idx.msk $0xffff, v60;
	v61 =	vsel vm6, v40, v37  }
0x260: {  	v62 =	vsel vm6, v51, v48;
	[tilespmem:s5+$0x2000] =	vst v61  }
0x261: {  	v63 =	vsel vm6, v37, v40;
	[tilespmem:s5+$0x6000] =	vst v62  }
0x262: {  	v34 =	vsel vm6, v48, v51;
	[tilespmem:v33+s5+$0x2000 ss:$0x1] =	vst.idx.msk $0xffff, v63  }
0x263: {  	[tilespmem:v33+s5+$0x6000 ss:$0x1] =	vst.idx.msk $0xffff, v34  }
.LBB2_52:
0x264: {  	p1 =	sne.s32 s18, s23  }
.Ltmp21:
0x265: {  	_ = 	snop;
	(pc) =	sbr.rel @!p1 .LBB2_53-.Ltmp21, $3  }
0x266: {  	_ =	sdelay $0x1  }
0x267: {  	s0 =	sadd.s32 $0x1, s18  }
0x268: {  	s18 =	smov.u32 s0  }
.LBB2_35:
0x269: {  	s0 =	sxor.u32 $0xFFFFFFFF, s18  }
0x26a: {  	s0 =	sadd.s32 s0, s3  }
0x26b: {  	p1 =	slt.s32 s0, s16  }
.Ltmp22:
0x26c: {  	_ = 	snop;
	(pc) =	sbr.rel @!p1 .LBB2_36-.Ltmp22, $1  }
0x26d: {  	_ =	sdelay $0x3  }
0x26e: {  	s1 =	sshll.u32 s24, s0  }
0x26f: {  	s25 =	sshrl.u32 s1, $0x4;
	v33 =	vmov s1  }
0x270: {  	s7 =	sadd.s32 $0xFFFFFFFC, s0;
	s11 =	sadd.s32 $0xFFFFFFFF, s25;
	s25 =	simm.s32 $0x0  }
0x271: {  	s9 =	ssub.s32 s3, s18;
	s28 =	sshrl.u32 s25, s7;
	s2 =	sand.u32 s11, s25  }
0x272: {  	s26 =	rddreg [dreg:$0x7];
	s29 =	sshll.u32 s28, s9;
	s31 =	sshll.u32 s2, $0x4  }
0x273: {  	p1 =	sgt.u32 s26, $0x4;
	s13 =	sadd.s32 s31, s29  }
.Ltmp23:
0x274: {  	v47 =	vld.idx.msk [tilespmem:v33+s13+$0x2000 ss:$0x1], $0xffff;
	(pc) =	sbr.rel @!p1 .LBB2_44-.Ltmp23, $2  }
0x275: {  	_ =	sdelay $0x2  }
0x276: {  	s5 =	simm.s32 $0x4;
	p5 =	por $0x0, $0x0;
	p6 =	por $0x0, $0x0  }
0x277: {  	_ =	sdelay $0x1  }
0x278: {  	v44 =	vld [tilespmem:s13+$0x2000]  }
0x279: {  	v52 =	vld [tilespmem:s13+$0x6000]  }
0x27a: {  	v51 =	vld.idx.msk [tilespmem:v33+s13+$0x6000 ss:$0x1], $0xffff;
	_ =	sdelay $0x1  }
0x27b: {  	s0 =	rddreg [dreg:$0x7];
	s2 =	sshrl.u32 s5, s7;
	s8 =	sand.u32 s11, s5  }
0x27c: {  	s1 =	sadd.s32 s30, s29;
	s29 =	sshll.u32 s2, s9;
	s31 =	sshll.u32 s8, $0x4  }
0x27d: {  	p1 =	sgt.u32 s0, $0x8;
	s8 =	sadd.s32 s31, s29  }
.Ltmp24:
0x27e: {  	v34 =	vld.idx.msk [tilespmem:v33+s8+$0x2000 ss:$0x1], $0xffff;
	vm6 =	veq.s32 v44, v47;
	vm7 =	vgt.s32 v52, v51;
	(pc) =	sbr.rel @!p1 .LBB2_46-.Ltmp24, $4  }
0x27f: {  	s1 =	sshrl.u32 s1, s3;
	vm8 =	vgt.s32 v44, v47;
	vm6 =	vmand vm6, vm7  }
0x280: {  	s1 =	sand.u32 $0x1, s1;
	vm6 =	vmor vm8, vm6  }
0x281: {  	v35 =	vmov s1;
	v36 =	vsel vm6, $0x1, v5  }
0x282: {  	p5 =	por $0x1, $0x1;
	s1 =	simm.s32 $0x8;
	vm6 =	veq.s32 v35, v36  }
0x283: {  	_ = 	snop  }
0x284: {  	s0 =	simm.s32 $0x3  }
0x285: {  	v48 =	vld [tilespmem:s8+$0x2000];
	s2 =	sshrl.u32 s0, s7;
	s0 =	sand.u32 s11, s0  }
0x286: {  	s21 =	smov.u32 s23;
	v50 =	vld [tilespmem:s8+$0x6000];
	s12 =	sshll.u32 s2, s9;
	s0 =	sshll.u32 s0, $0x4  }
0x287: {  	s20 =	smov.u32 s6;
	s6 =	smov.u32 s4;
	v49 =	vld.idx.msk [tilespmem:v33+s8+$0x6000 ss:$0x1], $0xffff;
	s26 =	sadd.s32 s0, s12  }
0x288: {  	s4 =	smov.u32 s16;
	s23 =	sshrl.u32 s1, s7;
	s25 =	sand.u32 s11, s1;
	v39 =	vld.idx.msk [tilespmem:v33+s26+$0x2000 ss:$0x1], $0xffff  }
0x289: {  	s16 =	simm.s32 $0x2;
	s14 =	sadd.s32 s30, s29;
	s10 =	sshll.u32 s23, s9;
	v43 =	vld [tilespmem:s26+$0x2000]  }
0x28a: {  	s31 =	sshll.u32 s25, $0x4;
	s15 =	sshrl.u32 s16, s7;
	s2 =	sand.u32 s11, s16;
	v45 =	vld.idx.msk [tilespmem:v33+s26+$0x6000 ss:$0x1], $0xffff  }
0x28b: {  	s29 =	sadd.s32 s31, s10;
	s0 =	sshll.u32 s15, s9;
	s2 =	sshll.u32 s2, $0x4;
	v46 =	vld [tilespmem:s26+$0x6000]  }
0x28c: {  	s22 =	simm.s32 $0x1;
	v53 =	vld.idx.msk [tilespmem:v33+s29+$0x2000 ss:$0x1], $0xffff;
	s2 =	sadd.s32 s2, s0  }
0x28d: {  	s14 =	sshrl.u32 s14, s3;
	s23 =	sshrl.u32 s22, s7;
	s25 =	rddreg [dreg:$0x7];
	vm7 =	veq.s32 v48, v34;
	vm8 =	vgt.s32 v50, v49;
	v35 =	vld [tilespmem:s2+$0x2000]  }
0x28e: {  	v36 =	vsel vm6, v44, v47;
	s14 =	sand.u32 $0x1, s14;
	p1 =	sgt.u32 s25, $0xC;
	s15 =	sand.u32 s11, s22;
	vm9 =	vgt.s32 v48, v34;
	v37 =	vld.idx.msk [tilespmem:v33+s2+$0x2000 ss:$0x1], $0xffff;
	vm7 =	vmand vm7, vm8  }
.Ltmp25:
0x28f: {  	s28 =	sshll.u32 s23, s9;
	v41 =	vmov s14;
	s31 =	sshll.u32 s15, $0x4;
	v38 =	vld.idx.msk [tilespmem:v33+s2+$0x6000 ss:$0x1], $0xffff;
	vm8 =	vmmov vm6;
	vm6 =	vmor vm9, vm7;
	(pc) =	sbr.rel @!p1 .LBB2_48-.Ltmp25, $4  }
0x290: {  	s12 =	sadd.s32 s30, s12;
	s22 =	sadd.s32 s31, s28;
	v40 =	vld [tilespmem:s2+$0x6000];
	v42 =	vsel vm6, $0x1, v5;
	vm7 =	veq.s32 v43, v39;
	vm6 =	vgt.s32 v46, v45  }
0x291: {  	[tilespmem:s13+$0x2000] =	vst v36;
	s12 =	sshrl.u32 s12, s3;
	v36 =	vld [tilespmem:s22+$0x2000];
	v54 =	vsel vm8, v52, v51;
	vm15 =	vgt.s32 v43, v39;
	vm7 =	vmand vm7, vm6  }
0x292: {  	s12 =	sand.u32 $0x1, s12;
	v63 =	vsel vm8, v47, v44;
	[tilespmem:s13+$0x6000] =	vst v54;
	vm6 =	veq.s32 v41, v42;
	v41 =	vld.idx.msk [tilespmem:v33+s22+$0x2000 ss:$0x1], $0xffff;
	vm7 =	vmor vm15, vm7  }
0x293: {  	p6 =	por $0x1, $0x1;
	s25 =	simm.s32 $0xC;
	v55 =	vmov s12;
	v54 =	vsel vm8, v51, v52;
	[tilespmem:v33+s13+$0x2000 ss:$0x1] =	vst.idx.msk $0xffff, v63;
	v42 =	vld.idx.msk [tilespmem:v33+s22+$0x6000 ss:$0x1], $0xffff;
	v56 =	vsel vm7, $0x1, v5  }
.LBB2_49:
0x294: {  	v47 =	vsel vm6, v48, v34;
	[tilespmem:v33+s13+$0x6000 ss:$0x1] =	vst.idx.msk $0xffff, v54  }
0x295: {  	v51 =	vld [tilespmem:s22+$0x6000];
	vm8 =	veq.s32 v55, v56;
	[tilespmem:s8+$0x2000] =	vst v47  }
0x296: {  	s12 =	rddreg [dreg:$0x7];
	v44 =	vmov v50;
	s0 =	sadd.s32 s30, s0;
	v57 =	vsel vm8, v43, v39;
	v47 =	vld [tilespmem:s29+$0x2000]  }
0x297: {  	s13 =	smov.u32 s25;
	s14 =	sadd.s32 $0x3, s5;
	v54 =	vmovc v49;
	s0 =	sshrl.u32 s0, s3;
	v55 =	vsel vm8, v46, v45;
	v50 =	vld [tilespmem:s29+$0x6000];
	vm7 =	veq.s32 v35, v37;
	vm9 =	vgt.s32 v40, v38  }
0x298: {  	s16 =	sshrl.u32 s14, s7;
	s23 =	sand.u32 s11, s14;
	v58 =	vsel vm8, v39, v43;
	[tilespmem:s26+$0x2000] =	vst v57;
	s0 =	sand.u32 $0x1, s0;
	v49 =	vld.idx.msk [tilespmem:v33+s29+$0x6000 ss:$0x1], $0xffff;
	vm10 =	vgt.s32 v35, v37;
	vm7 =	vmand vm7, vm9  }
0x299: {  	s25 =	sadd.s32 $0x4, s25;
	v52 =	vmovc v34;
	v61 =	vsel vm8, v45, v46;
	s14 =	sshll.u32 s16, s9;
	s16 =	sshll.u32 s23, $0x4;
	[tilespmem:s26+$0x6000] =	vst v55;
	v60 =	vmov s0;
	vm9 =	vmor vm10, vm7  }
0x29a: {  	s10 =	sadd.s32 s30, s10;
	s28 =	sadd.s32 s30, s28;
	s16 =	sadd.s32 s16, s14;
	[tilespmem:v33+s26+$0x2000 ss:$0x1] =	vst.idx.msk $0xffff, v58;
	vm12 =	vgt.s32 v36, v41;
	vm8 =	vgt.s32 v51, v42;
	v59 =	vsel vm9, $0x1, v5  }
0x29b: {  	s15 =	sshrl.u32 s13, s7;
	s31 =	sand.u32 s11, s13;
	s28 =	sshrl.u32 s28, s3;
	v34 =	vmovc v53;
	v39 =	vld.idx.msk [tilespmem:v33+s16+$0x2000 ss:$0x1], $0xffff;
	vm7 =	vmmov vm6;
	vm6 =	veq.s32 v36, v41;
	vm9 =	veq.s32 v60, v59  }
0x29c: {  	s23 =	sshll.u32 s15, s9;
	s15 =	sshll.u32 s31, $0x4;
	s31 =	sadd.s32 $0x2, s5;
	v43 =	vld [tilespmem:s16+$0x2000];
	[tilespmem:v33+s26+$0x6000 ss:$0x1] =	vst.idx.msk $0xffff, v61;
	vm8 =	vmand vm6, vm8;
	vm6 =	veq.s32 v47, v34;
	v62 =	vsel vm9, v35, v37  }
0x29d: {  	s28 =	sand.u32 $0x1, s28;
	s26 =	sshrl.u32 s31, s7;
	s31 =	sand.u32 s11, s31;
	v45 =	vld.idx.msk [tilespmem:v33+s16+$0x6000 ss:$0x1], $0xffff;
	vm13 =	vgt.s32 v50, v49;
	vm8 =	vmor vm12, vm8;
	v53 =	vsel vm9, v40, v38;
	[tilespmem:s2+$0x2000] =	vst v62  }
0x29e: {  	s15 =	sadd.s32 s15, s23;
	s0 =	sshll.u32 s26, s9;
	s31 =	sshll.u32 s31, $0x4;
	v46 =	vld [tilespmem:s16+$0x6000];
	v60 =	vmov s28;
	v63 =	vsel vm8, $0x1, v5;
	v61 =	vsel vm9, v37, v35;
	[tilespmem:s2+$0x6000] =	vst v53  }
0x29f: {  	s10 =	sshrl.u32 s10, s3;
	p1 =	slt.u32 s25, s12;
	s12 =	sadd.s32 s31, s0;
	v53 =	vld.idx.msk [tilespmem:v33+s15+$0x2000 ss:$0x1], $0xffff;
	vm8 =	veq.s32 v60, v63;
	v62 =	vsel vm9, v38, v40;
	[tilespmem:v33+s2+$0x2000 ss:$0x1] =	vst.idx.msk $0xffff, v61  }
0x2a0: {  	s10 =	sand.u32 $0x1, s10;
	s31 =	sadd.s32 $0x1, s5;
	s5 =	smov.u32 s1;
	vm14 =	vgt.s32 v47, v34;
	vm6 =	vmand vm6, vm13;
	v57 =	vsel vm8, v36, v41;
	v35 =	vld [tilespmem:s12+$0x2000];
	[tilespmem:v33+s2+$0x6000 ss:$0x1] =	vst.idx.msk $0xffff, v62  }
0x2a1: {  	s1 =	smov.u32 s13;
	s26 =	sshrl.u32 s31, s7;
	s31 =	sand.u32 s11, s31;
	vm6 =	vmor vm14, vm6;
	v58 =	vsel vm8, v51, v42;
	[tilespmem:s22+$0x2000] =	vst v57;
	v37 =	vld.idx.msk [tilespmem:v33+s12+$0x2000 ss:$0x1], $0xffff  }
.Ltmp26:
0x2a2: {  	s28 =	sshll.u32 s26, s9;
	s13 =	sshll.u32 s31, $0x4;
	vm15 =	veq.s32 v43, v39;
	v63 =	vmov s10;
	v59 =	vsel vm8, v41, v36;
	[tilespmem:s22+$0x6000] =	vst v58;
	v38 =	vld.idx.msk [tilespmem:v33+s12+$0x6000 ss:$0x1], $0xffff;
	(pc) =	sbr.rel @p1 .LBB2_49-.Ltmp26, $4  }
0x2a3: {  	s14 =	sadd.s32 s30, s14;
	s10 =	smov.u32 s23;
	v60 =	vsel vm6, $0x1, v5;
	s23 =	sadd.s32 s13, s28;
	vm6 =	vgt.s32 v46, v45;
	v61 =	vsel vm8, v42, v51;
	v40 =	vld [tilespmem:s12+$0x6000];
	[tilespmem:v33+s22+$0x2000 ss:$0x1] =	vst.idx.msk $0xffff, v59  }
0x2a4: {  	s13 =	smov.u32 s8;
	vm8 =	vgt.s32 v43, v39;
	vm9 =	vmand vm15, vm6;
	v62 =	vsel vm7, v44, v54;
	s2 =	sshrl.u32 s14, s3;
	v36 =	vld [tilespmem:s23+$0x2000];
	[tilespmem:v33+s22+$0x6000 ss:$0x1] =	vst.idx.msk $0xffff, v61  }
0x2a5: {  	s26 =	smov.u32 s16;
	s8 =	smov.u32 s29;
	vm6 =	veq.s32 v63, v60;
	v63 =	vsel vm7, v52, v48;
	vm8 =	vmor vm8, vm9;
	[tilespmem:s13+$0x6000] =	vst v62;
	s31 =	sand.u32 $0x1, s2;
	v41 =	vld.idx.msk [tilespmem:v33+s23+$0x2000 ss:$0x1], $0xffff  }
0x2a6: {  	s29 =	smov.u32 s15;
	v48 =	vmovc v47;
	v54 =	vsel vm7, v54, v44;
	s2 =	smov.u32 s12;
	v56 =	vsel vm8, $0x1, v5;
	[tilespmem:v33+s13+$0x2000 ss:$0x1] =	vst.idx.msk $0xffff, v63;
	v55 =	vmov s31;
	s22 =	smov.u32 s23;
	v42 =	vld.idx.msk [tilespmem:v33+s23+$0x6000 ss:$0x1], $0xffff  }
.Ltmp27:
0x2a7: {  	(pc) =	sbr.rel .LBB2_51-.Ltmp27, $4  }
0x2a8: {  	s12 =	smov.u32 s13;
	s13 =	smov.u32 s8;
	s25 =	smov.u32 s5  }
0x2a9: {  	s8 =	smov.u32 s29;
	s29 =	smov.u32 s10;
	s5 =	smov.u32 s1  }
0x2aa: {  	s16 =	smov.u32 s4;
	s4 =	smov.u32 s6;
	s6 =	smov.u32 s20  }
0x2ab: {  	v47 =	vmovc v34;
	v44 =	vmovc v48;
	v52 =	vmov v50;
	v51 =	vmov v49;
	v34 =	vmov v53;
	s20 =	simm.s32 $0xA000;
	s23 =	smov.u32 s21;
	s21 =	simm.s32 $0xA800  }
.LBB2_36:
0x2ac: {  	s1 =	simm.s32 $0x2000;
	s8 =	rddreg [dreg:$0x1b]  }
0x2ad: {  	[spmem:s8] =	stream.linear.scatter [tilespmem:s1], [sflag:$0x1], $0x800, $0x38;
	[tilespmem:$0x17E90] =	vst v63  }
0x2ae: {  	_ =	swait.ge [sflag:s24], $0x800  }
.Ltmp28:
0x2af: {  	[sflag:s24] =	ssyncset.done $0x0;
	(pc) =	sbr.rel @!p2 .LBB2_38-.Ltmp28, $4  }
0x2b0: {  	s2 =	simm.s32 $0x6000;
	s7 =	rddreg [dreg:$0x1c];
	[sflag:s24] =	ssyncadd.s32 $0xFFFFF800  }
0x2b1: {  	[spmem:s7] =	stream.linear.scatter [tilespmem:s2], [sflag:$0x1], $0x800, $0x38;
	[tilespmem:$0x17E90] =	vst v63  }
0x2b2: {  	s5 =	sadd.s32 $0xFFFFFFFF, s19;
	_ =	swait.ge [sflag:s24], $0x800  }
0x2b3: {  	s8 =	sadd.s32 $0x800, s8;
	s7 =	sadd.s32 $0x800, s7;
	[sflag:s24] =	ssyncset.done $0x0  }
.LBB2_37:
0x2b4: {  	[sflag:s24] =	ssyncadd.s32 $0xFFFFF800;
	s1 =	sadd.s32 $0x800, s1;
	s2 =	sadd.s32 $0x800, s2  }
0x2b5: {  	[spmem:s8] =	stream.linear.scatter [tilespmem:s1], [sflag:$0x1], $0x800, $0x38;
	[tilespmem:$0x17E90] =	vst v63  }
0x2b6: {  	p1 =	sne.s32 s5, $0x1;
	s5 =	sadd.s32 $0xFFFFFFFF, s5;
	_ =	swait.ge [sflag:s24], $0x800  }
.Ltmp29:
0x2b7: {  	[sflag:s24] =	ssyncset.done $0x0;
	(pc) =	sbr.rel @p1 .LBB2_37-.Ltmp29, $4  }
0x2b8: {  	[sflag:s24] =	ssyncadd.s32 $0xFFFFF800  }
0x2b9: {  	[spmem:s7] =	stream.linear.scatter [tilespmem:s2], [sflag:$0x1], $0x800, $0x38;
	[tilespmem:$0x17E90] =	vst v63  }
0x2ba: {  	_ =	swait.ge [sflag:s24], $0x800  }
0x2bb: {  	s8 =	sadd.s32 $0x800, s8;
	s7 =	sadd.s32 $0x800, s7;
	[sflag:s24] =	ssyncset.done $0x0  }
.LBB2_38:
0x2bc: {  	s0 =	ssub.s32 s0, s16  }
0x2bd: {  	s2 =	stileid.u32;
	s0 =	sshll.u32 s24, s0  }
0x2be: {  	s1 =	sand.u32 s2, s0  }
0x2bf: {  	[sflag:s24] =	ssyncadd.s32 $0xFFFFF800;
	p5 =	por p4, p4;
	p1 =	sne.s32 s1, $0x0  }
0x2c0: {  	s5 =	simm.s32 $0x2020;
	s1 =	simm.s32 $0x1;
	p5 =	por @!p1 p3, p3  }
0x2c1: {  	[bflag:$0x0] =	sbarrier.arrive $0xFFFF;
	s0 =	sxor.u32 s2, s0;
	s1 =	simm.s32 @!p5 $0x0  }
0x2c2: {  	s2 =	simm.s32 $0x6020;
	s0 =	sshll.u32 s0, s16;
	v33 =	vmov s1;
	s1 =	simm.s32 $0x0  }
.LBB2_39:
0x2c3: {  	s7 =	sshll.u32 s1, $0xB  }
0x2c4: {  	s7 =	sadd.s32 s0, s7  }
0x2c5: {  	s8 =	sadd.s32 s7, s4  }
0x2c6: {  	[tilespmem:s20], [sflag:$0x1] =	stream.linear.gather [spmem:s8], $0x800, $0x38;
	[tilespmem:$0x17E90] =	vst v63  }
0x2c7: {  	_ =	swait.ge [sflag:s24], $0x800  }
0x2c8: {  	[sflag:s24] =	ssyncset.done $0x0  }
0x2c9: {  	s7 =	sadd.s32 s7, s6;
	[sflag:s24] =	ssyncadd.s32 $0xFFFFF800  }
0x2ca: {  	[tilespmem:s21], [sflag:$0x1] =	stream.linear.gather [spmem:s7], $0x800, $0x38;
	[tilespmem:$0x17E90] =	vst v63  }
0x2cb: {  	_ =	swait.ge [sflag:s24], $0x800  }
0x2cc: {  	[sflag:s24] =	ssyncset.done $0x0  }
0x2cd: {  	[sflag:s24] =	ssyncadd.s32 $0xFFFFF800  }
0x2ce: {  	v42 =	vld [tilespmem:s5+$0x10]  }
0x2cf: {  	s7 =	simm.s32 $0xA020;
	v45 =	vld [tilespmem:s2+$0x10]  }
0x2d0: {  	s8 =	simm.s32 $0xA820;
	v46 =	vld [tilespmem:s7+$0x10]  }
0x2d1: {  	v47 =	vld [tilespmem:s8+$0x10]  }
0x2d2: {  	v34 =	vld [tilespmem:s2+$0xFFFFFFE0]  }
0x2d3: {  	v38 =	vld [tilespmem:s7+$0xFFFFFFE0]  }
0x2d4: {  	v37 =	vld [tilespmem:s8+$0xFFFFFFE0]  }
0x2d5: {  	v40 =	vld [tilespmem:s5+$0xFFFFFFF0]  }
0x2d6: {  	v39 =	vld [tilespmem:s2+$0xFFFFFFF0];
	vm6 =	veq.s32 v42, v46;
	vm7 =	vgt.s32 v45, v47  }
0x2d7: {  	v43 =	vld [tilespmem:s8+$0xFFFFFFF0];
	vm8 =	vgt.s32 v42, v46;
	vm6 =	vmand vm6, vm7  }
0x2d8: {  	v44 =	vld [tilespmem:s7+$0xFFFFFFF0];
	vm6 =	vmor vm8, vm6  }
0x2d9: {  	v36 =	vld [tilespmem:s5+$0x0];
	v41 =	vsel vm6, $0x1, v5  }
0x2da: {  	v35 =	vld [tilespmem:s2+$0x0];
	vm7 =	veq.s32 v33, v41  }
0x2db: {  	v41 =	vld [tilespmem:s7+$0x0];
	v46 =	vsel vm7, v42, v46  }
0x2dc: {  	s11 =	simm.s32 $0x0;
	s13 =	sadd.s32 $0x40, s5;
	vm9 =	vgt.s32 v39, v43;
	v42 =	vld [tilespmem:s8+$0x0];
	v63 =	vsel vm7, v45, v47;
	[tilespmem:s5+$0x10] =	vst v46  }
0x2dd: {  	s22 =	smov.u32 s2;
	s10 =	smov.u32 s5;
	s9 =	smov.u32 s2;
	vm8 =	veq.s32 v40, v44;
	vm6 =	vgt.s32 v34, v37;
	vm7 =	vgt.s32 v40, v44;
	v45 =	vld [tilespmem:s5+$0xFFFFFFE0];
	[tilespmem:s2+$0x10] =	vst v63  }
.LBB2_40:
0x2de: {  	v46 =	vld [tilespmem:s13+$0x10];
	vm8 =	vmand vm8, vm9;
	s22 =	sadd.s32 $0x40, s22  }
0x2df: {  	s7 =	sadd.s32 $0x40, s7;
	v47 =	vld [tilespmem:s22+$0x10];
	vm7 =	vmor vm7, vm8  }
0x2e0: {  	s8 =	sadd.s32 $0x40, s8;
	v48 =	vld [tilespmem:s7+$0x10];
	v49 =	vsel vm7, $0x1, v5;
	vm7 =	vgt.s32 v36, v41;
	vm8 =	veq.s32 v36, v41  }
0x2e1: {  	v50 =	vld [tilespmem:s8+$0x10];
	vm9 =	veq.s32 v33, v49;
	vm10 =	vgt.s32 v35, v42  }
0x2e2: {  	s11 =	sadd.s32 $0x4, s11;
	v49 =	vld [tilespmem:s22+$0xFFFFFFE0];
	vm11 =	vgt.s32 v45, v38;
	vm12 =	veq.s32 v45, v38;
	vm8 =	vmand vm8, vm10  }
0x2e3: {  	p1 =	slt.u32 s11, $0x7C;
	v40 =	vsel vm9, v40, v44;
	v51 =	vld [tilespmem:s7+$0xFFFFFFE0];
	vm6 =	vmand vm12, vm6;
	vm7 =	vmor vm7, vm8  }
0x2e4: {  	v39 =	vsel vm9, v39, v43;
	v52 =	vld [tilespmem:s8+$0xFFFFFFE0];
	vm6 =	vmor vm11, vm6;
	[tilespmem:s10+$0xFFFFFFF0] =	vst v40;
	v43 =	vsel vm7, $0x1, v5  }
0x2e5: {  	v40 =	vld [tilespmem:s13+$0xFFFFFFF0];
	v44 =	vsel vm6, $0x1, v5;
	[tilespmem:s9+$0xFFFFFFF0] =	vst v39;
	vm7 =	veq.s32 v33, v43  }
0x2e6: {  	vm6 =	veq.s32 v46, v48;
	v39 =	vld [tilespmem:s22+$0xFFFFFFF0];
	vm8 =	vgt.s32 v47, v50;
	vm9 =	veq.s32 v33, v44  }
0x2e7: {  	vm10 =	vgt.s32 v46, v48;
	v44 =	vld [tilespmem:s7+$0xFFFFFFF0];
	vm6 =	vmand vm6, vm8;
	v53 =	vsel vm9, v45, v38  }
0x2e8: {  	v41 =	vsel vm7, v36, v41;
	v43 =	vld [tilespmem:s8+$0xFFFFFFF0];
	vm8 =	vmor vm10, vm6;
	[tilespmem:s10+$0xFFFFFFE0] =	vst v53;
	v53 =	vsel vm9, v34, v37;
	v34 =	vmovc v49  }
.Ltmp30:
0x2e9: {  	v42 =	vsel vm7, v35, v42;
	v38 =	vmovc v51;
	vm6 =	vgt.s32 v34, v52;
	v36 =	vld [tilespmem:s13+$0x0];
	v45 =	vsel vm8, $0x1, v5;
	[tilespmem:s9+$0xFFFFFFE0] =	vst v53;
	(pc) =	sbr.rel @p1 .LBB2_40-.Ltmp30, $4  }
0x2ea: {  	v37 =	vmov v52;
	v35 =	vld [tilespmem:s22+$0x0];
	vm9 =	veq.s32 v33, v45;
	[tilespmem:s10+$0x0] =	vst v41;
	s10 =	smov.u32 s13  }
0x2eb: {  	v41 =	vld [tilespmem:s7+$0x0];
	v45 =	vsel vm9, v46, v48;
	[tilespmem:s9+$0x0] =	vst v42;
	s9 =	smov.u32 s22  }
0x2ec: {  	v46 =	vsel vm9, v47, v50;
	vm7 =	vgt.s32 v40, v44;
	vm8 =	veq.s32 v40, v44;
	v42 =	vld [tilespmem:s8+$0x0];
	[tilespmem:s13+$0x10] =	vst v45  }
0x2ed: {  	s13 =	sadd.s32 $0x40, s13;
	v45 =	vld [tilespmem:s10+$0xFFFFFFE0];
	vm9 =	vgt.s32 v39, v43;
	[tilespmem:s22+$0x10] =	vst v46  }
0x2ee: {  	_ =	sdelay $0x1  }
0x2ef: {  	vm8 =	vmand vm8, vm9  }
0x2f0: {  	vm7 =	vmor vm7, vm8  }
0x2f1: {  	v46 =	vsel vm7, $0x1, v5;
	vm7 =	vgt.s32 v36, v41;
	vm13 =	veq.s32 v45, v38  }
0x2f2: {  	vm14 =	veq.s32 v36, v41;
	vm10 =	vgt.s32 v45, v38;
	vm6 =	vmand vm13, vm6  }
0x2f3: {  	vm15 =	veq.s32 v33, v46;
	vm11 =	vgt.s32 v35, v42;
	vm6 =	vmor vm10, vm6  }
0x2f4: {  	s1 =	sadd.s32 $0x1, s1;
	vm9 =	vmand vm14, vm11;
	v40 =	vsel vm15, v40, v44;
	v59 =	vsel vm6, $0x1, v5  }
0x2f5: {  	p1 =	sne.s32 s1, s19;
	v39 =	vsel vm15, v39, v43;
	[tilespmem:s10+$0xFFFFFFF0] =	vst v40;
	vm6 =	vmor vm7, vm9;
	vm7 =	veq.s32 v33, v59  }
.Ltmp31:
0x2f6: {  	[tilespmem:s9+$0xFFFFFFF0] =	vst v39;
	v60 =	vsel vm6, $0x1, v5;
	v61 =	vsel vm7, v45, v38;
	(pc) =	sbr.rel @p1 .LBB2_39-.Ltmp31, $4  }
0x2f7: {  	vm6 =	veq.s32 v33, v60;
	v34 =	vsel vm7, v34, v37;
	[tilespmem:s10+$0xFFFFFFE0] =	vst v61  }
0x2f8: {  	v62 =	vsel vm6, v36, v41;
	[tilespmem:s9+$0xFFFFFFE0] =	vst v34  }
0x2f9: {  	v63 =	vsel vm6, v35, v42;
	[tilespmem:s10+$0x0] =	vst v62  }
0x2fa: {  	s2 =	sadd.s32 $0x800, s2;
	s5 =	sadd.s32 $0x800, s5;
	[tilespmem:s9+$0x0] =	vst v63  }
.Ltmp32:
0x2fb: {  	(pc) =	sbr.rel .LBB2_52-.Ltmp32, $2  }
0x2fc: {  	_ =	sdelay $0x1  }
0x2fd: {  	[bflag:$0x0] =	sbarrier.arrive $0xFFFF;
	_ =	sdelay $0x1  }
.LBB2_46:
.Ltmp33:
0x2fe: {  	(pc) =	sbr.rel .LBB2_51-.Ltmp33, $2  }
0x2ff: {  	_ =	sdelay $0x2  }
0x300: {  	_ = 	snop  }
.LBB2_48:
.Ltmp34:
0x301: {  	(pc) =	sbr.rel .LBB2_51-.Ltmp34, $4  }
0x302: {  	s12 =	smov.u32 s13;
	s13 =	smov.u32 s8;
	s25 =	simm.s32 $0x4  }
0x303: {  	s8 =	smov.u32 s29;
	s29 =	smov.u32 s10;
	s5 =	simm.s32 $0x8  }
0x304: {  	s16 =	smov.u32 s4;
	s4 =	smov.u32 s6;
	s6 =	smov.u32 s20  }
0x305: {  	v47 =	vmovc v34;
	v44 =	vmovc v48;
	v52 =	vmov v50;
	v51 =	vmov v49;
	v34 =	vmov v53;
	s20 =	simm.s32 $0xA000;
	s23 =	smov.u32 s21;
	s21 =	simm.s32 $0xA800  }
.LBB2_53:
0x306: {  	p1 =	slt.u32 s3, $0x4  }
.Ltmp35:
0x307: {  	_ = 	snop;
	(pc) =	sbr.rel @p1 .LBB2_57-.Ltmp35, $1  }
0x308: {  	_ =	sdelay $0x3  }
0x309: {  	s0 =	simm.s32 $0x2020  }
0x30a: {  	s1 =	simm.s32 $0x6020;
	v48 =	vld [tilespmem:s0+$0x10]  }
0x30b: {  	v49 =	vld [tilespmem:s1+$0x10]  }
0x30c: {  	v41 =	vld [tilespmem:s0+$0xFFFFFFE0]  }
0x30d: {  	v33 =	vand.u32 $0xF, v13;
	v35 =	vld [tilespmem:s1+$0xFFFFFFE0]  }
0x30e: {  	v38 =	vcombine.low v33, v28;
	v33 =	vld [tilespmem:s0+$0xFFFFFFF0]  }
0x30f: {  	v40 =	vmov s3;
	s2 =	sadd.s32 $0x30, s30;
	v36 =	vld [tilespmem:s0+$0x0]  }
0x310: {  	v50 =	vor.u32 s30, v0;
	v37 =	vshrl.u32 v0, $0x3;
	s31 =	sadd.s32 $0x10, s30;
	s5 =	sadd.s32 $0x20, s30;
	v39 =	vld [tilespmem:s1+$0x0];
	v43 =	vor.u32 s2, v0  }
0x311: {  	v62 =	vor.u32 s31, v0;
	v53 =	vor.u32 s5, v0;
	v50 =	vshrl.u32 v50, v40  }
0x312: {  	v34 =	vld [tilespmem:s1+$0xFFFFFFF0];
	v43 =	vshrl.u32 v43, v40;
	v63 =	vshrl.u32 v53, v40;
	v51 =	vperm.xlane v48, v38  }
0x313: {  	v50 =	vand.u32 $0x1, v50;
	v52 =	vperm.xlane v49, v38;
	v42 =	vperm.xlane v41, v38  }
0x314: {  	v43 =	vand.u32 $0x1, v43;
	v47 =	vperm.xlane v35, v38;
	v45 =	vperm.xlane v36, v38  }
0x315: {  	v46 =	vperm.xlane v33, v38;
	v44 =	vperm.xlane v39, v38;
	vm6 =	veq.s32 v48, v51  }
0x316: {  	vm7 =	vgt.s32 v49, v52;
	vm8 =	vgt.s32 v48, v51;
	vm10 =	veq.s32 v36, v45  }
0x317: {  	vm6 =	vmand vm6, vm7;
	vm7 =	vne.s32 v43, v37;
	v43 =	vperm.xlane v34, v38  }
0x318: {  	p1 =	sgt.u32 s17, $0x4;
	vm11 =	vgt.s32 v41, v42;
	vm6 =	vmor vm8, vm6;
	vm8 =	veq.s32 v33, v46  }
.Ltmp36:
0x319: {  	vm6 =	vmxor vm7, vm6;
	vm7 =	vgt.s32 v35, v47;
	vm9 =	vgt.s32 v34, v43;
	(pc) =	sbr.rel @!p1 .LBB2_56-.Ltmp36, $4  }
0x31a: {  	v48 =	vsel vm6, v51, v48;
	v49 =	vsel vm6, v52, v49;
	vm6 =	veq.s32 v41, v42  }
0x31b: {  	v51 =	vshrl.u32 v62, v40;
	vm8 =	vmand vm8, vm9;
	vm9 =	vgt.s32 v36, v45  }
0x31c: {  	s7 =	simm.s32 $0x6020;
	vm7 =	vmand vm6, vm7;
	vm6 =	vgt.s32 v39, v44;
	[tilespmem:s0+$0x10] =	vst v48;
	v48 =	vand.u32 $0x1, v63  }
0x31d: {  	s8 =	smov.u32 s30;
	s2 =	simm.s32 $0x4;
	s5 =	simm.s32 $0x2060;
	vm6 =	vmand vm10, vm6;
	vm10 =	vgt.s32 v33, v46;
	[tilespmem:s1+$0x10] =	vst v49;
	v49 =	vand.u32 $0x1, v51  }
.LBB2_55:
0x31e: {  	v51 =	vld [tilespmem:s5+$0x10];
	vm7 =	vmor vm11, vm7;
	vm8 =	vmor vm10, vm8;
	vm6 =	vmor vm9, vm6;
	s7 =	sadd.s32 $0x40, s7  }
0x31f: {  	vm9 =	vne.s32 v50, v37;
	vm10 =	vne.s32 v49, v37;
	vm11 =	vne.s32 v48, v37;
	v52 =	vld [tilespmem:s7+$0x10]  }
0x320: {  	s2 =	sadd.s32 $0x4, s2;
	vm7 =	vmxor vm9, vm7;
	vm8 =	vmxor vm10, vm8;
	vm6 =	vmxor vm11, vm6;
	v48 =	vld [tilespmem:s5+$0xFFFFFFE0]  }
0x321: {  	p3 =	slt.u32 s2, s17;
	v41 =	vsel vm7, v42, v41;
	v42 =	vsel vm7, v47, v35;
	v35 =	vld [tilespmem:s7+$0xFFFFFFE0]  }
0x322: {  	v43 =	vsel vm8, v43, v34;
	[tilespmem:s0+$0xFFFFFFE0] =	vst v41;
	v41 =	vsel vm8, v46, v33;
	v33 =	vld [tilespmem:s5+$0xFFFFFFF0]  }
0x323: {  	s8 =	sadd.s32 $0x40, s8;
	v45 =	vsel vm6, v45, v36;
	v44 =	vsel vm6, v44, v39;
	v34 =	vld [tilespmem:s7+$0xFFFFFFF0];
	[tilespmem:s1+$0xFFFFFFE0] =	vst v42  }
0x324: {  	v49 =	vor.u32 s8, v0;
	s9 =	sadd.s32 $0x10, s8;
	s10 =	sadd.s32 $0x20, s8;
	s11 =	sadd.s32 $0x30, s8;
	v50 =	vperm.xlane v51, v38;
	v36 =	vld [tilespmem:s5+$0x0];
	v53 =	vperm.xlane v52, v38;
	[tilespmem:s0+$0xFFFFFFF0] =	vst v41  }
0x325: {  	v46 =	vor.u32 s11, v0;
	v42 =	vperm.xlane v48, v38;
	v39 =	vld [tilespmem:s7+$0x0];
	[tilespmem:s1+$0xFFFFFFF0] =	vst v43;
	v41 =	vmov v48  }
0x326: {  	v43 =	vshrl.u32 v46, v40;
	vm6 =	veq.s32 v51, v50;
	vm7 =	vgt.s32 v52, v53;
	[tilespmem:s0+$0x0] =	vst v45;
	s0 =	smov.u32 s5  }
0x327: {  	vm8 =	vgt.s32 v51, v50;
	v43 =	vand.u32 $0x1, v43;
	vm6 =	vmand vm6, vm7;
	[tilespmem:s1+$0x0] =	vst v44;
	s1 =	smov.u32 s7  }
0x328: {  	v47 =	vperm.xlane v35, v38;
	vm7 =	vne.s32 v43, v37;
	vm6 =	vmor vm8, vm6  }
0x329: {  	v46 =	vperm.xlane v33, v38;
	v43 =	vperm.xlane v34, v38;
	vm6 =	vmxor vm7, vm6  }
0x32a: {  	v45 =	vperm.xlane v36, v38;
	v44 =	vperm.xlane v39, v38;
	v48 =	vsel vm6, v50, v51  }
0x32b: {  	v50 =	vor.u32 s9, v0;
	v51 =	vor.u32 s10, v0;
	[tilespmem:s5+$0x10] =	vst v48;
	v48 =	vsel vm6, v53, v52  }
0x32c: {  	vm7 =	vgt.s32 v35, v47;
	vm8 =	veq.s32 v33, v46;
	vm6 =	veq.s32 v41, v42;
	[tilespmem:s7+$0x10] =	vst v48  }
.Ltmp37:
0x32d: {  	vm9 =	vgt.s32 v34, v43;
	vm10 =	veq.s32 v36, v45;
	vm11 =	vgt.s32 v39, v44;
	(pc) =	sbr.rel @p3 .LBB2_55-.Ltmp37, $4  }
0x32e: {  	v51 =	vshrl.u32 v51, v40;
	v48 =	vshrl.u32 v49, v40;
	v49 =	vshrl.u32 v50, v40  }
0x32f: {  	vm8 =	vmand vm8, vm9;
	vm7 =	vmand vm6, vm7;
	vm6 =	vmand vm10, vm11  }
0x330: {  	vm9 =	vgt.s32 v36, v45;
	vm11 =	vgt.s32 v41, v42;
	vm10 =	vgt.s32 v33, v46  }
0x331: {  	s5 =	sadd.s32 $0x40, s5;
	v50 =	vand.u32 $0x1, v48;
	v49 =	vand.u32 $0x1, v49;
	v48 =	vand.u32 $0x1, v51  }
.LBB2_56:
0x332: {  	vm7 =	vmor vm11, vm7;
	vm14 =	vne.s32 v50, v37  }
0x333: {  	vm8 =	vmor vm10, vm8;
	vm15 =	vne.s32 v49, v37;
	vm7 =	vmxor vm14, vm7  }
0x334: {  	vm8 =	vmxor vm15, vm8;
	v38 =	vsel vm7, v42, v41  }
0x335: {  	v33 =	vsel vm8, v46, v33;
	[tilespmem:s0+$0xFFFFFFE0] =	vst v38  }
.Ltmp38:
0x336: {  	vm6 =	vmor vm9, vm6;
	v35 =	vsel vm7, v47, v35;
	vm7 =	vne.s32 v48, v37;
	[tilespmem:s0+$0xFFFFFFF0] =	vst v33;
	(pc) =	sbr.rel .LBB2_58-.Ltmp38, $4  }
0x337: {  	v34 =	vsel vm8, v43, v34;
	vm6 =	vmxor vm7, vm6;
	[tilespmem:s1+$0xFFFFFFE0] =	vst v35  }
0x338: {  	v62 =	vsel vm6, v45, v36;
	[tilespmem:s1+$0xFFFFFFF0] =	vst v34  }
0x339: {  	v63 =	vsel vm6, v44, v39;
	[tilespmem:s0+$0x0] =	vst v62  }
0x33a: {  	[tilespmem:s1+$0x0] =	vst v63  }
.LBB2_57:
0x33b: {  	p1 =	sne.s32 s3, $0x3  }
.Ltmp39:
0x33c: {  	_ = 	snop;
	(pc) =	sbr.rel @p1 .LBB2_64-.Ltmp39, $1  }
0x33d: {  	_ =	sdelay $0x3  }
.LBB2_58:
0x33e: {  	s0 =	simm.s32 $0x2020  }
0x33f: {  	s1 =	simm.s32 $0x6020;
	v47 =	vld [tilespmem:s0+$0x10]  }
0x340: {  	v48 =	vld [tilespmem:s1+$0x10]  }
0x341: {  	v39 =	vld [tilespmem:s0+$0xFFFFFFE0]  }
0x342: {  	v41 =	vld [tilespmem:s1+$0xFFFFFFE0]  }
0x343: {  	v34 =	vld [tilespmem:s0+$0xFFFFFFF0]  }
0x344: {  	v36 =	vshrl.u32 v0, $0x2;
	v33 =	vld [tilespmem:s1+$0xFFFFFFF0]  }
0x345: {  	v38 =	vmov s3;
	s2 =	sadd.s32 $0x30, s30;
	s31 =	sadd.s32 $0x10, s30;
	s5 =	sadd.s32 $0x20, s30;
	v63 =	vor.u32 s30, v0;
	v35 =	vld [tilespmem:s0+$0x0];
	v36 =	vand.u32 $0x1, v36  }
0x346: {  	v42 =	vor.u32 s2, v0;
	v62 =	vor.u32 s31, v0;
	v51 =	vor.u32 s5, v0  }
0x347: {  	v37 =	vld [tilespmem:s1+$0x0];
	v42 =	vshrl.u32 v42, v38;
	v49 =	vperm.xlane v47, v29;
	v50 =	vperm.xlane v48, v29  }
0x348: {  	v43 =	vand.u32 $0x1, v42;
	v40 =	vperm.xlane v39, v29;
	v42 =	vperm.xlane v41, v29  }
0x349: {  	v51 =	vshrl.u32 v51, v38;
	v46 =	vperm.xlane v34, v29;
	v45 =	vperm.xlane v33, v29  }
0x34a: {  	v44 =	vperm.xlane v35, v29;
	vm6 =	veq.s32 v47, v49;
	vm7 =	vgt.s32 v48, v50  }
0x34b: {  	vm8 =	vgt.s32 v47, v49;
	vm9 =	vgt.s32 v33, v45;
	vm6 =	vmand vm6, vm7  }
0x34c: {  	vm7 =	vne.s32 v43, v36;
	v43 =	vperm.xlane v37, v29;
	vm6 =	vmor vm8, vm6  }
0x34d: {  	p1 =	sgt.u32 s17, $0x4;
	vm11 =	vgt.s32 v34, v46;
	vm8 =	veq.s32 v34, v46;
	vm6 =	vmxor vm7, vm6  }
.Ltmp40:
0x34e: {  	vm7 =	vgt.s32 v41, v42;
	vm8 =	vmand vm8, vm9;
	vm10 =	vgt.s32 v37, v43;
	(pc) =	sbr.rel @!p1 .LBB2_60-.Ltmp40, $4  }
0x34f: {  	vm9 =	vgt.s32 v39, v40;
	v47 =	vsel vm6, v49, v47;
	v50 =	vsel vm6, v50, v48  }
0x350: {  	vm6 =	veq.s32 v39, v40;
	v49 =	vshrl.u32 v62, v38;
	v48 =	vshrl.u32 v63, v38  }
0x351: {  	s7 =	simm.s32 $0x6020;
	vm6 =	vmand vm6, vm7;
	vm7 =	veq.s32 v35, v44;
	[tilespmem:s0+$0x10] =	vst v47;
	v49 =	vand.u32 $0x1, v49  }
0x352: {  	s8 =	smov.u32 s30;
	s2 =	simm.s32 $0x4;
	s5 =	simm.s32 $0x2060;
	v47 =	vand.u32 $0x1, v51;
	vm7 =	vmand vm7, vm10;
	[tilespmem:s1+$0x10] =	vst v50;
	vm10 =	vgt.s32 v35, v44  }
.LBB2_59:
0x353: {  	v50 =	vld [tilespmem:s5+$0x10];
	v48 =	vand.u32 $0x1, v48;
	vm6 =	vmor vm9, vm6;
	vm8 =	vmor vm11, vm8;
	s7 =	sadd.s32 $0x40, s7  }
0x354: {  	vm9 =	vne.s32 v49, v36;
	vm7 =	vmor vm10, vm7;
	vm10 =	vne.s32 v47, v36;
	v51 =	vld [tilespmem:s7+$0x10]  }
0x355: {  	s2 =	sadd.s32 $0x4, s2;
	vm11 =	vne.s32 v48, v36;
	vm8 =	vmxor vm9, vm8;
	vm7 =	vmxor vm10, vm7;
	v47 =	vld [tilespmem:s5+$0xFFFFFFE0]  }
0x356: {  	p3 =	slt.u32 s2, s17;
	vm6 =	vmxor vm11, vm6;
	v46 =	vsel vm8, v46, v34;
	v45 =	vsel vm8, v45, v33;
	v48 =	vld [tilespmem:s7+$0xFFFFFFE0]  }
0x357: {  	v39 =	vsel vm6, v40, v39;
	v40 =	vsel vm6, v42, v41;
	v41 =	vsel vm7, v44, v35;
	v34 =	vld [tilespmem:s5+$0xFFFFFFF0];
	[tilespmem:s0+$0xFFFFFFF0] =	vst v46  }
0x358: {  	s8 =	sadd.s32 $0x40, s8;
	v42 =	vsel vm7, v43, v37;
	v33 =	vld [tilespmem:s7+$0xFFFFFFF0];
	[tilespmem:s0+$0xFFFFFFE0] =	vst v39  }
0x359: {  	s9 =	sadd.s32 $0x10, s8;
	s10 =	sadd.s32 $0x20, s8;
	s11 =	sadd.s32 $0x30, s8;
	v49 =	vperm.xlane v50, v29;
	v35 =	vld [tilespmem:s5+$0x0];
	v52 =	vperm.xlane v51, v29;
	[tilespmem:s1+$0xFFFFFFE0] =	vst v40  }
0x35a: {  	v43 =	vor.u32 s11, v0;
	v40 =	vperm.xlane v47, v29;
	v37 =	vld [tilespmem:s7+$0x0];
	[tilespmem:s1+$0xFFFFFFF0] =	vst v45;
	v39 =	vmov v47  }
0x35b: {  	v43 =	vshrl.u32 v43, v38;
	vm6 =	veq.s32 v50, v49;
	vm7 =	vgt.s32 v51, v52;
	[tilespmem:s0+$0x0] =	vst v41;
	s0 =	smov.u32 s5  }
0x35c: {  	v43 =	vand.u32 $0x1, v43;
	vm8 =	vgt.s32 v50, v49;
	v41 =	vmovc v48;
	vm6 =	vmand vm6, vm7;
	[tilespmem:s1+$0x0] =	vst v42;
	s1 =	smov.u32 s7  }
0x35d: {  	v42 =	vperm.xlane v41, v29;
	vm7 =	vne.s32 v43, v36;
	vm6 =	vmor vm8, vm6  }
0x35e: {  	v46 =	vperm.xlane v34, v29;
	v45 =	vperm.xlane v33, v29;
	vm6 =	vmxor vm7, vm6  }
0x35f: {  	v44 =	vperm.xlane v35, v29;
	v43 =	vperm.xlane v37, v29;
	v47 =	vsel vm6, v49, v50  }
0x360: {  	v48 =	vor.u32 s9, v0;
	v49 =	vor.u32 s10, v0;
	[tilespmem:s5+$0x10] =	vst v47;
	v47 =	vsel vm6, v52, v51  }
0x361: {  	vm7 =	vgt.s32 v41, v42;
	v50 =	vor.u32 s8, v0;
	vm6 =	veq.s32 v39, v40;
	[tilespmem:s7+$0x10] =	vst v47  }
.Ltmp41:
0x362: {  	vm8 =	veq.s32 v34, v46;
	vm9 =	vgt.s32 v33, v45;
	vm10 =	veq.s32 v35, v44;
	(pc) =	sbr.rel @p3 .LBB2_59-.Ltmp41, $4  }
0x363: {  	v51 =	vshrl.u32 v49, v38;
	v47 =	vshrl.u32 v48, v38;
	vm12 =	vgt.s32 v37, v43  }
0x364: {  	vm8 =	vmand vm8, vm9;
	v48 =	vshrl.u32 v50, v38;
	vm6 =	vmand vm6, vm7  }
0x365: {  	vm11 =	vgt.s32 v34, v46;
	vm9 =	vgt.s32 v39, v40;
	vm7 =	vmand vm10, vm12  }
0x366: {  	s5 =	sadd.s32 $0x40, s5;
	v49 =	vand.u32 $0x1, v47;
	v47 =	vand.u32 $0x1, v51;
	vm10 =	vgt.s32 v35, v44  }
.LBB2_60:
0x367: {  	v38 =	vand.u32 $0x1, v48;
	vm8 =	vmor vm11, vm8;
	vm13 =	vne.s32 v49, v36  }
0x368: {  	vm6 =	vmor vm9, vm6;
	vm14 =	vne.s32 v38, v36;
	vm8 =	vmxor vm13, vm8  }
0x369: {  	vm6 =	vmxor vm14, vm6;
	v34 =	vsel vm8, v46, v34  }
0x36a: {  	v60 =	vsel vm6, v40, v39;
	[tilespmem:s0+$0xFFFFFFF0] =	vst v34  }
0x36b: {  	vm7 =	vmor vm10, vm7;
	vm15 =	vne.s32 v47, v36;
	v33 =	vsel vm8, v45, v33;
	[tilespmem:s0+$0xFFFFFFE0] =	vst v60  }
0x36c: {  	v61 =	vsel vm6, v42, v41;
	vm6 =	vmxor vm15, vm7;
	[tilespmem:s1+$0xFFFFFFF0] =	vst v33  }
0x36d: {  	v62 =	vsel vm6, v44, v35;
	[tilespmem:s1+$0xFFFFFFE0] =	vst v61  }
0x36e: {  	v63 =	vsel vm6, v43, v37;
	[tilespmem:s0+$0x0] =	vst v62  }
0x36f: {  	[tilespmem:s1+$0x0] =	vst v63  }
.LBB2_61:
0x370: {  	s0 =	simm.s32 $0x2020  }
0x371: {  	s1 =	simm.s32 $0x6020;
	v47 =	vld [tilespmem:s0+$0x10]  }
0x372: {  	v48 =	vld [tilespmem:s1+$0x10]  }
0x373: {  	v39 =	vld [tilespmem:s0+$0xFFFFFFE0]  }
0x374: {  	v41 =	vld [tilespmem:s1+$0xFFFFFFE0]  }
0x375: {  	v35 =	vld [tilespmem:s0+$0xFFFFFFF0]  }
0x376: {  	v37 =	vshrl.u32 v0, $0x1;
	v34 =	vld [tilespmem:s1+$0xFFFFFFF0]  }
0x377: {  	v33 =	vmov s3;
	s2 =	sadd.s32 $0x30, s30;
	s31 =	sadd.s32 $0x10, s30;
	s5 =	sadd.s32 $0x20, s30;
	v63 =	vor.u32 s30, v0;
	v36 =	vld [tilespmem:s0+$0x0];
	v37 =	vand.u32 $0x1, v37  }
0x378: {  	v42 =	vor.u32 s2, v0;
	v62 =	vor.u32 s31, v0;
	v51 =	vor.u32 s5, v0  }
0x379: {  	v38 =	vld [tilespmem:s1+$0x0];
	v42 =	vshrl.u32 v42, v33;
	v49 =	vperm.xlane v47, v30;
	v50 =	vperm.xlane v48, v30  }
0x37a: {  	v43 =	vand.u32 $0x1, v42;
	v40 =	vperm.xlane v39, v30;
	v42 =	vperm.xlane v41, v30  }
0x37b: {  	v51 =	vshrl.u32 v51, v33;
	v46 =	vperm.xlane v35, v30;
	v45 =	vperm.xlane v34, v30  }
0x37c: {  	v44 =	vperm.xlane v36, v30;
	vm6 =	veq.s32 v47, v49;
	vm7 =	vgt.s32 v48, v50  }
0x37d: {  	vm8 =	vgt.s32 v47, v49;
	vm9 =	vgt.s32 v34, v45;
	vm6 =	vmand vm6, vm7  }
0x37e: {  	vm7 =	vne.s32 v43, v37;
	v43 =	vperm.xlane v38, v30;
	vm6 =	vmor vm8, vm6  }
0x37f: {  	p1 =	sgt.u32 s17, $0x4;
	vm11 =	vgt.s32 v35, v46;
	vm8 =	veq.s32 v35, v46;
	vm6 =	vmxor vm7, vm6  }
.Ltmp42:
0x380: {  	vm7 =	vgt.s32 v41, v42;
	vm8 =	vmand vm8, vm9;
	vm10 =	vgt.s32 v38, v43;
	(pc) =	sbr.rel @!p1 .LBB2_63-.Ltmp42, $4  }
0x381: {  	vm9 =	vgt.s32 v39, v40;
	v47 =	vsel vm6, v49, v47;
	v50 =	vsel vm6, v50, v48  }
0x382: {  	vm6 =	veq.s32 v39, v40;
	v49 =	vshrl.u32 v62, v33;
	v48 =	vshrl.u32 v63, v33  }
0x383: {  	s7 =	simm.s32 $0x6020;
	vm6 =	vmand vm6, vm7;
	vm7 =	veq.s32 v36, v44;
	[tilespmem:s0+$0x10] =	vst v47;
	v49 =	vand.u32 $0x1, v49  }
0x384: {  	s8 =	smov.u32 s30;
	s2 =	simm.s32 $0x4;
	s5 =	simm.s32 $0x2060;
	v47 =	vand.u32 $0x1, v51;
	vm7 =	vmand vm7, vm10;
	[tilespmem:s1+$0x10] =	vst v50;
	vm10 =	vgt.s32 v36, v44  }
.LBB2_62:
0x385: {  	v50 =	vld [tilespmem:s5+$0x10];
	v48 =	vand.u32 $0x1, v48;
	vm6 =	vmor vm9, vm6;
	vm8 =	vmor vm11, vm8;
	s7 =	sadd.s32 $0x40, s7  }
0x386: {  	vm9 =	vne.s32 v49, v37;
	vm7 =	vmor vm10, vm7;
	vm10 =	vne.s32 v47, v37;
	v51 =	vld [tilespmem:s7+$0x10]  }
0x387: {  	s2 =	sadd.s32 $0x4, s2;
	vm11 =	vne.s32 v48, v37;
	vm8 =	vmxor vm9, vm8;
	vm7 =	vmxor vm10, vm7;
	v47 =	vld [tilespmem:s5+$0xFFFFFFE0]  }
0x388: {  	p3 =	slt.u32 s2, s17;
	vm6 =	vmxor vm11, vm6;
	v46 =	vsel vm8, v46, v35;
	v45 =	vsel vm8, v45, v34;
	v48 =	vld [tilespmem:s7+$0xFFFFFFE0]  }
0x389: {  	v39 =	vsel vm6, v40, v39;
	v40 =	vsel vm6, v42, v41;
	v41 =	vsel vm7, v44, v36;
	v35 =	vld [tilespmem:s5+$0xFFFFFFF0];
	[tilespmem:s0+$0xFFFFFFF0] =	vst v46  }
0x38a: {  	s8 =	sadd.s32 $0x40, s8;
	v42 =	vsel vm7, v43, v38;
	v34 =	vld [tilespmem:s7+$0xFFFFFFF0];
	[tilespmem:s0+$0xFFFFFFE0] =	vst v39  }
0x38b: {  	s9 =	sadd.s32 $0x10, s8;
	s10 =	sadd.s32 $0x20, s8;
	s11 =	sadd.s32 $0x30, s8;
	v49 =	vperm.xlane v50, v30;
	v36 =	vld [tilespmem:s5+$0x0];
	v52 =	vperm.xlane v51, v30;
	[tilespmem:s1+$0xFFFFFFE0] =	vst v40  }
0x38c: {  	v43 =	vor.u32 s11, v0;
	v40 =	vperm.xlane v47, v30;
	v38 =	vld [tilespmem:s7+$0x0];
	[tilespmem:s1+$0xFFFFFFF0] =	vst v45;
	v39 =	vmov v47  }
0x38d: {  	v43 =	vshrl.u32 v43, v33;
	vm6 =	veq.s32 v50, v49;
	vm7 =	vgt.s32 v51, v52;
	[tilespmem:s0+$0x0] =	vst v41;
	s0 =	smov.u32 s5  }
0x38e: {  	v43 =	vand.u32 $0x1, v43;
	vm8 =	vgt.s32 v50, v49;
	v41 =	vmovc v48;
	vm6 =	vmand vm6, vm7;
	[tilespmem:s1+$0x0] =	vst v42;
	s1 =	smov.u32 s7  }
0x38f: {  	v42 =	vperm.xlane v41, v30;
	vm7 =	vne.s32 v43, v37;
	vm6 =	vmor vm8, vm6  }
0x390: {  	v46 =	vperm.xlane v35, v30;
	v45 =	vperm.xlane v34, v30;
	vm6 =	vmxor vm7, vm6  }
0x391: {  	v44 =	vperm.xlane v36, v30;
	v43 =	vperm.xlane v38, v30;
	v47 =	vsel vm6, v49, v50  }
0x392: {  	v48 =	vor.u32 s9, v0;
	v49 =	vor.u32 s10, v0;
	[tilespmem:s5+$0x10] =	vst v47;
	v47 =	vsel vm6, v52, v51  }
0x393: {  	vm7 =	vgt.s32 v41, v42;
	v50 =	vor.u32 s8, v0;
	vm6 =	veq.s32 v39, v40;
	[tilespmem:s7+$0x10] =	vst v47  }
.Ltmp43:
0x394: {  	vm8 =	veq.s32 v35, v46;
	vm9 =	vgt.s32 v34, v45;
	vm10 =	veq.s32 v36, v44;
	(pc) =	sbr.rel @p3 .LBB2_62-.Ltmp43, $4  }
0x395: {  	v51 =	vshrl.u32 v49, v33;
	v47 =	vshrl.u32 v48, v33;
	vm12 =	vgt.s32 v38, v43  }
0x396: {  	vm8 =	vmand vm8, vm9;
	v48 =	vshrl.u32 v50, v33;
	vm6 =	vmand vm6, vm7  }
0x397: {  	vm11 =	vgt.s32 v35, v46;
	vm9 =	vgt.s32 v39, v40;
	vm7 =	vmand vm10, vm12  }
0x398: {  	s5 =	sadd.s32 $0x40, s5;
	v49 =	vand.u32 $0x1, v47;
	v47 =	vand.u32 $0x1, v51;
	vm10 =	vgt.s32 v36, v44  }
.LBB2_63:
0x399: {  	v48 =	vand.u32 $0x1, v48;
	vm8 =	vmor vm11, vm8;
	vm13 =	vne.s32 v49, v37  }
0x39a: {  	vm6 =	vmor vm9, vm6;
	vm14 =	vne.s32 v48, v37;
	vm8 =	vmxor vm13, vm8  }
0x39b: {  	vm6 =	vmxor vm14, vm6;
	v35 =	vsel vm8, v46, v35  }
0x39c: {  	v39 =	vsel vm6, v40, v39;
	[tilespmem:s0+$0xFFFFFFF0] =	vst v35  }
0x39d: {  	vm7 =	vmor vm10, vm7;
	vm15 =	vne.s32 v47, v37;
	v34 =	vsel vm8, v45, v34;
	[tilespmem:s0+$0xFFFFFFE0] =	vst v39  }
0x39e: {  	v61 =	vsel vm6, v42, v41;
	vm6 =	vmxor vm15, vm7;
	[tilespmem:s1+$0xFFFFFFF0] =	vst v34  }
0x39f: {  	v62 =	vsel vm6, v44, v36;
	[tilespmem:s1+$0xFFFFFFE0] =	vst v61  }
0x3a0: {  	v63 =	vsel vm6, v43, v38;
	[tilespmem:s0+$0x0] =	vst v62  }
0x3a1: {  	[tilespmem:s1+$0x0] =	vst v63  }
.LBB2_66:
0x3a2: {  	s1 =	simm.s32 $0x2020  }
0x3a3: {  	s0 =	simm.s32 $0x6020;
	v47 =	vld [tilespmem:s1+$0x10]  }
0x3a4: {  	v48 =	vld [tilespmem:s0+$0x10]  }
0x3a5: {  	v39 =	vld [tilespmem:s1+$0xFFFFFFE0]  }
0x3a6: {  	v41 =	vld [tilespmem:s0+$0xFFFFFFE0]  }
0x3a7: {  	v35 =	vld [tilespmem:s1+$0xFFFFFFF0]  }
0x3a8: {  	v36 =	vld [tilespmem:s1+$0x0]  }
0x3a9: {  	s2 =	sadd.s32 $0x30, s30;
	v38 =	vld [tilespmem:s0+$0x0]  }
0x3aa: {  	v49 =	vor.u32 s30, v0;
	v37 =	vand.u32 $0x1, v0;
	s31 =	sadd.s32 $0x10, s30;
	s5 =	sadd.s32 $0x20, s30;
	v42 =	vor.u32 s2, v0  }
0x3ab: {  	v63 =	vor.u32 s31, v0;
	v52 =	vor.u32 s5, v0;
	v50 =	vperm.xlane v47, v31  }
0x3ac: {  	v34 =	vld [tilespmem:s0+$0xFFFFFFF0];
	v49 =	vshrl.u32 v49, v33;
	v51 =	vperm.xlane v48, v31;
	v40 =	vperm.xlane v39, v31  }
0x3ad: {  	v42 =	vshrl.u32 v42, v33;
	v43 =	vperm.xlane v41, v31;
	v46 =	vperm.xlane v35, v31  }
0x3ae: {  	v42 =	vand.u32 $0x1, v42;
	v45 =	vperm.xlane v36, v31;
	v44 =	vperm.xlane v38, v31  }
0x3af: {  	vm6 =	veq.s32 v47, v50;
	vm7 =	vgt.s32 v48, v51;
	vm8 =	vgt.s32 v47, v50  }
0x3b0: {  	vm10 =	veq.s32 v36, v45;
	vm11 =	vgt.s32 v39, v40;
	vm6 =	vmand vm6, vm7  }
0x3b1: {  	p1 =	sgt.u32 s17, $0x4;
	vm7 =	vne.s32 v42, v37;
	v42 =	vperm.xlane v34, v31;
	vm6 =	vmor vm8, vm6  }
.Ltmp44:
0x3b2: {  	vm8 =	veq.s32 v35, v46;
	vm6 =	vmxor vm7, vm6;
	vm7 =	vgt.s32 v41, v43;
	(pc) =	sbr.rel @!p1 .LBB2_68-.Ltmp44, $4  }
0x3b3: {  	vm9 =	vgt.s32 v34, v42;
	v47 =	vsel vm6, v50, v47;
	v51 =	vsel vm6, v51, v48  }
0x3b4: {  	vm6 =	veq.s32 v39, v40;
	v48 =	vshrl.u32 v63, v33;
	vm8 =	vmand vm8, vm9  }
0x3b5: {  	s7 =	simm.s32 $0x6020;
	vm9 =	vgt.s32 v36, v45;
	vm7 =	vmand vm6, vm7;
	vm6 =	vgt.s32 v38, v44;
	[tilespmem:s1+$0x10] =	vst v47  }
0x3b6: {  	s8 =	smov.u32 s30;
	s2 =	simm.s32 $0x4;
	s5 =	simm.s32 $0x2060;
	v47 =	vshrl.u32 v52, v33;
	vm6 =	vmand vm10, vm6;
	[tilespmem:s0+$0x10] =	vst v51;
	vm10 =	vgt.s32 v35, v46  }
.LBB2_67:
0x3b7: {  	v50 =	vld [tilespmem:s5+$0x10];
	v49 =	vand.u32 $0x1, v49;
	v48 =	vand.u32 $0x1, v48;
	v47 =	vand.u32 $0x1, v47;
	s7 =	sadd.s32 $0x40, s7  }
0x3b8: {  	vm7 =	vmor vm11, vm7;
	vm8 =	vmor vm10, vm8;
	vm6 =	vmor vm9, vm6;
	v51 =	vld [tilespmem:s7+$0x10]  }
0x3b9: {  	s2 =	sadd.s32 $0x4, s2;
	vm9 =	vne.s32 v49, v37;
	vm10 =	vne.s32 v48, v37;
	vm11 =	vne.s32 v47, v37;
	v52 =	vld [tilespmem:s5+$0xFFFFFFE0]  }
0x3ba: {  	p3 =	slt.u32 s2, s17;
	vm7 =	vmxor vm9, vm7;
	vm8 =	vmxor vm10, vm8;
	vm6 =	vmxor vm11, vm6;
	v47 =	vld [tilespmem:s7+$0xFFFFFFE0]  }
0x3bb: {  	v39 =	vsel vm7, v40, v39;
	v40 =	vsel vm7, v43, v41;
	v41 =	vsel vm8, v46, v35;
	v35 =	vld [tilespmem:s5+$0xFFFFFFF0]  }
0x3bc: {  	s8 =	sadd.s32 $0x40, s8;
	v42 =	vsel vm8, v42, v34;
	v43 =	vsel vm6, v45, v36;
	v44 =	vsel vm6, v44, v38;
	[tilespmem:s1+$0xFFFFFFE0] =	vst v39;
	v34 =	vld [tilespmem:s7+$0xFFFFFFF0]  }
0x3bd: {  	v48 =	vor.u32 s8, v0;
	s9 =	sadd.s32 $0x10, s8;
	s10 =	sadd.s32 $0x20, s8;
	s11 =	sadd.s32 $0x30, s8;
	v49 =	vperm.xlane v50, v31;
	v36 =	vld [tilespmem:s5+$0x0];
	v53 =	vperm.xlane v51, v31;
	[tilespmem:s0+$0xFFFFFFE0] =	vst v40  }
0x3be: {  	v45 =	vor.u32 s11, v0;
	v40 =	vperm.xlane v52, v31;
	v38 =	vld [tilespmem:s7+$0x0];
	[tilespmem:s1+$0xFFFFFFF0] =	vst v41;
	v39 =	vmov v52  }
0x3bf: {  	v45 =	vshrl.u32 v45, v33;
	vm6 =	veq.s32 v50, v49;
	vm7 =	vgt.s32 v51, v53;
	[tilespmem:s0+$0xFFFFFFF0] =	vst v42  }
0x3c0: {  	vm8 =	vgt.s32 v50, v49;
	v42 =	vand.u32 $0x1, v45;
	v41 =	vmovc v47;
	vm6 =	vmand vm6, vm7;
	[tilespmem:s1+$0x0] =	vst v43;
	s1 =	smov.u32 s5  }
0x3c1: {  	v43 =	vperm.xlane v41, v31;
	vm7 =	vne.s32 v42, v37;
	vm6 =	vmor vm8, vm6;
	[tilespmem:s0+$0x0] =	vst v44;
	s0 =	smov.u32 s7  }
0x3c2: {  	v46 =	vperm.xlane v35, v31;
	v42 =	vperm.xlane v34, v31;
	vm6 =	vmxor vm7, vm6  }
0x3c3: {  	v45 =	vperm.xlane v36, v31;
	v44 =	vperm.xlane v38, v31;
	v47 =	vsel vm6, v49, v50  }
0x3c4: {  	v52 =	vor.u32 s10, v0;
	v50 =	vor.u32 s9, v0;
	[tilespmem:s5+$0x10] =	vst v47;
	v47 =	vsel vm6, v53, v51  }
.Ltmp45:
0x3c5: {  	vm7 =	vgt.s32 v41, v43;
	vm8 =	veq.s32 v35, v46;
	vm6 =	veq.s32 v39, v40;
	[tilespmem:s7+$0x10] =	vst v47;
	(pc) =	sbr.rel @p3 .LBB2_67-.Ltmp45, $4  }
0x3c6: {  	vm9 =	vgt.s32 v34, v42;
	vm10 =	veq.s32 v36, v45;
	vm11 =	vgt.s32 v38, v44  }
0x3c7: {  	v49 =	vshrl.u32 v48, v33;
	v48 =	vshrl.u32 v50, v33;
	v47 =	vshrl.u32 v52, v33  }
0x3c8: {  	vm8 =	vmand vm8, vm9;
	vm7 =	vmand vm6, vm7;
	vm6 =	vmand vm10, vm11  }
0x3c9: {  	vm9 =	vgt.s32 v36, v45;
	s5 =	sadd.s32 $0x40, s5;
	vm11 =	vgt.s32 v39, v40;
	vm10 =	vgt.s32 v35, v46  }
.LBB2_68:
0x3ca: {  	v33 =	vand.u32 $0x1, v49  }
0x3cb: {  	vm7 =	vmor vm11, vm7;
	v57 =	vand.u32 $0x1, v48;
	vm14 =	vne.s32 v33, v37  }
0x3cc: {  	vm8 =	vmor vm10, vm8;
	vm15 =	vne.s32 v57, v37;
	vm7 =	vmxor vm14, vm7  }
0x3cd: {  	vm8 =	vmxor vm15, vm8;
	v58 =	vsel vm7, v40, v39  }
0x3ce: {  	v59 =	vand.u32 $0x1, v47;
	v61 =	vsel vm8, v46, v35;
	[tilespmem:s1+$0xFFFFFFE0] =	vst v58  }
0x3cf: {  	vm6 =	vmor vm9, vm6;
	v60 =	vsel vm7, v43, v41;
	vm7 =	vne.s32 v59, v37;
	[tilespmem:s1+$0xFFFFFFF0] =	vst v61  }
0x3d0: {  	v34 =	vsel vm8, v42, v34;
	vm6 =	vmxor vm7, vm6;
	[tilespmem:s0+$0xFFFFFFE0] =	vst v60  }
0x3d1: {  	v62 =	vsel vm6, v45, v36;
	[tilespmem:s0+$0xFFFFFFF0] =	vst v34  }
0x3d2: {  	v63 =	vsel vm6, v44, v38;
	[tilespmem:s1+$0x0] =	vst v62  }
0x3d3: {  	[tilespmem:s0+$0x0] =	vst v63  }
0x3d4: {  	s1 =	rddreg [dreg:$0x1d]  }
0x3d5: {  	p1 =	seq.s32 s3, s1  }
.Ltmp46:
0x3d6: {  	_ = 	snop;
	(pc) =	sbr.rel @!p1 .LBB2_33-.Ltmp46, $4  }
.Ltmp47:
0x3d7: {  	_ = 	snop;
	(pc) =	sbr.rel @p1 .LBB2_69-.Ltmp47, $4  }
0x3d8: {  	_ = 	snop  }
0x3d9: {  	s31 =	sadd.s32 $0x1, s3  }
0x3da: {  	s3 =	smov.u32 s31  }
0x3db: {  	_ = 	snop  }
.LBB2_64:
0x3dc: {  	p1 =	sgt.u32 s3, $0x1  }
.Ltmp48:
0x3dd: {  	_ = 	snop;
	(pc) =	sbr.rel @p1 .LBB2_61-.Ltmp48, $1  }
0x3de: {  	_ =	sdelay $0x3  }
.Ltmp49:
0x3df: {  	(pc) =	sbr.rel .LBB2_66-.Ltmp49, $2  }
0x3e0: {  	_ =	sdelay $0x2  }
0x3e1: {  	v33 =	vmov s3  }
.LBB2_69:
0x3e2: {  	s1 =	sadd.s32 $0xFFFFFFFF, s19  }
0x3e3: {  	p3 =	sne.s32 s1, $0x0  }
.Ltmp50:
0x3e4: {  	_ = 	snop;
	(pc) =	sbr.rel @!p3 .LBB2_70-.Ltmp50, $3  }
0x3e5: {  	_ =	sdelay $0x1  }
0x3e6: {  	s0 =	simm.s32 $0x6000;
	s16 =	rddreg [dreg:$0xd]  }
0x3e7: {  	p1 =	sgt.u32 s30, $0xFFFF;
	p2 =	por $0x0, $0x0;
	s17 =	rddreg [dreg:$0x11]  }
0x3e8: {  	s2 =	sadd.s32 @!p1 s30, s17  }
0x3e9: {  	s1 =	sadd.s32 $0xFFFFFFFF, s1;
	s2 =	sshrl.u32 @!p1 s2, $0x3  }
0x3ea: {  	s5 =	simm.s32 @!p1 $0x0;
	p5 =	sne.s32 s1, $0x0;
	s3 =	sadd.s32 @!p1 s16, s2  }
0x3eb: {  	[hbm4b:s3+s5] =	stream.linear.scatter @!p1 [tilespmem:s0], [sflag:$0x1], $0x800, $0x38;
	[tilespmem:$0x17E90] =	vst v63  }
.Ltmp51:
0x3ec: {  	s2 =	simm.s32 @!p1 $0x1;
	(pc) =	sbr.rel @!p5 .LBB2_73-.Ltmp51, $4  }
0x3ed: {  	p4 =	por p1, p1;
	_ =	swait.ge @!p1 [sflag:s2], $0x800  }
0x3ee: {  	[sflag:s2] =	ssyncset.done @!p4 $0x0;
	s19 =	rddreg [dreg:$0x9]  }
0x3ef: {  	s30 =	sadd.s32 $0x800, s30;
	p3 =	por $0x1, $0x1;
	s9 =	rddreg [dreg:$0x2]  }
0x3f0: {  	s0 =	simm.s32 $0x6800;
	p1 =	sgt.u32 s30, $0xFFFF;
	s15 =	rddreg [dreg:$0x3]  }
.LBB2_72:
0x3f1: {  	s1 =	sadd.s32 $0xFFFFFFFF, s1  }
0x3f2: {  	s3 =	sadd.s32 @!p1 s30, s17;
	[sflag:s2] =	ssyncadd.s32 @!p4 $0xFFFFF800;
	p5 =	sne.s32 s1, $0x0  }
.Ltmp52:
0x3f3: {  	s2 =	sshrl.u32 @!p1 s3, $0x3;
	(pc) =	sbr.rel @p5 .LBB2_72-.Ltmp52, $4  }
0x3f4: {  	s5 =	simm.s32 @!p1 $0x0;
	s3 =	sadd.s32 @!p1 s16, s2;
	s2 =	simm.s32 @!p1 $0x1  }
0x3f5: {  	[hbm4b:s3+s5] =	stream.linear.scatter @!p1 [tilespmem:s0], [sflag:$0x1], $0x800, $0x38;
	[tilespmem:$0x17E90] =	vst v63  }
0x3f6: {  	s30 =	sadd.s32 $0x800, s30;
	p4 =	por p1, p1;
	_ =	swait.ge @!p1 [sflag:s2], $0x800  }
0x3f7: {  	s0 =	sadd.s32 $0x800, s0;
	p1 =	sgt.u32 s30, $0xFFFF;
	[sflag:s2] =	ssyncset.done @!p4 $0x0  }
.LBB2_73:
0x3f8: {  	s1 =	sadd.s32 @!p1 s30, s17  }
0x3f9: {  	p3 =	por p4, !p3;
	s3 =	simm.s32 @!p1 $0x1;
	s1 =	sshrl.u32 @!p1 s1, $0x3  }
0x3fa: {  	[sflag:s2] =	ssyncadd.s32 @!p3 $0xFFFFF800;
	s2 =	simm.s32 @!p1 $0x0;
	s1 =	sadd.s32 @!p1 s16, s1  }
0x3fb: {  	[hbm4b:s1+s2] =	stream.linear.scatter @!p1 [tilespmem:s0], [sflag:$0x1], $0x800, $0x38;
	[tilespmem:$0x17E90] =	vst v63  }
0x3fc: {  	_ =	swait.ge @!p1 [sflag:s3], $0x800;
	p1 =	por p1, p1  }
0x3fd: {  	[sflag:s3] =	ssyncset.done @!p1 $0x0  }
0x3fe: {  	[sflag:s3] =	ssyncadd.s32 @!p1 $0xFFFFF800  }
0x3ff: {  	s5 =	simm.s32 $0x0;
	[bflag:$0x0] =	sbarrier.arrive $0xFFFF  }
0x400: {  	s13 =	simm.s32 $0xF280;
	s0 =	simm.s32 $0x1;
	s12 =	rddreg [dreg:$0x12]  }
0x401: {  	[tilespmem:s13], [sflag:$0x1] =	stream.linear.gather [hbm4b:s12+s5], $0x180, $0x38;
	[tilespmem:$0x17E90] =	vst v63  }
0x402: {  	_ =	swait.ge [sflag:s0], $0x180  }
0x403: {  	s26 =	simm.s32 $0x80;
	[sflag:s0] =	ssyncset.done $0x0  }
0x404: {  	s16 =	simm.s32 $0xF400;
	s14 =	rddreg [dreg:$0x13];
	[sflag:s0] =	ssyncadd.s32 $0xFFFFFE80  }
0x405: {  	[tilespmem:s16], [sflag:$0x1] =	stream.indirect.gather [hbm4b:s14+s26], $0x1, s13, s26, $0xb8;
	[tilespmem:$0x17E90] =	vst v63  }
0x406: {  	_ =	swait.ge [sflag:s0], $0x80  }
0x407: {  	[sflag:s0] =	ssyncset.done $0x0  }
0x408: {  	s17 =	simm.s32 $0xF300;
	s7 =	simm.s32 $0xF480;
	[sflag:s0] =	ssyncadd.s32 $0xFFFFFF80  }
0x409: {  	[tilespmem:s7], [sflag:$0x1] =	stream.indirect.gather [hbm4b:s14+s26], $0x1, s17, s26, $0xb8;
	[tilespmem:$0x17E90] =	vst v63  }
0x40a: {  	_ =	swait.ge [sflag:s0], $0x80  }
0x40b: {  	[sflag:s0] =	ssyncset.done $0x0  }
0x40c: {  	s18 =	simm.s32 $0xF380;
	s22 =	simm.s32 $0xF500;
	[sflag:s0] =	ssyncadd.s32 $0xFFFFFF80  }
0x40d: {  	[tilespmem:s22], [sflag:$0x1] =	stream.indirect.gather [hbm4b:s14+s26], $0x1, s18, s26, $0xb8;
	[tilespmem:$0x17E90] =	vst v63  }
0x40e: {  	_ =	swait.ge [sflag:s0], $0x80  }
0x40f: {  	[sflag:s0] =	ssyncset.done $0x0  }
0x410: {  	s23 =	rddreg [dreg:$0x14];
	[sflag:s0] =	ssyncadd.s32 $0xFFFFFF80  }
0x411: {  	[hbm4b:s23+s5] =	stream.linear.scatter [tilespmem:s16], [sflag:$0x1], $0x180, $0x38;
	[tilespmem:$0x17E90] =	vst v63  }
0x412: {  	_ =	swait.ge [sflag:s0], $0x180  }
0x413: {  	[sflag:s0] =	ssyncset.done $0x0  }
0x414: {  	s11 =	simm.s32 $0xF580;
	[sflag:s0] =	ssyncadd.s32 $0xFFFFFE80  }
0x415: {  	[tilespmem:s11], [sflag:$0x1] =	stream.linear.gather [hbm4b:s23+s5], $0x180, $0x38;
	[tilespmem:$0x17E90] =	vst v63  }
0x416: {  	_ =	swait.ge [sflag:s0], $0x180  }
0x417: {  	s23 =	rddreg [dreg:$0x1a]  }
0x418: {  	[sflag:s0] =	ssyncset.done $0x0;
	s7 =	rddreg [dreg:$0xa];
	s25 =	sshll.u32 s23, $0x11  }
0x419: {  	s12 =	simm.s32 $0xF700;
	[sflag:s0] =	ssyncadd.s32 $0xFFFFFE80;
	s1 =	sadd.s32 s7, s25  }
0x41a: {  	[tilespmem:s12], [sflag:$0x1] =	stream.indirect.gather [hbm4b:s1+s26], $0x1, s11, s26, $0xb8;
	[tilespmem:$0x17E90] =	vst v63  }
0x41b: {  	_ =	swait.ge [sflag:s0], $0x80  }
0x41c: {  	[sflag:s0] =	ssyncset.done $0x0  }
0x41d: {  	s13 =	simm.s32 $0xF600;
	s14 =	simm.s32 $0xF780;
	[sflag:s0] =	ssyncadd.s32 $0xFFFFFF80  }
0x41e: {  	[tilespmem:s14], [sflag:$0x1] =	stream.indirect.gather [hbm4b:s1+s26], $0x1, s13, s26, $0xb8;
	[tilespmem:$0x17E90] =	vst v63  }
0x41f: {  	_ =	swait.ge [sflag:s0], $0x80  }
0x420: {  	[sflag:s0] =	ssyncset.done $0x0  }
0x421: {  	s18 =	simm.s32 $0xF680;
	s22 =	simm.s32 $0xF800;
	[sflag:s0] =	ssyncadd.s32 $0xFFFFFF80  }
0x422: {  	[tilespmem:s22], [sflag:$0x1] =	stream.indirect.gather [hbm4b:s1+s26], $0x1, s18, s26, $0xb8;
	[tilespmem:$0x17E90] =	vst v63  }
0x423: {  	s29 =	smul.u32 $0x6000, s23;
	_ =	swait.ge [sflag:s0], $0x80  }
0x424: {  	s10 =	rddreg [dreg:$0xe]  }
0x425: {  	s30 =	sor.u32 s10, s29  }
0x426: {  	[sflag:s0] =	ssyncset.done $0x0;
	s8 =	rddreg [dreg:$0xc];
	s1 =	sshrl.u32 s30, $0x3  }
0x427: {  	s31 =	sshll.u32 s23, $0x2;
	[sflag:s0] =	ssyncadd.s32 $0xFFFFFF80;
	s1 =	sadd.s32 s8, s1  }
0x428: {  	[hbm4b:s1+s5] =	stream.linear.scatter [tilespmem:s12], [sflag:$0x1], $0x180, $0x38;
	[tilespmem:$0x17E90] =	vst v63  }
0x429: {  	s16 =	sor.u32 $0x1, s31;
	_ =	swait.ge [sflag:s0], $0x180  }
0x42a: {  	s17 =	sshll.u32 s16, $0xF;
	[sflag:s0] =	ssyncset.done $0x0  }
0x42b: {  	s3 =	sadd.s32 s7, s17;
	[sflag:s0] =	ssyncadd.s32 $0xFFFFFE80  }
0x42c: {  	[tilespmem:s12], [sflag:$0x1] =	stream.indirect.gather [hbm4b:s3+s26], $0x1, s11, s26, $0xb8;
	[tilespmem:$0x17E90] =	vst v63  }
0x42d: {  	_ =	swait.ge [sflag:s0], $0x80  }
0x42e: {  	[sflag:s0] =	ssyncset.done $0x0  }
0x42f: {  	[sflag:s0] =	ssyncadd.s32 $0xFFFFFF80  }
0x430: {  	[tilespmem:s14], [sflag:$0x1] =	stream.indirect.gather [hbm4b:s3+s26], $0x1, s13, s26, $0xb8;
	[tilespmem:$0x17E90] =	vst v63  }
0x431: {  	_ =	swait.ge [sflag:s0], $0x80  }
0x432: {  	[sflag:s0] =	ssyncset.done $0x0  }
0x433: {  	s2 =	smul.u32 $0x1800, s16;
	[sflag:s0] =	ssyncadd.s32 $0xFFFFFF80  }
0x434: {  	[tilespmem:s22], [sflag:$0x1] =	stream.indirect.gather [hbm4b:s3+s26], $0x1, s18, s26, $0xb8;
	[tilespmem:$0x17E90] =	vst v63  }
0x435: {  	s2 =	sadd.s32 s10, s2;
	_ =	swait.ge [sflag:s0], $0x80  }
0x436: {  	s2 =	sshrl.u32 s2, $0x3;
	[sflag:s0] =	ssyncset.done $0x0  }
0x437: {  	s2 =	sadd.s32 s8, s2;
	[sflag:s0] =	ssyncadd.s32 $0xFFFFFF80  }
0x438: {  	[hbm4b:s2+s5] =	stream.linear.scatter [tilespmem:s12], [sflag:$0x1], $0x180, $0x38;
	[tilespmem:$0x17E90] =	vst v63  }
0x439: {  	s1 =	sor.u32 $0x2, s31;
	_ =	swait.ge [sflag:s0], $0x180  }
0x43a: {  	s25 =	sshll.u32 s1, $0xF;
	[sflag:s0] =	ssyncset.done $0x0  }
0x43b: {  	s2 =	sadd.s32 s7, s25;
	[sflag:s0] =	ssyncadd.s32 $0xFFFFFE80  }
0x43c: {  	[tilespmem:s12], [sflag:$0x1] =	stream.indirect.gather [hbm4b:s2+s26], $0x1, s11, s26, $0xb8;
	[tilespmem:$0x17E90] =	vst v63  }
0x43d: {  	_ =	swait.ge [sflag:s0], $0x80  }
0x43e: {  	[sflag:s0] =	ssyncset.done $0x0  }
0x43f: {  	[sflag:s0] =	ssyncadd.s32 $0xFFFFFF80  }
0x440: {  	[tilespmem:s14], [sflag:$0x1] =	stream.indirect.gather [hbm4b:s2+s26], $0x1, s13, s26, $0xb8;
	[tilespmem:$0x17E90] =	vst v63  }
0x441: {  	_ =	swait.ge [sflag:s0], $0x80  }
0x442: {  	[sflag:s0] =	ssyncset.done $0x0  }
0x443: {  	s1 =	smul.u32 $0x1800, s1;
	[sflag:s0] =	ssyncadd.s32 $0xFFFFFF80  }
0x444: {  	[tilespmem:s22], [sflag:$0x1] =	stream.indirect.gather [hbm4b:s2+s26], $0x1, s18, s26, $0xb8;
	[tilespmem:$0x17E90] =	vst v63  }
0x445: {  	s1 =	sadd.s32 s10, s1;
	_ =	swait.ge [sflag:s0], $0x80  }
0x446: {  	s1 =	sshrl.u32 s1, $0x3;
	[sflag:s0] =	ssyncset.done $0x0  }
0x447: {  	s1 =	sadd.s32 s8, s1;
	[sflag:s0] =	ssyncadd.s32 $0xFFFFFF80  }
0x448: {  	[hbm4b:s1+s5] =	stream.linear.scatter [tilespmem:s12], [sflag:$0x1], $0x180, $0x38;
	[tilespmem:$0x17E90] =	vst v63  }
0x449: {  	s29 =	sshllo.u32 s23, $0x2;
	_ =	swait.ge [sflag:s0], $0x180  }
0x44a: {  	s30 =	sshll.u32 s29, $0xF;
	[sflag:s0] =	ssyncset.done $0x0  }
0x44b: {  	s2 =	sadd.s32 s7, s30;
	[sflag:s0] =	ssyncadd.s32 $0xFFFFFE80  }
0x44c: {  	[tilespmem:s12], [sflag:$0x1] =	stream.indirect.gather [hbm4b:s2+s26], $0x1, s11, s26, $0xb8;
	[tilespmem:$0x17E90] =	vst v63  }
0x44d: {  	_ =	swait.ge [sflag:s0], $0x80  }
0x44e: {  	[sflag:s0] =	ssyncset.done $0x0  }
0x44f: {  	[sflag:s0] =	ssyncadd.s32 $0xFFFFFF80  }
0x450: {  	[tilespmem:s14], [sflag:$0x1] =	stream.indirect.gather [hbm4b:s2+s26], $0x1, s13, s26, $0xb8;
	[tilespmem:$0x17E90] =	vst v63  }
0x451: {  	_ =	swait.ge [sflag:s0], $0x80  }
0x452: {  	[sflag:s0] =	ssyncset.done $0x0  }
0x453: {  	s1 =	smul.u32 $0x1800, s29;
	[sflag:s0] =	ssyncadd.s32 $0xFFFFFF80  }
0x454: {  	[tilespmem:s22], [sflag:$0x1] =	stream.indirect.gather [hbm4b:s2+s26], $0x1, s18, s26, $0xb8;
	[tilespmem:$0x17E90] =	vst v63  }
0x455: {  	s1 =	sadd.s32 s10, s1;
	_ =	swait.ge [sflag:s0], $0x80  }
0x456: {  	s1 =	sshrl.u32 s1, $0x3;
	[sflag:s0] =	ssyncset.done $0x0  }
0x457: {  	s1 =	sadd.s32 s8, s1;
	[sflag:s0] =	ssyncadd.s32 $0xFFFFFF80  }
0x458: {  	[hbm4b:s1+s5] =	stream.linear.scatter [tilespmem:s12], [sflag:$0x1], $0x180, $0x38;
	[tilespmem:$0x17E90] =	vst v63  }
0x459: {  	_ =	swait.ge [sflag:s0], $0x180  }
0x45a: {  	[sflag:s0] =	ssyncset.done $0x0  }
0x45b: {  	[sflag:s0] =	ssyncadd.s32 $0xFFFFFE80  }
0x45c: {  	[bflag:$0x0] =	sbarrier.arrive $0xFFFF  }
0x45d: {  	s31 =	sld [smem:$0x7FD];
	_ =	sdelay $0x2  }
0x45e: {  	p1 =	seq.s32 s31, $0x1  }
.Ltmp53:
0x45f: {  	_ = 	snop;
	(pc) =	sbr.rel @p1 .LBB2_2-.Ltmp53, $4  }
.Ltmp54:
0x460: {  	_ = 	snop;
	(pc) =	sbr.rel @!p1 .LBB2_74-.Ltmp54, $4  }
0x461: {  	_ = 	snop  }
0x462: {  	s23 =	simm.s32 $0x1800;
	s25 =	simm.s32 $0x1000;
	s8 =	simm.s32 $0x0  }
0x463: {  	s18 =	simm.s32 $0xF000;
	s22 =	simm.s32 $0x800;
	s28 =	rddreg [dreg:$0x19]  }
0x464: {  	_ = 	snop  }
.LBB2_70:
.Ltmp55:
0x465: {  	(pc) =	sbr.rel .LBB2_73-.Ltmp55, $4  }
0x466: {  	_ = 	snop  }
0x467: {  	s9 =	rddreg [dreg:$0x2]  }
0x468: {  	s15 =	rddreg [dreg:$0x3]  }
0x469: {  	p3 =	por $0x0, $0x0;
	s19 =	rddreg [dreg:$0x9]  }
.LBB2_75:
0x46a: {  	_ =	sfence.sel $0x180000  }
0x46b: {  	[bflag:$0x0] =	sbarrier.arrive $0xFFFF  }
0x46c: {  	_ =	strace $0x90000047  }
0x46d: {  	[bflag:$0x2] =	sbarrier.arrive $0xFFFF  }
0x46e: {  	s0 =	rddreg [dreg:$0x6]  }
0x46f: {  	s0 =	sadd.s32 @!p0 $0x100000, s0  }
0x470: {  	[sflag:s0] =	ssyncadd.tile.s32 @!p0 $0x1;
	_ =	shalt  }
.Lfunc_end2:
_tile_overlayer_lowered:
.L_overlay_start_2:
0x471: {  	(tag) =	ssettag $0x2  }
0x472: {  	s0 =	rddreg [dreg:$0x0];
	s2 =	stileid.u32  }
0x473: {  	s1 =	rddreg [dreg:$0x1];
	p0 =	sne.s32 s2, $0x0  }
0x474: {  	s3 =	rddreg [dreg:$0x2];
	[bflag:$0x3] =	sbarrier.arrive $0xFFFF;
	s2 =	simm.s32 @!p0 $0x1C01  }
0x475: {  	[timem:s3], [sflag:s2] =	dma.local @!p0 [hbm:s0], s1  }
0x476: {  	s0 =	simm.s32 @!p0 $0x1  }
0x477: {  	_ =	swait.ge @!p0 [sflag:s0], s1  }
0x478: {  	s1 =	ssub.s32 @!p0 $0x0, s1;
	[sflag:s0] =	ssyncset.done @!p0 $0x0  }
0x479: {  	[sflag:s0] =	ssyncadd.s32 @!p0 s1  }
0x47a: {  	[bflag:$0x3] =	sbarrier.arrive $0xFFFF  }
0x47b: {  	_ =	shalt  }

</sc_bundles>
